<compile_context>
chip_gen: v7x
topology: tpu7x:2x2x1
jax: 0.10.2.dev20260603
libtpu: 0.0.44.dev20260713+nightly
codegen_flags: <defaults>
</compile_context>

<pallas_src>
import functools

import jax
import jax.numpy as jnp
from jax import lax
from jax.experimental import pallas as pl
from jax.experimental.pallas import tpu as pltpu
from jax.experimental.pallas import tpu_sc as plsc

N = 10000
E = 320000
D_IN = 128
H1, C1 = 8, 8
NC2 = 40

NP = 10112
RPT = NP // 16
NWORK = 32
K = 64
GRP = 8
NGRP = 21
NCHUNK = GRP * NGRP
EPT = NCHUNK * K
E_TOT = N + E
E_PAD = NWORK * EPT

BM = 1000
GRID = N // BM



def _tc1_body(x_ref, w1_ref, s1_ref, d1_ref, t1_ref, a1d_ref):
    h = jnp.dot(x_ref[...], w1_ref[...], preferred_element_type=jnp.float32)
    asrc = jnp.dot(h, s1_ref[...], preferred_element_type=jnp.float32)
    t1_ref[...] = jnp.concatenate([h, asrc], axis=1)
    adst = jnp.dot(h, d1_ref[...], preferred_element_type=jnp.float32)
    a1d_ref[...] = jnp.concatenate(
        [adst, jnp.zeros((BM, 64), jnp.float32)], axis=1)


def _tc2_body(acc_ref, b1_ref, w2_ref, vs_ref, vd_ref, t2_ref, a2d_ref):
    a = acc_ref[0] + acc_ref[1]
    o1 = a[:, 0:64] / (a[:, 64:128] + 1e-16) + b1_ref[...]
    h1 = jnp.where(o1 > 0, o1, jnp.exp(jnp.minimum(o1, 0.0)) - 1.0)
    h2 = jnp.dot(h1, w2_ref[...], preferred_element_type=jnp.float32)
    a2s = jnp.dot(h2, vs_ref[...], preferred_element_type=jnp.float32)
    t2_ref[...] = jnp.concatenate(
        [h2, jnp.zeros((BM, 8), jnp.float32), a2s,
         jnp.zeros((BM, 64), jnp.float32)], axis=1)
    a2d = jnp.dot(h2, vd_ref[...], preferred_element_type=jnp.float32)
    a2d_ref[...] = jnp.concatenate(
        [a2d, jnp.zeros((BM, 112), jnp.float32)], axis=1)


def _tc3_body(acc_ref, b2_ref, out_ref):
    a = acc_ref[0] + acc_ref[1]
    logits = a[:, 0:40] / (a[:, 48:49] + 1e-16) + b2_ref[...]
    m = jnp.max(logits, axis=1, keepdims=True)
    ls = logits - m
    out_ref[...] = ls - jnp.log(jnp.sum(jnp.exp(ls), axis=1, keepdims=True))


def _full(shape):
    return pl.BlockSpec(shape, lambda i: (0,) * len(shape))


_tc1 = pl.pallas_call(
    _tc1_body,
    grid=(GRID,),
    in_specs=[
        pl.BlockSpec((BM, D_IN), lambda i: (i, 0)),
        _full((D_IN, 64)), _full((64, 64)), _full((64, 64)),
    ],
    out_specs=[
        pl.BlockSpec((BM, 128), lambda i: (i, 0)),
        pl.BlockSpec((BM, 128), lambda i: (i, 0)),
    ],
    out_shape=[
        jax.ShapeDtypeStruct((N, 128), jnp.float32),
        jax.ShapeDtypeStruct((N, 128), jnp.float32),
    ],
)

_tc2 = pl.pallas_call(
    _tc2_body,
    grid=(GRID,),
    in_specs=[
        pl.BlockSpec((2, BM, 128), lambda i: (0, i, 0)),
        _full((1, 64)), _full((64, 40)), _full((40, 16)), _full((40, 16)),
    ],
    out_specs=[
        pl.BlockSpec((BM, 128), lambda i: (i, 0)),
        pl.BlockSpec((BM, 128), lambda i: (i, 0)),
    ],
    out_shape=[
        jax.ShapeDtypeStruct((N, 128), jnp.float32),
        jax.ShapeDtypeStruct((N, 128), jnp.float32),
    ],
)

_tc3 = pl.pallas_call(
    _tc3_body,
    grid=(GRID,),
    in_specs=[
        pl.BlockSpec((2, BM, 128), lambda i: (0, i, 0)),
        _full((1, 40)),
    ],
    out_specs=pl.BlockSpec((BM, 40), lambda i: (i, 0)),
    out_shape=jax.ShapeDtypeStruct((N, 40), jnp.float32),
)



@functools.lru_cache(maxsize=None)
def _make_edge_kernel(layer1):
    mesh = plsc.VectorSubcoreMesh(core_axis_name="c", subcore_axis_name="s",
                                  num_cores=2, num_subcores=16)

    scratch = [
        pltpu.VMEM((GRP, K), jnp.int32),
        pltpu.VMEM((GRP, K), jnp.int32),
        pltpu.VMEM((K, 128), jnp.float32),
        pltpu.VMEM((K, 128), jnp.float32),
        pltpu.VMEM((K, 128), jnp.float32),
        pltpu.VMEM((K, 128), jnp.float32),
        pltpu.VMEM_SHARED((NP, 128), jnp.float32),
        pltpu.SemaphoreType.DMA,
        pltpu.SemaphoreType.DMA,
        pltpu.SemaphoreType.DMA,
        pltpu.SemaphoreType.DMA,
    ]

    @functools.partial(
        pl.kernel,
        mesh=mesh,
        out_type=jax.ShapeDtypeStruct((2, NP, 128), jnp.float32),
        scratch_types=scratch,
    )
    def edge_kernel(t_hbm, ad_hbm, src_hbm, dst_hbm, out_hbm,
                    srcb, dstb, rows0, adr0, rows1, adr1, accum,
                    semt, sema, semx, semy):
        rows_bufs = (rows0, rows1)
        adr_bufs = (adr0, adr1)
        scat_sems = (semx, semy)
        rows = rows0
        cid = lax.axis_index("c")
        sid = lax.axis_index("s")
        wid = sid * 2 + cid
        zero = jnp.zeros((16,), jnp.float32)

        @pl.loop(0, K)
        def _zero_buf(i):
            for j in range(8):
                rows[i, pl.ds(j * 16, 16)] = zero

        base = sid * RPT
        off = 0
        while off < RPT:
            n = min(K, RPT - off)
            pltpu.sync_copy(rows.at[pl.ds(0, n)],
                            accum.at[pl.ds(base + off, n)])
            off += n
        plsc.subcore_barrier()

        @pl.loop(0, NGRP)
        def _grp(g):
            rb = wid * NCHUNK + g * GRP
            pltpu.sync_copy(src_hbm.at[pl.ds(rb, GRP)], srcb)
            pltpu.sync_copy(dst_hbm.at[pl.ds(rb, GRP)], dstb)
            cp1 = pltpu.async_copy(t_hbm.at[srcb.at[0]], rows_bufs[0], semt)
            cp2 = pltpu.async_copy(ad_hbm.at[dstb.at[0]], adr_bufs[0], sema)
            scat = [None, None]
            for c in range(GRP):
                rows = rows_bufs[c % 2]
                adr = adr_bufs[c % 2]
                cp1.wait()
                cp2.wait()
                if c + 1 < GRP:
                    if scat[(c + 1) % 2] is not None:
                        scat[(c + 1) % 2].wait()
                        scat[(c + 1) % 2] = None
                    cp1 = pltpu.async_copy(
                        t_hbm.at[srcb.at[c + 1]], rows_bufs[(c + 1) % 2], semt)
                    cp2 = pltpu.async_copy(
                        ad_hbm.at[dstb.at[c + 1]], adr_bufs[(c + 1) % 2], sema)

                @pl.loop(0, K)
                def _edge(i):
                    if layer1:
                        for j in range(4):
                            s = (rows[i, pl.ds(64 + j * 16, 16)]
                                 + adr[i, pl.ds(j * 16, 16)])
                            ex = jnp.exp(jnp.maximum(s, 0.2 * s))
                            rows[i, pl.ds(64 + j * 16, 16)] = ex
                            rows[i, pl.ds(j * 16, 16)] = (
                                rows[i, pl.ds(j * 16, 16)] * ex)
                    else:
                        s = rows[i, pl.ds(48, 16)] + adr[i, pl.ds(0, 16)]
                        ex = jnp.exp(jnp.maximum(s, 0.2 * s))
                        rows[i, pl.ds(48, 16)] = ex
                        for j in range(3):
                            rows[i, pl.ds(j * 16, 16)] = (
                                rows[i, pl.ds(j * 16, 16)] * ex)

                scat[c % 2] = pltpu.async_copy(
                    rows, accum.at[dstb.at[c]], scat_sems[c % 2], add=True)
            for b in range(2):
                if scat[b] is not None:
                    scat[b].wait()

        plsc.subcore_barrier()
        off = 0
        while off < RPT:
            n = min(512, RPT - off)
            pltpu.sync_copy(accum.at[pl.ds(base + off, n)],
                            out_hbm.at[cid, pl.ds(base + off, n)])
            off += n

    return edge_kernel



def kernel(x, edge_index, W1, att_src1, att_dst1, b1, W2, att_src2, att_dst2, b2):
    loop = jnp.arange(N, dtype=jnp.int32)
    padi = jnp.full((E_PAD - E_TOT,), N, dtype=jnp.int32)
    src = jnp.concatenate(
        [edge_index[0].astype(jnp.int32), loop, padi]).reshape(-1, K)
    dst = jnp.concatenate(
        [edge_index[1].astype(jnp.int32), loop, padi]).reshape(-1, K)

    eye8 = jnp.eye(8, dtype=jnp.float32)
    a_s = att_src1[0]
    a_d = att_dst1[0]
    s1 = (a_s[:, :, None, None] * eye8[:, None, :, None]
          * jnp.ones((1, 1, 1, 8), jnp.float32)).reshape(64, 64)
    d1 = (a_d[:, :, None, None] * eye8[:, None, :, None]
          * jnp.ones((1, 1, 1, 8), jnp.float32)).reshape(64, 64)
    vs2 = att_src2.reshape(40, 1) * jnp.ones((1, 16), jnp.float32)
    vd2 = att_dst2.reshape(40, 1) * jnp.ones((1, 16), jnp.float32)

    t1, a1d = _tc1(x, W1, s1, d1)
    neg = jnp.float32(-1e30)
    zc = jnp.zeros((NP - N, 64), jnp.float32)
    ngc = jnp.full((NP - N, 64), neg)
    t1 = jnp.concatenate([t1, jnp.concatenate([zc, ngc], axis=1)], axis=0)
    a1d = jnp.concatenate([a1d, jnp.concatenate([ngc, zc], axis=1)], axis=0)

    acc1 = _make_edge_kernel(True)(t1, a1d, src, dst)

    t2, a2d = _tc2(acc1, b1.reshape(1, 64), W2, vs2, vd2)
    t2 = jnp.concatenate(
        [t2, jnp.concatenate(
            [jnp.zeros((NP - N, 48), jnp.float32),
             jnp.full((NP - N, 16), neg),
             jnp.zeros((NP - N, 64), jnp.float32)], axis=1)], axis=0)
    a2d = jnp.concatenate(
        [a2d, jnp.concatenate(
            [jnp.full((NP - N, 16), neg),
             jnp.zeros((NP - N, 112), jnp.float32)], axis=1)], axis=0)

    acc2 = _make_edge_kernel(False)(t2, a2d, src, dst)

    return _tc3(acc2, b2.reshape(1, 40))

# --- scband reference (transcript-rebuilt; emitter-appended) ---
"""Pipeline reference for scband-attention-based-gnn-24249385353868 (READ-ONLY COPY).

The authoritative reference and input builder live on the scoring server;
editing this copy changes nothing except your own understanding.
"""

import jax, jax.numpy as jnp
import numpy as np

N_NODES = 10000
N_EDGES = 320000
D_IN = 128
H1, C1 = 8, 8
NUM_CLASSES = 40


def gat_conv(x, edge_index, W, att_src, att_dst, bias, heads, out_ch, concat):
    N = x.shape[0]
    # add self loops (PyG GATConv default add_self_loops=True)
    loop = jnp.arange(N, dtype=edge_index.dtype)
    src = jnp.concatenate([edge_index[0], loop])
    dst = jnp.concatenate([edge_index[1], loop])
    h = (x @ W).reshape(N, heads, out_ch)
    a_src = (h * att_src).sum(-1)  # [N, H]
    a_dst = (h * att_dst).sum(-1)  # [N, H]
    e = jax.nn.leaky_relu(a_src[src] + a_dst[dst], negative_slope=0.2)  # [E, H]
    m = jax.ops.segment_max(e, dst, num_segments=N)
    m = jnp.where(jnp.isfinite(m), m, 0.0)
    ex = jnp.exp(e - m[dst])
    denom = jax.ops.segment_sum(ex, dst, num_segments=N)
    alpha = ex / (denom[dst] + 1e-16)  # [E, H]
    msg = h[src] * alpha[:, :, None]  # [E, H, C]
    out = jax.ops.segment_sum(msg, dst, num_segments=N)  # [N, H, C]
    if concat:
        out = out.reshape(N, heads * out_ch)
    else:
        out = out.mean(axis=1)
    return out + bias


def setup_inputs(seed: int = 0) -> dict:
    key = jax.random.key(seed)
    ks = jax.random.split(key, 10)
    x = jax.random.normal(ks[0], (N_NODES, D_IN), dtype=jnp.float32)
    edge_index = jax.random.randint(ks[1], (2, N_EDGES), 0, N_NODES, dtype=jnp.int64)
    s1 = 1.0 / np.sqrt(D_IN)
    W1 = jax.random.normal(ks[2], (D_IN, H1 * C1), dtype=jnp.float32) * s1
    att_src1 = jax.random.normal(ks[3], (1, H1, C1), dtype=jnp.float32) * 0.1
    att_dst1 = jax.random.normal(ks[4], (1, H1, C1), dtype=jnp.float32) * 0.1
    b1 = jnp.zeros((H1 * C1,), dtype=jnp.float32)
    s2 = 1.0 / np.sqrt(H1 * C1)
    W2 = jax.random.normal(ks[5], (H1 * C1, NUM_CLASSES), dtype=jnp.float32) * s2
    att_src2 = jax.random.normal(ks[6], (1, 1, NUM_CLASSES), dtype=jnp.float32) * 0.1
    att_dst2 = jax.random.normal(ks[7], (1, 1, NUM_CLASSES), dtype=jnp.float32) * 0.1
    b2 = jnp.zeros((NUM_CLASSES,), dtype=jnp.float32)
    return {"x": x, "edge_index": edge_index, "W1": W1, "att_src1": att_src1,
            "att_dst1": att_dst1, "b1": b1, "W2": W2, "att_src2": att_src2,
            "att_dst2": att_dst2, "b2": b2}


def reference(x, edge_index, W1, att_src1, att_dst1, b1, W2, att_src2, att_dst2, b2):
    # dropout disabled (eval mode)
    h = gat_conv(x, edge_index, W1, att_src1, att_dst1, b1, H1, C1, concat=True)
    h = jax.nn.elu(h)
    h = gat_conv(h, edge_index, W2, att_src2, att_dst2, b2, 1, NUM_CLASSES, concat=False)
    return jax.nn.log_softmax(h, axis=1)

if __name__ == "__main__":
    import jax
    _d = setup_inputs()
    print(jax.jit(kernel)(*tuple(_d.values())))

</pallas_src>

<mosaic_0001>
#map = affine_map<(d0, d1) -> (0, 0)>
#map1 = affine_map<(d0, d1) -> (0, 0, 0)>
module attributes {stable_mosaic.version = 14 : i64} {
  func.func @edge_kernel(%arg0: i32, %arg1: i32, %arg2: memref<10112x128xf32, #tpu.memory_space<hbm>>, %arg3: memref<10112x128xf32, #tpu.memory_space<hbm>>, %arg4: memref<5376x64xi32, #tpu.memory_space<hbm>>, %arg5: memref<5376x64xi32, #tpu.memory_space<hbm>>, %arg6: memref<2x10112x128xf32, #tpu.memory_space<hbm>>, %arg7: memref<8x64xi32, #tpu.memory_space<vmem>>, %arg8: memref<8x64xi32, #tpu.memory_space<vmem>>, %arg9: memref<64x128xf32, #tpu.memory_space<vmem>>, %arg10: memref<64x128xf32, #tpu.memory_space<vmem>>, %arg11: memref<64x128xf32, #tpu.memory_space<vmem>>, %arg12: memref<64x128xf32, #tpu.memory_space<vmem>>, %arg13: memref<10112x128xf32, #tpu.memory_space<vmem_shared>>, %arg14: memref<!tpu.dma_semaphore, #tpu.memory_space<semaphore_mem>>, %arg15: memref<!tpu.dma_semaphore, #tpu.memory_space<semaphore_mem>>, %arg16: memref<!tpu.dma_semaphore, #tpu.memory_space<semaphore_mem>>, %arg17: memref<!tpu.dma_semaphore, #tpu.memory_space<semaphore_mem>>) attributes {dimension_semantics = [#tpu.dimension_semantics<core_parallel>, #tpu.dimension_semantics<subcore_parallel>], iteration_bounds = array<i64: 2, 16>, scalar_prefetch = 0 : i64, scratch_operands = 11 : i64, tpu.core_type = #tpu.core_type<sc_vector_subcore>, window_params = [{transform_indices = #map}, {transform_indices = #map}, {transform_indices = #map}, {transform_indices = #map}, {transform_indices = #map1}]} {
    %mul3A = arith.constant 2 : i32
    %mul3A_0 = arith.muli %arg1, %mul3A : i32
    %add3A = arith.addi %mul3A_0, %arg0 : i32
    %broadcast_in_dim3A = arith.constant 0.000000e+00 : f32
    %broadcast_in_dim3A_1 = vector.broadcast %broadcast_in_dim3A : f32 to vector<16xf32>
    %scan3A = arith.constant 0 : i32
    %scan3A_2 = arith.constant 64 : i32
    %scan3A_3 = arith.addi %scan3A, %scan3A_2 : i32
    %scan3A_4 = arith.constant 1 : i32
    scf.for %scan3A_42 = %scan3A to %scan3A_3 step %scan3A_4  : i32 {
      %mul3A_43 = arith.constant 1 : i32
      %mul3A_44 = arith.muli %scan3A_42, %mul3A_43 : i32
      %add3A_45 = arith.constant 0 : i32
      %add3A_46 = arith.addi %add3A_45, %mul3A_44 : i32
      %swap3A = arith.index_cast %add3A_46 : i32 to index
      %swap3A_47 = arith.constant 0 : index
      %swap3A_48 = tpu.vector_load %arg9[%swap3A, %swap3A_47] {strides = array<i32>} : memref<64x128xf32, #tpu.memory_space<vmem>>, vector<1x16xf32>,
      %swap3A_49 = vector.shape_cast %swap3A_48 : vector<1x16xf32> to vector<16xf32>
      %swap3A_50 = vector.shape_cast %broadcast_in_dim3A_1 : vector<16xf32> to vector<1x16xf32>
      tpu.vector_store %arg9[%swap3A, %swap3A_47], %swap3A_50 {strides = array<i32>} : memref<64x128xf32, #tpu.memory_space<vmem>>, vector<1x16xf32>,
      %swap3A_51 = arith.index_cast %add3A_46 : i32 to index
      %swap3A_52 = arith.constant 16 : index
      %swap3A_53 = tpu.vector_load %arg9[%swap3A_51, %swap3A_52] {strides = array<i32>} : memref<64x128xf32, #tpu.memory_space<vmem>>, vector<1x16xf32>,
      %swap3A_54 = vector.shape_cast %swap3A_53 : vector<1x16xf32> to vector<16xf32>
      %swap3A_55 = vector.shape_cast %broadcast_in_dim3A_1 : vector<16xf32> to vector<1x16xf32>
      tpu.vector_store %arg9[%swap3A_51, %swap3A_52], %swap3A_55 {strides = array<i32>} : memref<64x128xf32, #tpu.memory_space<vmem>>, vector<1x16xf32>,
      %swap3A_56 = arith.index_cast %add3A_46 : i32 to index
      %swap3A_57 = arith.constant 32 : index
      %swap3A_58 = tpu.vector_load %arg9[%swap3A_56, %swap3A_57] {strides = array<i32>} : memref<64x128xf32, #tpu.memory_space<vmem>>, vector<1x16xf32>,
      %swap3A_59 = vector.shape_cast %swap3A_58 : vector<1x16xf32> to vector<16xf32>
      %swap3A_60 = vector.shape_cast %broadcast_in_dim3A_1 : vector<16xf32> to vector<1x16xf32>
      tpu.vector_store %arg9[%swap3A_56, %swap3A_57], %swap3A_60 {strides = array<i32>} : memref<64x128xf32, #tpu.memory_space<vmem>>, vector<1x16xf32>,
      %swap3A_61 = arith.index_cast %add3A_46 : i32 to index
      %swap3A_62 = arith.constant 48 : index
      %swap3A_63 = tpu.vector_load %arg9[%swap3A_61, %swap3A_62] {strides = array<i32>} : memref<64x128xf32, #tpu.memory_space<vmem>>, vector<1x16xf32>,
      %swap3A_64 = vector.shape_cast %swap3A_63 : vector<1x16xf32> to vector<16xf32>
      %swap3A_65 = vector.shape_cast %broadcast_in_dim3A_1 : vector<16xf32> to vector<1x16xf32>
      tpu.vector_store %arg9[%swap3A_61, %swap3A_62], %swap3A_65 {strides = array<i32>} : memref<64x128xf32, #tpu.memory_space<vmem>>, vector<1x16xf32>,
      %swap3A_66 = arith.index_cast %add3A_46 : i32 to index
      %swap3A_67 = arith.constant 64 : index
      %swap3A_68 = tpu.vector_load %arg9[%swap3A_66, %swap3A_67] {strides = array<i32>} : memref<64x128xf32, #tpu.memory_space<vmem>>, vector<1x16xf32>,
      %swap3A_69 = vector.shape_cast %swap3A_68 : vector<1x16xf32> to vector<16xf32>
      %swap3A_70 = vector.shape_cast %broadcast_in_dim3A_1 : vector<16xf32> to vector<1x16xf32>
      tpu.vector_store %arg9[%swap3A_66, %swap3A_67], %swap3A_70 {strides = array<i32>} : memref<64x128xf32, #tpu.memory_space<vmem>>, vector<1x16xf32>,
      %swap3A_71 = arith.index_cast %add3A_46 : i32 to index
      %swap3A_72 = arith.constant 80 : index
      %swap3A_73 = tpu.vector_load %arg9[%swap3A_71, %swap3A_72] {strides = array<i32>} : memref<64x128xf32, #tpu.memory_space<vmem>>, vector<1x16xf32>,
      %swap3A_74 = vector.shape_cast %swap3A_73 : vector<1x16xf32> to vector<16xf32>
      %swap3A_75 = vector.shape_cast %broadcast_in_dim3A_1 : vector<16xf32> to vector<1x16xf32>
      tpu.vector_store %arg9[%swap3A_71, %swap3A_72], %swap3A_75 {strides = array<i32>} : memref<64x128xf32, #tpu.memory_space<vmem>>, vector<1x16xf32>,
      %swap3A_76 = arith.index_cast %add3A_46 : i32 to index
      %swap3A_77 = arith.constant 96 : index
      %swap3A_78 = tpu.vector_load %arg9[%swap3A_76, %swap3A_77] {strides = array<i32>} : memref<64x128xf32, #tpu.memory_space<vmem>>, vector<1x16xf32>,
      %swap3A_79 = vector.shape_cast %swap3A_78 : vector<1x16xf32> to vector<16xf32>
      %swap3A_80 = vector.shape_cast %broadcast_in_dim3A_1 : vector<16xf32> to vector<1x16xf32>
      tpu.vector_store %arg9[%swap3A_76, %swap3A_77], %swap3A_80 {strides = array<i32>} : memref<64x128xf32, #tpu.memory_space<vmem>>, vector<1x16xf32>,
      %swap3A_81 = arith.index_cast %add3A_46 : i32 to index
      %swap3A_82 = arith.constant 112 : index
      %swap3A_83 = tpu.vector_load %arg9[%swap3A_81, %swap3A_82] {strides = array<i32>} : memref<64x128xf32, #tpu.memory_space<vmem>>, vector<1x16xf32>,
      %swap3A_84 = vector.shape_cast %swap3A_83 : vector<1x16xf32> to vector<16xf32>
      %swap3A_85 = vector.shape_cast %broadcast_in_dim3A_1 : vector<16xf32> to vector<1x16xf32>
      tpu.vector_store %arg9[%swap3A_81, %swap3A_82], %swap3A_85 {strides = array<i32>} : memref<64x128xf32, #tpu.memory_space<vmem>>, vector<1x16xf32>,
    }
    %scan3A_5 = arith.constant 64 : i32
    %mul3A_6 = arith.constant 632 : i32
    %mul3A_7 = arith.muli %arg1, %mul3A_6 : i32
    %add3A_8 = arith.constant 0 : i32
    %add3A_9 = arith.addi %mul3A_7, %add3A_8 : i32
    "tpu.region"() ({
      %run_scoped3A = tpu.sem_alloc : memref<!tpu.dma_semaphore, #tpu.memory_space<semaphore_mem>>
      %dma_start3A = arith.constant 0 : i32
      %dma_start3A_42 = arith.constant 0 : i32
      %dma_start3A_43 = tpu.memref_slice %arg9[%dma_start3A, %dma_start3A_42] : memref<64x128xf32, #tpu.memory_space<vmem>> -> memref<64x128xf32, #tpu.memory_space<vmem>>
      %dma_start3A_44 = arith.constant 0 : i32
      %dma_start3A_45 = tpu.memref_slice %arg13[%add3A_9, %dma_start3A_44] : memref<10112x128xf32, #tpu.memory_space<vmem_shared>> -> memref<64x128xf32, #tpu.memory_space<vmem_shared>>
      %dma_start3A_46 = arith.constant 0 : i32
      %dma_start3A_47 = tpu.memref_slice %arg13[%add3A_9, %dma_start3A_46] : memref<10112x128xf32, #tpu.memory_space<vmem_shared>> -> memref<64x128xf32, #tpu.memory_space<vmem_shared>>
      %dma_start3A_48 = arith.constant 0 : i32
      %dma_start3A_49 = arith.constant 0 : i32
      %dma_start3A_50 = tpu.memref_slice %arg9[%dma_start3A_48, %dma_start3A_49] : memref<64x128xf32, #tpu.memory_space<vmem>> -> memref<64x128xf32, #tpu.memory_space<vmem>>
      tpu.enqueue_dma source(%dma_start3A_50 : memref<64x128xf32, #tpu.memory_space<vmem>>) target(%dma_start3A_47 : memref<64x128xf32, #tpu.memory_space<vmem_shared>>) target_semaphore(%run_scoped3A : memref<!tpu.dma_semaphore, #tpu.memory_space<semaphore_mem>>)
      %dma_wait3A = arith.constant 0 : i32
      %dma_wait3A_51 = arith.constant 0 : i32
      %dma_wait3A_52 = tpu.memref_slice %arg9[%dma_wait3A, %dma_wait3A_51] : memref<64x128xf32, #tpu.memory_space<vmem>> -> memref<64x128xf32, #tpu.memory_space<vmem>>
      %dma_wait3A_53 = arith.constant 0 : i32
      %dma_wait3A_54 = tpu.memref_slice %arg13[%add3A_9, %dma_wait3A_53] : memref<10112x128xf32, #tpu.memory_space<vmem_shared>> -> memref<64x128xf32, #tpu.memory_space<vmem_shared>>
      %dma_wait3A_55 = arith.constant 0 : i32
      %dma_wait3A_56 = tpu.memref_slice %arg13[%add3A_9, %dma_wait3A_55] : memref<10112x128xf32, #tpu.memory_space<vmem_shared>> -> memref<64x128xf32, #tpu.memory_space<vmem_shared>>
      %dma_wait3A_57 = arith.constant 0 : i32
      %dma_wait3A_58 = arith.constant 0 : i32
      %dma_wait3A_59 = tpu.memref_slice %arg9[%dma_wait3A_57, %dma_wait3A_58] : memref<64x128xf32, #tpu.memory_space<vmem>> -> memref<64x128xf32, #tpu.memory_space<vmem>>
      tpu.wait_dma2 semaphore(%run_scoped3A : memref<!tpu.dma_semaphore, #tpu.memory_space<semaphore_mem>>) src(%dma_wait3A_59 : memref<64x128xf32, #tpu.memory_space<vmem>>) dst(%dma_wait3A_56 : memref<64x128xf32, #tpu.memory_space<vmem_shared>>)
      tpu.yield
    }) : () -> ()
    %add3A_10 = arith.constant 64 : i32
    %add3A_11 = arith.addi %mul3A_7, %add3A_10 : i32
    "tpu.region"() ({
      %run_scoped3A = tpu.sem_alloc : memref<!tpu.dma_semaphore, #tpu.memory_space<semaphore_mem>>
      %dma_start3A = arith.constant 0 : i32
      %dma_start3A_42 = arith.constant 0 : i32
      %dma_start3A_43 = tpu.memref_slice %arg9[%dma_start3A, %dma_start3A_42] : memref<64x128xf32, #tpu.memory_space<vmem>> -> memref<64x128xf32, #tpu.memory_space<vmem>>
      %dma_start3A_44 = arith.constant 0 : i32
      %dma_start3A_45 = tpu.memref_slice %arg13[%add3A_11, %dma_start3A_44] : memref<10112x128xf32, #tpu.memory_space<vmem_shared>> -> memref<64x128xf32, #tpu.memory_space<vmem_shared>>
      %dma_start3A_46 = arith.constant 0 : i32
      %dma_start3A_47 = tpu.memref_slice %arg13[%add3A_11, %dma_start3A_46] : memref<10112x128xf32, #tpu.memory_space<vmem_shared>> -> memref<64x128xf32, #tpu.memory_space<vmem_shared>>
      %dma_start3A_48 = arith.constant 0 : i32
      %dma_start3A_49 = arith.constant 0 : i32
      %dma_start3A_50 = tpu.memref_slice %arg9[%dma_start3A_48, %dma_start3A_49] : memref<64x128xf32, #tpu.memory_space<vmem>> -> memref<64x128xf32, #tpu.memory_space<vmem>>
      tpu.enqueue_dma source(%dma_start3A_50 : memref<64x128xf32, #tpu.memory_space<vmem>>) target(%dma_start3A_47 : memref<64x128xf32, #tpu.memory_space<vmem_shared>>) target_semaphore(%run_scoped3A : memref<!tpu.dma_semaphore, #tpu.memory_space<semaphore_mem>>)
      %dma_wait3A = arith.constant 0 : i32
      %dma_wait3A_51 = arith.constant 0 : i32
      %dma_wait3A_52 = tpu.memref_slice %arg9[%dma_wait3A, %dma_wait3A_51] : memref<64x128xf32, #tpu.memory_space<vmem>> -> memref<64x128xf32, #tpu.memory_space<vmem>>
      %dma_wait3A_53 = arith.constant 0 : i32
      %dma_wait3A_54 = tpu.memref_slice %arg13[%add3A_11, %dma_wait3A_53] : memref<10112x128xf32, #tpu.memory_space<vmem_shared>> -> memref<64x128xf32, #tpu.memory_space<vmem_shared>>
      %dma_wait3A_55 = arith.constant 0 : i32
      %dma_wait3A_56 = tpu.memref_slice %arg13[%add3A_11, %dma_wait3A_55] : memref<10112x128xf32, #tpu.memory_space<vmem_shared>> -> memref<64x128xf32, #tpu.memory_space<vmem_shared>>
      %dma_wait3A_57 = arith.constant 0 : i32
      %dma_wait3A_58 = arith.constant 0 : i32
      %dma_wait3A_59 = tpu.memref_slice %arg9[%dma_wait3A_57, %dma_wait3A_58] : memref<64x128xf32, #tpu.memory_space<vmem>> -> memref<64x128xf32, #tpu.memory_space<vmem>>
      tpu.wait_dma2 semaphore(%run_scoped3A : memref<!tpu.dma_semaphore, #tpu.memory_space<semaphore_mem>>) src(%dma_wait3A_59 : memref<64x128xf32, #tpu.memory_space<vmem>>) dst(%dma_wait3A_56 : memref<64x128xf32, #tpu.memory_space<vmem_shared>>)
      tpu.yield
    }) : () -> ()
    %add3A_12 = arith.constant 128 : i32
    %add3A_13 = arith.addi %mul3A_7, %add3A_12 : i32
    "tpu.region"() ({
      %run_scoped3A = tpu.sem_alloc : memref<!tpu.dma_semaphore, #tpu.memory_space<semaphore_mem>>
      %dma_start3A = arith.constant 0 : i32
      %dma_start3A_42 = arith.constant 0 : i32
      %dma_start3A_43 = tpu.memref_slice %arg9[%dma_start3A, %dma_start3A_42] : memref<64x128xf32, #tpu.memory_space<vmem>> -> memref<64x128xf32, #tpu.memory_space<vmem>>
      %dma_start3A_44 = arith.constant 0 : i32
      %dma_start3A_45 = tpu.memref_slice %arg13[%add3A_13, %dma_start3A_44] : memref<10112x128xf32, #tpu.memory_space<vmem_shared>> -> memref<64x128xf32, #tpu.memory_space<vmem_shared>>
      %dma_start3A_46 = arith.constant 0 : i32
      %dma_start3A_47 = tpu.memref_slice %arg13[%add3A_13, %dma_start3A_46] : memref<10112x128xf32, #tpu.memory_space<vmem_shared>> -> memref<64x128xf32, #tpu.memory_space<vmem_shared>>
      %dma_start3A_48 = arith.constant 0 : i32
      %dma_start3A_49 = arith.constant 0 : i32
      %dma_start3A_50 = tpu.memref_slice %arg9[%dma_start3A_48, %dma_start3A_49] : memref<64x128xf32, #tpu.memory_space<vmem>> -> memref<64x128xf32, #tpu.memory_space<vmem>>
      tpu.enqueue_dma source(%dma_start3A_50 : memref<64x128xf32, #tpu.memory_space<vmem>>) target(%dma_start3A_47 : memref<64x128xf32, #tpu.memory_space<vmem_shared>>) target_semaphore(%run_scoped3A : memref<!tpu.dma_semaphore, #tpu.memory_space<semaphore_mem>>)
      %dma_wait3A = arith.constant 0 : i32
      %dma_wait3A_51 = arith.constant 0 : i32
      %dma_wait3A_52 = tpu.memref_slice %arg9[%dma_wait3A, %dma_wait3A_51] : memref<64x128xf32, #tpu.memory_space<vmem>> -> memref<64x128xf32, #tpu.memory_space<vmem>>
      %dma_wait3A_53 = arith.constant 0 : i32
      %dma_wait3A_54 = tpu.memref_slice %arg13[%add3A_13, %dma_wait3A_53] : memref<10112x128xf32, #tpu.memory_space<vmem_shared>> -> memref<64x128xf32, #tpu.memory_space<vmem_shared>>
      %dma_wait3A_55 = arith.constant 0 : i32
      %dma_wait3A_56 = tpu.memref_slice %arg13[%add3A_13, %dma_wait3A_55] : memref<10112x128xf32, #tpu.memory_space<vmem_shared>> -> memref<64x128xf32, #tpu.memory_space<vmem_shared>>
      %dma_wait3A_57 = arith.constant 0 : i32
      %dma_wait3A_58 = arith.constant 0 : i32
      %dma_wait3A_59 = tpu.memref_slice %arg9[%dma_wait3A_57, %dma_wait3A_58] : memref<64x128xf32, #tpu.memory_space<vmem>> -> memref<64x128xf32, #tpu.memory_space<vmem>>
      tpu.wait_dma2 semaphore(%run_scoped3A : memref<!tpu.dma_semaphore, #tpu.memory_space<semaphore_mem>>) src(%dma_wait3A_59 : memref<64x128xf32, #tpu.memory_space<vmem>>) dst(%dma_wait3A_56 : memref<64x128xf32, #tpu.memory_space<vmem_shared>>)
      tpu.yield
    }) : () -> ()
    %add3A_14 = arith.constant 192 : i32
    %add3A_15 = arith.addi %mul3A_7, %add3A_14 : i32
    "tpu.region"() ({
      %run_scoped3A = tpu.sem_alloc : memref<!tpu.dma_semaphore, #tpu.memory_space<semaphore_mem>>
      %dma_start3A = arith.constant 0 : i32
      %dma_start3A_42 = arith.constant 0 : i32
      %dma_start3A_43 = tpu.memref_slice %arg9[%dma_start3A, %dma_start3A_42] : memref<64x128xf32, #tpu.memory_space<vmem>> -> memref<64x128xf32, #tpu.memory_space<vmem>>
      %dma_start3A_44 = arith.constant 0 : i32
      %dma_start3A_45 = tpu.memref_slice %arg13[%add3A_15, %dma_start3A_44] : memref<10112x128xf32, #tpu.memory_space<vmem_shared>> -> memref<64x128xf32, #tpu.memory_space<vmem_shared>>
      %dma_start3A_46 = arith.constant 0 : i32
      %dma_start3A_47 = tpu.memref_slice %arg13[%add3A_15, %dma_start3A_46] : memref<10112x128xf32, #tpu.memory_space<vmem_shared>> -> memref<64x128xf32, #tpu.memory_space<vmem_shared>>
      %dma_start3A_48 = arith.constant 0 : i32
      %dma_start3A_49 = arith.constant 0 : i32
      %dma_start3A_50 = tpu.memref_slice %arg9[%dma_start3A_48, %dma_start3A_49] : memref<64x128xf32, #tpu.memory_space<vmem>> -> memref<64x128xf32, #tpu.memory_space<vmem>>
      tpu.enqueue_dma source(%dma_start3A_50 : memref<64x128xf32, #tpu.memory_space<vmem>>) target(%dma_start3A_47 : memref<64x128xf32, #tpu.memory_space<vmem_shared>>) target_semaphore(%run_scoped3A : memref<!tpu.dma_semaphore, #tpu.memory_space<semaphore_mem>>)
      %dma_wait3A = arith.constant 0 : i32
      %dma_wait3A_51 = arith.constant 0 : i32
      %dma_wait3A_52 = tpu.memref_slice %arg9[%dma_wait3A, %dma_wait3A_51] : memref<64x128xf32, #tpu.memory_space<vmem>> -> memref<64x128xf32, #tpu.memory_space<vmem>>
      %dma_wait3A_53 = arith.constant 0 : i32
      %dma_wait3A_54 = tpu.memref_slice %arg13[%add3A_15, %dma_wait3A_53] : memref<10112x128xf32, #tpu.memory_space<vmem_shared>> -> memref<64x128xf32, #tpu.memory_space<vmem_shared>>
      %dma_wait3A_55 = arith.constant 0 : i32
      %dma_wait3A_56 = tpu.memref_slice %arg13[%add3A_15, %dma_wait3A_55] : memref<10112x128xf32, #tpu.memory_space<vmem_shared>> -> memref<64x128xf32, #tpu.memory_space<vmem_shared>>
      %dma_wait3A_57 = arith.constant 0 : i32
      %dma_wait3A_58 = arith.constant 0 : i32
      %dma_wait3A_59 = tpu.memref_slice %arg9[%dma_wait3A_57, %dma_wait3A_58] : memref<64x128xf32, #tpu.memory_space<vmem>> -> memref<64x128xf32, #tpu.memory_space<vmem>>
      tpu.wait_dma2 semaphore(%run_scoped3A : memref<!tpu.dma_semaphore, #tpu.memory_space<semaphore_mem>>) src(%dma_wait3A_59 : memref<64x128xf32, #tpu.memory_space<vmem>>) dst(%dma_wait3A_56 : memref<64x128xf32, #tpu.memory_space<vmem_shared>>)
      tpu.yield
    }) : () -> ()
    %add3A_16 = arith.constant 256 : i32
    %add3A_17 = arith.addi %mul3A_7, %add3A_16 : i32
    "tpu.region"() ({
      %run_scoped3A = tpu.sem_alloc : memref<!tpu.dma_semaphore, #tpu.memory_space<semaphore_mem>>
      %dma_start3A = arith.constant 0 : i32
      %dma_start3A_42 = arith.constant 0 : i32
      %dma_start3A_43 = tpu.memref_slice %arg9[%dma_start3A, %dma_start3A_42] : memref<64x128xf32, #tpu.memory_space<vmem>> -> memref<64x128xf32, #tpu.memory_space<vmem>>
      %dma_start3A_44 = arith.constant 0 : i32
      %dma_start3A_45 = tpu.memref_slice %arg13[%add3A_17, %dma_start3A_44] : memref<10112x128xf32, #tpu.memory_space<vmem_shared>> -> memref<64x128xf32, #tpu.memory_space<vmem_shared>>
      %dma_start3A_46 = arith.constant 0 : i32
      %dma_start3A_47 = tpu.memref_slice %arg13[%add3A_17, %dma_start3A_46] : memref<10112x128xf32, #tpu.memory_space<vmem_shared>> -> memref<64x128xf32, #tpu.memory_space<vmem_shared>>
      %dma_start3A_48 = arith.constant 0 : i32
      %dma_start3A_49 = arith.constant 0 : i32
      %dma_start3A_50 = tpu.memref_slice %arg9[%dma_start3A_48, %dma_start3A_49] : memref<64x128xf32, #tpu.memory_space<vmem>> -> memref<64x128xf32, #tpu.memory_space<vmem>>
      tpu.enqueue_dma source(%dma_start3A_50 : memref<64x128xf32, #tpu.memory_space<vmem>>) target(%dma_start3A_47 : memref<64x128xf32, #tpu.memory_space<vmem_shared>>) target_semaphore(%run_scoped3A : memref<!tpu.dma_semaphore, #tpu.memory_space<semaphore_mem>>)
      %dma_wait3A = arith.constant 0 : i32
      %dma_wait3A_51 = arith.constant 0 : i32
      %dma_wait3A_52 = tpu.memref_slice %arg9[%dma_wait3A, %dma_wait3A_51] : memref<64x128xf32, #tpu.memory_space<vmem>> -> memref<64x128xf32, #tpu.memory_space<vmem>>
      %dma_wait3A_53 = arith.constant 0 : i32
      %dma_wait3A_54 = tpu.memref_slice %arg13[%add3A_17, %dma_wait3A_53] : memref<10112x128xf32, #tpu.memory_space<vmem_shared>> -> memref<64x128xf32, #tpu.memory_space<vmem_shared>>
      %dma_wait3A_55 = arith.constant 0 : i32
      %dma_wait3A_56 = tpu.memref_slice %arg13[%add3A_17, %dma_wait3A_55] : memref<10112x128xf32, #tpu.memory_space<vmem_shared>> -> memref<64x128xf32, #tpu.memory_space<vmem_shared>>
      %dma_wait3A_57 = arith.constant 0 : i32
      %dma_wait3A_58 = arith.constant 0 : i32
      %dma_wait3A_59 = tpu.memref_slice %arg9[%dma_wait3A_57, %dma_wait3A_58] : memref<64x128xf32, #tpu.memory_space<vmem>> -> memref<64x128xf32, #tpu.memory_space<vmem>>
      tpu.wait_dma2 semaphore(%run_scoped3A : memref<!tpu.dma_semaphore, #tpu.memory_space<semaphore_mem>>) src(%dma_wait3A_59 : memref<64x128xf32, #tpu.memory_space<vmem>>) dst(%dma_wait3A_56 : memref<64x128xf32, #tpu.memory_space<vmem_shared>>)
      tpu.yield
    }) : () -> ()
    %add3A_18 = arith.constant 320 : i32
    %add3A_19 = arith.addi %mul3A_7, %add3A_18 : i32
    "tpu.region"() ({
      %run_scoped3A = tpu.sem_alloc : memref<!tpu.dma_semaphore, #tpu.memory_space<semaphore_mem>>
      %dma_start3A = arith.constant 0 : i32
      %dma_start3A_42 = arith.constant 0 : i32
      %dma_start3A_43 = tpu.memref_slice %arg9[%dma_start3A, %dma_start3A_42] : memref<64x128xf32, #tpu.memory_space<vmem>> -> memref<64x128xf32, #tpu.memory_space<vmem>>
      %dma_start3A_44 = arith.constant 0 : i32
      %dma_start3A_45 = tpu.memref_slice %arg13[%add3A_19, %dma_start3A_44] : memref<10112x128xf32, #tpu.memory_space<vmem_shared>> -> memref<64x128xf32, #tpu.memory_space<vmem_shared>>
      %dma_start3A_46 = arith.constant 0 : i32
      %dma_start3A_47 = tpu.memref_slice %arg13[%add3A_19, %dma_start3A_46] : memref<10112x128xf32, #tpu.memory_space<vmem_shared>> -> memref<64x128xf32, #tpu.memory_space<vmem_shared>>
      %dma_start3A_48 = arith.constant 0 : i32
      %dma_start3A_49 = arith.constant 0 : i32
      %dma_start3A_50 = tpu.memref_slice %arg9[%dma_start3A_48, %dma_start3A_49] : memref<64x128xf32, #tpu.memory_space<vmem>> -> memref<64x128xf32, #tpu.memory_space<vmem>>
      tpu.enqueue_dma source(%dma_start3A_50 : memref<64x128xf32, #tpu.memory_space<vmem>>) target(%dma_start3A_47 : memref<64x128xf32, #tpu.memory_space<vmem_shared>>) target_semaphore(%run_scoped3A : memref<!tpu.dma_semaphore, #tpu.memory_space<semaphore_mem>>)
      %dma_wait3A = arith.constant 0 : i32
      %dma_wait3A_51 = arith.constant 0 : i32
      %dma_wait3A_52 = tpu.memref_slice %arg9[%dma_wait3A, %dma_wait3A_51] : memref<64x128xf32, #tpu.memory_space<vmem>> -> memref<64x128xf32, #tpu.memory_space<vmem>>
      %dma_wait3A_53 = arith.constant 0 : i32
      %dma_wait3A_54 = tpu.memref_slice %arg13[%add3A_19, %dma_wait3A_53] : memref<10112x128xf32, #tpu.memory_space<vmem_shared>> -> memref<64x128xf32, #tpu.memory_space<vmem_shared>>
      %dma_wait3A_55 = arith.constant 0 : i32
      %dma_wait3A_56 = tpu.memref_slice %arg13[%add3A_19, %dma_wait3A_55] : memref<10112x128xf32, #tpu.memory_space<vmem_shared>> -> memref<64x128xf32, #tpu.memory_space<vmem_shared>>
      %dma_wait3A_57 = arith.constant 0 : i32
      %dma_wait3A_58 = arith.constant 0 : i32
      %dma_wait3A_59 = tpu.memref_slice %arg9[%dma_wait3A_57, %dma_wait3A_58] : memref<64x128xf32, #tpu.memory_space<vmem>> -> memref<64x128xf32, #tpu.memory_space<vmem>>
      tpu.wait_dma2 semaphore(%run_scoped3A : memref<!tpu.dma_semaphore, #tpu.memory_space<semaphore_mem>>) src(%dma_wait3A_59 : memref<64x128xf32, #tpu.memory_space<vmem>>) dst(%dma_wait3A_56 : memref<64x128xf32, #tpu.memory_space<vmem_shared>>)
      tpu.yield
    }) : () -> ()
    %add3A_20 = arith.constant 384 : i32
    %add3A_21 = arith.addi %mul3A_7, %add3A_20 : i32
    "tpu.region"() ({
      %run_scoped3A = tpu.sem_alloc : memref<!tpu.dma_semaphore, #tpu.memory_space<semaphore_mem>>
      %dma_start3A = arith.constant 0 : i32
      %dma_start3A_42 = arith.constant 0 : i32
      %dma_start3A_43 = tpu.memref_slice %arg9[%dma_start3A, %dma_start3A_42] : memref<64x128xf32, #tpu.memory_space<vmem>> -> memref<64x128xf32, #tpu.memory_space<vmem>>
      %dma_start3A_44 = arith.constant 0 : i32
      %dma_start3A_45 = tpu.memref_slice %arg13[%add3A_21, %dma_start3A_44] : memref<10112x128xf32, #tpu.memory_space<vmem_shared>> -> memref<64x128xf32, #tpu.memory_space<vmem_shared>>
      %dma_start3A_46 = arith.constant 0 : i32
      %dma_start3A_47 = tpu.memref_slice %arg13[%add3A_21, %dma_start3A_46] : memref<10112x128xf32, #tpu.memory_space<vmem_shared>> -> memref<64x128xf32, #tpu.memory_space<vmem_shared>>
      %dma_start3A_48 = arith.constant 0 : i32
      %dma_start3A_49 = arith.constant 0 : i32
      %dma_start3A_50 = tpu.memref_slice %arg9[%dma_start3A_48, %dma_start3A_49] : memref<64x128xf32, #tpu.memory_space<vmem>> -> memref<64x128xf32, #tpu.memory_space<vmem>>
      tpu.enqueue_dma source(%dma_start3A_50 : memref<64x128xf32, #tpu.memory_space<vmem>>) target(%dma_start3A_47 : memref<64x128xf32, #tpu.memory_space<vmem_shared>>) target_semaphore(%run_scoped3A : memref<!tpu.dma_semaphore, #tpu.memory_space<semaphore_mem>>)
      %dma_wait3A = arith.constant 0 : i32
      %dma_wait3A_51 = arith.constant 0 : i32
      %dma_wait3A_52 = tpu.memref_slice %arg9[%dma_wait3A, %dma_wait3A_51] : memref<64x128xf32, #tpu.memory_space<vmem>> -> memref<64x128xf32, #tpu.memory_space<vmem>>
      %dma_wait3A_53 = arith.constant 0 : i32
      %dma_wait3A_54 = tpu.memref_slice %arg13[%add3A_21, %dma_wait3A_53] : memref<10112x128xf32, #tpu.memory_space<vmem_shared>> -> memref<64x128xf32, #tpu.memory_space<vmem_shared>>
      %dma_wait3A_55 = arith.constant 0 : i32
      %dma_wait3A_56 = tpu.memref_slice %arg13[%add3A_21, %dma_wait3A_55] : memref<10112x128xf32, #tpu.memory_space<vmem_shared>> -> memref<64x128xf32, #tpu.memory_space<vmem_shared>>
      %dma_wait3A_57 = arith.constant 0 : i32
      %dma_wait3A_58 = arith.constant 0 : i32
      %dma_wait3A_59 = tpu.memref_slice %arg9[%dma_wait3A_57, %dma_wait3A_58] : memref<64x128xf32, #tpu.memory_space<vmem>> -> memref<64x128xf32, #tpu.memory_space<vmem>>
      tpu.wait_dma2 semaphore(%run_scoped3A : memref<!tpu.dma_semaphore, #tpu.memory_space<semaphore_mem>>) src(%dma_wait3A_59 : memref<64x128xf32, #tpu.memory_space<vmem>>) dst(%dma_wait3A_56 : memref<64x128xf32, #tpu.memory_space<vmem_shared>>)
      tpu.yield
    }) : () -> ()
    %add3A_22 = arith.constant 448 : i32
    %add3A_23 = arith.addi %mul3A_7, %add3A_22 : i32
    "tpu.region"() ({
      %run_scoped3A = tpu.sem_alloc : memref<!tpu.dma_semaphore, #tpu.memory_space<semaphore_mem>>
      %dma_start3A = arith.constant 0 : i32
      %dma_start3A_42 = arith.constant 0 : i32
      %dma_start3A_43 = tpu.memref_slice %arg9[%dma_start3A, %dma_start3A_42] : memref<64x128xf32, #tpu.memory_space<vmem>> -> memref<64x128xf32, #tpu.memory_space<vmem>>
      %dma_start3A_44 = arith.constant 0 : i32
      %dma_start3A_45 = tpu.memref_slice %arg13[%add3A_23, %dma_start3A_44] : memref<10112x128xf32, #tpu.memory_space<vmem_shared>> -> memref<64x128xf32, #tpu.memory_space<vmem_shared>>
      %dma_start3A_46 = arith.constant 0 : i32
      %dma_start3A_47 = tpu.memref_slice %arg13[%add3A_23, %dma_start3A_46] : memref<10112x128xf32, #tpu.memory_space<vmem_shared>> -> memref<64x128xf32, #tpu.memory_space<vmem_shared>>
      %dma_start3A_48 = arith.constant 0 : i32
      %dma_start3A_49 = arith.constant 0 : i32
      %dma_start3A_50 = tpu.memref_slice %arg9[%dma_start3A_48, %dma_start3A_49] : memref<64x128xf32, #tpu.memory_space<vmem>> -> memref<64x128xf32, #tpu.memory_space<vmem>>
      tpu.enqueue_dma source(%dma_start3A_50 : memref<64x128xf32, #tpu.memory_space<vmem>>) target(%dma_start3A_47 : memref<64x128xf32, #tpu.memory_space<vmem_shared>>) target_semaphore(%run_scoped3A : memref<!tpu.dma_semaphore, #tpu.memory_space<semaphore_mem>>)
      %dma_wait3A = arith.constant 0 : i32
      %dma_wait3A_51 = arith.constant 0 : i32
      %dma_wait3A_52 = tpu.memref_slice %arg9[%dma_wait3A, %dma_wait3A_51] : memref<64x128xf32, #tpu.memory_space<vmem>> -> memref<64x128xf32, #tpu.memory_space<vmem>>
      %dma_wait3A_53 = arith.constant 0 : i32
      %dma_wait3A_54 = tpu.memref_slice %arg13[%add3A_23, %dma_wait3A_53] : memref<10112x128xf32, #tpu.memory_space<vmem_shared>> -> memref<64x128xf32, #tpu.memory_space<vmem_shared>>
      %dma_wait3A_55 = arith.constant 0 : i32
      %dma_wait3A_56 = tpu.memref_slice %arg13[%add3A_23, %dma_wait3A_55] : memref<10112x128xf32, #tpu.memory_space<vmem_shared>> -> memref<64x128xf32, #tpu.memory_space<vmem_shared>>
      %dma_wait3A_57 = arith.constant 0 : i32
      %dma_wait3A_58 = arith.constant 0 : i32
      %dma_wait3A_59 = tpu.memref_slice %arg9[%dma_wait3A_57, %dma_wait3A_58] : memref<64x128xf32, #tpu.memory_space<vmem>> -> memref<64x128xf32, #tpu.memory_space<vmem>>
      tpu.wait_dma2 semaphore(%run_scoped3A : memref<!tpu.dma_semaphore, #tpu.memory_space<semaphore_mem>>) src(%dma_wait3A_59 : memref<64x128xf32, #tpu.memory_space<vmem>>) dst(%dma_wait3A_56 : memref<64x128xf32, #tpu.memory_space<vmem_shared>>)
      tpu.yield
    }) : () -> ()
    %add3A_24 = arith.constant 512 : i32
    %add3A_25 = arith.addi %mul3A_7, %add3A_24 : i32
    "tpu.region"() ({
      %run_scoped3A = tpu.sem_alloc : memref<!tpu.dma_semaphore, #tpu.memory_space<semaphore_mem>>
      %dma_start3A = arith.constant 0 : i32
      %dma_start3A_42 = arith.constant 0 : i32
      %dma_start3A_43 = tpu.memref_slice %arg9[%dma_start3A, %dma_start3A_42] : memref<64x128xf32, #tpu.memory_space<vmem>> -> memref<64x128xf32, #tpu.memory_space<vmem>>
      %dma_start3A_44 = arith.constant 0 : i32
      %dma_start3A_45 = tpu.memref_slice %arg13[%add3A_25, %dma_start3A_44] : memref<10112x128xf32, #tpu.memory_space<vmem_shared>> -> memref<64x128xf32, #tpu.memory_space<vmem_shared>>
      %dma_start3A_46 = arith.constant 0 : i32
      %dma_start3A_47 = tpu.memref_slice %arg13[%add3A_25, %dma_start3A_46] : memref<10112x128xf32, #tpu.memory_space<vmem_shared>> -> memref<64x128xf32, #tpu.memory_space<vmem_shared>>
      %dma_start3A_48 = arith.constant 0 : i32
      %dma_start3A_49 = arith.constant 0 : i32
      %dma_start3A_50 = tpu.memref_slice %arg9[%dma_start3A_48, %dma_start3A_49] : memref<64x128xf32, #tpu.memory_space<vmem>> -> memref<64x128xf32, #tpu.memory_space<vmem>>
      tpu.enqueue_dma source(%dma_start3A_50 : memref<64x128xf32, #tpu.memory_space<vmem>>) target(%dma_start3A_47 : memref<64x128xf32, #tpu.memory_space<vmem_shared>>) target_semaphore(%run_scoped3A : memref<!tpu.dma_semaphore, #tpu.memory_space<semaphore_mem>>)
      %dma_wait3A = arith.constant 0 : i32
      %dma_wait3A_51 = arith.constant 0 : i32
      %dma_wait3A_52 = tpu.memref_slice %arg9[%dma_wait3A, %dma_wait3A_51] : memref<64x128xf32, #tpu.memory_space<vmem>> -> memref<64x128xf32, #tpu.memory_space<vmem>>
      %dma_wait3A_53 = arith.constant 0 : i32
      %dma_wait3A_54 = tpu.memref_slice %arg13[%add3A_25, %dma_wait3A_53] : memref<10112x128xf32, #tpu.memory_space<vmem_shared>> -> memref<64x128xf32, #tpu.memory_space<vmem_shared>>
      %dma_wait3A_55 = arith.constant 0 : i32
      %dma_wait3A_56 = tpu.memref_slice %arg13[%add3A_25, %dma_wait3A_55] : memref<10112x128xf32, #tpu.memory_space<vmem_shared>> -> memref<64x128xf32, #tpu.memory_space<vmem_shared>>
      %dma_wait3A_57 = arith.constant 0 : i32
      %dma_wait3A_58 = arith.constant 0 : i32
      %dma_wait3A_59 = tpu.memref_slice %arg9[%dma_wait3A_57, %dma_wait3A_58] : memref<64x128xf32, #tpu.memory_space<vmem>> -> memref<64x128xf32, #tpu.memory_space<vmem>>
      tpu.wait_dma2 semaphore(%run_scoped3A : memref<!tpu.dma_semaphore, #tpu.memory_space<semaphore_mem>>) src(%dma_wait3A_59 : memref<64x128xf32, #tpu.memory_space<vmem>>) dst(%dma_wait3A_56 : memref<64x128xf32, #tpu.memory_space<vmem_shared>>)
      tpu.yield
    }) : () -> ()
    %add3A_26 = arith.constant 576 : i32
    %add3A_27 = arith.addi %mul3A_7, %add3A_26 : i32
    "tpu.region"() ({
      %run_scoped3A = tpu.sem_alloc : memref<!tpu.dma_semaphore, #tpu.memory_space<semaphore_mem>>
      %dma_start3A = arith.constant 0 : i32
      %dma_start3A_42 = arith.constant 0 : i32
      %dma_start3A_43 = tpu.memref_slice %arg9[%dma_start3A, %dma_start3A_42] : memref<64x128xf32, #tpu.memory_space<vmem>> -> memref<56x128xf32, #tpu.memory_space<vmem>>
      %dma_start3A_44 = arith.constant 0 : i32
      %dma_start3A_45 = tpu.memref_slice %arg13[%add3A_27, %dma_start3A_44] : memref<10112x128xf32, #tpu.memory_space<vmem_shared>> -> memref<56x128xf32, #tpu.memory_space<vmem_shared>>
      %dma_start3A_46 = arith.constant 0 : i32
      %dma_start3A_47 = tpu.memref_slice %arg13[%add3A_27, %dma_start3A_46] : memref<10112x128xf32, #tpu.memory_space<vmem_shared>> -> memref<56x128xf32, #tpu.memory_space<vmem_shared>>
      %dma_start3A_48 = arith.constant 0 : i32
      %dma_start3A_49 = arith.constant 0 : i32
      %dma_start3A_50 = tpu.memref_slice %arg9[%dma_start3A_48, %dma_start3A_49] : memref<64x128xf32, #tpu.memory_space<vmem>> -> memref<56x128xf32, #tpu.memory_space<vmem>>
      tpu.enqueue_dma source(%dma_start3A_50 : memref<56x128xf32, #tpu.memory_space<vmem>>) target(%dma_start3A_47 : memref<56x128xf32, #tpu.memory_space<vmem_shared>>) target_semaphore(%run_scoped3A : memref<!tpu.dma_semaphore, #tpu.memory_space<semaphore_mem>>)
      %dma_wait3A = arith.constant 0 : i32
      %dma_wait3A_51 = arith.constant 0 : i32
      %dma_wait3A_52 = tpu.memref_slice %arg9[%dma_wait3A, %dma_wait3A_51] : memref<64x128xf32, #tpu.memory_space<vmem>> -> memref<56x128xf32, #tpu.memory_space<vmem>>
      %dma_wait3A_53 = arith.constant 0 : i32
      %dma_wait3A_54 = tpu.memref_slice %arg13[%add3A_27, %dma_wait3A_53] : memref<10112x128xf32, #tpu.memory_space<vmem_shared>> -> memref<56x128xf32, #tpu.memory_space<vmem_shared>>
      %dma_wait3A_55 = arith.constant 0 : i32
      %dma_wait3A_56 = tpu.memref_slice %arg13[%add3A_27, %dma_wait3A_55] : memref<10112x128xf32, #tpu.memory_space<vmem_shared>> -> memref<56x128xf32, #tpu.memory_space<vmem_shared>>
      %dma_wait3A_57 = arith.constant 0 : i32
      %dma_wait3A_58 = arith.constant 0 : i32
      %dma_wait3A_59 = tpu.memref_slice %arg9[%dma_wait3A_57, %dma_wait3A_58] : memref<64x128xf32, #tpu.memory_space<vmem>> -> memref<56x128xf32, #tpu.memory_space<vmem>>
      tpu.wait_dma2 semaphore(%run_scoped3A : memref<!tpu.dma_semaphore, #tpu.memory_space<semaphore_mem>>) src(%dma_wait3A_59 : memref<56x128xf32, #tpu.memory_space<vmem>>) dst(%dma_wait3A_56 : memref<56x128xf32, #tpu.memory_space<vmem_shared>>)
      tpu.yield
    }) : () -> ()
    %barrier3A = arith.constant 0 : index
    tpu.barrier barrier_id(%barrier3A)
    %scan3A_28 = arith.constant 0 : i32
    %scan3A_29 = arith.constant 21 : i32
    %scan3A_30 = arith.addi %scan3A_28, %scan3A_29 : i32
    %scan3A_31 = arith.constant 1 : i32
    scf.for %scan3A_42 = %scan3A_28 to %scan3A_30 step %scan3A_31  : i32 {
      %mul3A_43 = arith.constant 1 : i32
      %mul3A_44 = arith.muli %scan3A_42, %mul3A_43 : i32
      %add3A_45 = arith.constant 0 : i32
      %add3A_46 = arith.addi %add3A_45, %mul3A_44 : i32
      %mul3A_47 = arith.constant 168 : i32
      %mul3A_48 = arith.muli %add3A, %mul3A_47 : i32
      %mul3A_49 = arith.constant 8 : i32
      %mul3A_50 = arith.muli %add3A_46, %mul3A_49 : i32
      %add3A_51 = arith.addi %mul3A_48, %mul3A_50 : i32
      "tpu.region"() ({
        %run_scoped3A = tpu.sem_alloc : memref<!tpu.dma_semaphore, #tpu.memory_space<semaphore_mem>>
        %dma_start3A_426 = arith.constant 0 : i32
        %dma_start3A_427 = tpu.memref_slice %arg4[%add3A_51, %dma_start3A_426] : memref<5376x64xi32, #tpu.memory_space<hbm>> -> memref<8x64xi32, #tpu.memory_space<hbm>>
        %dma_start3A_428 = arith.constant 0 : i32
        %dma_start3A_429 = tpu.memref_slice %arg4[%add3A_51, %dma_start3A_428] : memref<5376x64xi32, #tpu.memory_space<hbm>> -> memref<8x64xi32, #tpu.memory_space<hbm>>
        tpu.enqueue_dma source(%dma_start3A_429 : memref<8x64xi32, #tpu.memory_space<hbm>>) target(%arg7 : memref<8x64xi32, #tpu.memory_space<vmem>>) target_semaphore(%run_scoped3A : memref<!tpu.dma_semaphore, #tpu.memory_space<semaphore_mem>>)
        %dma_wait3A_430 = arith.constant 0 : i32
        %dma_wait3A_431 = tpu.memref_slice %arg4[%add3A_51, %dma_wait3A_430] : memref<5376x64xi32, #tpu.memory_space<hbm>> -> memref<8x64xi32, #tpu.memory_space<hbm>>
        %dma_wait3A_432 = arith.constant 0 : i32
        %dma_wait3A_433 = tpu.memref_slice %arg4[%add3A_51, %dma_wait3A_432] : memref<5376x64xi32, #tpu.memory_space<hbm>> -> memref<8x64xi32, #tpu.memory_space<hbm>>
        tpu.wait_dma2 semaphore(%run_scoped3A : memref<!tpu.dma_semaphore, #tpu.memory_space<semaphore_mem>>) src(%dma_wait3A_433 : memref<8x64xi32, #tpu.memory_space<hbm>>) dst(%arg7 : memref<8x64xi32, #tpu.memory_space<vmem>>)
        tpu.yield
      }) : () -> ()
      "tpu.region"() ({
        %run_scoped3A = tpu.sem_alloc : memref<!tpu.dma_semaphore, #tpu.memory_space<semaphore_mem>>
        %dma_start3A_426 = arith.constant 0 : i32
        %dma_start3A_427 = tpu.memref_slice %arg5[%add3A_51, %dma_start3A_426] : memref<5376x64xi32, #tpu.memory_space<hbm>> -> memref<8x64xi32, #tpu.memory_space<hbm>>
        %dma_start3A_428 = arith.constant 0 : i32
        %dma_start3A_429 = tpu.memref_slice %arg5[%add3A_51, %dma_start3A_428] : memref<5376x64xi32, #tpu.memory_space<hbm>> -> memref<8x64xi32, #tpu.memory_space<hbm>>
        tpu.enqueue_dma source(%dma_start3A_429 : memref<8x64xi32, #tpu.memory_space<hbm>>) target(%arg8 : memref<8x64xi32, #tpu.memory_space<vmem>>) target_semaphore(%run_scoped3A : memref<!tpu.dma_semaphore, #tpu.memory_space<semaphore_mem>>)
        %dma_wait3A_430 = arith.constant 0 : i32
        %dma_wait3A_431 = tpu.memref_slice %arg5[%add3A_51, %dma_wait3A_430] : memref<5376x64xi32, #tpu.memory_space<hbm>> -> memref<8x64xi32, #tpu.memory_space<hbm>>
        %dma_wait3A_432 = arith.constant 0 : i32
        %dma_wait3A_433 = tpu.memref_slice %arg5[%add3A_51, %dma_wait3A_432] : memref<5376x64xi32, #tpu.memory_space<hbm>> -> memref<8x64xi32, #tpu.memory_space<hbm>>
        tpu.wait_dma2 semaphore(%run_scoped3A : memref<!tpu.dma_semaphore, #tpu.memory_space<semaphore_mem>>) src(%dma_wait3A_433 : memref<8x64xi32, #tpu.memory_space<hbm>>) dst(%arg8 : memref<8x64xi32, #tpu.memory_space<vmem>>)
        tpu.yield
      }) : () -> ()
      %dma_start3A = arith.constant 0 : i32
      %dma_start3A_52 = arith.constant 0 : i32
      %dma_start3A_53 = tpu.memref_slice %arg7[%dma_start3A, %dma_start3A_52] : memref<8x64xi32, #tpu.memory_space<vmem>> -> memref<1x64xi32, #tpu.memory_space<vmem>>
      %dma_start3A_54 = tpu.memref_squeeze %dma_start3A_53 : memref<1x64xi32, #tpu.memory_space<vmem>> -> memref<64xi32, #tpu.memory_space<vmem>>
      %dma_start3A_55 = arith.constant 0 : i32
      %dma_start3A_56 = arith.constant 0 : i32
      %dma_start3A_57 = tpu.memref_slice %arg2[%dma_start3A_55, %dma_start3A_56] : memref<10112x128xf32, #tpu.memory_space<hbm>> -> memref<10112x128xf32, #tpu.memory_space<hbm>>
      tpu.enqueue_indirect_dma source(%dma_start3A_57 : memref<10112x128xf32, #tpu.memory_space<hbm>>) target(%arg9 : memref<64x128xf32, #tpu.memory_space<vmem>>) offsets(%dma_start3A_54 : memref<64xi32, #tpu.memory_space<vmem>>) semaphore(%arg14 : memref<!tpu.dma_semaphore, #tpu.memory_space<semaphore_mem>>)
      %dma_start3A_58 = arith.constant 0 : i32
      %dma_start3A_59 = arith.constant 0 : i32
      %dma_start3A_60 = tpu.memref_slice %arg8[%dma_start3A_58, %dma_start3A_59] : memref<8x64xi32, #tpu.memory_space<vmem>> -> memref<1x64xi32, #tpu.memory_space<vmem>>
      %dma_start3A_61 = tpu.memref_squeeze %dma_start3A_60 : memref<1x64xi32, #tpu.memory_space<vmem>> -> memref<64xi32, #tpu.memory_space<vmem>>
      %dma_start3A_62 = arith.constant 0 : i32
      %dma_start3A_63 = arith.constant 0 : i32
      %dma_start3A_64 = tpu.memref_slice %arg3[%dma_start3A_62, %dma_start3A_63] : memref<10112x128xf32, #tpu.memory_space<hbm>> -> memref<10112x128xf32, #tpu.memory_space<hbm>>
      tpu.enqueue_indirect_dma source(%dma_start3A_64 : memref<10112x128xf32, #tpu.memory_space<hbm>>) target(%arg10 : memref<64x128xf32, #tpu.memory_space<vmem>>) offsets(%dma_start3A_61 : memref<64xi32, #tpu.memory_space<vmem>>) semaphore(%arg15 : memref<!tpu.dma_semaphore, #tpu.memory_space<semaphore_mem>>)
      %dma_wait3A = arith.constant 0 : i32
      %dma_wait3A_65 = arith.constant 0 : i32
      %dma_wait3A_66 = tpu.memref_slice %arg7[%dma_wait3A, %dma_wait3A_65] : memref<8x64xi32, #tpu.memory_space<vmem>> -> memref<1x64xi32, #tpu.memory_space<vmem>>
      %dma_wait3A_67 = tpu.memref_squeeze %dma_wait3A_66 : memref<1x64xi32, #tpu.memory_space<vmem>> -> memref<64xi32, #tpu.memory_space<vmem>>
      %dma_wait3A_68 = arith.constant 0 : i32
      %dma_wait3A_69 = arith.constant 0 : i32
      %dma_wait3A_70 = tpu.memref_slice %arg2[%dma_wait3A_68, %dma_wait3A_69] : memref<10112x128xf32, #tpu.memory_space<hbm>> -> memref<10112x128xf32, #tpu.memory_space<hbm>>
      tpu.wait_indirect_dma semaphore(%arg14 : memref<!tpu.dma_semaphore, #tpu.memory_space<semaphore_mem>>) src(%dma_wait3A_70 : memref<10112x128xf32, #tpu.memory_space<hbm>>) dst(%arg9 : memref<64x128xf32, #tpu.memory_space<vmem>>)
      %dma_wait3A_71 = arith.constant 0 : i32
      %dma_wait3A_72 = arith.constant 0 : i32
      %dma_wait3A_73 = tpu.memref_slice %arg8[%dma_wait3A_71, %dma_wait3A_72] : memref<8x64xi32, #tpu.memory_space<vmem>> -> memref<1x64xi32, #tpu.memory_space<vmem>>
      %dma_wait3A_74 = tpu.memref_squeeze %dma_wait3A_73 : memref<1x64xi32, #tpu.memory_space<vmem>> -> memref<64xi32, #tpu.memory_space<vmem>>
      %dma_wait3A_75 = arith.constant 0 : i32
      %dma_wait3A_76 = arith.constant 0 : i32
      %dma_wait3A_77 = tpu.memref_slice %arg3[%dma_wait3A_75, %dma_wait3A_76] : memref<10112x128xf32, #tpu.memory_space<hbm>> -> memref<10112x128xf32, #tpu.memory_space<hbm>>
      tpu.wait_indirect_dma semaphore(%arg15 : memref<!tpu.dma_semaphore, #tpu.memory_space<semaphore_mem>>) src(%dma_wait3A_77 : memref<10112x128xf32, #tpu.memory_space<hbm>>) dst(%arg10 : memref<64x128xf32, #tpu.memory_space<vmem>>)
      %dma_start3A_78 = arith.constant 1 : i32
      %dma_start3A_79 = arith.constant 0 : i32
      %dma_start3A_80 = tpu.memref_slice %arg7[%dma_start3A_78, %dma_start3A_79] : memref<8x64xi32, #tpu.memory_space<vmem>> -> memref<1x64xi32, #tpu.memory_space<vmem>>
      %dma_start3A_81 = tpu.memref_squeeze %dma_start3A_80 : memref<1x64xi32, #tpu.memory_space<vmem>> -> memref<64xi32, #tpu.memory_space<vmem>>
      %dma_start3A_82 = arith.constant 0 : i32
      %dma_start3A_83 = arith.constant 0 : i32
      %dma_start3A_84 = tpu.memref_slice %arg2[%dma_start3A_82, %dma_start3A_83] : memref<10112x128xf32, #tpu.memory_space<hbm>> -> memref<10112x128xf32, #tpu.memory_space<hbm>>
      tpu.enqueue_indirect_dma source(%dma_start3A_84 : memref<10112x128xf32, #tpu.memory_space<hbm>>) target(%arg11 : memref<64x128xf32, #tpu.memory_space<vmem>>) offsets(%dma_start3A_81 : memref<64xi32, #tpu.memory_space<vmem>>) semaphore(%arg14 : memref<!tpu.dma_semaphore, #tpu.memory_space<semaphore_mem>>)
      %dma_start3A_85 = arith.constant 1 : i32
      %dma_start3A_86 = arith.constant 0 : i32
      %dma_start3A_87 = tpu.memref_slice %arg8[%dma_start3A_85, %dma_start3A_86] : memref<8x64xi32, #tpu.memory_space<vmem>> -> memref<1x64xi32, #tpu.memory_space<vmem>>
      %dma_start3A_88 = tpu.memref_squeeze %dma_start3A_87 : memref<1x64xi32, #tpu.memory_space<vmem>> -> memref<64xi32, #tpu.memory_space<vmem>>
      %dma_start3A_89 = arith.constant 0 : i32
      %dma_start3A_90 = arith.constant 0 : i32
      %dma_start3A_91 = tpu.memref_slice %arg3[%dma_start3A_89, %dma_start3A_90] : memref<10112x128xf32, #tpu.memory_space<hbm>> -> memref<10112x128xf32, #tpu.memory_space<hbm>>
      tpu.enqueue_indirect_dma source(%dma_start3A_91 : memref<10112x128xf32, #tpu.memory_space<hbm>>) target(%arg12 : memref<64x128xf32, #tpu.memory_space<vmem>>) offsets(%dma_start3A_88 : memref<64xi32, #tpu.memory_space<vmem>>) semaphore(%arg15 : memref<!tpu.dma_semaphore, #tpu.memory_space<semaphore_mem>>)
      %scan3A_92 = arith.constant 0 : i32
      %scan3A_93 = arith.constant 64 : i32
      %scan3A_94 = arith.addi %scan3A_92, %scan3A_93 : i32
      %scan3A_95 = arith.constant 1 : i32
      scf.for %scan3A_426 = %scan3A_92 to %scan3A_94 step %scan3A_95  : i32 {
        %mul3A_427 = arith.constant 1 : i32
        %mul3A_428 = arith.muli %scan3A_426, %mul3A_427 : i32
        %add3A_429 = arith.constant 0 : i32
        %add3A_430 = arith.addi %add3A_429, %mul3A_428 : i32
        %get3A = arith.index_cast %add3A_430 : i32 to index
        %get3A_431 = arith.constant 64 : index
        %get3A_432 = tpu.vector_load %arg9[%get3A, %get3A_431] {strides = array<i32>} : memref<64x128xf32, #tpu.memory_space<vmem>>, vector<1x16xf32>,
        %get3A_433 = vector.shape_cast %get3A_432 : vector<1x16xf32> to vector<16xf32>
        %get3A_434 = arith.index_cast %add3A_430 : i32 to index
        %get3A_435 = arith.constant 0 : index
        %get3A_436 = tpu.vector_load %arg10[%get3A_434, %get3A_435] {strides = array<i32>} : memref<64x128xf32, #tpu.memory_space<vmem>>, vector<1x16xf32>,
        %get3A_437 = vector.shape_cast %get3A_436 : vector<1x16xf32> to vector<16xf32>
        %add3A_438 = arith.addf %get3A_433, %get3A_437 : vector<16xf32>
        %mul3A_439 = arith.constant 2.000000e-01 : f32
        %mul3A_440 = vector.broadcast %mul3A_439 : f32 to vector<16xf32>
        %mul3A_441 = arith.mulf %mul3A_440, %add3A_438 : vector<16xf32>
        %max3A = arith.maximumf %add3A_438, %mul3A_441 : vector<16xf32>
        %exp3A = math.exp %max3A : vector<16xf32>
        %swap3A = arith.index_cast %add3A_430 : i32 to index
        %swap3A_442 = arith.constant 64 : index
        %swap3A_443 = tpu.vector_load %arg9[%swap3A, %swap3A_442] {strides = array<i32>} : memref<64x128xf32, #tpu.memory_space<vmem>>, vector<1x16xf32>,
        %swap3A_444 = vector.shape_cast %swap3A_443 : vector<1x16xf32> to vector<16xf32>
        %swap3A_445 = vector.shape_cast %exp3A : vector<16xf32> to vector<1x16xf32>
        tpu.vector_store %arg9[%swap3A, %swap3A_442], %swap3A_445 {strides = array<i32>} : memref<64x128xf32, #tpu.memory_space<vmem>>, vector<1x16xf32>,
        %get3A_446 = arith.index_cast %add3A_430 : i32 to index
        %get3A_447 = arith.constant 0 : index
        %get3A_448 = tpu.vector_load %arg9[%get3A_446, %get3A_447] {strides = array<i32>} : memref<64x128xf32, #tpu.memory_space<vmem>>, vector<1x16xf32>,
        %get3A_449 = vector.shape_cast %get3A_448 : vector<1x16xf32> to vector<16xf32>
        %mul3A_450 = arith.mulf %get3A_449, %exp3A : vector<16xf32>
        %swap3A_451 = arith.index_cast %add3A_430 : i32 to index
        %swap3A_452 = arith.constant 0 : index
        %swap3A_453 = tpu.vector_load %arg9[%swap3A_451, %swap3A_452] {strides = array<i32>} : memref<64x128xf32, #tpu.memory_space<vmem>>, vector<1x16xf32>,
        %swap3A_454 = vector.shape_cast %swap3A_453 : vector<1x16xf32> to vector<16xf32>
        %swap3A_455 = vector.shape_cast %mul3A_450 : vector<16xf32> to vector<1x16xf32>
        tpu.vector_store %arg9[%swap3A_451, %swap3A_452], %swap3A_455 {strides = array<i32>} : memref<64x128xf32, #tpu.memory_space<vmem>>, vector<1x16xf32>,
        %get3A_456 = arith.index_cast %add3A_430 : i32 to index
        %get3A_457 = arith.constant 80 : index
        %get3A_458 = tpu.vector_load %arg9[%get3A_456, %get3A_457] {strides = array<i32>} : memref<64x128xf32, #tpu.memory_space<vmem>>, vector<1x16xf32>,
        %get3A_459 = vector.shape_cast %get3A_458 : vector<1x16xf32> to vector<16xf32>
        %get3A_460 = arith.index_cast %add3A_430 : i32 to index
        %get3A_461 = arith.constant 16 : index
        %get3A_462 = tpu.vector_load %arg10[%get3A_460, %get3A_461] {strides = array<i32>} : memref<64x128xf32, #tpu.memory_space<vmem>>, vector<1x16xf32>,
        %get3A_463 = vector.shape_cast %get3A_462 : vector<1x16xf32> to vector<16xf32>
        %add3A_464 = arith.addf %get3A_459, %get3A_463 : vector<16xf32>
        %mul3A_465 = arith.constant 2.000000e-01 : f32
        %mul3A_466 = vector.broadcast %mul3A_465 : f32 to vector<16xf32>
        %mul3A_467 = arith.mulf %mul3A_466, %add3A_464 : vector<16xf32>
        %max3A_468 = arith.maximumf %add3A_464, %mul3A_467 : vector<16xf32>
        %exp3A_469 = math.exp %max3A_468 : vector<16xf32>
        %swap3A_470 = arith.index_cast %add3A_430 : i32 to index
        %swap3A_471 = arith.constant 80 : index
        %swap3A_472 = tpu.vector_load %arg9[%swap3A_470, %swap3A_471] {strides = array<i32>} : memref<64x128xf32, #tpu.memory_space<vmem>>, vector<1x16xf32>,
        %swap3A_473 = vector.shape_cast %swap3A_472 : vector<1x16xf32> to vector<16xf32>
        %swap3A_474 = vector.shape_cast %exp3A_469 : vector<16xf32> to vector<1x16xf32>
        tpu.vector_store %arg9[%swap3A_470, %swap3A_471], %swap3A_474 {strides = array<i32>} : memref<64x128xf32, #tpu.memory_space<vmem>>, vector<1x16xf32>,
        %get3A_475 = arith.index_cast %add3A_430 : i32 to index
        %get3A_476 = arith.constant 16 : index
        %get3A_477 = tpu.vector_load %arg9[%get3A_475, %get3A_476] {strides = array<i32>} : memref<64x128xf32, #tpu.memory_space<vmem>>, vector<1x16xf32>,
        %get3A_478 = vector.shape_cast %get3A_477 : vector<1x16xf32> to vector<16xf32>
        %mul3A_479 = arith.mulf %get3A_478, %exp3A_469 : vector<16xf32>
        %swap3A_480 = arith.index_cast %add3A_430 : i32 to index
        %swap3A_481 = arith.constant 16 : index
        %swap3A_482 = tpu.vector_load %arg9[%swap3A_480, %swap3A_481] {strides = array<i32>} : memref<64x128xf32, #tpu.memory_space<vmem>>, vector<1x16xf32>,
        %swap3A_483 = vector.shape_cast %swap3A_482 : vector<1x16xf32> to vector<16xf32>
        %swap3A_484 = vector.shape_cast %mul3A_479 : vector<16xf32> to vector<1x16xf32>
        tpu.vector_store %arg9[%swap3A_480, %swap3A_481], %swap3A_484 {strides = array<i32>} : memref<64x128xf32, #tpu.memory_space<vmem>>, vector<1x16xf32>,
        %get3A_485 = arith.index_cast %add3A_430 : i32 to index
        %get3A_486 = arith.constant 96 : index
        %get3A_487 = tpu.vector_load %arg9[%get3A_485, %get3A_486] {strides = array<i32>} : memref<64x128xf32, #tpu.memory_space<vmem>>, vector<1x16xf32>,
        %get3A_488 = vector.shape_cast %get3A_487 : vector<1x16xf32> to vector<16xf32>
        %get3A_489 = arith.index_cast %add3A_430 : i32 to index
        %get3A_490 = arith.constant 32 : index
        %get3A_491 = tpu.vector_load %arg10[%get3A_489, %get3A_490] {strides = array<i32>} : memref<64x128xf32, #tpu.memory_space<vmem>>, vector<1x16xf32>,
        %get3A_492 = vector.shape_cast %get3A_491 : vector<1x16xf32> to vector<16xf32>
        %add3A_493 = arith.addf %get3A_488, %get3A_492 : vector<16xf32>
        %mul3A_494 = arith.constant 2.000000e-01 : f32
        %mul3A_495 = vector.broadcast %mul3A_494 : f32 to vector<16xf32>
        %mul3A_496 = arith.mulf %mul3A_495, %add3A_493 : vector<16xf32>
        %max3A_497 = arith.maximumf %add3A_493, %mul3A_496 : vector<16xf32>
        %exp3A_498 = math.exp %max3A_497 : vector<16xf32>
        %swap3A_499 = arith.index_cast %add3A_430 : i32 to index
        %swap3A_500 = arith.constant 96 : index
        %swap3A_501 = tpu.vector_load %arg9[%swap3A_499, %swap3A_500] {strides = array<i32>} : memref<64x128xf32, #tpu.memory_space<vmem>>, vector<1x16xf32>,
        %swap3A_502 = vector.shape_cast %swap3A_501 : vector<1x16xf32> to vector<16xf32>
        %swap3A_503 = vector.shape_cast %exp3A_498 : vector<16xf32> to vector<1x16xf32>
        tpu.vector_store %arg9[%swap3A_499, %swap3A_500], %swap3A_503 {strides = array<i32>} : memref<64x128xf32, #tpu.memory_space<vmem>>, vector<1x16xf32>,
        %get3A_504 = arith.index_cast %add3A_430 : i32 to index
        %get3A_505 = arith.constant 32 : index
        %get3A_506 = tpu.vector_load %arg9[%get3A_504, %get3A_505] {strides = array<i32>} : memref<64x128xf32, #tpu.memory_space<vmem>>, vector<1x16xf32>,
        %get3A_507 = vector.shape_cast %get3A_506 : vector<1x16xf32> to vector<16xf32>
        %mul3A_508 = arith.mulf %get3A_507, %exp3A_498 : vector<16xf32>
        %swap3A_509 = arith.index_cast %add3A_430 : i32 to index
        %swap3A_510 = arith.constant 32 : index
        %swap3A_511 = tpu.vector_load %arg9[%swap3A_509, %swap3A_510] {strides = array<i32>} : memref<64x128xf32, #tpu.memory_space<vmem>>, vector<1x16xf32>,
        %swap3A_512 = vector.shape_cast %swap3A_511 : vector<1x16xf32> to vector<16xf32>
        %swap3A_513 = vector.shape_cast %mul3A_508 : vector<16xf32> to vector<1x16xf32>
        tpu.vector_store %arg9[%swap3A_509, %swap3A_510], %swap3A_513 {strides = array<i32>} : memref<64x128xf32, #tpu.memory_space<vmem>>, vector<1x16xf32>,
        %get3A_514 = arith.index_cast %add3A_430 : i32 to index
        %get3A_515 = arith.constant 112 : index
        %get3A_516 = tpu.vector_load %arg9[%get3A_514, %get3A_515] {strides = array<i32>} : memref<64x128xf32, #tpu.memory_space<vmem>>, vector<1x16xf32>,
        %get3A_517 = vector.shape_cast %get3A_516 : vector<1x16xf32> to vector<16xf32>
        %get3A_518 = arith.index_cast %add3A_430 : i32 to index
        %get3A_519 = arith.constant 48 : index
        %get3A_520 = tpu.vector_load %arg10[%get3A_518, %get3A_519] {strides = array<i32>} : memref<64x128xf32, #tpu.memory_space<vmem>>, vector<1x16xf32>,
        %get3A_521 = vector.shape_cast %get3A_520 : vector<1x16xf32> to vector<16xf32>
        %add3A_522 = arith.addf %get3A_517, %get3A_521 : vector<16xf32>
        %mul3A_523 = arith.constant 2.000000e-01 : f32
        %mul3A_524 = vector.broadcast %mul3A_523 : f32 to vector<16xf32>
        %mul3A_525 = arith.mulf %mul3A_524, %add3A_522 : vector<16xf32>
        %max3A_526 = arith.maximumf %add3A_522, %mul3A_525 : vector<16xf32>
        %exp3A_527 = math.exp %max3A_526 : vector<16xf32>
        %swap3A_528 = arith.index_cast %add3A_430 : i32 to index
        %swap3A_529 = arith.constant 112 : index
        %swap3A_530 = tpu.vector_load %arg9[%swap3A_528, %swap3A_529] {strides = array<i32>} : memref<64x128xf32, #tpu.memory_space<vmem>>, vector<1x16xf32>,
        %swap3A_531 = vector.shape_cast %swap3A_530 : vector<1x16xf32> to vector<16xf32>
        %swap3A_532 = vector.shape_cast %exp3A_527 : vector<16xf32> to vector<1x16xf32>
        tpu.vector_store %arg9[%swap3A_528, %swap3A_529], %swap3A_532 {strides = array<i32>} : memref<64x128xf32, #tpu.memory_space<vmem>>, vector<1x16xf32>,
        %get3A_533 = arith.index_cast %add3A_430 : i32 to index
        %get3A_534 = arith.constant 48 : index
        %get3A_535 = tpu.vector_load %arg9[%get3A_533, %get3A_534] {strides = array<i32>} : memref<64x128xf32, #tpu.memory_space<vmem>>, vector<1x16xf32>,
        %get3A_536 = vector.shape_cast %get3A_535 : vector<1x16xf32> to vector<16xf32>
        %mul3A_537 = arith.mulf %get3A_536, %exp3A_527 : vector<16xf32>
        %swap3A_538 = arith.index_cast %add3A_430 : i32 to index
        %swap3A_539 = arith.constant 48 : index
        %swap3A_540 = tpu.vector_load %arg9[%swap3A_538, %swap3A_539] {strides = array<i32>} : memref<64x128xf32, #tpu.memory_space<vmem>>, vector<1x16xf32>,
        %swap3A_541 = vector.shape_cast %swap3A_540 : vector<1x16xf32> to vector<16xf32>
        %swap3A_542 = vector.shape_cast %mul3A_537 : vector<16xf32> to vector<1x16xf32>
        tpu.vector_store %arg9[%swap3A_538, %swap3A_539], %swap3A_542 {strides = array<i32>} : memref<64x128xf32, #tpu.memory_space<vmem>>, vector<1x16xf32>,
      }
      %scan3A_96 = arith.constant 64 : i32
      %dma_start3A_97 = arith.constant 0 : i32
      %dma_start3A_98 = arith.constant 0 : i32
      %dma_start3A_99 = tpu.memref_slice %arg8[%dma_start3A_97, %dma_start3A_98] : memref<8x64xi32, #tpu.memory_space<vmem>> -> memref<1x64xi32, #tpu.memory_space<vmem>>
      %dma_start3A_100 = tpu.memref_squeeze %dma_start3A_99 : memref<1x64xi32, #tpu.memory_space<vmem>> -> memref<64xi32, #tpu.memory_space<vmem>>
      %dma_start3A_101 = arith.constant 0 : i32
      %dma_start3A_102 = arith.constant 0 : i32
      %dma_start3A_103 = tpu.memref_slice %arg13[%dma_start3A_101, %dma_start3A_102] : memref<10112x128xf32, #tpu.memory_space<vmem_shared>> -> memref<10112x128xf32, #tpu.memory_space<vmem_shared>>
      tpu.enqueue_indirect_dma source(%arg9 : memref<64x128xf32, #tpu.memory_space<vmem>>) target(%dma_start3A_103 : memref<10112x128xf32, #tpu.memory_space<vmem_shared>>) offsets(%dma_start3A_100 : memref<64xi32, #tpu.memory_space<vmem>>) semaphore(%arg16 : memref<!tpu.dma_semaphore, #tpu.memory_space<semaphore_mem>>) {add = true}
      %dma_wait3A_104 = arith.constant 1 : i32
      %dma_wait3A_105 = arith.constant 0 : i32
      %dma_wait3A_106 = tpu.memref_slice %arg7[%dma_wait3A_104, %dma_wait3A_105] : memref<8x64xi32, #tpu.memory_space<vmem>> -> memref<1x64xi32, #tpu.memory_space<vmem>>
      %dma_wait3A_107 = tpu.memref_squeeze %dma_wait3A_106 : memref<1x64xi32, #tpu.memory_space<vmem>> -> memref<64xi32, #tpu.memory_space<vmem>>
      %dma_wait3A_108 = arith.constant 0 : i32
      %dma_wait3A_109 = arith.constant 0 : i32
      %dma_wait3A_110 = tpu.memref_slice %arg2[%dma_wait3A_108, %dma_wait3A_109] : memref<10112x128xf32, #tpu.memory_space<hbm>> -> memref<10112x128xf32, #tpu.memory_space<hbm>>
      tpu.wait_indirect_dma semaphore(%arg14 : memref<!tpu.dma_semaphore, #tpu.memory_space<semaphore_mem>>) src(%dma_wait3A_110 : memref<10112x128xf32, #tpu.memory_space<hbm>>) dst(%arg11 : memref<64x128xf32, #tpu.memory_space<vmem>>)
      %dma_wait3A_111 = arith.constant 1 : i32
      %dma_wait3A_112 = arith.constant 0 : i32
      %dma_wait3A_113 = tpu.memref_slice %arg8[%dma_wait3A_111, %dma_wait3A_112] : memref<8x64xi32, #tpu.memory_space<vmem>> -> memref<1x64xi32, #tpu.memory_space<vmem>>
      %dma_wait3A_114 = tpu.memref_squeeze %dma_wait3A_113 : memref<1x64xi32, #tpu.memory_space<vmem>> -> memref<64xi32, #tpu.memory_space<vmem>>
      %dma_wait3A_115 = arith.constant 0 : i32
      %dma_wait3A_116 = arith.constant 0 : i32
      %dma_wait3A_117 = tpu.memref_slice %arg3[%dma_wait3A_115, %dma_wait3A_116] : memref<10112x128xf32, #tpu.memory_space<hbm>> -> memref<10112x128xf32, #tpu.memory_space<hbm>>
      tpu.wait_indirect_dma semaphore(%arg15 : memref<!tpu.dma_semaphore, #tpu.memory_space<semaphore_mem>>) src(%dma_wait3A_117 : memref<10112x128xf32, #tpu.memory_space<hbm>>) dst(%arg12 : memref<64x128xf32, #tpu.memory_space<vmem>>)
      %dma_wait3A_118 = arith.constant 0 : i32
      %dma_wait3A_119 = arith.constant 0 : i32
      %dma_wait3A_120 = tpu.memref_slice %arg8[%dma_wait3A_118, %dma_wait3A_119] : memref<8x64xi32, #tpu.memory_space<vmem>> -> memref<1x64xi32, #tpu.memory_space<vmem>>
      %dma_wait3A_121 = tpu.memref_squeeze %dma_wait3A_120 : memref<1x64xi32, #tpu.memory_space<vmem>> -> memref<64xi32, #tpu.memory_space<vmem>>
      %dma_wait3A_122 = arith.constant 0 : i32
      %dma_wait3A_123 = arith.constant 0 : i32
      %dma_wait3A_124 = tpu.memref_slice %arg13[%dma_wait3A_122, %dma_wait3A_123] : memref<10112x128xf32, #tpu.memory_space<vmem_shared>> -> memref<10112x128xf32, #tpu.memory_space<vmem_shared>>
      tpu.wait_indirect_dma semaphore(%arg16 : memref<!tpu.dma_semaphore, #tpu.memory_space<semaphore_mem>>) src(%arg9 : memref<64x128xf32, #tpu.memory_space<vmem>>) dst(%dma_wait3A_124 : memref<10112x128xf32, #tpu.memory_space<vmem_shared>>)
      %dma_start3A_125 = arith.constant 2 : i32
      %dma_start3A_126 = arith.constant 0 : i32
      %dma_start3A_127 = tpu.memref_slice %arg7[%dma_start3A_125, %dma_start3A_126] : memref<8x64xi32, #tpu.memory_space<vmem>> -> memref<1x64xi32, #tpu.memory_space<vmem>>
      %dma_start3A_128 = tpu.memref_squeeze %dma_start3A_127 : memref<1x64xi32, #tpu.memory_space<vmem>> -> memref<64xi32, #tpu.memory_space<vmem>>
      %dma_start3A_129 = arith.constant 0 : i32
      %dma_start3A_130 = arith.constant 0 : i32
      %dma_start3A_131 = tpu.memref_slice %arg2[%dma_start3A_129, %dma_start3A_130] : memref<10112x128xf32, #tpu.memory_space<hbm>> -> memref<10112x128xf32, #tpu.memory_space<hbm>>
      tpu.enqueue_indirect_dma source(%dma_start3A_131 : memref<10112x128xf32, #tpu.memory_space<hbm>>) target(%arg9 : memref<64x128xf32, #tpu.memory_space<vmem>>) offsets(%dma_start3A_128 : memref<64xi32, #tpu.memory_space<vmem>>) semaphore(%arg14 : memref<!tpu.dma_semaphore, #tpu.memory_space<semaphore_mem>>)
      %dma_start3A_132 = arith.constant 2 : i32
      %dma_start3A_133 = arith.constant 0 : i32
      %dma_start3A_134 = tpu.memref_slice %arg8[%dma_start3A_132, %dma_start3A_133] : memref<8x64xi32, #tpu.memory_space<vmem>> -> memref<1x64xi32, #tpu.memory_space<vmem>>
      %dma_start3A_135 = tpu.memref_squeeze %dma_start3A_134 : memref<1x64xi32, #tpu.memory_space<vmem>> -> memref<64xi32, #tpu.memory_space<vmem>>
      %dma_start3A_136 = arith.constant 0 : i32
      %dma_start3A_137 = arith.constant 0 : i32
      %dma_start3A_138 = tpu.memref_slice %arg3[%dma_start3A_136, %dma_start3A_137] : memref<10112x128xf32, #tpu.memory_space<hbm>> -> memref<10112x128xf32, #tpu.memory_space<hbm>>
      tpu.enqueue_indirect_dma source(%dma_start3A_138 : memref<10112x128xf32, #tpu.memory_space<hbm>>) target(%arg10 : memref<64x128xf32, #tpu.memory_space<vmem>>) offsets(%dma_start3A_135 : memref<64xi32, #tpu.memory_space<vmem>>) semaphore(%arg15 : memref<!tpu.dma_semaphore, #tpu.memory_space<semaphore_mem>>)
      %scan3A_139 = arith.constant 0 : i32
      %scan3A_140 = arith.constant 64 : i32
      %scan3A_141 = arith.addi %scan3A_139, %scan3A_140 : i32
      %scan3A_142 = arith.constant 1 : i32
      scf.for %scan3A_426 = %scan3A_139 to %scan3A_141 step %scan3A_142  : i32 {
        %mul3A_427 = arith.constant 1 : i32
        %mul3A_428 = arith.muli %scan3A_426, %mul3A_427 : i32
        %add3A_429 = arith.constant 0 : i32
        %add3A_430 = arith.addi %add3A_429, %mul3A_428 : i32
        %get3A = arith.index_cast %add3A_430 : i32 to index
        %get3A_431 = arith.constant 64 : index
        %get3A_432 = tpu.vector_load %arg11[%get3A, %get3A_431] {strides = array<i32>} : memref<64x128xf32, #tpu.memory_space<vmem>>, vector<1x16xf32>,
        %get3A_433 = vector.shape_cast %get3A_432 : vector<1x16xf32> to vector<16xf32>
        %get3A_434 = arith.index_cast %add3A_430 : i32 to index
        %get3A_435 = arith.constant 0 : index
        %get3A_436 = tpu.vector_load %arg12[%get3A_434, %get3A_435] {strides = array<i32>} : memref<64x128xf32, #tpu.memory_space<vmem>>, vector<1x16xf32>,
        %get3A_437 = vector.shape_cast %get3A_436 : vector<1x16xf32> to vector<16xf32>
        %add3A_438 = arith.addf %get3A_433, %get3A_437 : vector<16xf32>
        %mul3A_439 = arith.constant 2.000000e-01 : f32
        %mul3A_440 = vector.broadcast %mul3A_439 : f32 to vector<16xf32>
        %mul3A_441 = arith.mulf %mul3A_440, %add3A_438 : vector<16xf32>
        %max3A = arith.maximumf %add3A_438, %mul3A_441 : vector<16xf32>
        %exp3A = math.exp %max3A : vector<16xf32>
        %swap3A = arith.index_cast %add3A_430 : i32 to index
        %swap3A_442 = arith.constant 64 : index
        %swap3A_443 = tpu.vector_load %arg11[%swap3A, %swap3A_442] {strides = array<i32>} : memref<64x128xf32, #tpu.memory_space<vmem>>, vector<1x16xf32>,
        %swap3A_444 = vector.shape_cast %swap3A_443 : vector<1x16xf32> to vector<16xf32>
        %swap3A_445 = vector.shape_cast %exp3A : vector<16xf32> to vector<1x16xf32>
        tpu.vector_store %arg11[%swap3A, %swap3A_442], %swap3A_445 {strides = array<i32>} : memref<64x128xf32, #tpu.memory_space<vmem>>, vector<1x16xf32>,
        %get3A_446 = arith.index_cast %add3A_430 : i32 to index
        %get3A_447 = arith.constant 0 : index
        %get3A_448 = tpu.vector_load %arg11[%get3A_446, %get3A_447] {strides = array<i32>} : memref<64x128xf32, #tpu.memory_space<vmem>>, vector<1x16xf32>,
        %get3A_449 = vector.shape_cast %get3A_448 : vector<1x16xf32> to vector<16xf32>
        %mul3A_450 = arith.mulf %get3A_449, %exp3A : vector<16xf32>
        %swap3A_451 = arith.index_cast %add3A_430 : i32 to index
        %swap3A_452 = arith.constant 0 : index
        %swap3A_453 = tpu.vector_load %arg11[%swap3A_451, %swap3A_452] {strides = array<i32>} : memref<64x128xf32, #tpu.memory_space<vmem>>, vector<1x16xf32>,
        %swap3A_454 = vector.shape_cast %swap3A_453 : vector<1x16xf32> to vector<16xf32>
        %swap3A_455 = vector.shape_cast %mul3A_450 : vector<16xf32> to vector<1x16xf32>
        tpu.vector_store %arg11[%swap3A_451, %swap3A_452], %swap3A_455 {strides = array<i32>} : memref<64x128xf32, #tpu.memory_space<vmem>>, vector<1x16xf32>,
        %get3A_456 = arith.index_cast %add3A_430 : i32 to index
        %get3A_457 = arith.constant 80 : index
        %get3A_458 = tpu.vector_load %arg11[%get3A_456, %get3A_457] {strides = array<i32>} : memref<64x128xf32, #tpu.memory_space<vmem>>, vector<1x16xf32>,
        %get3A_459 = vector.shape_cast %get3A_458 : vector<1x16xf32> to vector<16xf32>
        %get3A_460 = arith.index_cast %add3A_430 : i32 to index
        %get3A_461 = arith.constant 16 : index
        %get3A_462 = tpu.vector_load %arg12[%get3A_460, %get3A_461] {strides = array<i32>} : memref<64x128xf32, #tpu.memory_space<vmem>>, vector<1x16xf32>,
        %get3A_463 = vector.shape_cast %get3A_462 : vector<1x16xf32> to vector<16xf32>
        %add3A_464 = arith.addf %get3A_459, %get3A_463 : vector<16xf32>
        %mul3A_465 = arith.constant 2.000000e-01 : f32
        %mul3A_466 = vector.broadcast %mul3A_465 : f32 to vector<16xf32>
        %mul3A_467 = arith.mulf %mul3A_466, %add3A_464 : vector<16xf32>
        %max3A_468 = arith.maximumf %add3A_464, %mul3A_467 : vector<16xf32>
        %exp3A_469 = math.exp %max3A_468 : vector<16xf32>
        %swap3A_470 = arith.index_cast %add3A_430 : i32 to index
        %swap3A_471 = arith.constant 80 : index
        %swap3A_472 = tpu.vector_load %arg11[%swap3A_470, %swap3A_471] {strides = array<i32>} : memref<64x128xf32, #tpu.memory_space<vmem>>, vector<1x16xf32>,
        %swap3A_473 = vector.shape_cast %swap3A_472 : vector<1x16xf32> to vector<16xf32>
        %swap3A_474 = vector.shape_cast %exp3A_469 : vector<16xf32> to vector<1x16xf32>
        tpu.vector_store %arg11[%swap3A_470, %swap3A_471], %swap3A_474 {strides = array<i32>} : memref<64x128xf32, #tpu.memory_space<vmem>>, vector<1x16xf32>,
        %get3A_475 = arith.index_cast %add3A_430 : i32 to index
        %get3A_476 = arith.constant 16 : index
        %get3A_477 = tpu.vector_load %arg11[%get3A_475, %get3A_476] {strides = array<i32>} : memref<64x128xf32, #tpu.memory_space<vmem>>, vector<1x16xf32>,
        %get3A_478 = vector.shape_cast %get3A_477 : vector<1x16xf32> to vector<16xf32>
        %mul3A_479 = arith.mulf %get3A_478, %exp3A_469 : vector<16xf32>
        %swap3A_480 = arith.index_cast %add3A_430 : i32 to index
        %swap3A_481 = arith.constant 16 : index
        %swap3A_482 = tpu.vector_load %arg11[%swap3A_480, %swap3A_481] {strides = array<i32>} : memref<64x128xf32, #tpu.memory_space<vmem>>, vector<1x16xf32>,
        %swap3A_483 = vector.shape_cast %swap3A_482 : vector<1x16xf32> to vector<16xf32>
        %swap3A_484 = vector.shape_cast %mul3A_479 : vector<16xf32> to vector<1x16xf32>
        tpu.vector_store %arg11[%swap3A_480, %swap3A_481], %swap3A_484 {strides = array<i32>} : memref<64x128xf32, #tpu.memory_space<vmem>>, vector<1x16xf32>,
        %get3A_485 = arith.index_cast %add3A_430 : i32 to index
        %get3A_486 = arith.constant 96 : index
        %get3A_487 = tpu.vector_load %arg11[%get3A_485, %get3A_486] {strides = array<i32>} : memref<64x128xf32, #tpu.memory_space<vmem>>, vector<1x16xf32>,
        %get3A_488 = vector.shape_cast %get3A_487 : vector<1x16xf32> to vector<16xf32>
        %get3A_489 = arith.index_cast %add3A_430 : i32 to index
        %get3A_490 = arith.constant 32 : index
        %get3A_491 = tpu.vector_load %arg12[%get3A_489, %get3A_490] {strides = array<i32>} : memref<64x128xf32, #tpu.memory_space<vmem>>, vector<1x16xf32>,
        %get3A_492 = vector.shape_cast %get3A_491 : vector<1x16xf32> to vector<16xf32>
        %add3A_493 = arith.addf %get3A_488, %get3A_492 : vector<16xf32>
        %mul3A_494 = arith.constant 2.000000e-01 : f32
        %mul3A_495 = vector.broadcast %mul3A_494 : f32 to vector<16xf32>
        %mul3A_496 = arith.mulf %mul3A_495, %add3A_493 : vector<16xf32>
        %max3A_497 = arith.maximumf %add3A_493, %mul3A_496 : vector<16xf32>
        %exp3A_498 = math.exp %max3A_497 : vector<16xf32>
        %swap3A_499 = arith.index_cast %add3A_430 : i32 to index
        %swap3A_500 = arith.constant 96 : index
        %swap3A_501 = tpu.vector_load %arg11[%swap3A_499, %swap3A_500] {strides = array<i32>} : memref<64x128xf32, #tpu.memory_space<vmem>>, vector<1x16xf32>,
        %swap3A_502 = vector.shape_cast %swap3A_501 : vector<1x16xf32> to vector<16xf32>
        %swap3A_503 = vector.shape_cast %exp3A_498 : vector<16xf32> to vector<1x16xf32>
        tpu.vector_store %arg11[%swap3A_499, %swap3A_500], %swap3A_503 {strides = array<i32>} : memref<64x128xf32, #tpu.memory_space<vmem>>, vector<1x16xf32>,
        %get3A_504 = arith.index_cast %add3A_430 : i32 to index
        %get3A_505 = arith.constant 32 : index
        %get3A_506 = tpu.vector_load %arg11[%get3A_504, %get3A_505] {strides = array<i32>} : memref<64x128xf32, #tpu.memory_space<vmem>>, vector<1x16xf32>,
        %get3A_507 = vector.shape_cast %get3A_506 : vector<1x16xf32> to vector<16xf32>
        %mul3A_508 = arith.mulf %get3A_507, %exp3A_498 : vector<16xf32>
        %swap3A_509 = arith.index_cast %add3A_430 : i32 to index
        %swap3A_510 = arith.constant 32 : index
        %swap3A_511 = tpu.vector_load %arg11[%swap3A_509, %swap3A_510] {strides = array<i32>} : memref<64x128xf32, #tpu.memory_space<vmem>>, vector<1x16xf32>,
        %swap3A_512 = vector.shape_cast %swap3A_511 : vector<1x16xf32> to vector<16xf32>
        %swap3A_513 = vector.shape_cast %mul3A_508 : vector<16xf32> to vector<1x16xf32>
        tpu.vector_store %arg11[%swap3A_509, %swap3A_510], %swap3A_513 {strides = array<i32>} : memref<64x128xf32, #tpu.memory_space<vmem>>, vector<1x16xf32>,
        %get3A_514 = arith.index_cast %add3A_430 : i32 to index
        %get3A_515 = arith.constant 112 : index
        %get3A_516 = tpu.vector_load %arg11[%get3A_514, %get3A_515] {strides = array<i32>} : memref<64x128xf32, #tpu.memory_space<vmem>>, vector<1x16xf32>,
        %get3A_517 = vector.shape_cast %get3A_516 : vector<1x16xf32> to vector<16xf32>
        %get3A_518 = arith.index_cast %add3A_430 : i32 to index
        %get3A_519 = arith.constant 48 : index
        %get3A_520 = tpu.vector_load %arg12[%get3A_518, %get3A_519] {strides = array<i32>} : memref<64x128xf32, #tpu.memory_space<vmem>>, vector<1x16xf32>,
        %get3A_521 = vector.shape_cast %get3A_520 : vector<1x16xf32> to vector<16xf32>
        %add3A_522 = arith.addf %get3A_517, %get3A_521 : vector<16xf32>
        %mul3A_523 = arith.constant 2.000000e-01 : f32
        %mul3A_524 = vector.broadcast %mul3A_523 : f32 to vector<16xf32>
        %mul3A_525 = arith.mulf %mul3A_524, %add3A_522 : vector<16xf32>
        %max3A_526 = arith.maximumf %add3A_522, %mul3A_525 : vector<16xf32>
        %exp3A_527 = math.exp %max3A_526 : vector<16xf32>
        %swap3A_528 = arith.index_cast %add3A_430 : i32 to index
        %swap3A_529 = arith.constant 112 : index
        %swap3A_530 = tpu.vector_load %arg11[%swap3A_528, %swap3A_529] {strides = array<i32>} : memref<64x128xf32, #tpu.memory_space<vmem>>, vector<1x16xf32>,
        %swap3A_531 = vector.shape_cast %swap3A_530 : vector<1x16xf32> to vector<16xf32>
        %swap3A_532 = vector.shape_cast %exp3A_527 : vector<16xf32> to vector<1x16xf32>
        tpu.vector_store %arg11[%swap3A_528, %swap3A_529], %swap3A_532 {strides = array<i32>} : memref<64x128xf32, #tpu.memory_space<vmem>>, vector<1x16xf32>,
        %get3A_533 = arith.index_cast %add3A_430 : i32 to index
        %get3A_534 = arith.constant 48 : index
        %get3A_535 = tpu.vector_load %arg11[%get3A_533, %get3A_534] {strides = array<i32>} : memref<64x128xf32, #tpu.memory_space<vmem>>, vector<1x16xf32>,
        %get3A_536 = vector.shape_cast %get3A_535 : vector<1x16xf32> to vector<16xf32>
        %mul3A_537 = arith.mulf %get3A_536, %exp3A_527 : vector<16xf32>
        %swap3A_538 = arith.index_cast %add3A_430 : i32 to index
        %swap3A_539 = arith.constant 48 : index
        %swap3A_540 = tpu.vector_load %arg11[%swap3A_538, %swap3A_539] {strides = array<i32>} : memref<64x128xf32, #tpu.memory_space<vmem>>, vector<1x16xf32>,
        %swap3A_541 = vector.shape_cast %swap3A_540 : vector<1x16xf32> to vector<16xf32>
        %swap3A_542 = vector.shape_cast %mul3A_537 : vector<16xf32> to vector<1x16xf32>
        tpu.vector_store %arg11[%swap3A_538, %swap3A_539], %swap3A_542 {strides = array<i32>} : memref<64x128xf32, #tpu.memory_space<vmem>>, vector<1x16xf32>,
      }
      %scan3A_143 = arith.constant 64 : i32
      %dma_start3A_144 = arith.constant 1 : i32
      %dma_start3A_145 = arith.constant 0 : i32
      %dma_start3A_146 = tpu.memref_slice %arg8[%dma_start3A_144, %dma_start3A_145] : memref<8x64xi32, #tpu.memory_space<vmem>> -> memref<1x64xi32, #tpu.memory_space<vmem>>
      %dma_start3A_147 = tpu.memref_squeeze %dma_start3A_146 : memref<1x64xi32, #tpu.memory_space<vmem>> -> memref<64xi32, #tpu.memory_space<vmem>>
      %dma_start3A_148 = arith.constant 0 : i32
      %dma_start3A_149 = arith.constant 0 : i32
      %dma_start3A_150 = tpu.memref_slice %arg13[%dma_start3A_148, %dma_start3A_149] : memref<10112x128xf32, #tpu.memory_space<vmem_shared>> -> memref<10112x128xf32, #tpu.memory_space<vmem_shared>>
      tpu.enqueue_indirect_dma source(%arg11 : memref<64x128xf32, #tpu.memory_space<vmem>>) target(%dma_start3A_150 : memref<10112x128xf32, #tpu.memory_space<vmem_shared>>) offsets(%dma_start3A_147 : memref<64xi32, #tpu.memory_space<vmem>>) semaphore(%arg17 : memref<!tpu.dma_semaphore, #tpu.memory_space<semaphore_mem>>) {add = true}
      %dma_wait3A_151 = arith.constant 2 : i32
      %dma_wait3A_152 = arith.constant 0 : i32
      %dma_wait3A_153 = tpu.memref_slice %arg7[%dma_wait3A_151, %dma_wait3A_152] : memref<8x64xi32, #tpu.memory_space<vmem>> -> memref<1x64xi32, #tpu.memory_space<vmem>>
      %dma_wait3A_154 = tpu.memref_squeeze %dma_wait3A_153 : memref<1x64xi32, #tpu.memory_space<vmem>> -> memref<64xi32, #tpu.memory_space<vmem>>
      %dma_wait3A_155 = arith.constant 0 : i32
      %dma_wait3A_156 = arith.constant 0 : i32
      %dma_wait3A_157 = tpu.memref_slice %arg2[%dma_wait3A_155, %dma_wait3A_156] : memref<10112x128xf32, #tpu.memory_space<hbm>> -> memref<10112x128xf32, #tpu.memory_space<hbm>>
      tpu.wait_indirect_dma semaphore(%arg14 : memref<!tpu.dma_semaphore, #tpu.memory_space<semaphore_mem>>) src(%dma_wait3A_157 : memref<10112x128xf32, #tpu.memory_space<hbm>>) dst(%arg9 : memref<64x128xf32, #tpu.memory_space<vmem>>)
      %dma_wait3A_158 = arith.constant 2 : i32
      %dma_wait3A_159 = arith.constant 0 : i32
      %dma_wait3A_160 = tpu.memref_slice %arg8[%dma_wait3A_158, %dma_wait3A_159] : memref<8x64xi32, #tpu.memory_space<vmem>> -> memref<1x64xi32, #tpu.memory_space<vmem>>
      %dma_wait3A_161 = tpu.memref_squeeze %dma_wait3A_160 : memref<1x64xi32, #tpu.memory_space<vmem>> -> memref<64xi32, #tpu.memory_space<vmem>>
      %dma_wait3A_162 = arith.constant 0 : i32
      %dma_wait3A_163 = arith.constant 0 : i32
      %dma_wait3A_164 = tpu.memref_slice %arg3[%dma_wait3A_162, %dma_wait3A_163] : memref<10112x128xf32, #tpu.memory_space<hbm>> -> memref<10112x128xf32, #tpu.memory_space<hbm>>
      tpu.wait_indirect_dma semaphore(%arg15 : memref<!tpu.dma_semaphore, #tpu.memory_space<semaphore_mem>>) src(%dma_wait3A_164 : memref<10112x128xf32, #tpu.memory_space<hbm>>) dst(%arg10 : memref<64x128xf32, #tpu.memory_space<vmem>>)
      %dma_wait3A_165 = arith.constant 1 : i32
      %dma_wait3A_166 = arith.constant 0 : i32
      %dma_wait3A_167 = tpu.memref_slice %arg8[%dma_wait3A_165, %dma_wait3A_166] : memref<8x64xi32, #tpu.memory_space<vmem>> -> memref<1x64xi32, #tpu.memory_space<vmem>>
      %dma_wait3A_168 = tpu.memref_squeeze %dma_wait3A_167 : memref<1x64xi32, #tpu.memory_space<vmem>> -> memref<64xi32, #tpu.memory_space<vmem>>
      %dma_wait3A_169 = arith.constant 0 : i32
      %dma_wait3A_170 = arith.constant 0 : i32
      %dma_wait3A_171 = tpu.memref_slice %arg13[%dma_wait3A_169, %dma_wait3A_170] : memref<10112x128xf32, #tpu.memory_space<vmem_shared>> -> memref<10112x128xf32, #tpu.memory_space<vmem_shared>>
      tpu.wait_indirect_dma semaphore(%arg17 : memref<!tpu.dma_semaphore, #tpu.memory_space<semaphore_mem>>) src(%arg11 : memref<64x128xf32, #tpu.memory_space<vmem>>) dst(%dma_wait3A_171 : memref<10112x128xf32, #tpu.memory_space<vmem_shared>>)
      %dma_start3A_172 = arith.constant 3 : i32
      %dma_start3A_173 = arith.constant 0 : i32
      %dma_start3A_174 = tpu.memref_slice %arg7[%dma_start3A_172, %dma_start3A_173] : memref<8x64xi32, #tpu.memory_space<vmem>> -> memref<1x64xi32, #tpu.memory_space<vmem>>
      %dma_start3A_175 = tpu.memref_squeeze %dma_start3A_174 : memref<1x64xi32, #tpu.memory_space<vmem>> -> memref<64xi32, #tpu.memory_space<vmem>>
      %dma_start3A_176 = arith.constant 0 : i32
      %dma_start3A_177 = arith.constant 0 : i32
      %dma_start3A_178 = tpu.memref_slice %arg2[%dma_start3A_176, %dma_start3A_177] : memref<10112x128xf32, #tpu.memory_space<hbm>> -> memref<10112x128xf32, #tpu.memory_space<hbm>>
      tpu.enqueue_indirect_dma source(%dma_start3A_178 : memref<10112x128xf32, #tpu.memory_space<hbm>>) target(%arg11 : memref<64x128xf32, #tpu.memory_space<vmem>>) offsets(%dma_start3A_175 : memref<64xi32, #tpu.memory_space<vmem>>) semaphore(%arg14 : memref<!tpu.dma_semaphore, #tpu.memory_space<semaphore_mem>>)
      %dma_start3A_179 = arith.constant 3 : i32
      %dma_start3A_180 = arith.constant 0 : i32
      %dma_start3A_181 = tpu.memref_slice %arg8[%dma_start3A_179, %dma_start3A_180] : memref<8x64xi32, #tpu.memory_space<vmem>> -> memref<1x64xi32, #tpu.memory_space<vmem>>
      %dma_start3A_182 = tpu.memref_squeeze %dma_start3A_181 : memref<1x64xi32, #tpu.memory_space<vmem>> -> memref<64xi32, #tpu.memory_space<vmem>>
      %dma_start3A_183 = arith.constant 0 : i32
      %dma_start3A_184 = arith.constant 0 : i32
      %dma_start3A_185 = tpu.memref_slice %arg3[%dma_start3A_183, %dma_start3A_184] : memref<10112x128xf32, #tpu.memory_space<hbm>> -> memref<10112x128xf32, #tpu.memory_space<hbm>>
      tpu.enqueue_indirect_dma source(%dma_start3A_185 : memref<10112x128xf32, #tpu.memory_space<hbm>>) target(%arg12 : memref<64x128xf32, #tpu.memory_space<vmem>>) offsets(%dma_start3A_182 : memref<64xi32, #tpu.memory_space<vmem>>) semaphore(%arg15 : memref<!tpu.dma_semaphore, #tpu.memory_space<semaphore_mem>>)
      %scan3A_186 = arith.constant 0 : i32
      %scan3A_187 = arith.constant 64 : i32
      %scan3A_188 = arith.addi %scan3A_186, %scan3A_187 : i32
      %scan3A_189 = arith.constant 1 : i32
      scf.for %scan3A_426 = %scan3A_186 to %scan3A_188 step %scan3A_189  : i32 {
        %mul3A_427 = arith.constant 1 : i32
        %mul3A_428 = arith.muli %scan3A_426, %mul3A_427 : i32
        %add3A_429 = arith.constant 0 : i32
        %add3A_430 = arith.addi %add3A_429, %mul3A_428 : i32
        %get3A = arith.index_cast %add3A_430 : i32 to index
        %get3A_431 = arith.constant 64 : index
        %get3A_432 = tpu.vector_load %arg9[%get3A, %get3A_431] {strides = array<i32>} : memref<64x128xf32, #tpu.memory_space<vmem>>, vector<1x16xf32>,
        %get3A_433 = vector.shape_cast %get3A_432 : vector<1x16xf32> to vector<16xf32>
        %get3A_434 = arith.index_cast %add3A_430 : i32 to index
        %get3A_435 = arith.constant 0 : index
        %get3A_436 = tpu.vector_load %arg10[%get3A_434, %get3A_435] {strides = array<i32>} : memref<64x128xf32, #tpu.memory_space<vmem>>, vector<1x16xf32>,
        %get3A_437 = vector.shape_cast %get3A_436 : vector<1x16xf32> to vector<16xf32>
        %add3A_438 = arith.addf %get3A_433, %get3A_437 : vector<16xf32>
        %mul3A_439 = arith.constant 2.000000e-01 : f32
        %mul3A_440 = vector.broadcast %mul3A_439 : f32 to vector<16xf32>
        %mul3A_441 = arith.mulf %mul3A_440, %add3A_438 : vector<16xf32>
        %max3A = arith.maximumf %add3A_438, %mul3A_441 : vector<16xf32>
        %exp3A = math.exp %max3A : vector<16xf32>
        %swap3A = arith.index_cast %add3A_430 : i32 to index
        %swap3A_442 = arith.constant 64 : index
        %swap3A_443 = tpu.vector_load %arg9[%swap3A, %swap3A_442] {strides = array<i32>} : memref<64x128xf32, #tpu.memory_space<vmem>>, vector<1x16xf32>,
        %swap3A_444 = vector.shape_cast %swap3A_443 : vector<1x16xf32> to vector<16xf32>
        %swap3A_445 = vector.shape_cast %exp3A : vector<16xf32> to vector<1x16xf32>
        tpu.vector_store %arg9[%swap3A, %swap3A_442], %swap3A_445 {strides = array<i32>} : memref<64x128xf32, #tpu.memory_space<vmem>>, vector<1x16xf32>,
        %get3A_446 = arith.index_cast %add3A_430 : i32 to index
        %get3A_447 = arith.constant 0 : index
        %get3A_448 = tpu.vector_load %arg9[%get3A_446, %get3A_447] {strides = array<i32>} : memref<64x128xf32, #tpu.memory_space<vmem>>, vector<1x16xf32>,
        %get3A_449 = vector.shape_cast %get3A_448 : vector<1x16xf32> to vector<16xf32>
        %mul3A_450 = arith.mulf %get3A_449, %exp3A : vector<16xf32>
        %swap3A_451 = arith.index_cast %add3A_430 : i32 to index
        %swap3A_452 = arith.constant 0 : index
        %swap3A_453 = tpu.vector_load %arg9[%swap3A_451, %swap3A_452] {strides = array<i32>} : memref<64x128xf32, #tpu.memory_space<vmem>>, vector<1x16xf32>,
        %swap3A_454 = vector.shape_cast %swap3A_453 : vector<1x16xf32> to vector<16xf32>
        %swap3A_455 = vector.shape_cast %mul3A_450 : vector<16xf32> to vector<1x16xf32>
        tpu.vector_store %arg9[%swap3A_451, %swap3A_452], %swap3A_455 {strides = array<i32>} : memref<64x128xf32, #tpu.memory_space<vmem>>, vector<1x16xf32>,
        %get3A_456 = arith.index_cast %add3A_430 : i32 to index
        %get3A_457 = arith.constant 80 : index
        %get3A_458 = tpu.vector_load %arg9[%get3A_456, %get3A_457] {strides = array<i32>} : memref<64x128xf32, #tpu.memory_space<vmem>>, vector<1x16xf32>,
        %get3A_459 = vector.shape_cast %get3A_458 : vector<1x16xf32> to vector<16xf32>
        %get3A_460 = arith.index_cast %add3A_430 : i32 to index
        %get3A_461 = arith.constant 16 : index
        %get3A_462 = tpu.vector_load %arg10[%get3A_460, %get3A_461] {strides = array<i32>} : memref<64x128xf32, #tpu.memory_space<vmem>>, vector<1x16xf32>,
        %get3A_463 = vector.shape_cast %get3A_462 : vector<1x16xf32> to vector<16xf32>
        %add3A_464 = arith.addf %get3A_459, %get3A_463 : vector<16xf32>
        %mul3A_465 = arith.constant 2.000000e-01 : f32
        %mul3A_466 = vector.broadcast %mul3A_465 : f32 to vector<16xf32>
        %mul3A_467 = arith.mulf %mul3A_466, %add3A_464 : vector<16xf32>
        %max3A_468 = arith.maximumf %add3A_464, %mul3A_467 : vector<16xf32>
        %exp3A_469 = math.exp %max3A_468 : vector<16xf32>
        %swap3A_470 = arith.index_cast %add3A_430 : i32 to index
        %swap3A_471 = arith.constant 80 : index
        %swap3A_472 = tpu.vector_load %arg9[%swap3A_470, %swap3A_471] {strides = array<i32>} : memref<64x128xf32, #tpu.memory_space<vmem>>, vector<1x16xf32>,
        %swap3A_473 = vector.shape_cast %swap3A_472 : vector<1x16xf32> to vector<16xf32>
        %swap3A_474 = vector.shape_cast %exp3A_469 : vector<16xf32> to vector<1x16xf32>
        tpu.vector_store %arg9[%swap3A_470, %swap3A_471], %swap3A_474 {strides = array<i32>} : memref<64x128xf32, #tpu.memory_space<vmem>>, vector<1x16xf32>,
        %get3A_475 = arith.index_cast %add3A_430 : i32 to index
        %get3A_476 = arith.constant 16 : index
        %get3A_477 = tpu.vector_load %arg9[%get3A_475, %get3A_476] {strides = array<i32>} : memref<64x128xf32, #tpu.memory_space<vmem>>, vector<1x16xf32>,
        %get3A_478 = vector.shape_cast %get3A_477 : vector<1x16xf32> to vector<16xf32>
        %mul3A_479 = arith.mulf %get3A_478, %exp3A_469 : vector<16xf32>
        %swap3A_480 = arith.index_cast %add3A_430 : i32 to index
        %swap3A_481 = arith.constant 16 : index
        %swap3A_482 = tpu.vector_load %arg9[%swap3A_480, %swap3A_481] {strides = array<i32>} : memref<64x128xf32, #tpu.memory_space<vmem>>, vector<1x16xf32>,
        %swap3A_483 = vector.shape_cast %swap3A_482 : vector<1x16xf32> to vector<16xf32>
        %swap3A_484 = vector.shape_cast %mul3A_479 : vector<16xf32> to vector<1x16xf32>
        tpu.vector_store %arg9[%swap3A_480, %swap3A_481], %swap3A_484 {strides = array<i32>} : memref<64x128xf32, #tpu.memory_space<vmem>>, vector<1x16xf32>,
        %get3A_485 = arith.index_cast %add3A_430 : i32 to index
        %get3A_486 = arith.constant 96 : index
        %get3A_487 = tpu.vector_load %arg9[%get3A_485, %get3A_486] {strides = array<i32>} : memref<64x128xf32, #tpu.memory_space<vmem>>, vector<1x16xf32>,
        %get3A_488 = vector.shape_cast %get3A_487 : vector<1x16xf32> to vector<16xf32>
        %get3A_489 = arith.index_cast %add3A_430 : i32 to index
        %get3A_490 = arith.constant 32 : index
        %get3A_491 = tpu.vector_load %arg10[%get3A_489, %get3A_490] {strides = array<i32>} : memref<64x128xf32, #tpu.memory_space<vmem>>, vector<1x16xf32>,
        %get3A_492 = vector.shape_cast %get3A_491 : vector<1x16xf32> to vector<16xf32>
        %add3A_493 = arith.addf %get3A_488, %get3A_492 : vector<16xf32>
        %mul3A_494 = arith.constant 2.000000e-01 : f32
        %mul3A_495 = vector.broadcast %mul3A_494 : f32 to vector<16xf32>
        %mul3A_496 = arith.mulf %mul3A_495, %add3A_493 : vector<16xf32>
        %max3A_497 = arith.maximumf %add3A_493, %mul3A_496 : vector<16xf32>
        %exp3A_498 = math.exp %max3A_497 : vector<16xf32>
        %swap3A_499 = arith.index_cast %add3A_430 : i32 to index
        %swap3A_500 = arith.constant 96 : index
        %swap3A_501 = tpu.vector_load %arg9[%swap3A_499, %swap3A_500] {strides = array<i32>} : memref<64x128xf32, #tpu.memory_space<vmem>>, vector<1x16xf32>,
        %swap3A_502 = vector.shape_cast %swap3A_501 : vector<1x16xf32> to vector<16xf32>
        %swap3A_503 = vector.shape_cast %exp3A_498 : vector<16xf32> to vector<1x16xf32>
        tpu.vector_store %arg9[%swap3A_499, %swap3A_500], %swap3A_503 {strides = array<i32>} : memref<64x128xf32, #tpu.memory_space<vmem>>, vector<1x16xf32>,
        %get3A_504 = arith.index_cast %add3A_430 : i32 to index
        %get3A_505 = arith.constant 32 : index
        %get3A_506 = tpu.vector_load %arg9[%get3A_504, %get3A_505] {strides = array<i32>} : memref<64x128xf32, #tpu.memory_space<vmem>>, vector<1x16xf32>,
        %get3A_507 = vector.shape_cast %get3A_506 : vector<1x16xf32> to vector<16xf32>
        %mul3A_508 = arith.mulf %get3A_507, %exp3A_498 : vector<16xf32>
        %swap3A_509 = arith.index_cast %add3A_430 : i32 to index
        %swap3A_510 = arith.constant 32 : index
        %swap3A_511 = tpu.vector_load %arg9[%swap3A_509, %swap3A_510] {strides = array<i32>} : memref<64x128xf32, #tpu.memory_space<vmem>>, vector<1x16xf32>,
        %swap3A_512 = vector.shape_cast %swap3A_511 : vector<1x16xf32> to vector<16xf32>
        %swap3A_513 = vector.shape_cast %mul3A_508 : vector<16xf32> to vector<1x16xf32>
        tpu.vector_store %arg9[%swap3A_509, %swap3A_510], %swap3A_513 {strides = array<i32>} : memref<64x128xf32, #tpu.memory_space<vmem>>, vector<1x16xf32>,
        %get3A_514 = arith.index_cast %add3A_430 : i32 to index
        %get3A_515 = arith.constant 112 : index
        %get3A_516 = tpu.vector_load %arg9[%get3A_514, %get3A_515] {strides = array<i32>} : memref<64x128xf32, #tpu.memory_space<vmem>>, vector<1x16xf32>,
        %get3A_517 = vector.shape_cast %get3A_516 : vector<1x16xf32> to vector<16xf32>
        %get3A_518 = arith.index_cast %add3A_430 : i32 to index
        %get3A_519 = arith.constant 48 : index
        %get3A_520 = tpu.vector_load %arg10[%get3A_518, %get3A_519] {strides = array<i32>} : memref<64x128xf32, #tpu.memory_space<vmem>>, vector<1x16xf32>,
        %get3A_521 = vector.shape_cast %get3A_520 : vector<1x16xf32> to vector<16xf32>
        %add3A_522 = arith.addf %get3A_517, %get3A_521 : vector<16xf32>
        %mul3A_523 = arith.constant 2.000000e-01 : f32
        %mul3A_524 = vector.broadcast %mul3A_523 : f32 to vector<16xf32>
        %mul3A_525 = arith.mulf %mul3A_524, %add3A_522 : vector<16xf32>
        %max3A_526 = arith.maximumf %add3A_522, %mul3A_525 : vector<16xf32>
        %exp3A_527 = math.exp %max3A_526 : vector<16xf32>
        %swap3A_528 = arith.index_cast %add3A_430 : i32 to index
        %swap3A_529 = arith.constant 112 : index
        %swap3A_530 = tpu.vector_load %arg9[%swap3A_528, %swap3A_529] {strides = array<i32>} : memref<64x128xf32, #tpu.memory_space<vmem>>, vector<1x16xf32>,
        %swap3A_531 = vector.shape_cast %swap3A_530 : vector<1x16xf32> to vector<16xf32>
        %swap3A_532 = vector.shape_cast %exp3A_527 : vector<16xf32> to vector<1x16xf32>
        tpu.vector_store %arg9[%swap3A_528, %swap3A_529], %swap3A_532 {strides = array<i32>} : memref<64x128xf32, #tpu.memory_space<vmem>>, vector<1x16xf32>,
        %get3A_533 = arith.index_cast %add3A_430 : i32 to index
        %get3A_534 = arith.constant 48 : index
        %get3A_535 = tpu.vector_load %arg9[%get3A_533, %get3A_534] {strides = array<i32>} : memref<64x128xf32, #tpu.memory_space<vmem>>, vector<1x16xf32>,
        %get3A_536 = vector.shape_cast %get3A_535 : vector<1x16xf32> to vector<16xf32>
        %mul3A_537 = arith.mulf %get3A_536, %exp3A_527 : vector<16xf32>
        %swap3A_538 = arith.index_cast %add3A_430 : i32 to index
        %swap3A_539 = arith.constant 48 : index
        %swap3A_540 = tpu.vector_load %arg9[%swap3A_538, %swap3A_539] {strides = array<i32>} : memref<64x128xf32, #tpu.memory_space<vmem>>, vector<1x16xf32>,
        %swap3A_541 = vector.shape_cast %swap3A_540 : vector<1x16xf32> to vector<16xf32>
        %swap3A_542 = vector.shape_cast %mul3A_537 : vector<16xf32> to vector<1x16xf32>
        tpu.vector_store %arg9[%swap3A_538, %swap3A_539], %swap3A_542 {strides = array<i32>} : memref<64x128xf32, #tpu.memory_space<vmem>>, vector<1x16xf32>,
      }
      %scan3A_190 = arith.constant 64 : i32
      %dma_start3A_191 = arith.constant 2 : i32
      %dma_start3A_192 = arith.constant 0 : i32
      %dma_start3A_193 = tpu.memref_slice %arg8[%dma_start3A_191, %dma_start3A_192] : memref<8x64xi32, #tpu.memory_space<vmem>> -> memref<1x64xi32, #tpu.memory_space<vmem>>
      %dma_start3A_194 = tpu.memref_squeeze %dma_start3A_193 : memref<1x64xi32, #tpu.memory_space<vmem>> -> memref<64xi32, #tpu.memory_space<vmem>>
      %dma_start3A_195 = arith.constant 0 : i32
      %dma_start3A_196 = arith.constant 0 : i32
      %dma_start3A_197 = tpu.memref_slice %arg13[%dma_start3A_195, %dma_start3A_196] : memref<10112x128xf32, #tpu.memory_space<vmem_shared>> -> memref<10112x128xf32, #tpu.memory_space<vmem_shared>>
      tpu.enqueue_indirect_dma source(%arg9 : memref<64x128xf32, #tpu.memory_space<vmem>>) target(%dma_start3A_197 : memref<10112x128xf32, #tpu.memory_space<vmem_shared>>) offsets(%dma_start3A_194 : memref<64xi32, #tpu.memory_space<vmem>>) semaphore(%arg16 : memref<!tpu.dma_semaphore, #tpu.memory_space<semaphore_mem>>) {add = true}
      %dma_wait3A_198 = arith.constant 3 : i32
      %dma_wait3A_199 = arith.constant 0 : i32
      %dma_wait3A_200 = tpu.memref_slice %arg7[%dma_wait3A_198, %dma_wait3A_199] : memref<8x64xi32, #tpu.memory_space<vmem>> -> memref<1x64xi32, #tpu.memory_space<vmem>>
      %dma_wait3A_201 = tpu.memref_squeeze %dma_wait3A_200 : memref<1x64xi32, #tpu.memory_space<vmem>> -> memref<64xi32, #tpu.memory_space<vmem>>
      %dma_wait3A_202 = arith.constant 0 : i32
      %dma_wait3A_203 = arith.constant 0 : i32
      %dma_wait3A_204 = tpu.memref_slice %arg2[%dma_wait3A_202, %dma_wait3A_203] : memref<10112x128xf32, #tpu.memory_space<hbm>> -> memref<10112x128xf32, #tpu.memory_space<hbm>>
      tpu.wait_indirect_dma semaphore(%arg14 : memref<!tpu.dma_semaphore, #tpu.memory_space<semaphore_mem>>) src(%dma_wait3A_204 : memref<10112x128xf32, #tpu.memory_space<hbm>>) dst(%arg11 : memref<64x128xf32, #tpu.memory_space<vmem>>)
      %dma_wait3A_205 = arith.constant 3 : i32
      %dma_wait3A_206 = arith.constant 0 : i32
      %dma_wait3A_207 = tpu.memref_slice %arg8[%dma_wait3A_205, %dma_wait3A_206] : memref<8x64xi32, #tpu.memory_space<vmem>> -> memref<1x64xi32, #tpu.memory_space<vmem>>
      %dma_wait3A_208 = tpu.memref_squeeze %dma_wait3A_207 : memref<1x64xi32, #tpu.memory_space<vmem>> -> memref<64xi32, #tpu.memory_space<vmem>>
      %dma_wait3A_209 = arith.constant 0 : i32
      %dma_wait3A_210 = arith.constant 0 : i32
      %dma_wait3A_211 = tpu.memref_slice %arg3[%dma_wait3A_209, %dma_wait3A_210] : memref<10112x128xf32, #tpu.memory_space<hbm>> -> memref<10112x128xf32, #tpu.memory_space<hbm>>
      tpu.wait_indirect_dma semaphore(%arg15 : memref<!tpu.dma_semaphore, #tpu.memory_space<semaphore_mem>>) src(%dma_wait3A_211 : memref<10112x128xf32, #tpu.memory_space<hbm>>) dst(%arg12 : memref<64x128xf32, #tpu.memory_space<vmem>>)
      %dma_wait3A_212 = arith.constant 2 : i32
      %dma_wait3A_213 = arith.constant 0 : i32
      %dma_wait3A_214 = tpu.memref_slice %arg8[%dma_wait3A_212, %dma_wait3A_213] : memref<8x64xi32, #tpu.memory_space<vmem>> -> memref<1x64xi32, #tpu.memory_space<vmem>>
      %dma_wait3A_215 = tpu.memref_squeeze %dma_wait3A_214 : memref<1x64xi32, #tpu.memory_space<vmem>> -> memref<64xi32, #tpu.memory_space<vmem>>
      %dma_wait3A_216 = arith.constant 0 : i32
      %dma_wait3A_217 = arith.constant 0 : i32
      %dma_wait3A_218 = tpu.memref_slice %arg13[%dma_wait3A_216, %dma_wait3A_217] : memref<10112x128xf32, #tpu.memory_space<vmem_shared>> -> memref<10112x128xf32, #tpu.memory_space<vmem_shared>>
      tpu.wait_indirect_dma semaphore(%arg16 : memref<!tpu.dma_semaphore, #tpu.memory_space<semaphore_mem>>) src(%arg9 : memref<64x128xf32, #tpu.memory_space<vmem>>) dst(%dma_wait3A_218 : memref<10112x128xf32, #tpu.memory_space<vmem_shared>>)
      %dma_start3A_219 = arith.constant 4 : i32
      %dma_start3A_220 = arith.constant 0 : i32
      %dma_start3A_221 = tpu.memref_slice %arg7[%dma_start3A_219, %dma_start3A_220] : memref<8x64xi32, #tpu.memory_space<vmem>> -> memref<1x64xi32, #tpu.memory_space<vmem>>
      %dma_start3A_222 = tpu.memref_squeeze %dma_start3A_221 : memref<1x64xi32, #tpu.memory_space<vmem>> -> memref<64xi32, #tpu.memory_space<vmem>>
      %dma_start3A_223 = arith.constant 0 : i32
      %dma_start3A_224 = arith.constant 0 : i32
      %dma_start3A_225 = tpu.memref_slice %arg2[%dma_start3A_223, %dma_start3A_224] : memref<10112x128xf32, #tpu.memory_space<hbm>> -> memref<10112x128xf32, #tpu.memory_space<hbm>>
      tpu.enqueue_indirect_dma source(%dma_start3A_225 : memref<10112x128xf32, #tpu.memory_space<hbm>>) target(%arg9 : memref<64x128xf32, #tpu.memory_space<vmem>>) offsets(%dma_start3A_222 : memref<64xi32, #tpu.memory_space<vmem>>) semaphore(%arg14 : memref<!tpu.dma_semaphore, #tpu.memory_space<semaphore_mem>>)
      %dma_start3A_226 = arith.constant 4 : i32
      %dma_start3A_227 = arith.constant 0 : i32
      %dma_start3A_228 = tpu.memref_slice %arg8[%dma_start3A_226, %dma_start3A_227] : memref<8x64xi32, #tpu.memory_space<vmem>> -> memref<1x64xi32, #tpu.memory_space<vmem>>
      %dma_start3A_229 = tpu.memref_squeeze %dma_start3A_228 : memref<1x64xi32, #tpu.memory_space<vmem>> -> memref<64xi32, #tpu.memory_space<vmem>>
      %dma_start3A_230 = arith.constant 0 : i32
      %dma_start3A_231 = arith.constant 0 : i32
      %dma_start3A_232 = tpu.memref_slice %arg3[%dma_start3A_230, %dma_start3A_231] : memref<10112x128xf32, #tpu.memory_space<hbm>> -> memref<10112x128xf32, #tpu.memory_space<hbm>>
      tpu.enqueue_indirect_dma source(%dma_start3A_232 : memref<10112x128xf32, #tpu.memory_space<hbm>>) target(%arg10 : memref<64x128xf32, #tpu.memory_space<vmem>>) offsets(%dma_start3A_229 : memref<64xi32, #tpu.memory_space<vmem>>) semaphore(%arg15 : memref<!tpu.dma_semaphore, #tpu.memory_space<semaphore_mem>>)
      %scan3A_233 = arith.constant 0 : i32
      %scan3A_234 = arith.constant 64 : i32
      %scan3A_235 = arith.addi %scan3A_233, %scan3A_234 : i32
      %scan3A_236 = arith.constant 1 : i32
      scf.for %scan3A_426 = %scan3A_233 to %scan3A_235 step %scan3A_236  : i32 {
        %mul3A_427 = arith.constant 1 : i32
        %mul3A_428 = arith.muli %scan3A_426, %mul3A_427 : i32
        %add3A_429 = arith.constant 0 : i32
        %add3A_430 = arith.addi %add3A_429, %mul3A_428 : i32
        %get3A = arith.index_cast %add3A_430 : i32 to index
        %get3A_431 = arith.constant 64 : index
        %get3A_432 = tpu.vector_load %arg11[%get3A, %get3A_431] {strides = array<i32>} : memref<64x128xf32, #tpu.memory_space<vmem>>, vector<1x16xf32>,
        %get3A_433 = vector.shape_cast %get3A_432 : vector<1x16xf32> to vector<16xf32>
        %get3A_434 = arith.index_cast %add3A_430 : i32 to index
        %get3A_435 = arith.constant 0 : index
        %get3A_436 = tpu.vector_load %arg12[%get3A_434, %get3A_435] {strides = array<i32>} : memref<64x128xf32, #tpu.memory_space<vmem>>, vector<1x16xf32>,
        %get3A_437 = vector.shape_cast %get3A_436 : vector<1x16xf32> to vector<16xf32>
        %add3A_438 = arith.addf %get3A_433, %get3A_437 : vector<16xf32>
        %mul3A_439 = arith.constant 2.000000e-01 : f32
        %mul3A_440 = vector.broadcast %mul3A_439 : f32 to vector<16xf32>
        %mul3A_441 = arith.mulf %mul3A_440, %add3A_438 : vector<16xf32>
        %max3A = arith.maximumf %add3A_438, %mul3A_441 : vector<16xf32>
        %exp3A = math.exp %max3A : vector<16xf32>
        %swap3A = arith.index_cast %add3A_430 : i32 to index
        %swap3A_442 = arith.constant 64 : index
        %swap3A_443 = tpu.vector_load %arg11[%swap3A, %swap3A_442] {strides = array<i32>} : memref<64x128xf32, #tpu.memory_space<vmem>>, vector<1x16xf32>,
        %swap3A_444 = vector.shape_cast %swap3A_443 : vector<1x16xf32> to vector<16xf32>
        %swap3A_445 = vector.shape_cast %exp3A : vector<16xf32> to vector<1x16xf32>
        tpu.vector_store %arg11[%swap3A, %swap3A_442], %swap3A_445 {strides = array<i32>} : memref<64x128xf32, #tpu.memory_space<vmem>>, vector<1x16xf32>,
        %get3A_446 = arith.index_cast %add3A_430 : i32 to index
        %get3A_447 = arith.constant 0 : index
        %get3A_448 = tpu.vector_load %arg11[%get3A_446, %get3A_447] {strides = array<i32>} : memref<64x128xf32, #tpu.memory_space<vmem>>, vector<1x16xf32>,
        %get3A_449 = vector.shape_cast %get3A_448 : vector<1x16xf32> to vector<16xf32>
        %mul3A_450 = arith.mulf %get3A_449, %exp3A : vector<16xf32>
        %swap3A_451 = arith.index_cast %add3A_430 : i32 to index
        %swap3A_452 = arith.constant 0 : index
        %swap3A_453 = tpu.vector_load %arg11[%swap3A_451, %swap3A_452] {strides = array<i32>} : memref<64x128xf32, #tpu.memory_space<vmem>>, vector<1x16xf32>,
        %swap3A_454 = vector.shape_cast %swap3A_453 : vector<1x16xf32> to vector<16xf32>
        %swap3A_455 = vector.shape_cast %mul3A_450 : vector<16xf32> to vector<1x16xf32>
        tpu.vector_store %arg11[%swap3A_451, %swap3A_452], %swap3A_455 {strides = array<i32>} : memref<64x128xf32, #tpu.memory_space<vmem>>, vector<1x16xf32>,
        %get3A_456 = arith.index_cast %add3A_430 : i32 to index
        %get3A_457 = arith.constant 80 : index
        %get3A_458 = tpu.vector_load %arg11[%get3A_456, %get3A_457] {strides = array<i32>} : memref<64x128xf32, #tpu.memory_space<vmem>>, vector<1x16xf32>,
        %get3A_459 = vector.shape_cast %get3A_458 : vector<1x16xf32> to vector<16xf32>
        %get3A_460 = arith.index_cast %add3A_430 : i32 to index
        %get3A_461 = arith.constant 16 : index
        %get3A_462 = tpu.vector_load %arg12[%get3A_460, %get3A_461] {strides = array<i32>} : memref<64x128xf32, #tpu.memory_space<vmem>>, vector<1x16xf32>,
        %get3A_463 = vector.shape_cast %get3A_462 : vector<1x16xf32> to vector<16xf32>
        %add3A_464 = arith.addf %get3A_459, %get3A_463 : vector<16xf32>
        %mul3A_465 = arith.constant 2.000000e-01 : f32
        %mul3A_466 = vector.broadcast %mul3A_465 : f32 to vector<16xf32>
        %mul3A_467 = arith.mulf %mul3A_466, %add3A_464 : vector<16xf32>
        %max3A_468 = arith.maximumf %add3A_464, %mul3A_467 : vector<16xf32>
        %exp3A_469 = math.exp %max3A_468 : vector<16xf32>
        %swap3A_470 = arith.index_cast %add3A_430 : i32 to index
        %swap3A_471 = arith.constant 80 : index
        %swap3A_472 = tpu.vector_load %arg11[%swap3A_470, %swap3A_471] {strides = array<i32>} : memref<64x128xf32, #tpu.memory_space<vmem>>, vector<1x16xf32>,
        %swap3A_473 = vector.shape_cast %swap3A_472 : vector<1x16xf32> to vector<16xf32>
        %swap3A_474 = vector.shape_cast %exp3A_469 : vector<16xf32> to vector<1x16xf32>
        tpu.vector_store %arg11[%swap3A_470, %swap3A_471], %swap3A_474 {strides = array<i32>} : memref<64x128xf32, #tpu.memory_space<vmem>>, vector<1x16xf32>,
        %get3A_475 = arith.index_cast %add3A_430 : i32 to index
        %get3A_476 = arith.constant 16 : index
        %get3A_477 = tpu.vector_load %arg11[%get3A_475, %get3A_476] {strides = array<i32>} : memref<64x128xf32, #tpu.memory_space<vmem>>, vector<1x16xf32>,
        %get3A_478 = vector.shape_cast %get3A_477 : vector<1x16xf32> to vector<16xf32>
        %mul3A_479 = arith.mulf %get3A_478, %exp3A_469 : vector<16xf32>
        %swap3A_480 = arith.index_cast %add3A_430 : i32 to index
        %swap3A_481 = arith.constant 16 : index
        %swap3A_482 = tpu.vector_load %arg11[%swap3A_480, %swap3A_481] {strides = array<i32>} : memref<64x128xf32, #tpu.memory_space<vmem>>, vector<1x16xf32>,
        %swap3A_483 = vector.shape_cast %swap3A_482 : vector<1x16xf32> to vector<16xf32>
        %swap3A_484 = vector.shape_cast %mul3A_479 : vector<16xf32> to vector<1x16xf32>
        tpu.vector_store %arg11[%swap3A_480, %swap3A_481], %swap3A_484 {strides = array<i32>} : memref<64x128xf32, #tpu.memory_space<vmem>>, vector<1x16xf32>,
        %get3A_485 = arith.index_cast %add3A_430 : i32 to index
        %get3A_486 = arith.constant 96 : index
        %get3A_487 = tpu.vector_load %arg11[%get3A_485, %get3A_486] {strides = array<i32>} : memref<64x128xf32, #tpu.memory_space<vmem>>, vector<1x16xf32>,
        %get3A_488 = vector.shape_cast %get3A_487 : vector<1x16xf32> to vector<16xf32>
        %get3A_489 = arith.index_cast %add3A_430 : i32 to index
        %get3A_490 = arith.constant 32 : index
        %get3A_491 = tpu.vector_load %arg12[%get3A_489, %get3A_490] {strides = array<i32>} : memref<64x128xf32, #tpu.memory_space<vmem>>, vector<1x16xf32>,
        %get3A_492 = vector.shape_cast %get3A_491 : vector<1x16xf32> to vector<16xf32>
        %add3A_493 = arith.addf %get3A_488, %get3A_492 : vector<16xf32>
        %mul3A_494 = arith.constant 2.000000e-01 : f32
        %mul3A_495 = vector.broadcast %mul3A_494 : f32 to vector<16xf32>
        %mul3A_496 = arith.mulf %mul3A_495, %add3A_493 : vector<16xf32>
        %max3A_497 = arith.maximumf %add3A_493, %mul3A_496 : vector<16xf32>
        %exp3A_498 = math.exp %max3A_497 : vector<16xf32>
        %swap3A_499 = arith.index_cast %add3A_430 : i32 to index
        %swap3A_500 = arith.constant 96 : index
        %swap3A_501 = tpu.vector_load %arg11[%swap3A_499, %swap3A_500] {strides = array<i32>} : memref<64x128xf32, #tpu.memory_space<vmem>>, vector<1x16xf32>,
        %swap3A_502 = vector.shape_cast %swap3A_501 : vector<1x16xf32> to vector<16xf32>
        %swap3A_503 = vector.shape_cast %exp3A_498 : vector<16xf32> to vector<1x16xf32>
        tpu.vector_store %arg11[%swap3A_499, %swap3A_500], %swap3A_503 {strides = array<i32>} : memref<64x128xf32, #tpu.memory_space<vmem>>, vector<1x16xf32>,
        %get3A_504 = arith.index_cast %add3A_430 : i32 to index
        %get3A_505 = arith.constant 32 : index
        %get3A_506 = tpu.vector_load %arg11[%get3A_504, %get3A_505] {strides = array<i32>} : memref<64x128xf32, #tpu.memory_space<vmem>>, vector<1x16xf32>,
        %get3A_507 = vector.shape_cast %get3A_506 : vector<1x16xf32> to vector<16xf32>
        %mul3A_508 = arith.mulf %get3A_507, %exp3A_498 : vector<16xf32>
        %swap3A_509 = arith.index_cast %add3A_430 : i32 to index
        %swap3A_510 = arith.constant 32 : index
        %swap3A_511 = tpu.vector_load %arg11[%swap3A_509, %swap3A_510] {strides = array<i32>} : memref<64x128xf32, #tpu.memory_space<vmem>>, vector<1x16xf32>,
        %swap3A_512 = vector.shape_cast %swap3A_511 : vector<1x16xf32> to vector<16xf32>
        %swap3A_513 = vector.shape_cast %mul3A_508 : vector<16xf32> to vector<1x16xf32>
        tpu.vector_store %arg11[%swap3A_509, %swap3A_510], %swap3A_513 {strides = array<i32>} : memref<64x128xf32, #tpu.memory_space<vmem>>, vector<1x16xf32>,
        %get3A_514 = arith.index_cast %add3A_430 : i32 to index
        %get3A_515 = arith.constant 112 : index
        %get3A_516 = tpu.vector_load %arg11[%get3A_514, %get3A_515] {strides = array<i32>} : memref<64x128xf32, #tpu.memory_space<vmem>>, vector<1x16xf32>,
        %get3A_517 = vector.shape_cast %get3A_516 : vector<1x16xf32> to vector<16xf32>
        %get3A_518 = arith.index_cast %add3A_430 : i32 to index
        %get3A_519 = arith.constant 48 : index
        %get3A_520 = tpu.vector_load %arg12[%get3A_518, %get3A_519] {strides = array<i32>} : memref<64x128xf32, #tpu.memory_space<vmem>>, vector<1x16xf32>,
        %get3A_521 = vector.shape_cast %get3A_520 : vector<1x16xf32> to vector<16xf32>
        %add3A_522 = arith.addf %get3A_517, %get3A_521 : vector<16xf32>
        %mul3A_523 = arith.constant 2.000000e-01 : f32
        %mul3A_524 = vector.broadcast %mul3A_523 : f32 to vector<16xf32>
        %mul3A_525 = arith.mulf %mul3A_524, %add3A_522 : vector<16xf32>
        %max3A_526 = arith.maximumf %add3A_522, %mul3A_525 : vector<16xf32>
        %exp3A_527 = math.exp %max3A_526 : vector<16xf32>
        %swap3A_528 = arith.index_cast %add3A_430 : i32 to index
        %swap3A_529 = arith.constant 112 : index
        %swap3A_530 = tpu.vector_load %arg11[%swap3A_528, %swap3A_529] {strides = array<i32>} : memref<64x128xf32, #tpu.memory_space<vmem>>, vector<1x16xf32>,
        %swap3A_531 = vector.shape_cast %swap3A_530 : vector<1x16xf32> to vector<16xf32>
        %swap3A_532 = vector.shape_cast %exp3A_527 : vector<16xf32> to vector<1x16xf32>
        tpu.vector_store %arg11[%swap3A_528, %swap3A_529], %swap3A_532 {strides = array<i32>} : memref<64x128xf32, #tpu.memory_space<vmem>>, vector<1x16xf32>,
        %get3A_533 = arith.index_cast %add3A_430 : i32 to index
        %get3A_534 = arith.constant 48 : index
        %get3A_535 = tpu.vector_load %arg11[%get3A_533, %get3A_534] {strides = array<i32>} : memref<64x128xf32, #tpu.memory_space<vmem>>, vector<1x16xf32>,
        %get3A_536 = vector.shape_cast %get3A_535 : vector<1x16xf32> to vector<16xf32>
        %mul3A_537 = arith.mulf %get3A_536, %exp3A_527 : vector<16xf32>
        %swap3A_538 = arith.index_cast %add3A_430 : i32 to index
        %swap3A_539 = arith.constant 48 : index
        %swap3A_540 = tpu.vector_load %arg11[%swap3A_538, %swap3A_539] {strides = array<i32>} : memref<64x128xf32, #tpu.memory_space<vmem>>, vector<1x16xf32>,
        %swap3A_541 = vector.shape_cast %swap3A_540 : vector<1x16xf32> to vector<16xf32>
        %swap3A_542 = vector.shape_cast %mul3A_537 : vector<16xf32> to vector<1x16xf32>
        tpu.vector_store %arg11[%swap3A_538, %swap3A_539], %swap3A_542 {strides = array<i32>} : memref<64x128xf32, #tpu.memory_space<vmem>>, vector<1x16xf32>,
      }
      %scan3A_237 = arith.constant 64 : i32
      %dma_start3A_238 = arith.constant 3 : i32
      %dma_start3A_239 = arith.constant 0 : i32
      %dma_start3A_240 = tpu.memref_slice %arg8[%dma_start3A_238, %dma_start3A_239] : memref<8x64xi32, #tpu.memory_space<vmem>> -> memref<1x64xi32, #tpu.memory_space<vmem>>
      %dma_start3A_241 = tpu.memref_squeeze %dma_start3A_240 : memref<1x64xi32, #tpu.memory_space<vmem>> -> memref<64xi32, #tpu.memory_space<vmem>>
      %dma_start3A_242 = arith.constant 0 : i32
      %dma_start3A_243 = arith.constant 0 : i32
      %dma_start3A_244 = tpu.memref_slice %arg13[%dma_start3A_242, %dma_start3A_243] : memref<10112x128xf32, #tpu.memory_space<vmem_shared>> -> memref<10112x128xf32, #tpu.memory_space<vmem_shared>>
      tpu.enqueue_indirect_dma source(%arg11 : memref<64x128xf32, #tpu.memory_space<vmem>>) target(%dma_start3A_244 : memref<10112x128xf32, #tpu.memory_space<vmem_shared>>) offsets(%dma_start3A_241 : memref<64xi32, #tpu.memory_space<vmem>>) semaphore(%arg17 : memref<!tpu.dma_semaphore, #tpu.memory_space<semaphore_mem>>) {add = true}
      %dma_wait3A_245 = arith.constant 4 : i32
      %dma_wait3A_246 = arith.constant 0 : i32
      %dma_wait3A_247 = tpu.memref_slice %arg7[%dma_wait3A_245, %dma_wait3A_246] : memref<8x64xi32, #tpu.memory_space<vmem>> -> memref<1x64xi32, #tpu.memory_space<vmem>>
      %dma_wait3A_248 = tpu.memref_squeeze %dma_wait3A_247 : memref<1x64xi32, #tpu.memory_space<vmem>> -> memref<64xi32, #tpu.memory_space<vmem>>
      %dma_wait3A_249 = arith.constant 0 : i32
      %dma_wait3A_250 = arith.constant 0 : i32
      %dma_wait3A_251 = tpu.memref_slice %arg2[%dma_wait3A_249, %dma_wait3A_250] : memref<10112x128xf32, #tpu.memory_space<hbm>> -> memref<10112x128xf32, #tpu.memory_space<hbm>>
      tpu.wait_indirect_dma semaphore(%arg14 : memref<!tpu.dma_semaphore, #tpu.memory_space<semaphore_mem>>) src(%dma_wait3A_251 : memref<10112x128xf32, #tpu.memory_space<hbm>>) dst(%arg9 : memref<64x128xf32, #tpu.memory_space<vmem>>)
      %dma_wait3A_252 = arith.constant 4 : i32
      %dma_wait3A_253 = arith.constant 0 : i32
      %dma_wait3A_254 = tpu.memref_slice %arg8[%dma_wait3A_252, %dma_wait3A_253] : memref<8x64xi32, #tpu.memory_space<vmem>> -> memref<1x64xi32, #tpu.memory_space<vmem>>
      %dma_wait3A_255 = tpu.memref_squeeze %dma_wait3A_254 : memref<1x64xi32, #tpu.memory_space<vmem>> -> memref<64xi32, #tpu.memory_space<vmem>>
      %dma_wait3A_256 = arith.constant 0 : i32
      %dma_wait3A_257 = arith.constant 0 : i32
      %dma_wait3A_258 = tpu.memref_slice %arg3[%dma_wait3A_256, %dma_wait3A_257] : memref<10112x128xf32, #tpu.memory_space<hbm>> -> memref<10112x128xf32, #tpu.memory_space<hbm>>
      tpu.wait_indirect_dma semaphore(%arg15 : memref<!tpu.dma_semaphore, #tpu.memory_space<semaphore_mem>>) src(%dma_wait3A_258 : memref<10112x128xf32, #tpu.memory_space<hbm>>) dst(%arg10 : memref<64x128xf32, #tpu.memory_space<vmem>>)
      %dma_wait3A_259 = arith.constant 3 : i32
      %dma_wait3A_260 = arith.constant 0 : i32
      %dma_wait3A_261 = tpu.memref_slice %arg8[%dma_wait3A_259, %dma_wait3A_260] : memref<8x64xi32, #tpu.memory_space<vmem>> -> memref<1x64xi32, #tpu.memory_space<vmem>>
      %dma_wait3A_262 = tpu.memref_squeeze %dma_wait3A_261 : memref<1x64xi32, #tpu.memory_space<vmem>> -> memref<64xi32, #tpu.memory_space<vmem>>
      %dma_wait3A_263 = arith.constant 0 : i32
      %dma_wait3A_264 = arith.constant 0 : i32
      %dma_wait3A_265 = tpu.memref_slice %arg13[%dma_wait3A_263, %dma_wait3A_264] : memref<10112x128xf32, #tpu.memory_space<vmem_shared>> -> memref<10112x128xf32, #tpu.memory_space<vmem_shared>>
      tpu.wait_indirect_dma semaphore(%arg17 : memref<!tpu.dma_semaphore, #tpu.memory_space<semaphore_mem>>) src(%arg11 : memref<64x128xf32, #tpu.memory_space<vmem>>) dst(%dma_wait3A_265 : memref<10112x128xf32, #tpu.memory_space<vmem_shared>>)
      %dma_start3A_266 = arith.constant 5 : i32
      %dma_start3A_267 = arith.constant 0 : i32
      %dma_start3A_268 = tpu.memref_slice %arg7[%dma_start3A_266, %dma_start3A_267] : memref<8x64xi32, #tpu.memory_space<vmem>> -> memref<1x64xi32, #tpu.memory_space<vmem>>
      %dma_start3A_269 = tpu.memref_squeeze %dma_start3A_268 : memref<1x64xi32, #tpu.memory_space<vmem>> -> memref<64xi32, #tpu.memory_space<vmem>>
      %dma_start3A_270 = arith.constant 0 : i32
      %dma_start3A_271 = arith.constant 0 : i32
      %dma_start3A_272 = tpu.memref_slice %arg2[%dma_start3A_270, %dma_start3A_271] : memref<10112x128xf32, #tpu.memory_space<hbm>> -> memref<10112x128xf32, #tpu.memory_space<hbm>>
      tpu.enqueue_indirect_dma source(%dma_start3A_272 : memref<10112x128xf32, #tpu.memory_space<hbm>>) target(%arg11 : memref<64x128xf32, #tpu.memory_space<vmem>>) offsets(%dma_start3A_269 : memref<64xi32, #tpu.memory_space<vmem>>) semaphore(%arg14 : memref<!tpu.dma_semaphore, #tpu.memory_space<semaphore_mem>>)
      %dma_start3A_273 = arith.constant 5 : i32
      %dma_start3A_274 = arith.constant 0 : i32
      %dma_start3A_275 = tpu.memref_slice %arg8[%dma_start3A_273, %dma_start3A_274] : memref<8x64xi32, #tpu.memory_space<vmem>> -> memref<1x64xi32, #tpu.memory_space<vmem>>
      %dma_start3A_276 = tpu.memref_squeeze %dma_start3A_275 : memref<1x64xi32, #tpu.memory_space<vmem>> -> memref<64xi32, #tpu.memory_space<vmem>>
      %dma_start3A_277 = arith.constant 0 : i32
      %dma_start3A_278 = arith.constant 0 : i32
      %dma_start3A_279 = tpu.memref_slice %arg3[%dma_start3A_277, %dma_start3A_278] : memref<10112x128xf32, #tpu.memory_space<hbm>> -> memref<10112x128xf32, #tpu.memory_space<hbm>>
      tpu.enqueue_indirect_dma source(%dma_start3A_279 : memref<10112x128xf32, #tpu.memory_space<hbm>>) target(%arg12 : memref<64x128xf32, #tpu.memory_space<vmem>>) offsets(%dma_start3A_276 : memref<64xi32, #tpu.memory_space<vmem>>) semaphore(%arg15 : memref<!tpu.dma_semaphore, #tpu.memory_space<semaphore_mem>>)
      %scan3A_280 = arith.constant 0 : i32
      %scan3A_281 = arith.constant 64 : i32
      %scan3A_282 = arith.addi %scan3A_280, %scan3A_281 : i32
      %scan3A_283 = arith.constant 1 : i32
      scf.for %scan3A_426 = %scan3A_280 to %scan3A_282 step %scan3A_283  : i32 {
        %mul3A_427 = arith.constant 1 : i32
        %mul3A_428 = arith.muli %scan3A_426, %mul3A_427 : i32
        %add3A_429 = arith.constant 0 : i32
        %add3A_430 = arith.addi %add3A_429, %mul3A_428 : i32
        %get3A = arith.index_cast %add3A_430 : i32 to index
        %get3A_431 = arith.constant 64 : index
        %get3A_432 = tpu.vector_load %arg9[%get3A, %get3A_431] {strides = array<i32>} : memref<64x128xf32, #tpu.memory_space<vmem>>, vector<1x16xf32>,
        %get3A_433 = vector.shape_cast %get3A_432 : vector<1x16xf32> to vector<16xf32>
        %get3A_434 = arith.index_cast %add3A_430 : i32 to index
        %get3A_435 = arith.constant 0 : index
        %get3A_436 = tpu.vector_load %arg10[%get3A_434, %get3A_435] {strides = array<i32>} : memref<64x128xf32, #tpu.memory_space<vmem>>, vector<1x16xf32>,
        %get3A_437 = vector.shape_cast %get3A_436 : vector<1x16xf32> to vector<16xf32>
        %add3A_438 = arith.addf %get3A_433, %get3A_437 : vector<16xf32>
        %mul3A_439 = arith.constant 2.000000e-01 : f32
        %mul3A_440 = vector.broadcast %mul3A_439 : f32 to vector<16xf32>
        %mul3A_441 = arith.mulf %mul3A_440, %add3A_438 : vector<16xf32>
        %max3A = arith.maximumf %add3A_438, %mul3A_441 : vector<16xf32>
        %exp3A = math.exp %max3A : vector<16xf32>
        %swap3A = arith.index_cast %add3A_430 : i32 to index
        %swap3A_442 = arith.constant 64 : index
        %swap3A_443 = tpu.vector_load %arg9[%swap3A, %swap3A_442] {strides = array<i32>} : memref<64x128xf32, #tpu.memory_space<vmem>>, vector<1x16xf32>,
        %swap3A_444 = vector.shape_cast %swap3A_443 : vector<1x16xf32> to vector<16xf32>
        %swap3A_445 = vector.shape_cast %exp3A : vector<16xf32> to vector<1x16xf32>
        tpu.vector_store %arg9[%swap3A, %swap3A_442], %swap3A_445 {strides = array<i32>} : memref<64x128xf32, #tpu.memory_space<vmem>>, vector<1x16xf32>,
        %get3A_446 = arith.index_cast %add3A_430 : i32 to index
        %get3A_447 = arith.constant 0 : index
        %get3A_448 = tpu.vector_load %arg9[%get3A_446, %get3A_447] {strides = array<i32>} : memref<64x128xf32, #tpu.memory_space<vmem>>, vector<1x16xf32>,
        %get3A_449 = vector.shape_cast %get3A_448 : vector<1x16xf32> to vector<16xf32>
        %mul3A_450 = arith.mulf %get3A_449, %exp3A : vector<16xf32>
        %swap3A_451 = arith.index_cast %add3A_430 : i32 to index
        %swap3A_452 = arith.constant 0 : index
        %swap3A_453 = tpu.vector_load %arg9[%swap3A_451, %swap3A_452] {strides = array<i32>} : memref<64x128xf32, #tpu.memory_space<vmem>>, vector<1x16xf32>,
        %swap3A_454 = vector.shape_cast %swap3A_453 : vector<1x16xf32> to vector<16xf32>
        %swap3A_455 = vector.shape_cast %mul3A_450 : vector<16xf32> to vector<1x16xf32>
        tpu.vector_store %arg9[%swap3A_451, %swap3A_452], %swap3A_455 {strides = array<i32>} : memref<64x128xf32, #tpu.memory_space<vmem>>, vector<1x16xf32>,
        %get3A_456 = arith.index_cast %add3A_430 : i32 to index
        %get3A_457 = arith.constant 80 : index
        %get3A_458 = tpu.vector_load %arg9[%get3A_456, %get3A_457] {strides = array<i32>} : memref<64x128xf32, #tpu.memory_space<vmem>>, vector<1x16xf32>,
        %get3A_459 = vector.shape_cast %get3A_458 : vector<1x16xf32> to vector<16xf32>
        %get3A_460 = arith.index_cast %add3A_430 : i32 to index
        %get3A_461 = arith.constant 16 : index
        %get3A_462 = tpu.vector_load %arg10[%get3A_460, %get3A_461] {strides = array<i32>} : memref<64x128xf32, #tpu.memory_space<vmem>>, vector<1x16xf32>,
        %get3A_463 = vector.shape_cast %get3A_462 : vector<1x16xf32> to vector<16xf32>
        %add3A_464 = arith.addf %get3A_459, %get3A_463 : vector<16xf32>
        %mul3A_465 = arith.constant 2.000000e-01 : f32
        %mul3A_466 = vector.broadcast %mul3A_465 : f32 to vector<16xf32>
        %mul3A_467 = arith.mulf %mul3A_466, %add3A_464 : vector<16xf32>
        %max3A_468 = arith.maximumf %add3A_464, %mul3A_467 : vector<16xf32>
        %exp3A_469 = math.exp %max3A_468 : vector<16xf32>
        %swap3A_470 = arith.index_cast %add3A_430 : i32 to index
        %swap3A_471 = arith.constant 80 : index
        %swap3A_472 = tpu.vector_load %arg9[%swap3A_470, %swap3A_471] {strides = array<i32>} : memref<64x128xf32, #tpu.memory_space<vmem>>, vector<1x16xf32>,
        %swap3A_473 = vector.shape_cast %swap3A_472 : vector<1x16xf32> to vector<16xf32>
        %swap3A_474 = vector.shape_cast %exp3A_469 : vector<16xf32> to vector<1x16xf32>
        tpu.vector_store %arg9[%swap3A_470, %swap3A_471], %swap3A_474 {strides = array<i32>} : memref<64x128xf32, #tpu.memory_space<vmem>>, vector<1x16xf32>,
        %get3A_475 = arith.index_cast %add3A_430 : i32 to index
        %get3A_476 = arith.constant 16 : index
        %get3A_477 = tpu.vector_load %arg9[%get3A_475, %get3A_476] {strides = array<i32>} : memref<64x128xf32, #tpu.memory_space<vmem>>, vector<1x16xf32>,
        %get3A_478 = vector.shape_cast %get3A_477 : vector<1x16xf32> to vector<16xf32>
        %mul3A_479 = arith.mulf %get3A_478, %exp3A_469 : vector<16xf32>
        %swap3A_480 = arith.index_cast %add3A_430 : i32 to index
        %swap3A_481 = arith.constant 16 : index
        %swap3A_482 = tpu.vector_load %arg9[%swap3A_480, %swap3A_481] {strides = array<i32>} : memref<64x128xf32, #tpu.memory_space<vmem>>, vector<1x16xf32>,
        %swap3A_483 = vector.shape_cast %swap3A_482 : vector<1x16xf32> to vector<16xf32>
        %swap3A_484 = vector.shape_cast %mul3A_479 : vector<16xf32> to vector<1x16xf32>
        tpu.vector_store %arg9[%swap3A_480, %swap3A_481], %swap3A_484 {strides = array<i32>} : memref<64x128xf32, #tpu.memory_space<vmem>>, vector<1x16xf32>,
        %get3A_485 = arith.index_cast %add3A_430 : i32 to index
        %get3A_486 = arith.constant 96 : index
        %get3A_487 = tpu.vector_load %arg9[%get3A_485, %get3A_486] {strides = array<i32>} : memref<64x128xf32, #tpu.memory_space<vmem>>, vector<1x16xf32>,
        %get3A_488 = vector.shape_cast %get3A_487 : vector<1x16xf32> to vector<16xf32>
        %get3A_489 = arith.index_cast %add3A_430 : i32 to index
        %get3A_490 = arith.constant 32 : index
        %get3A_491 = tpu.vector_load %arg10[%get3A_489, %get3A_490] {strides = array<i32>} : memref<64x128xf32, #tpu.memory_space<vmem>>, vector<1x16xf32>,
        %get3A_492 = vector.shape_cast %get3A_491 : vector<1x16xf32> to vector<16xf32>
        %add3A_493 = arith.addf %get3A_488, %get3A_492 : vector<16xf32>
        %mul3A_494 = arith.constant 2.000000e-01 : f32
        %mul3A_495 = vector.broadcast %mul3A_494 : f32 to vector<16xf32>
        %mul3A_496 = arith.mulf %mul3A_495, %add3A_493 : vector<16xf32>
        %max3A_497 = arith.maximumf %add3A_493, %mul3A_496 : vector<16xf32>
        %exp3A_498 = math.exp %max3A_497 : vector<16xf32>
        %swap3A_499 = arith.index_cast %add3A_430 : i32 to index
        %swap3A_500 = arith.constant 96 : index
        %swap3A_501 = tpu.vector_load %arg9[%swap3A_499, %swap3A_500] {strides = array<i32>} : memref<64x128xf32, #tpu.memory_space<vmem>>, vector<1x16xf32>,
        %swap3A_502 = vector.shape_cast %swap3A_501 : vector<1x16xf32> to vector<16xf32>
        %swap3A_503 = vector.shape_cast %exp3A_498 : vector<16xf32> to vector<1x16xf32>
        tpu.vector_store %arg9[%swap3A_499, %swap3A_500], %swap3A_503 {strides = array<i32>} : memref<64x128xf32, #tpu.memory_space<vmem>>, vector<1x16xf32>,
        %get3A_504 = arith.index_cast %add3A_430 : i32 to index
        %get3A_505 = arith.constant 32 : index
        %get3A_506 = tpu.vector_load %arg9[%get3A_504, %get3A_505] {strides = array<i32>} : memref<64x128xf32, #tpu.memory_space<vmem>>, vector<1x16xf32>,
        %get3A_507 = vector.shape_cast %get3A_506 : vector<1x16xf32> to vector<16xf32>
        %mul3A_508 = arith.mulf %get3A_507, %exp3A_498 : vector<16xf32>
        %swap3A_509 = arith.index_cast %add3A_430 : i32 to index
        %swap3A_510 = arith.constant 32 : index
        %swap3A_511 = tpu.vector_load %arg9[%swap3A_509, %swap3A_510] {strides = array<i32>} : memref<64x128xf32, #tpu.memory_space<vmem>>, vector<1x16xf32>,
        %swap3A_512 = vector.shape_cast %swap3A_511 : vector<1x16xf32> to vector<16xf32>
        %swap3A_513 = vector.shape_cast %mul3A_508 : vector<16xf32> to vector<1x16xf32>
        tpu.vector_store %arg9[%swap3A_509, %swap3A_510], %swap3A_513 {strides = array<i32>} : memref<64x128xf32, #tpu.memory_space<vmem>>, vector<1x16xf32>,
        %get3A_514 = arith.index_cast %add3A_430 : i32 to index
        %get3A_515 = arith.constant 112 : index
        %get3A_516 = tpu.vector_load %arg9[%get3A_514, %get3A_515] {strides = array<i32>} : memref<64x128xf32, #tpu.memory_space<vmem>>, vector<1x16xf32>,
        %get3A_517 = vector.shape_cast %get3A_516 : vector<1x16xf32> to vector<16xf32>
        %get3A_518 = arith.index_cast %add3A_430 : i32 to index
        %get3A_519 = arith.constant 48 : index
        %get3A_520 = tpu.vector_load %arg10[%get3A_518, %get3A_519] {strides = array<i32>} : memref<64x128xf32, #tpu.memory_space<vmem>>, vector<1x16xf32>,
        %get3A_521 = vector.shape_cast %get3A_520 : vector<1x16xf32> to vector<16xf32>
        %add3A_522 = arith.addf %get3A_517, %get3A_521 : vector<16xf32>
        %mul3A_523 = arith.constant 2.000000e-01 : f32
        %mul3A_524 = vector.broadcast %mul3A_523 : f32 to vector<16xf32>
        %mul3A_525 = arith.mulf %mul3A_524, %add3A_522 : vector<16xf32>
        %max3A_526 = arith.maximumf %add3A_522, %mul3A_525 : vector<16xf32>
        %exp3A_527 = math.exp %max3A_526 : vector<16xf32>
        %swap3A_528 = arith.index_cast %add3A_430 : i32 to index
        %swap3A_529 = arith.constant 112 : index
        %swap3A_530 = tpu.vector_load %arg9[%swap3A_528, %swap3A_529] {strides = array<i32>} : memref<64x128xf32, #tpu.memory_space<vmem>>, vector<1x16xf32>,
        %swap3A_531 = vector.shape_cast %swap3A_530 : vector<1x16xf32> to vector<16xf32>
        %swap3A_532 = vector.shape_cast %exp3A_527 : vector<16xf32> to vector<1x16xf32>
        tpu.vector_store %arg9[%swap3A_528, %swap3A_529], %swap3A_532 {strides = array<i32>} : memref<64x128xf32, #tpu.memory_space<vmem>>, vector<1x16xf32>,
        %get3A_533 = arith.index_cast %add3A_430 : i32 to index
        %get3A_534 = arith.constant 48 : index
        %get3A_535 = tpu.vector_load %arg9[%get3A_533, %get3A_534] {strides = array<i32>} : memref<64x128xf32, #tpu.memory_space<vmem>>, vector<1x16xf32>,
        %get3A_536 = vector.shape_cast %get3A_535 : vector<1x16xf32> to vector<16xf32>
        %mul3A_537 = arith.mulf %get3A_536, %exp3A_527 : vector<16xf32>
        %swap3A_538 = arith.index_cast %add3A_430 : i32 to index
        %swap3A_539 = arith.constant 48 : index
        %swap3A_540 = tpu.vector_load %arg9[%swap3A_538, %swap3A_539] {strides = array<i32>} : memref<64x128xf32, #tpu.memory_space<vmem>>, vector<1x16xf32>,
        %swap3A_541 = vector.shape_cast %swap3A_540 : vector<1x16xf32> to vector<16xf32>
        %swap3A_542 = vector.shape_cast %mul3A_537 : vector<16xf32> to vector<1x16xf32>
        tpu.vector_store %arg9[%swap3A_538, %swap3A_539], %swap3A_542 {strides = array<i32>} : memref<64x128xf32, #tpu.memory_space<vmem>>, vector<1x16xf32>,
      }
      %scan3A_284 = arith.constant 64 : i32
      %dma_start3A_285 = arith.constant 4 : i32
      %dma_start3A_286 = arith.constant 0 : i32
      %dma_start3A_287 = tpu.memref_slice %arg8[%dma_start3A_285, %dma_start3A_286] : memref<8x64xi32, #tpu.memory_space<vmem>> -> memref<1x64xi32, #tpu.memory_space<vmem>>
      %dma_start3A_288 = tpu.memref_squeeze %dma_start3A_287 : memref<1x64xi32, #tpu.memory_space<vmem>> -> memref<64xi32, #tpu.memory_space<vmem>>
      %dma_start3A_289 = arith.constant 0 : i32
      %dma_start3A_290 = arith.constant 0 : i32
      %dma_start3A_291 = tpu.memref_slice %arg13[%dma_start3A_289, %dma_start3A_290] : memref<10112x128xf32, #tpu.memory_space<vmem_shared>> -> memref<10112x128xf32, #tpu.memory_space<vmem_shared>>
      tpu.enqueue_indirect_dma source(%arg9 : memref<64x128xf32, #tpu.memory_space<vmem>>) target(%dma_start3A_291 : memref<10112x128xf32, #tpu.memory_space<vmem_shared>>) offsets(%dma_start3A_288 : memref<64xi32, #tpu.memory_space<vmem>>) semaphore(%arg16 : memref<!tpu.dma_semaphore, #tpu.memory_space<semaphore_mem>>) {add = true}
      %dma_wait3A_292 = arith.constant 5 : i32
      %dma_wait3A_293 = arith.constant 0 : i32
      %dma_wait3A_294 = tpu.memref_slice %arg7[%dma_wait3A_292, %dma_wait3A_293] : memref<8x64xi32, #tpu.memory_space<vmem>> -> memref<1x64xi32, #tpu.memory_space<vmem>>
      %dma_wait3A_295 = tpu.memref_squeeze %dma_wait3A_294 : memref<1x64xi32, #tpu.memory_space<vmem>> -> memref<64xi32, #tpu.memory_space<vmem>>
      %dma_wait3A_296 = arith.constant 0 : i32
      %dma_wait3A_297 = arith.constant 0 : i32
      %dma_wait3A_298 = tpu.memref_slice %arg2[%dma_wait3A_296, %dma_wait3A_297] : memref<10112x128xf32, #tpu.memory_space<hbm>> -> memref<10112x128xf32, #tpu.memory_space<hbm>>
      tpu.wait_indirect_dma semaphore(%arg14 : memref<!tpu.dma_semaphore, #tpu.memory_space<semaphore_mem>>) src(%dma_wait3A_298 : memref<10112x128xf32, #tpu.memory_space<hbm>>) dst(%arg11 : memref<64x128xf32, #tpu.memory_space<vmem>>)
      %dma_wait3A_299 = arith.constant 5 : i32
      %dma_wait3A_300 = arith.constant 0 : i32
      %dma_wait3A_301 = tpu.memref_slice %arg8[%dma_wait3A_299, %dma_wait3A_300] : memref<8x64xi32, #tpu.memory_space<vmem>> -> memref<1x64xi32, #tpu.memory_space<vmem>>
      %dma_wait3A_302 = tpu.memref_squeeze %dma_wait3A_301 : memref<1x64xi32, #tpu.memory_space<vmem>> -> memref<64xi32, #tpu.memory_space<vmem>>
      %dma_wait3A_303 = arith.constant 0 : i32
      %dma_wait3A_304 = arith.constant 0 : i32
      %dma_wait3A_305 = tpu.memref_slice %arg3[%dma_wait3A_303, %dma_wait3A_304] : memref<10112x128xf32, #tpu.memory_space<hbm>> -> memref<10112x128xf32, #tpu.memory_space<hbm>>
      tpu.wait_indirect_dma semaphore(%arg15 : memref<!tpu.dma_semaphore, #tpu.memory_space<semaphore_mem>>) src(%dma_wait3A_305 : memref<10112x128xf32, #tpu.memory_space<hbm>>) dst(%arg12 : memref<64x128xf32, #tpu.memory_space<vmem>>)
      %dma_wait3A_306 = arith.constant 4 : i32
      %dma_wait3A_307 = arith.constant 0 : i32
      %dma_wait3A_308 = tpu.memref_slice %arg8[%dma_wait3A_306, %dma_wait3A_307] : memref<8x64xi32, #tpu.memory_space<vmem>> -> memref<1x64xi32, #tpu.memory_space<vmem>>
      %dma_wait3A_309 = tpu.memref_squeeze %dma_wait3A_308 : memref<1x64xi32, #tpu.memory_space<vmem>> -> memref<64xi32, #tpu.memory_space<vmem>>
      %dma_wait3A_310 = arith.constant 0 : i32
      %dma_wait3A_311 = arith.constant 0 : i32
      %dma_wait3A_312 = tpu.memref_slice %arg13[%dma_wait3A_310, %dma_wait3A_311] : memref<10112x128xf32, #tpu.memory_space<vmem_shared>> -> memref<10112x128xf32, #tpu.memory_space<vmem_shared>>
      tpu.wait_indirect_dma semaphore(%arg16 : memref<!tpu.dma_semaphore, #tpu.memory_space<semaphore_mem>>) src(%arg9 : memref<64x128xf32, #tpu.memory_space<vmem>>) dst(%dma_wait3A_312 : memref<10112x128xf32, #tpu.memory_space<vmem_shared>>)
      %dma_start3A_313 = arith.constant 6 : i32
      %dma_start3A_314 = arith.constant 0 : i32
      %dma_start3A_315 = tpu.memref_slice %arg7[%dma_start3A_313, %dma_start3A_314] : memref<8x64xi32, #tpu.memory_space<vmem>> -> memref<1x64xi32, #tpu.memory_space<vmem>>
      %dma_start3A_316 = tpu.memref_squeeze %dma_start3A_315 : memref<1x64xi32, #tpu.memory_space<vmem>> -> memref<64xi32, #tpu.memory_space<vmem>>
      %dma_start3A_317 = arith.constant 0 : i32
      %dma_start3A_318 = arith.constant 0 : i32
      %dma_start3A_319 = tpu.memref_slice %arg2[%dma_start3A_317, %dma_start3A_318] : memref<10112x128xf32, #tpu.memory_space<hbm>> -> memref<10112x128xf32, #tpu.memory_space<hbm>>
      tpu.enqueue_indirect_dma source(%dma_start3A_319 : memref<10112x128xf32, #tpu.memory_space<hbm>>) target(%arg9 : memref<64x128xf32, #tpu.memory_space<vmem>>) offsets(%dma_start3A_316 : memref<64xi32, #tpu.memory_space<vmem>>) semaphore(%arg14 : memref<!tpu.dma_semaphore, #tpu.memory_space<semaphore_mem>>)
      %dma_start3A_320 = arith.constant 6 : i32
      %dma_start3A_321 = arith.constant 0 : i32
      %dma_start3A_322 = tpu.memref_slice %arg8[%dma_start3A_320, %dma_start3A_321] : memref<8x64xi32, #tpu.memory_space<vmem>> -> memref<1x64xi32, #tpu.memory_space<vmem>>
      %dma_start3A_323 = tpu.memref_squeeze %dma_start3A_322 : memref<1x64xi32, #tpu.memory_space<vmem>> -> memref<64xi32, #tpu.memory_space<vmem>>
      %dma_start3A_324 = arith.constant 0 : i32
      %dma_start3A_325 = arith.constant 0 : i32
      %dma_start3A_326 = tpu.memref_slice %arg3[%dma_start3A_324, %dma_start3A_325] : memref<10112x128xf32, #tpu.memory_space<hbm>> -> memref<10112x128xf32, #tpu.memory_space<hbm>>
      tpu.enqueue_indirect_dma source(%dma_start3A_326 : memref<10112x128xf32, #tpu.memory_space<hbm>>) target(%arg10 : memref<64x128xf32, #tpu.memory_space<vmem>>) offsets(%dma_start3A_323 : memref<64xi32, #tpu.memory_space<vmem>>) semaphore(%arg15 : memref<!tpu.dma_semaphore, #tpu.memory_space<semaphore_mem>>)
      %scan3A_327 = arith.constant 0 : i32
      %scan3A_328 = arith.constant 64 : i32
      %scan3A_329 = arith.addi %scan3A_327, %scan3A_328 : i32
      %scan3A_330 = arith.constant 1 : i32
      scf.for %scan3A_426 = %scan3A_327 to %scan3A_329 step %scan3A_330  : i32 {
        %mul3A_427 = arith.constant 1 : i32
        %mul3A_428 = arith.muli %scan3A_426, %mul3A_427 : i32
        %add3A_429 = arith.constant 0 : i32
        %add3A_430 = arith.addi %add3A_429, %mul3A_428 : i32
        %get3A = arith.index_cast %add3A_430 : i32 to index
        %get3A_431 = arith.constant 64 : index
        %get3A_432 = tpu.vector_load %arg11[%get3A, %get3A_431] {strides = array<i32>} : memref<64x128xf32, #tpu.memory_space<vmem>>, vector<1x16xf32>,
        %get3A_433 = vector.shape_cast %get3A_432 : vector<1x16xf32> to vector<16xf32>
        %get3A_434 = arith.index_cast %add3A_430 : i32 to index
        %get3A_435 = arith.constant 0 : index
        %get3A_436 = tpu.vector_load %arg12[%get3A_434, %get3A_435] {strides = array<i32>} : memref<64x128xf32, #tpu.memory_space<vmem>>, vector<1x16xf32>,
        %get3A_437 = vector.shape_cast %get3A_436 : vector<1x16xf32> to vector<16xf32>
        %add3A_438 = arith.addf %get3A_433, %get3A_437 : vector<16xf32>
        %mul3A_439 = arith.constant 2.000000e-01 : f32
        %mul3A_440 = vector.broadcast %mul3A_439 : f32 to vector<16xf32>
        %mul3A_441 = arith.mulf %mul3A_440, %add3A_438 : vector<16xf32>
        %max3A = arith.maximumf %add3A_438, %mul3A_441 : vector<16xf32>
        %exp3A = math.exp %max3A : vector<16xf32>
        %swap3A = arith.index_cast %add3A_430 : i32 to index
        %swap3A_442 = arith.constant 64 : index
        %swap3A_443 = tpu.vector_load %arg11[%swap3A, %swap3A_442] {strides = array<i32>} : memref<64x128xf32, #tpu.memory_space<vmem>>, vector<1x16xf32>,
        %swap3A_444 = vector.shape_cast %swap3A_443 : vector<1x16xf32> to vector<16xf32>
        %swap3A_445 = vector.shape_cast %exp3A : vector<16xf32> to vector<1x16xf32>
        tpu.vector_store %arg11[%swap3A, %swap3A_442], %swap3A_445 {strides = array<i32>} : memref<64x128xf32, #tpu.memory_space<vmem>>, vector<1x16xf32>,
        %get3A_446 = arith.index_cast %add3A_430 : i32 to index
        %get3A_447 = arith.constant 0 : index
        %get3A_448 = tpu.vector_load %arg11[%get3A_446, %get3A_447] {strides = array<i32>} : memref<64x128xf32, #tpu.memory_space<vmem>>, vector<1x16xf32>,
        %get3A_449 = vector.shape_cast %get3A_448 : vector<1x16xf32> to vector<16xf32>
        %mul3A_450 = arith.mulf %get3A_449, %exp3A : vector<16xf32>
        %swap3A_451 = arith.index_cast %add3A_430 : i32 to index
        %swap3A_452 = arith.constant 0 : index
        %swap3A_453 = tpu.vector_load %arg11[%swap3A_451, %swap3A_452] {strides = array<i32>} : memref<64x128xf32, #tpu.memory_space<vmem>>, vector<1x16xf32>,
        %swap3A_454 = vector.shape_cast %swap3A_453 : vector<1x16xf32> to vector<16xf32>
        %swap3A_455 = vector.shape_cast %mul3A_450 : vector<16xf32> to vector<1x16xf32>
        tpu.vector_store %arg11[%swap3A_451, %swap3A_452], %swap3A_455 {strides = array<i32>} : memref<64x128xf32, #tpu.memory_space<vmem>>, vector<1x16xf32>,
        %get3A_456 = arith.index_cast %add3A_430 : i32 to index
        %get3A_457 = arith.constant 80 : index
        %get3A_458 = tpu.vector_load %arg11[%get3A_456, %get3A_457] {strides = array<i32>} : memref<64x128xf32, #tpu.memory_space<vmem>>, vector<1x16xf32>,
        %get3A_459 = vector.shape_cast %get3A_458 : vector<1x16xf32> to vector<16xf32>
        %get3A_460 = arith.index_cast %add3A_430 : i32 to index
        %get3A_461 = arith.constant 16 : index
        %get3A_462 = tpu.vector_load %arg12[%get3A_460, %get3A_461] {strides = array<i32>} : memref<64x128xf32, #tpu.memory_space<vmem>>, vector<1x16xf32>,
        %get3A_463 = vector.shape_cast %get3A_462 : vector<1x16xf32> to vector<16xf32>
        %add3A_464 = arith.addf %get3A_459, %get3A_463 : vector<16xf32>
        %mul3A_465 = arith.constant 2.000000e-01 : f32
        %mul3A_466 = vector.broadcast %mul3A_465 : f32 to vector<16xf32>
        %mul3A_467 = arith.mulf %mul3A_466, %add3A_464 : vector<16xf32>
        %max3A_468 = arith.maximumf %add3A_464, %mul3A_467 : vector<16xf32>
        %exp3A_469 = math.exp %max3A_468 : vector<16xf32>
        %swap3A_470 = arith.index_cast %add3A_430 : i32 to index
        %swap3A_471 = arith.constant 80 : index
        %swap3A_472 = tpu.vector_load %arg11[%swap3A_470, %swap3A_471] {strides = array<i32>} : memref<64x128xf32, #tpu.memory_space<vmem>>, vector<1x16xf32>,
        %swap3A_473 = vector.shape_cast %swap3A_472 : vector<1x16xf32> to vector<16xf32>
        %swap3A_474 = vector.shape_cast %exp3A_469 : vector<16xf32> to vector<1x16xf32>
        tpu.vector_store %arg11[%swap3A_470, %swap3A_471], %swap3A_474 {strides = array<i32>} : memref<64x128xf32, #tpu.memory_space<vmem>>, vector<1x16xf32>,
        %get3A_475 = arith.index_cast %add3A_430 : i32 to index
        %get3A_476 = arith.constant 16 : index
        %get3A_477 = tpu.vector_load %arg11[%get3A_475, %get3A_476] {strides = array<i32>} : memref<64x128xf32, #tpu.memory_space<vmem>>, vector<1x16xf32>,
        %get3A_478 = vector.shape_cast %get3A_477 : vector<1x16xf32> to vector<16xf32>
        %mul3A_479 = arith.mulf %get3A_478, %exp3A_469 : vector<16xf32>
        %swap3A_480 = arith.index_cast %add3A_430 : i32 to index
        %swap3A_481 = arith.constant 16 : index
        %swap3A_482 = tpu.vector_load %arg11[%swap3A_480, %swap3A_481] {strides = array<i32>} : memref<64x128xf32, #tpu.memory_space<vmem>>, vector<1x16xf32>,
        %swap3A_483 = vector.shape_cast %swap3A_482 : vector<1x16xf32> to vector<16xf32>
        %swap3A_484 = vector.shape_cast %mul3A_479 : vector<16xf32> to vector<1x16xf32>
        tpu.vector_store %arg11[%swap3A_480, %swap3A_481], %swap3A_484 {strides = array<i32>} : memref<64x128xf32, #tpu.memory_space<vmem>>, vector<1x16xf32>,
        %get3A_485 = arith.index_cast %add3A_430 : i32 to index
        %get3A_486 = arith.constant 96 : index
        %get3A_487 = tpu.vector_load %arg11[%get3A_485, %get3A_486] {strides = array<i32>} : memref<64x128xf32, #tpu.memory_space<vmem>>, vector<1x16xf32>,
        %get3A_488 = vector.shape_cast %get3A_487 : vector<1x16xf32> to vector<16xf32>
        %get3A_489 = arith.index_cast %add3A_430 : i32 to index
        %get3A_490 = arith.constant 32 : index
        %get3A_491 = tpu.vector_load %arg12[%get3A_489, %get3A_490] {strides = array<i32>} : memref<64x128xf32, #tpu.memory_space<vmem>>, vector<1x16xf32>,
        %get3A_492 = vector.shape_cast %get3A_491 : vector<1x16xf32> to vector<16xf32>
        %add3A_493 = arith.addf %get3A_488, %get3A_492 : vector<16xf32>
        %mul3A_494 = arith.constant 2.000000e-01 : f32
        %mul3A_495 = vector.broadcast %mul3A_494 : f32 to vector<16xf32>
        %mul3A_496 = arith.mulf %mul3A_495, %add3A_493 : vector<16xf32>
        %max3A_497 = arith.maximumf %add3A_493, %mul3A_496 : vector<16xf32>
        %exp3A_498 = math.exp %max3A_497 : vector<16xf32>
        %swap3A_499 = arith.index_cast %add3A_430 : i32 to index
        %swap3A_500 = arith.constant 96 : index
        %swap3A_501 = tpu.vector_load %arg11[%swap3A_499, %swap3A_500] {strides = array<i32>} : memref<64x128xf32, #tpu.memory_space<vmem>>, vector<1x16xf32>,
        %swap3A_502 = vector.shape_cast %swap3A_501 : vector<1x16xf32> to vector<16xf32>
        %swap3A_503 = vector.shape_cast %exp3A_498 : vector<16xf32> to vector<1x16xf32>
        tpu.vector_store %arg11[%swap3A_499, %swap3A_500], %swap3A_503 {strides = array<i32>} : memref<64x128xf32, #tpu.memory_space<vmem>>, vector<1x16xf32>,
        %get3A_504 = arith.index_cast %add3A_430 : i32 to index
        %get3A_505 = arith.constant 32 : index
        %get3A_506 = tpu.vector_load %arg11[%get3A_504, %get3A_505] {strides = array<i32>} : memref<64x128xf32, #tpu.memory_space<vmem>>, vector<1x16xf32>,
        %get3A_507 = vector.shape_cast %get3A_506 : vector<1x16xf32> to vector<16xf32>
        %mul3A_508 = arith.mulf %get3A_507, %exp3A_498 : vector<16xf32>
        %swap3A_509 = arith.index_cast %add3A_430 : i32 to index
        %swap3A_510 = arith.constant 32 : index
        %swap3A_511 = tpu.vector_load %arg11[%swap3A_509, %swap3A_510] {strides = array<i32>} : memref<64x128xf32, #tpu.memory_space<vmem>>, vector<1x16xf32>,
        %swap3A_512 = vector.shape_cast %swap3A_511 : vector<1x16xf32> to vector<16xf32>
        %swap3A_513 = vector.shape_cast %mul3A_508 : vector<16xf32> to vector<1x16xf32>
        tpu.vector_store %arg11[%swap3A_509, %swap3A_510], %swap3A_513 {strides = array<i32>} : memref<64x128xf32, #tpu.memory_space<vmem>>, vector<1x16xf32>,
        %get3A_514 = arith.index_cast %add3A_430 : i32 to index
        %get3A_515 = arith.constant 112 : index
        %get3A_516 = tpu.vector_load %arg11[%get3A_514, %get3A_515] {strides = array<i32>} : memref<64x128xf32, #tpu.memory_space<vmem>>, vector<1x16xf32>,
        %get3A_517 = vector.shape_cast %get3A_516 : vector<1x16xf32> to vector<16xf32>
        %get3A_518 = arith.index_cast %add3A_430 : i32 to index
        %get3A_519 = arith.constant 48 : index
        %get3A_520 = tpu.vector_load %arg12[%get3A_518, %get3A_519] {strides = array<i32>} : memref<64x128xf32, #tpu.memory_space<vmem>>, vector<1x16xf32>,
        %get3A_521 = vector.shape_cast %get3A_520 : vector<1x16xf32> to vector<16xf32>
        %add3A_522 = arith.addf %get3A_517, %get3A_521 : vector<16xf32>
        %mul3A_523 = arith.constant 2.000000e-01 : f32
        %mul3A_524 = vector.broadcast %mul3A_523 : f32 to vector<16xf32>
        %mul3A_525 = arith.mulf %mul3A_524, %add3A_522 : vector<16xf32>
        %max3A_526 = arith.maximumf %add3A_522, %mul3A_525 : vector<16xf32>
        %exp3A_527 = math.exp %max3A_526 : vector<16xf32>
        %swap3A_528 = arith.index_cast %add3A_430 : i32 to index
        %swap3A_529 = arith.constant 112 : index
        %swap3A_530 = tpu.vector_load %arg11[%swap3A_528, %swap3A_529] {strides = array<i32>} : memref<64x128xf32, #tpu.memory_space<vmem>>, vector<1x16xf32>,
        %swap3A_531 = vector.shape_cast %swap3A_530 : vector<1x16xf32> to vector<16xf32>
        %swap3A_532 = vector.shape_cast %exp3A_527 : vector<16xf32> to vector<1x16xf32>
        tpu.vector_store %arg11[%swap3A_528, %swap3A_529], %swap3A_532 {strides = array<i32>} : memref<64x128xf32, #tpu.memory_space<vmem>>, vector<1x16xf32>,
        %get3A_533 = arith.index_cast %add3A_430 : i32 to index
        %get3A_534 = arith.constant 48 : index
        %get3A_535 = tpu.vector_load %arg11[%get3A_533, %get3A_534] {strides = array<i32>} : memref<64x128xf32, #tpu.memory_space<vmem>>, vector<1x16xf32>,
        %get3A_536 = vector.shape_cast %get3A_535 : vector<1x16xf32> to vector<16xf32>
        %mul3A_537 = arith.mulf %get3A_536, %exp3A_527 : vector<16xf32>
        %swap3A_538 = arith.index_cast %add3A_430 : i32 to index
        %swap3A_539 = arith.constant 48 : index
        %swap3A_540 = tpu.vector_load %arg11[%swap3A_538, %swap3A_539] {strides = array<i32>} : memref<64x128xf32, #tpu.memory_space<vmem>>, vector<1x16xf32>,
        %swap3A_541 = vector.shape_cast %swap3A_540 : vector<1x16xf32> to vector<16xf32>
        %swap3A_542 = vector.shape_cast %mul3A_537 : vector<16xf32> to vector<1x16xf32>
        tpu.vector_store %arg11[%swap3A_538, %swap3A_539], %swap3A_542 {strides = array<i32>} : memref<64x128xf32, #tpu.memory_space<vmem>>, vector<1x16xf32>,
      }
      %scan3A_331 = arith.constant 64 : i32
      %dma_start3A_332 = arith.constant 5 : i32
      %dma_start3A_333 = arith.constant 0 : i32
      %dma_start3A_334 = tpu.memref_slice %arg8[%dma_start3A_332, %dma_start3A_333] : memref<8x64xi32, #tpu.memory_space<vmem>> -> memref<1x64xi32, #tpu.memory_space<vmem>>
      %dma_start3A_335 = tpu.memref_squeeze %dma_start3A_334 : memref<1x64xi32, #tpu.memory_space<vmem>> -> memref<64xi32, #tpu.memory_space<vmem>>
      %dma_start3A_336 = arith.constant 0 : i32
      %dma_start3A_337 = arith.constant 0 : i32
      %dma_start3A_338 = tpu.memref_slice %arg13[%dma_start3A_336, %dma_start3A_337] : memref<10112x128xf32, #tpu.memory_space<vmem_shared>> -> memref<10112x128xf32, #tpu.memory_space<vmem_shared>>
      tpu.enqueue_indirect_dma source(%arg11 : memref<64x128xf32, #tpu.memory_space<vmem>>) target(%dma_start3A_338 : memref<10112x128xf32, #tpu.memory_space<vmem_shared>>) offsets(%dma_start3A_335 : memref<64xi32, #tpu.memory_space<vmem>>) semaphore(%arg17 : memref<!tpu.dma_semaphore, #tpu.memory_space<semaphore_mem>>) {add = true}
      %dma_wait3A_339 = arith.constant 6 : i32
      %dma_wait3A_340 = arith.constant 0 : i32
      %dma_wait3A_341 = tpu.memref_slice %arg7[%dma_wait3A_339, %dma_wait3A_340] : memref<8x64xi32, #tpu.memory_space<vmem>> -> memref<1x64xi32, #tpu.memory_space<vmem>>
      %dma_wait3A_342 = tpu.memref_squeeze %dma_wait3A_341 : memref<1x64xi32, #tpu.memory_space<vmem>> -> memref<64xi32, #tpu.memory_space<vmem>>
      %dma_wait3A_343 = arith.constant 0 : i32
      %dma_wait3A_344 = arith.constant 0 : i32
      %dma_wait3A_345 = tpu.memref_slice %arg2[%dma_wait3A_343, %dma_wait3A_344] : memref<10112x128xf32, #tpu.memory_space<hbm>> -> memref<10112x128xf32, #tpu.memory_space<hbm>>
      tpu.wait_indirect_dma semaphore(%arg14 : memref<!tpu.dma_semaphore, #tpu.memory_space<semaphore_mem>>) src(%dma_wait3A_345 : memref<10112x128xf32, #tpu.memory_space<hbm>>) dst(%arg9 : memref<64x128xf32, #tpu.memory_space<vmem>>)
      %dma_wait3A_346 = arith.constant 6 : i32
      %dma_wait3A_347 = arith.constant 0 : i32
      %dma_wait3A_348 = tpu.memref_slice %arg8[%dma_wait3A_346, %dma_wait3A_347] : memref<8x64xi32, #tpu.memory_space<vmem>> -> memref<1x64xi32, #tpu.memory_space<vmem>>
      %dma_wait3A_349 = tpu.memref_squeeze %dma_wait3A_348 : memref<1x64xi32, #tpu.memory_space<vmem>> -> memref<64xi32, #tpu.memory_space<vmem>>
      %dma_wait3A_350 = arith.constant 0 : i32
      %dma_wait3A_351 = arith.constant 0 : i32
      %dma_wait3A_352 = tpu.memref_slice %arg3[%dma_wait3A_350, %dma_wait3A_351] : memref<10112x128xf32, #tpu.memory_space<hbm>> -> memref<10112x128xf32, #tpu.memory_space<hbm>>
      tpu.wait_indirect_dma semaphore(%arg15 : memref<!tpu.dma_semaphore, #tpu.memory_space<semaphore_mem>>) src(%dma_wait3A_352 : memref<10112x128xf32, #tpu.memory_space<hbm>>) dst(%arg10 : memref<64x128xf32, #tpu.memory_space<vmem>>)
      %dma_wait3A_353 = arith.constant 5 : i32
      %dma_wait3A_354 = arith.constant 0 : i32
      %dma_wait3A_355 = tpu.memref_slice %arg8[%dma_wait3A_353, %dma_wait3A_354] : memref<8x64xi32, #tpu.memory_space<vmem>> -> memref<1x64xi32, #tpu.memory_space<vmem>>
      %dma_wait3A_356 = tpu.memref_squeeze %dma_wait3A_355 : memref<1x64xi32, #tpu.memory_space<vmem>> -> memref<64xi32, #tpu.memory_space<vmem>>
      %dma_wait3A_357 = arith.constant 0 : i32
      %dma_wait3A_358 = arith.constant 0 : i32
      %dma_wait3A_359 = tpu.memref_slice %arg13[%dma_wait3A_357, %dma_wait3A_358] : memref<10112x128xf32, #tpu.memory_space<vmem_shared>> -> memref<10112x128xf32, #tpu.memory_space<vmem_shared>>
      tpu.wait_indirect_dma semaphore(%arg17 : memref<!tpu.dma_semaphore, #tpu.memory_space<semaphore_mem>>) src(%arg11 : memref<64x128xf32, #tpu.memory_space<vmem>>) dst(%dma_wait3A_359 : memref<10112x128xf32, #tpu.memory_space<vmem_shared>>)
      %dma_start3A_360 = arith.constant 7 : i32
      %dma_start3A_361 = arith.constant 0 : i32
      %dma_start3A_362 = tpu.memref_slice %arg7[%dma_start3A_360, %dma_start3A_361] : memref<8x64xi32, #tpu.memory_space<vmem>> -> memref<1x64xi32, #tpu.memory_space<vmem>>
      %dma_start3A_363 = tpu.memref_squeeze %dma_start3A_362 : memref<1x64xi32, #tpu.memory_space<vmem>> -> memref<64xi32, #tpu.memory_space<vmem>>
      %dma_start3A_364 = arith.constant 0 : i32
      %dma_start3A_365 = arith.constant 0 : i32
      %dma_start3A_366 = tpu.memref_slice %arg2[%dma_start3A_364, %dma_start3A_365] : memref<10112x128xf32, #tpu.memory_space<hbm>> -> memref<10112x128xf32, #tpu.memory_space<hbm>>
      tpu.enqueue_indirect_dma source(%dma_start3A_366 : memref<10112x128xf32, #tpu.memory_space<hbm>>) target(%arg11 : memref<64x128xf32, #tpu.memory_space<vmem>>) offsets(%dma_start3A_363 : memref<64xi32, #tpu.memory_space<vmem>>) semaphore(%arg14 : memref<!tpu.dma_semaphore, #tpu.memory_space<semaphore_mem>>)
      %dma_start3A_367 = arith.constant 7 : i32
      %dma_start3A_368 = arith.constant 0 : i32
      %dma_start3A_369 = tpu.memref_slice %arg8[%dma_start3A_367, %dma_start3A_368] : memref<8x64xi32, #tpu.memory_space<vmem>> -> memref<1x64xi32, #tpu.memory_space<vmem>>
      %dma_start3A_370 = tpu.memref_squeeze %dma_start3A_369 : memref<1x64xi32, #tpu.memory_space<vmem>> -> memref<64xi32, #tpu.memory_space<vmem>>
      %dma_start3A_371 = arith.constant 0 : i32
      %dma_start3A_372 = arith.constant 0 : i32
      %dma_start3A_373 = tpu.memref_slice %arg3[%dma_start3A_371, %dma_start3A_372] : memref<10112x128xf32, #tpu.memory_space<hbm>> -> memref<10112x128xf32, #tpu.memory_space<hbm>>
      tpu.enqueue_indirect_dma source(%dma_start3A_373 : memref<10112x128xf32, #tpu.memory_space<hbm>>) target(%arg12 : memref<64x128xf32, #tpu.memory_space<vmem>>) offsets(%dma_start3A_370 : memref<64xi32, #tpu.memory_space<vmem>>) semaphore(%arg15 : memref<!tpu.dma_semaphore, #tpu.memory_space<semaphore_mem>>)
      %scan3A_374 = arith.constant 0 : i32
      %scan3A_375 = arith.constant 64 : i32
      %scan3A_376 = arith.addi %scan3A_374, %scan3A_375 : i32
      %scan3A_377 = arith.constant 1 : i32
      scf.for %scan3A_426 = %scan3A_374 to %scan3A_376 step %scan3A_377  : i32 {
        %mul3A_427 = arith.constant 1 : i32
        %mul3A_428 = arith.muli %scan3A_426, %mul3A_427 : i32
        %add3A_429 = arith.constant 0 : i32
        %add3A_430 = arith.addi %add3A_429, %mul3A_428 : i32
        %get3A = arith.index_cast %add3A_430 : i32 to index
        %get3A_431 = arith.constant 64 : index
        %get3A_432 = tpu.vector_load %arg9[%get3A, %get3A_431] {strides = array<i32>} : memref<64x128xf32, #tpu.memory_space<vmem>>, vector<1x16xf32>,
        %get3A_433 = vector.shape_cast %get3A_432 : vector<1x16xf32> to vector<16xf32>
        %get3A_434 = arith.index_cast %add3A_430 : i32 to index
        %get3A_435 = arith.constant 0 : index
        %get3A_436 = tpu.vector_load %arg10[%get3A_434, %get3A_435] {strides = array<i32>} : memref<64x128xf32, #tpu.memory_space<vmem>>, vector<1x16xf32>,
        %get3A_437 = vector.shape_cast %get3A_436 : vector<1x16xf32> to vector<16xf32>
        %add3A_438 = arith.addf %get3A_433, %get3A_437 : vector<16xf32>
        %mul3A_439 = arith.constant 2.000000e-01 : f32
        %mul3A_440 = vector.broadcast %mul3A_439 : f32 to vector<16xf32>
        %mul3A_441 = arith.mulf %mul3A_440, %add3A_438 : vector<16xf32>
        %max3A = arith.maximumf %add3A_438, %mul3A_441 : vector<16xf32>
        %exp3A = math.exp %max3A : vector<16xf32>
        %swap3A = arith.index_cast %add3A_430 : i32 to index
        %swap3A_442 = arith.constant 64 : index
        %swap3A_443 = tpu.vector_load %arg9[%swap3A, %swap3A_442] {strides = array<i32>} : memref<64x128xf32, #tpu.memory_space<vmem>>, vector<1x16xf32>,
        %swap3A_444 = vector.shape_cast %swap3A_443 : vector<1x16xf32> to vector<16xf32>
        %swap3A_445 = vector.shape_cast %exp3A : vector<16xf32> to vector<1x16xf32>
        tpu.vector_store %arg9[%swap3A, %swap3A_442], %swap3A_445 {strides = array<i32>} : memref<64x128xf32, #tpu.memory_space<vmem>>, vector<1x16xf32>,
        %get3A_446 = arith.index_cast %add3A_430 : i32 to index
        %get3A_447 = arith.constant 0 : index
        %get3A_448 = tpu.vector_load %arg9[%get3A_446, %get3A_447] {strides = array<i32>} : memref<64x128xf32, #tpu.memory_space<vmem>>, vector<1x16xf32>,
        %get3A_449 = vector.shape_cast %get3A_448 : vector<1x16xf32> to vector<16xf32>
        %mul3A_450 = arith.mulf %get3A_449, %exp3A : vector<16xf32>
        %swap3A_451 = arith.index_cast %add3A_430 : i32 to index
        %swap3A_452 = arith.constant 0 : index
        %swap3A_453 = tpu.vector_load %arg9[%swap3A_451, %swap3A_452] {strides = array<i32>} : memref<64x128xf32, #tpu.memory_space<vmem>>, vector<1x16xf32>,
        %swap3A_454 = vector.shape_cast %swap3A_453 : vector<1x16xf32> to vector<16xf32>
        %swap3A_455 = vector.shape_cast %mul3A_450 : vector<16xf32> to vector<1x16xf32>
        tpu.vector_store %arg9[%swap3A_451, %swap3A_452], %swap3A_455 {strides = array<i32>} : memref<64x128xf32, #tpu.memory_space<vmem>>, vector<1x16xf32>,
        %get3A_456 = arith.index_cast %add3A_430 : i32 to index
        %get3A_457 = arith.constant 80 : index
        %get3A_458 = tpu.vector_load %arg9[%get3A_456, %get3A_457] {strides = array<i32>} : memref<64x128xf32, #tpu.memory_space<vmem>>, vector<1x16xf32>,
        %get3A_459 = vector.shape_cast %get3A_458 : vector<1x16xf32> to vector<16xf32>
        %get3A_460 = arith.index_cast %add3A_430 : i32 to index
        %get3A_461 = arith.constant 16 : index
        %get3A_462 = tpu.vector_load %arg10[%get3A_460, %get3A_461] {strides = array<i32>} : memref<64x128xf32, #tpu.memory_space<vmem>>, vector<1x16xf32>,
        %get3A_463 = vector.shape_cast %get3A_462 : vector<1x16xf32> to vector<16xf32>
        %add3A_464 = arith.addf %get3A_459, %get3A_463 : vector<16xf32>
        %mul3A_465 = arith.constant 2.000000e-01 : f32
        %mul3A_466 = vector.broadcast %mul3A_465 : f32 to vector<16xf32>
        %mul3A_467 = arith.mulf %mul3A_466, %add3A_464 : vector<16xf32>
        %max3A_468 = arith.maximumf %add3A_464, %mul3A_467 : vector<16xf32>
        %exp3A_469 = math.exp %max3A_468 : vector<16xf32>
        %swap3A_470 = arith.index_cast %add3A_430 : i32 to index
        %swap3A_471 = arith.constant 80 : index
        %swap3A_472 = tpu.vector_load %arg9[%swap3A_470, %swap3A_471] {strides = array<i32>} : memref<64x128xf32, #tpu.memory_space<vmem>>, vector<1x16xf32>,
        %swap3A_473 = vector.shape_cast %swap3A_472 : vector<1x16xf32> to vector<16xf32>
        %swap3A_474 = vector.shape_cast %exp3A_469 : vector<16xf32> to vector<1x16xf32>
        tpu.vector_store %arg9[%swap3A_470, %swap3A_471], %swap3A_474 {strides = array<i32>} : memref<64x128xf32, #tpu.memory_space<vmem>>, vector<1x16xf32>,
        %get3A_475 = arith.index_cast %add3A_430 : i32 to index
        %get3A_476 = arith.constant 16 : index
        %get3A_477 = tpu.vector_load %arg9[%get3A_475, %get3A_476] {strides = array<i32>} : memref<64x128xf32, #tpu.memory_space<vmem>>, vector<1x16xf32>,
        %get3A_478 = vector.shape_cast %get3A_477 : vector<1x16xf32> to vector<16xf32>
        %mul3A_479 = arith.mulf %get3A_478, %exp3A_469 : vector<16xf32>
        %swap3A_480 = arith.index_cast %add3A_430 : i32 to index
        %swap3A_481 = arith.constant 16 : index
        %swap3A_482 = tpu.vector_load %arg9[%swap3A_480, %swap3A_481] {strides = array<i32>} : memref<64x128xf32, #tpu.memory_space<vmem>>, vector<1x16xf32>,
        %swap3A_483 = vector.shape_cast %swap3A_482 : vector<1x16xf32> to vector<16xf32>
        %swap3A_484 = vector.shape_cast %mul3A_479 : vector<16xf32> to vector<1x16xf32>
        tpu.vector_store %arg9[%swap3A_480, %swap3A_481], %swap3A_484 {strides = array<i32>} : memref<64x128xf32, #tpu.memory_space<vmem>>, vector<1x16xf32>,
        %get3A_485 = arith.index_cast %add3A_430 : i32 to index
        %get3A_486 = arith.constant 96 : index
        %get3A_487 = tpu.vector_load %arg9[%get3A_485, %get3A_486] {strides = array<i32>} : memref<64x128xf32, #tpu.memory_space<vmem>>, vector<1x16xf32>,
        %get3A_488 = vector.shape_cast %get3A_487 : vector<1x16xf32> to vector<16xf32>
        %get3A_489 = arith.index_cast %add3A_430 : i32 to index
        %get3A_490 = arith.constant 32 : index
        %get3A_491 = tpu.vector_load %arg10[%get3A_489, %get3A_490] {strides = array<i32>} : memref<64x128xf32, #tpu.memory_space<vmem>>, vector<1x16xf32>,
        %get3A_492 = vector.shape_cast %get3A_491 : vector<1x16xf32> to vector<16xf32>
        %add3A_493 = arith.addf %get3A_488, %get3A_492 : vector<16xf32>
        %mul3A_494 = arith.constant 2.000000e-01 : f32
        %mul3A_495 = vector.broadcast %mul3A_494 : f32 to vector<16xf32>
        %mul3A_496 = arith.mulf %mul3A_495, %add3A_493 : vector<16xf32>
        %max3A_497 = arith.maximumf %add3A_493, %mul3A_496 : vector<16xf32>
        %exp3A_498 = math.exp %max3A_497 : vector<16xf32>
        %swap3A_499 = arith.index_cast %add3A_430 : i32 to index
        %swap3A_500 = arith.constant 96 : index
        %swap3A_501 = tpu.vector_load %arg9[%swap3A_499, %swap3A_500] {strides = array<i32>} : memref<64x128xf32, #tpu.memory_space<vmem>>, vector<1x16xf32>,
        %swap3A_502 = vector.shape_cast %swap3A_501 : vector<1x16xf32> to vector<16xf32>
        %swap3A_503 = vector.shape_cast %exp3A_498 : vector<16xf32> to vector<1x16xf32>
        tpu.vector_store %arg9[%swap3A_499, %swap3A_500], %swap3A_503 {strides = array<i32>} : memref<64x128xf32, #tpu.memory_space<vmem>>, vector<1x16xf32>,
        %get3A_504 = arith.index_cast %add3A_430 : i32 to index
        %get3A_505 = arith.constant 32 : index
        %get3A_506 = tpu.vector_load %arg9[%get3A_504, %get3A_505] {strides = array<i32>} : memref<64x128xf32, #tpu.memory_space<vmem>>, vector<1x16xf32>,
        %get3A_507 = vector.shape_cast %get3A_506 : vector<1x16xf32> to vector<16xf32>
        %mul3A_508 = arith.mulf %get3A_507, %exp3A_498 : vector<16xf32>
        %swap3A_509 = arith.index_cast %add3A_430 : i32 to index
        %swap3A_510 = arith.constant 32 : index
        %swap3A_511 = tpu.vector_load %arg9[%swap3A_509, %swap3A_510] {strides = array<i32>} : memref<64x128xf32, #tpu.memory_space<vmem>>, vector<1x16xf32>,
        %swap3A_512 = vector.shape_cast %swap3A_511 : vector<1x16xf32> to vector<16xf32>
        %swap3A_513 = vector.shape_cast %mul3A_508 : vector<16xf32> to vector<1x16xf32>
        tpu.vector_store %arg9[%swap3A_509, %swap3A_510], %swap3A_513 {strides = array<i32>} : memref<64x128xf32, #tpu.memory_space<vmem>>, vector<1x16xf32>,
        %get3A_514 = arith.index_cast %add3A_430 : i32 to index
        %get3A_515 = arith.constant 112 : index
        %get3A_516 = tpu.vector_load %arg9[%get3A_514, %get3A_515] {strides = array<i32>} : memref<64x128xf32, #tpu.memory_space<vmem>>, vector<1x16xf32>,
        %get3A_517 = vector.shape_cast %get3A_516 : vector<1x16xf32> to vector<16xf32>
        %get3A_518 = arith.index_cast %add3A_430 : i32 to index
        %get3A_519 = arith.constant 48 : index
        %get3A_520 = tpu.vector_load %arg10[%get3A_518, %get3A_519] {strides = array<i32>} : memref<64x128xf32, #tpu.memory_space<vmem>>, vector<1x16xf32>,
        %get3A_521 = vector.shape_cast %get3A_520 : vector<1x16xf32> to vector<16xf32>
        %add3A_522 = arith.addf %get3A_517, %get3A_521 : vector<16xf32>
        %mul3A_523 = arith.constant 2.000000e-01 : f32
        %mul3A_524 = vector.broadcast %mul3A_523 : f32 to vector<16xf32>
        %mul3A_525 = arith.mulf %mul3A_524, %add3A_522 : vector<16xf32>
        %max3A_526 = arith.maximumf %add3A_522, %mul3A_525 : vector<16xf32>
        %exp3A_527 = math.exp %max3A_526 : vector<16xf32>
        %swap3A_528 = arith.index_cast %add3A_430 : i32 to index
        %swap3A_529 = arith.constant 112 : index
        %swap3A_530 = tpu.vector_load %arg9[%swap3A_528, %swap3A_529] {strides = array<i32>} : memref<64x128xf32, #tpu.memory_space<vmem>>, vector<1x16xf32>,
        %swap3A_531 = vector.shape_cast %swap3A_530 : vector<1x16xf32> to vector<16xf32>
        %swap3A_532 = vector.shape_cast %exp3A_527 : vector<16xf32> to vector<1x16xf32>
        tpu.vector_store %arg9[%swap3A_528, %swap3A_529], %swap3A_532 {strides = array<i32>} : memref<64x128xf32, #tpu.memory_space<vmem>>, vector<1x16xf32>,
        %get3A_533 = arith.index_cast %add3A_430 : i32 to index
        %get3A_534 = arith.constant 48 : index
        %get3A_535 = tpu.vector_load %arg9[%get3A_533, %get3A_534] {strides = array<i32>} : memref<64x128xf32, #tpu.memory_space<vmem>>, vector<1x16xf32>,
        %get3A_536 = vector.shape_cast %get3A_535 : vector<1x16xf32> to vector<16xf32>
        %mul3A_537 = arith.mulf %get3A_536, %exp3A_527 : vector<16xf32>
        %swap3A_538 = arith.index_cast %add3A_430 : i32 to index
        %swap3A_539 = arith.constant 48 : index
        %swap3A_540 = tpu.vector_load %arg9[%swap3A_538, %swap3A_539] {strides = array<i32>} : memref<64x128xf32, #tpu.memory_space<vmem>>, vector<1x16xf32>,
        %swap3A_541 = vector.shape_cast %swap3A_540 : vector<1x16xf32> to vector<16xf32>
        %swap3A_542 = vector.shape_cast %mul3A_537 : vector<16xf32> to vector<1x16xf32>
        tpu.vector_store %arg9[%swap3A_538, %swap3A_539], %swap3A_542 {strides = array<i32>} : memref<64x128xf32, #tpu.memory_space<vmem>>, vector<1x16xf32>,
      }
      %scan3A_378 = arith.constant 64 : i32
      %dma_start3A_379 = arith.constant 6 : i32
      %dma_start3A_380 = arith.constant 0 : i32
      %dma_start3A_381 = tpu.memref_slice %arg8[%dma_start3A_379, %dma_start3A_380] : memref<8x64xi32, #tpu.memory_space<vmem>> -> memref<1x64xi32, #tpu.memory_space<vmem>>
      %dma_start3A_382 = tpu.memref_squeeze %dma_start3A_381 : memref<1x64xi32, #tpu.memory_space<vmem>> -> memref<64xi32, #tpu.memory_space<vmem>>
      %dma_start3A_383 = arith.constant 0 : i32
      %dma_start3A_384 = arith.constant 0 : i32
      %dma_start3A_385 = tpu.memref_slice %arg13[%dma_start3A_383, %dma_start3A_384] : memref<10112x128xf32, #tpu.memory_space<vmem_shared>> -> memref<10112x128xf32, #tpu.memory_space<vmem_shared>>
      tpu.enqueue_indirect_dma source(%arg9 : memref<64x128xf32, #tpu.memory_space<vmem>>) target(%dma_start3A_385 : memref<10112x128xf32, #tpu.memory_space<vmem_shared>>) offsets(%dma_start3A_382 : memref<64xi32, #tpu.memory_space<vmem>>) semaphore(%arg16 : memref<!tpu.dma_semaphore, #tpu.memory_space<semaphore_mem>>) {add = true}
      %dma_wait3A_386 = arith.constant 7 : i32
      %dma_wait3A_387 = arith.constant 0 : i32
      %dma_wait3A_388 = tpu.memref_slice %arg7[%dma_wait3A_386, %dma_wait3A_387] : memref<8x64xi32, #tpu.memory_space<vmem>> -> memref<1x64xi32, #tpu.memory_space<vmem>>
      %dma_wait3A_389 = tpu.memref_squeeze %dma_wait3A_388 : memref<1x64xi32, #tpu.memory_space<vmem>> -> memref<64xi32, #tpu.memory_space<vmem>>
      %dma_wait3A_390 = arith.constant 0 : i32
      %dma_wait3A_391 = arith.constant 0 : i32
      %dma_wait3A_392 = tpu.memref_slice %arg2[%dma_wait3A_390, %dma_wait3A_391] : memref<10112x128xf32, #tpu.memory_space<hbm>> -> memref<10112x128xf32, #tpu.memory_space<hbm>>
      tpu.wait_indirect_dma semaphore(%arg14 : memref<!tpu.dma_semaphore, #tpu.memory_space<semaphore_mem>>) src(%dma_wait3A_392 : memref<10112x128xf32, #tpu.memory_space<hbm>>) dst(%arg11 : memref<64x128xf32, #tpu.memory_space<vmem>>)
      %dma_wait3A_393 = arith.constant 7 : i32
      %dma_wait3A_394 = arith.constant 0 : i32
      %dma_wait3A_395 = tpu.memref_slice %arg8[%dma_wait3A_393, %dma_wait3A_394] : memref<8x64xi32, #tpu.memory_space<vmem>> -> memref<1x64xi32, #tpu.memory_space<vmem>>
      %dma_wait3A_396 = tpu.memref_squeeze %dma_wait3A_395 : memref<1x64xi32, #tpu.memory_space<vmem>> -> memref<64xi32, #tpu.memory_space<vmem>>
      %dma_wait3A_397 = arith.constant 0 : i32
      %dma_wait3A_398 = arith.constant 0 : i32
      %dma_wait3A_399 = tpu.memref_slice %arg3[%dma_wait3A_397, %dma_wait3A_398] : memref<10112x128xf32, #tpu.memory_space<hbm>> -> memref<10112x128xf32, #tpu.memory_space<hbm>>
      tpu.wait_indirect_dma semaphore(%arg15 : memref<!tpu.dma_semaphore, #tpu.memory_space<semaphore_mem>>) src(%dma_wait3A_399 : memref<10112x128xf32, #tpu.memory_space<hbm>>) dst(%arg12 : memref<64x128xf32, #tpu.memory_space<vmem>>)
      %scan3A_400 = arith.constant 0 : i32
      %scan3A_401 = arith.constant 64 : i32
      %scan3A_402 = arith.addi %scan3A_400, %scan3A_401 : i32
      %scan3A_403 = arith.constant 1 : i32
      scf.for %scan3A_426 = %scan3A_400 to %scan3A_402 step %scan3A_403  : i32 {
        %mul3A_427 = arith.constant 1 : i32
        %mul3A_428 = arith.muli %scan3A_426, %mul3A_427 : i32
        %add3A_429 = arith.constant 0 : i32
        %add3A_430 = arith.addi %add3A_429, %mul3A_428 : i32
        %get3A = arith.index_cast %add3A_430 : i32 to index
        %get3A_431 = arith.constant 64 : index
        %get3A_432 = tpu.vector_load %arg11[%get3A, %get3A_431] {strides = array<i32>} : memref<64x128xf32, #tpu.memory_space<vmem>>, vector<1x16xf32>,
        %get3A_433 = vector.shape_cast %get3A_432 : vector<1x16xf32> to vector<16xf32>
        %get3A_434 = arith.index_cast %add3A_430 : i32 to index
        %get3A_435 = arith.constant 0 : index
        %get3A_436 = tpu.vector_load %arg12[%get3A_434, %get3A_435] {strides = array<i32>} : memref<64x128xf32, #tpu.memory_space<vmem>>, vector<1x16xf32>,
        %get3A_437 = vector.shape_cast %get3A_436 : vector<1x16xf32> to vector<16xf32>
        %add3A_438 = arith.addf %get3A_433, %get3A_437 : vector<16xf32>
        %mul3A_439 = arith.constant 2.000000e-01 : f32
        %mul3A_440 = vector.broadcast %mul3A_439 : f32 to vector<16xf32>
        %mul3A_441 = arith.mulf %mul3A_440, %add3A_438 : vector<16xf32>
        %max3A = arith.maximumf %add3A_438, %mul3A_441 : vector<16xf32>
        %exp3A = math.exp %max3A : vector<16xf32>
        %swap3A = arith.index_cast %add3A_430 : i32 to index
        %swap3A_442 = arith.constant 64 : index
        %swap3A_443 = tpu.vector_load %arg11[%swap3A, %swap3A_442] {strides = array<i32>} : memref<64x128xf32, #tpu.memory_space<vmem>>, vector<1x16xf32>,
        %swap3A_444 = vector.shape_cast %swap3A_443 : vector<1x16xf32> to vector<16xf32>
        %swap3A_445 = vector.shape_cast %exp3A : vector<16xf32> to vector<1x16xf32>
        tpu.vector_store %arg11[%swap3A, %swap3A_442], %swap3A_445 {strides = array<i32>} : memref<64x128xf32, #tpu.memory_space<vmem>>, vector<1x16xf32>,
        %get3A_446 = arith.index_cast %add3A_430 : i32 to index
        %get3A_447 = arith.constant 0 : index
        %get3A_448 = tpu.vector_load %arg11[%get3A_446, %get3A_447] {strides = array<i32>} : memref<64x128xf32, #tpu.memory_space<vmem>>, vector<1x16xf32>,
        %get3A_449 = vector.shape_cast %get3A_448 : vector<1x16xf32> to vector<16xf32>
        %mul3A_450 = arith.mulf %get3A_449, %exp3A : vector<16xf32>
        %swap3A_451 = arith.index_cast %add3A_430 : i32 to index
        %swap3A_452 = arith.constant 0 : index
        %swap3A_453 = tpu.vector_load %arg11[%swap3A_451, %swap3A_452] {strides = array<i32>} : memref<64x128xf32, #tpu.memory_space<vmem>>, vector<1x16xf32>,
        %swap3A_454 = vector.shape_cast %swap3A_453 : vector<1x16xf32> to vector<16xf32>
        %swap3A_455 = vector.shape_cast %mul3A_450 : vector<16xf32> to vector<1x16xf32>
        tpu.vector_store %arg11[%swap3A_451, %swap3A_452], %swap3A_455 {strides = array<i32>} : memref<64x128xf32, #tpu.memory_space<vmem>>, vector<1x16xf32>,
        %get3A_456 = arith.index_cast %add3A_430 : i32 to index
        %get3A_457 = arith.constant 80 : index
        %get3A_458 = tpu.vector_load %arg11[%get3A_456, %get3A_457] {strides = array<i32>} : memref<64x128xf32, #tpu.memory_space<vmem>>, vector<1x16xf32>,
        %get3A_459 = vector.shape_cast %get3A_458 : vector<1x16xf32> to vector<16xf32>
        %get3A_460 = arith.index_cast %add3A_430 : i32 to index
        %get3A_461 = arith.constant 16 : index
        %get3A_462 = tpu.vector_load %arg12[%get3A_460, %get3A_461] {strides = array<i32>} : memref<64x128xf32, #tpu.memory_space<vmem>>, vector<1x16xf32>,
        %get3A_463 = vector.shape_cast %get3A_462 : vector<1x16xf32> to vector<16xf32>
        %add3A_464 = arith.addf %get3A_459, %get3A_463 : vector<16xf32>
        %mul3A_465 = arith.constant 2.000000e-01 : f32
        %mul3A_466 = vector.broadcast %mul3A_465 : f32 to vector<16xf32>
        %mul3A_467 = arith.mulf %mul3A_466, %add3A_464 : vector<16xf32>
        %max3A_468 = arith.maximumf %add3A_464, %mul3A_467 : vector<16xf32>
        %exp3A_469 = math.exp %max3A_468 : vector<16xf32>
        %swap3A_470 = arith.index_cast %add3A_430 : i32 to index
        %swap3A_471 = arith.constant 80 : index
        %swap3A_472 = tpu.vector_load %arg11[%swap3A_470, %swap3A_471] {strides = array<i32>} : memref<64x128xf32, #tpu.memory_space<vmem>>, vector<1x16xf32>,
        %swap3A_473 = vector.shape_cast %swap3A_472 : vector<1x16xf32> to vector<16xf32>
        %swap3A_474 = vector.shape_cast %exp3A_469 : vector<16xf32> to vector<1x16xf32>
        tpu.vector_store %arg11[%swap3A_470, %swap3A_471], %swap3A_474 {strides = array<i32>} : memref<64x128xf32, #tpu.memory_space<vmem>>, vector<1x16xf32>,
        %get3A_475 = arith.index_cast %add3A_430 : i32 to index
        %get3A_476 = arith.constant 16 : index
        %get3A_477 = tpu.vector_load %arg11[%get3A_475, %get3A_476] {strides = array<i32>} : memref<64x128xf32, #tpu.memory_space<vmem>>, vector<1x16xf32>,
        %get3A_478 = vector.shape_cast %get3A_477 : vector<1x16xf32> to vector<16xf32>
        %mul3A_479 = arith.mulf %get3A_478, %exp3A_469 : vector<16xf32>
        %swap3A_480 = arith.index_cast %add3A_430 : i32 to index
        %swap3A_481 = arith.constant 16 : index
        %swap3A_482 = tpu.vector_load %arg11[%swap3A_480, %swap3A_481] {strides = array<i32>} : memref<64x128xf32, #tpu.memory_space<vmem>>, vector<1x16xf32>,
        %swap3A_483 = vector.shape_cast %swap3A_482 : vector<1x16xf32> to vector<16xf32>
        %swap3A_484 = vector.shape_cast %mul3A_479 : vector<16xf32> to vector<1x16xf32>
        tpu.vector_store %arg11[%swap3A_480, %swap3A_481], %swap3A_484 {strides = array<i32>} : memref<64x128xf32, #tpu.memory_space<vmem>>, vector<1x16xf32>,
        %get3A_485 = arith.index_cast %add3A_430 : i32 to index
        %get3A_486 = arith.constant 96 : index
        %get3A_487 = tpu.vector_load %arg11[%get3A_485, %get3A_486] {strides = array<i32>} : memref<64x128xf32, #tpu.memory_space<vmem>>, vector<1x16xf32>,
        %get3A_488 = vector.shape_cast %get3A_487 : vector<1x16xf32> to vector<16xf32>
        %get3A_489 = arith.index_cast %add3A_430 : i32 to index
        %get3A_490 = arith.constant 32 : index
        %get3A_491 = tpu.vector_load %arg12[%get3A_489, %get3A_490] {strides = array<i32>} : memref<64x128xf32, #tpu.memory_space<vmem>>, vector<1x16xf32>,
        %get3A_492 = vector.shape_cast %get3A_491 : vector<1x16xf32> to vector<16xf32>
        %add3A_493 = arith.addf %get3A_488, %get3A_492 : vector<16xf32>
        %mul3A_494 = arith.constant 2.000000e-01 : f32
        %mul3A_495 = vector.broadcast %mul3A_494 : f32 to vector<16xf32>
        %mul3A_496 = arith.mulf %mul3A_495, %add3A_493 : vector<16xf32>
        %max3A_497 = arith.maximumf %add3A_493, %mul3A_496 : vector<16xf32>
        %exp3A_498 = math.exp %max3A_497 : vector<16xf32>
        %swap3A_499 = arith.index_cast %add3A_430 : i32 to index
        %swap3A_500 = arith.constant 96 : index
        %swap3A_501 = tpu.vector_load %arg11[%swap3A_499, %swap3A_500] {strides = array<i32>} : memref<64x128xf32, #tpu.memory_space<vmem>>, vector<1x16xf32>,
        %swap3A_502 = vector.shape_cast %swap3A_501 : vector<1x16xf32> to vector<16xf32>
        %swap3A_503 = vector.shape_cast %exp3A_498 : vector<16xf32> to vector<1x16xf32>
        tpu.vector_store %arg11[%swap3A_499, %swap3A_500], %swap3A_503 {strides = array<i32>} : memref<64x128xf32, #tpu.memory_space<vmem>>, vector<1x16xf32>,
        %get3A_504 = arith.index_cast %add3A_430 : i32 to index
        %get3A_505 = arith.constant 32 : index
        %get3A_506 = tpu.vector_load %arg11[%get3A_504, %get3A_505] {strides = array<i32>} : memref<64x128xf32, #tpu.memory_space<vmem>>, vector<1x16xf32>,
        %get3A_507 = vector.shape_cast %get3A_506 : vector<1x16xf32> to vector<16xf32>
        %mul3A_508 = arith.mulf %get3A_507, %exp3A_498 : vector<16xf32>
        %swap3A_509 = arith.index_cast %add3A_430 : i32 to index
        %swap3A_510 = arith.constant 32 : index
        %swap3A_511 = tpu.vector_load %arg11[%swap3A_509, %swap3A_510] {strides = array<i32>} : memref<64x128xf32, #tpu.memory_space<vmem>>, vector<1x16xf32>,
        %swap3A_512 = vector.shape_cast %swap3A_511 : vector<1x16xf32> to vector<16xf32>
        %swap3A_513 = vector.shape_cast %mul3A_508 : vector<16xf32> to vector<1x16xf32>
        tpu.vector_store %arg11[%swap3A_509, %swap3A_510], %swap3A_513 {strides = array<i32>} : memref<64x128xf32, #tpu.memory_space<vmem>>, vector<1x16xf32>,
        %get3A_514 = arith.index_cast %add3A_430 : i32 to index
        %get3A_515 = arith.constant 112 : index
        %get3A_516 = tpu.vector_load %arg11[%get3A_514, %get3A_515] {strides = array<i32>} : memref<64x128xf32, #tpu.memory_space<vmem>>, vector<1x16xf32>,
        %get3A_517 = vector.shape_cast %get3A_516 : vector<1x16xf32> to vector<16xf32>
        %get3A_518 = arith.index_cast %add3A_430 : i32 to index
        %get3A_519 = arith.constant 48 : index
        %get3A_520 = tpu.vector_load %arg12[%get3A_518, %get3A_519] {strides = array<i32>} : memref<64x128xf32, #tpu.memory_space<vmem>>, vector<1x16xf32>,
        %get3A_521 = vector.shape_cast %get3A_520 : vector<1x16xf32> to vector<16xf32>
        %add3A_522 = arith.addf %get3A_517, %get3A_521 : vector<16xf32>
        %mul3A_523 = arith.constant 2.000000e-01 : f32
        %mul3A_524 = vector.broadcast %mul3A_523 : f32 to vector<16xf32>
        %mul3A_525 = arith.mulf %mul3A_524, %add3A_522 : vector<16xf32>
        %max3A_526 = arith.maximumf %add3A_522, %mul3A_525 : vector<16xf32>
        %exp3A_527 = math.exp %max3A_526 : vector<16xf32>
        %swap3A_528 = arith.index_cast %add3A_430 : i32 to index
        %swap3A_529 = arith.constant 112 : index
        %swap3A_530 = tpu.vector_load %arg11[%swap3A_528, %swap3A_529] {strides = array<i32>} : memref<64x128xf32, #tpu.memory_space<vmem>>, vector<1x16xf32>,
        %swap3A_531 = vector.shape_cast %swap3A_530 : vector<1x16xf32> to vector<16xf32>
        %swap3A_532 = vector.shape_cast %exp3A_527 : vector<16xf32> to vector<1x16xf32>
        tpu.vector_store %arg11[%swap3A_528, %swap3A_529], %swap3A_532 {strides = array<i32>} : memref<64x128xf32, #tpu.memory_space<vmem>>, vector<1x16xf32>,
        %get3A_533 = arith.index_cast %add3A_430 : i32 to index
        %get3A_534 = arith.constant 48 : index
        %get3A_535 = tpu.vector_load %arg11[%get3A_533, %get3A_534] {strides = array<i32>} : memref<64x128xf32, #tpu.memory_space<vmem>>, vector<1x16xf32>,
        %get3A_536 = vector.shape_cast %get3A_535 : vector<1x16xf32> to vector<16xf32>
        %mul3A_537 = arith.mulf %get3A_536, %exp3A_527 : vector<16xf32>
        %swap3A_538 = arith.index_cast %add3A_430 : i32 to index
        %swap3A_539 = arith.constant 48 : index
        %swap3A_540 = tpu.vector_load %arg11[%swap3A_538, %swap3A_539] {strides = array<i32>} : memref<64x128xf32, #tpu.memory_space<vmem>>, vector<1x16xf32>,
        %swap3A_541 = vector.shape_cast %swap3A_540 : vector<1x16xf32> to vector<16xf32>
        %swap3A_542 = vector.shape_cast %mul3A_537 : vector<16xf32> to vector<1x16xf32>
        tpu.vector_store %arg11[%swap3A_538, %swap3A_539], %swap3A_542 {strides = array<i32>} : memref<64x128xf32, #tpu.memory_space<vmem>>, vector<1x16xf32>,
      }
      %scan3A_404 = arith.constant 64 : i32
      %dma_start3A_405 = arith.constant 7 : i32
      %dma_start3A_406 = arith.constant 0 : i32
      %dma_start3A_407 = tpu.memref_slice %arg8[%dma_start3A_405, %dma_start3A_406] : memref<8x64xi32, #tpu.memory_space<vmem>> -> memref<1x64xi32, #tpu.memory_space<vmem>>
      %dma_start3A_408 = tpu.memref_squeeze %dma_start3A_407 : memref<1x64xi32, #tpu.memory_space<vmem>> -> memref<64xi32, #tpu.memory_space<vmem>>
      %dma_start3A_409 = arith.constant 0 : i32
      %dma_start3A_410 = arith.constant 0 : i32
      %dma_start3A_411 = tpu.memref_slice %arg13[%dma_start3A_409, %dma_start3A_410] : memref<10112x128xf32, #tpu.memory_space<vmem_shared>> -> memref<10112x128xf32, #tpu.memory_space<vmem_shared>>
      tpu.enqueue_indirect_dma source(%arg11 : memref<64x128xf32, #tpu.memory_space<vmem>>) target(%dma_start3A_411 : memref<10112x128xf32, #tpu.memory_space<vmem_shared>>) offsets(%dma_start3A_408 : memref<64xi32, #tpu.memory_space<vmem>>) semaphore(%arg17 : memref<!tpu.dma_semaphore, #tpu.memory_space<semaphore_mem>>) {add = true}
      %dma_wait3A_412 = arith.constant 6 : i32
      %dma_wait3A_413 = arith.constant 0 : i32
      %dma_wait3A_414 = tpu.memref_slice %arg8[%dma_wait3A_412, %dma_wait3A_413] : memref<8x64xi32, #tpu.memory_space<vmem>> -> memref<1x64xi32, #tpu.memory_space<vmem>>
      %dma_wait3A_415 = tpu.memref_squeeze %dma_wait3A_414 : memref<1x64xi32, #tpu.memory_space<vmem>> -> memref<64xi32, #tpu.memory_space<vmem>>
      %dma_wait3A_416 = arith.constant 0 : i32
      %dma_wait3A_417 = arith.constant 0 : i32
      %dma_wait3A_418 = tpu.memref_slice %arg13[%dma_wait3A_416, %dma_wait3A_417] : memref<10112x128xf32, #tpu.memory_space<vmem_shared>> -> memref<10112x128xf32, #tpu.memory_space<vmem_shared>>
      tpu.wait_indirect_dma semaphore(%arg16 : memref<!tpu.dma_semaphore, #tpu.memory_space<semaphore_mem>>) src(%arg9 : memref<64x128xf32, #tpu.memory_space<vmem>>) dst(%dma_wait3A_418 : memref<10112x128xf32, #tpu.memory_space<vmem_shared>>)
      %dma_wait3A_419 = arith.constant 7 : i32
      %dma_wait3A_420 = arith.constant 0 : i32
      %dma_wait3A_421 = tpu.memref_slice %arg8[%dma_wait3A_419, %dma_wait3A_420] : memref<8x64xi32, #tpu.memory_space<vmem>> -> memref<1x64xi32, #tpu.memory_space<vmem>>
      %dma_wait3A_422 = tpu.memref_squeeze %dma_wait3A_421 : memref<1x64xi32, #tpu.memory_space<vmem>> -> memref<64xi32, #tpu.memory_space<vmem>>
      %dma_wait3A_423 = arith.constant 0 : i32
      %dma_wait3A_424 = arith.constant 0 : i32
      %dma_wait3A_425 = tpu.memref_slice %arg13[%dma_wait3A_423, %dma_wait3A_424] : memref<10112x128xf32, #tpu.memory_space<vmem_shared>> -> memref<10112x128xf32, #tpu.memory_space<vmem_shared>>
      tpu.wait_indirect_dma semaphore(%arg17 : memref<!tpu.dma_semaphore, #tpu.memory_space<semaphore_mem>>) src(%arg11 : memref<64x128xf32, #tpu.memory_space<vmem>>) dst(%dma_wait3A_425 : memref<10112x128xf32, #tpu.memory_space<vmem_shared>>)
    }
    %scan3A_32 = arith.constant 21 : i32
    %barrier3A_33 = arith.constant 0 : index
    tpu.barrier barrier_id(%barrier3A_33)
    %add3A_34 = arith.constant 0 : i32
    %add3A_35 = arith.addi %mul3A_7, %add3A_34 : i32
    %add3A_36 = arith.constant 0 : i32
    %add3A_37 = arith.addi %mul3A_7, %add3A_36 : i32
    "tpu.region"() ({
      %run_scoped3A = tpu.sem_alloc : memref<!tpu.dma_semaphore, #tpu.memory_space<semaphore_mem>>
      %dma_start3A = arith.constant 0 : i32
      %dma_start3A_42 = tpu.memref_slice %arg6[%arg0, %add3A_37, %dma_start3A] : memref<2x10112x128xf32, #tpu.memory_space<hbm>> -> memref<1x512x128xf32, #tpu.memory_space<hbm>>
      %dma_start3A_43 = tpu.memref_squeeze %dma_start3A_42 : memref<1x512x128xf32, #tpu.memory_space<hbm>> -> memref<512x128xf32, #tpu.memory_space<hbm>>
      %dma_start3A_44 = arith.constant 0 : i32
      %dma_start3A_45 = tpu.memref_slice %arg13[%add3A_35, %dma_start3A_44] : memref<10112x128xf32, #tpu.memory_space<vmem_shared>> -> memref<512x128xf32, #tpu.memory_space<vmem_shared>>
      tpu.enqueue_dma source(%dma_start3A_45 : memref<512x128xf32, #tpu.memory_space<vmem_shared>>) target(%dma_start3A_43 : memref<512x128xf32, #tpu.memory_space<hbm>>) target_semaphore(%run_scoped3A : memref<!tpu.dma_semaphore, #tpu.memory_space<semaphore_mem>>)
      %dma_wait3A = arith.constant 0 : i32
      %dma_wait3A_46 = tpu.memref_slice %arg6[%arg0, %add3A_37, %dma_wait3A] : memref<2x10112x128xf32, #tpu.memory_space<hbm>> -> memref<1x512x128xf32, #tpu.memory_space<hbm>>
      %dma_wait3A_47 = tpu.memref_squeeze %dma_wait3A_46 : memref<1x512x128xf32, #tpu.memory_space<hbm>> -> memref<512x128xf32, #tpu.memory_space<hbm>>
      %dma_wait3A_48 = arith.constant 0 : i32
      %dma_wait3A_49 = tpu.memref_slice %arg13[%add3A_35, %dma_wait3A_48] : memref<10112x128xf32, #tpu.memory_space<vmem_shared>> -> memref<512x128xf32, #tpu.memory_space<vmem_shared>>
      tpu.wait_dma2 semaphore(%run_scoped3A : memref<!tpu.dma_semaphore, #tpu.memory_space<semaphore_mem>>) src(%dma_wait3A_49 : memref<512x128xf32, #tpu.memory_space<vmem_shared>>) dst(%dma_wait3A_47 : memref<512x128xf32, #tpu.memory_space<hbm>>)
      tpu.yield
    }) : () -> ()
    %add3A_38 = arith.constant 512 : i32
    %add3A_39 = arith.addi %mul3A_7, %add3A_38 : i32
    %add3A_40 = arith.constant 512 : i32
    %add3A_41 = arith.addi %mul3A_7, %add3A_40 : i32
    "tpu.region"() ({
      %run_scoped3A = tpu.sem_alloc : memref<!tpu.dma_semaphore, #tpu.memory_space<semaphore_mem>>
      %dma_start3A = arith.constant 0 : i32
      %dma_start3A_42 = tpu.memref_slice %arg6[%arg0, %add3A_41, %dma_start3A] : memref<2x10112x128xf32, #tpu.memory_space<hbm>> -> memref<1x120x128xf32, #tpu.memory_space<hbm>>
      %dma_start3A_43 = tpu.memref_squeeze %dma_start3A_42 : memref<1x120x128xf32, #tpu.memory_space<hbm>> -> memref<120x128xf32, #tpu.memory_space<hbm>>
      %dma_start3A_44 = arith.constant 0 : i32
      %dma_start3A_45 = tpu.memref_slice %arg13[%add3A_39, %dma_start3A_44] : memref<10112x128xf32, #tpu.memory_space<vmem_shared>> -> memref<120x128xf32, #tpu.memory_space<vmem_shared>>
      tpu.enqueue_dma source(%dma_start3A_45 : memref<120x128xf32, #tpu.memory_space<vmem_shared>>) target(%dma_start3A_43 : memref<120x128xf32, #tpu.memory_space<hbm>>) target_semaphore(%run_scoped3A : memref<!tpu.dma_semaphore, #tpu.memory_space<semaphore_mem>>)
      %dma_wait3A = arith.constant 0 : i32
      %dma_wait3A_46 = tpu.memref_slice %arg6[%arg0, %add3A_41, %dma_wait3A] : memref<2x10112x128xf32, #tpu.memory_space<hbm>> -> memref<1x120x128xf32, #tpu.memory_space<hbm>>
      %dma_wait3A_47 = tpu.memref_squeeze %dma_wait3A_46 : memref<1x120x128xf32, #tpu.memory_space<hbm>> -> memref<120x128xf32, #tpu.memory_space<hbm>>
      %dma_wait3A_48 = arith.constant 0 : i32
      %dma_wait3A_49 = tpu.memref_slice %arg13[%add3A_39, %dma_wait3A_48] : memref<10112x128xf32, #tpu.memory_space<vmem_shared>> -> memref<120x128xf32, #tpu.memory_space<vmem_shared>>
      tpu.wait_dma2 semaphore(%run_scoped3A : memref<!tpu.dma_semaphore, #tpu.memory_space<semaphore_mem>>) src(%dma_wait3A_49 : memref<120x128xf32, #tpu.memory_space<vmem_shared>>) dst(%dma_wait3A_47 : memref<120x128xf32, #tpu.memory_space<hbm>>)
      tpu.yield
    }) : () -> ()
    return
  }
}

#map = affine_map<(d0, d1) -> (0, 0)>
#map1 = affine_map<(d0, d1) -> (0, 0, 0)>
module attributes {stable_mosaic.version = 14 : i64} {
  func.func @edge_kernel(%arg0: i32, %arg1: i32, %arg2: memref<10112x128xf32, #tpu.memory_space<hbm>>, %arg3: memref<10112x128xf32, #tpu.memory_space<hbm>>, %arg4: memref<5376x64xi32, #tpu.memory_space<hbm>>, %arg5: memref<5376x64xi32, #tpu.memory_space<hbm>>, %arg6: memref<2x10112x128xf32, #tpu.memory_space<hbm>>, %arg7: memref<8x64xi32, #tpu.memory_space<vmem>>, %arg8: memref<8x64xi32, #tpu.memory_space<vmem>>, %arg9: memref<64x128xf32, #tpu.memory_space<vmem>>, %arg10: memref<64x128xf32, #tpu.memory_space<vmem>>, %arg11: memref<64x128xf32, #tpu.memory_space<vmem>>, %arg12: memref<64x128xf32, #tpu.memory_space<vmem>>, %arg13: memref<10112x128xf32, #tpu.memory_space<vmem_shared>>, %arg14: memref<!tpu.dma_semaphore, #tpu.memory_space<semaphore_mem>>, %arg15: memref<!tpu.dma_semaphore, #tpu.memory_space<semaphore_mem>>, %arg16: memref<!tpu.dma_semaphore, #tpu.memory_space<semaphore_mem>>, %arg17: memref<!tpu.dma_semaphore, #tpu.memory_space<semaphore_mem>>) attributes {dimension_semantics = [#tpu.dimension_semantics<core_parallel>, #tpu.dimension_semantics<subcore_parallel>], iteration_bounds = array<i64: 2, 16>, scalar_prefetch = 0 : i64, scratch_operands = 11 : i64, tpu.core_type = #tpu.core_type<sc_vector_subcore>, window_params = [{transform_indices = #map}, {transform_indices = #map}, {transform_indices = #map}, {transform_indices = #map}, {transform_indices = #map1}]} {
    %mul3A = arith.constant 2 : i32
    %mul3A_0 = arith.muli %arg1, %mul3A : i32
    %add3A = arith.addi %mul3A_0, %arg0 : i32
    %broadcast_in_dim3A = arith.constant 0.000000e+00 : f32
    %broadcast_in_dim3A_1 = vector.broadcast %broadcast_in_dim3A : f32 to vector<16xf32>
    %scan3A = arith.constant 0 : i32
    %scan3A_2 = arith.constant 64 : i32
    %scan3A_3 = arith.addi %scan3A, %scan3A_2 : i32
    %scan3A_4 = arith.constant 1 : i32
    scf.for %scan3A_42 = %scan3A to %scan3A_3 step %scan3A_4  : i32 {
      %mul3A_43 = arith.constant 1 : i32
      %mul3A_44 = arith.muli %scan3A_42, %mul3A_43 : i32
      %add3A_45 = arith.constant 0 : i32
      %add3A_46 = arith.addi %add3A_45, %mul3A_44 : i32
      %swap3A = arith.index_cast %add3A_46 : i32 to index
      %swap3A_47 = arith.constant 0 : index
      %swap3A_48 = tpu.vector_load %arg9[%swap3A, %swap3A_47] {strides = array<i32>} : memref<64x128xf32, #tpu.memory_space<vmem>>, vector<1x16xf32>,
      %swap3A_49 = vector.shape_cast %swap3A_48 : vector<1x16xf32> to vector<16xf32>
      %swap3A_50 = vector.shape_cast %broadcast_in_dim3A_1 : vector<16xf32> to vector<1x16xf32>
      tpu.vector_store %arg9[%swap3A, %swap3A_47], %swap3A_50 {strides = array<i32>} : memref<64x128xf32, #tpu.memory_space<vmem>>, vector<1x16xf32>,
      %swap3A_51 = arith.index_cast %add3A_46 : i32 to index
      %swap3A_52 = arith.constant 16 : index
      %swap3A_53 = tpu.vector_load %arg9[%swap3A_51, %swap3A_52] {strides = array<i32>} : memref<64x128xf32, #tpu.memory_space<vmem>>, vector<1x16xf32>,
      %swap3A_54 = vector.shape_cast %swap3A_53 : vector<1x16xf32> to vector<16xf32>
      %swap3A_55 = vector.shape_cast %broadcast_in_dim3A_1 : vector<16xf32> to vector<1x16xf32>
      tpu.vector_store %arg9[%swap3A_51, %swap3A_52], %swap3A_55 {strides = array<i32>} : memref<64x128xf32, #tpu.memory_space<vmem>>, vector<1x16xf32>,
      %swap3A_56 = arith.index_cast %add3A_46 : i32 to index
      %swap3A_57 = arith.constant 32 : index
      %swap3A_58 = tpu.vector_load %arg9[%swap3A_56, %swap3A_57] {strides = array<i32>} : memref<64x128xf32, #tpu.memory_space<vmem>>, vector<1x16xf32>,
      %swap3A_59 = vector.shape_cast %swap3A_58 : vector<1x16xf32> to vector<16xf32>
      %swap3A_60 = vector.shape_cast %broadcast_in_dim3A_1 : vector<16xf32> to vector<1x16xf32>
      tpu.vector_store %arg9[%swap3A_56, %swap3A_57], %swap3A_60 {strides = array<i32>} : memref<64x128xf32, #tpu.memory_space<vmem>>, vector<1x16xf32>,
      %swap3A_61 = arith.index_cast %add3A_46 : i32 to index
      %swap3A_62 = arith.constant 48 : index
      %swap3A_63 = tpu.vector_load %arg9[%swap3A_61, %swap3A_62] {strides = array<i32>} : memref<64x128xf32, #tpu.memory_space<vmem>>, vector<1x16xf32>,
      %swap3A_64 = vector.shape_cast %swap3A_63 : vector<1x16xf32> to vector<16xf32>
      %swap3A_65 = vector.shape_cast %broadcast_in_dim3A_1 : vector<16xf32> to vector<1x16xf32>
      tpu.vector_store %arg9[%swap3A_61, %swap3A_62], %swap3A_65 {strides = array<i32>} : memref<64x128xf32, #tpu.memory_space<vmem>>, vector<1x16xf32>,
      %swap3A_66 = arith.index_cast %add3A_46 : i32 to index
      %swap3A_67 = arith.constant 64 : index
      %swap3A_68 = tpu.vector_load %arg9[%swap3A_66, %swap3A_67] {strides = array<i32>} : memref<64x128xf32, #tpu.memory_space<vmem>>, vector<1x16xf32>,
      %swap3A_69 = vector.shape_cast %swap3A_68 : vector<1x16xf32> to vector<16xf32>
      %swap3A_70 = vector.shape_cast %broadcast_in_dim3A_1 : vector<16xf32> to vector<1x16xf32>
      tpu.vector_store %arg9[%swap3A_66, %swap3A_67], %swap3A_70 {strides = array<i32>} : memref<64x128xf32, #tpu.memory_space<vmem>>, vector<1x16xf32>,
      %swap3A_71 = arith.index_cast %add3A_46 : i32 to index
      %swap3A_72 = arith.constant 80 : index
      %swap3A_73 = tpu.vector_load %arg9[%swap3A_71, %swap3A_72] {strides = array<i32>} : memref<64x128xf32, #tpu.memory_space<vmem>>, vector<1x16xf32>,
      %swap3A_74 = vector.shape_cast %swap3A_73 : vector<1x16xf32> to vector<16xf32>
      %swap3A_75 = vector.shape_cast %broadcast_in_dim3A_1 : vector<16xf32> to vector<1x16xf32>
      tpu.vector_store %arg9[%swap3A_71, %swap3A_72], %swap3A_75 {strides = array<i32>} : memref<64x128xf32, #tpu.memory_space<vmem>>, vector<1x16xf32>,
      %swap3A_76 = arith.index_cast %add3A_46 : i32 to index
      %swap3A_77 = arith.constant 96 : index
      %swap3A_78 = tpu.vector_load %arg9[%swap3A_76, %swap3A_77] {strides = array<i32>} : memref<64x128xf32, #tpu.memory_space<vmem>>, vector<1x16xf32>,
      %swap3A_79 = vector.shape_cast %swap3A_78 : vector<1x16xf32> to vector<16xf32>
      %swap3A_80 = vector.shape_cast %broadcast_in_dim3A_1 : vector<16xf32> to vector<1x16xf32>
      tpu.vector_store %arg9[%swap3A_76, %swap3A_77], %swap3A_80 {strides = array<i32>} : memref<64x128xf32, #tpu.memory_space<vmem>>, vector<1x16xf32>,
      %swap3A_81 = arith.index_cast %add3A_46 : i32 to index
      %swap3A_82 = arith.constant 112 : index
      %swap3A_83 = tpu.vector_load %arg9[%swap3A_81, %swap3A_82] {strides = array<i32>} : memref<64x128xf32, #tpu.memory_space<vmem>>, vector<1x16xf32>,
      %swap3A_84 = vector.shape_cast %swap3A_83 : vector<1x16xf32> to vector<16xf32>
      %swap3A_85 = vector.shape_cast %broadcast_in_dim3A_1 : vector<16xf32> to vector<1x16xf32>
      tpu.vector_store %arg9[%swap3A_81, %swap3A_82], %swap3A_85 {strides = array<i32>} : memref<64x128xf32, #tpu.memory_space<vmem>>, vector<1x16xf32>,
    }
    %scan3A_5 = arith.constant 64 : i32
    %mul3A_6 = arith.constant 632 : i32
    %mul3A_7 = arith.muli %arg1, %mul3A_6 : i32
    %add3A_8 = arith.constant 0 : i32
    %add3A_9 = arith.addi %mul3A_7, %add3A_8 : i32
    "tpu.region"() ({
      %run_scoped3A = tpu.sem_alloc : memref<!tpu.dma_semaphore, #tpu.memory_space<semaphore_mem>>
      %dma_start3A = arith.constant 0 : i32
      %dma_start3A_42 = arith.constant 0 : i32
      %dma_start3A_43 = tpu.memref_slice %arg9[%dma_start3A, %dma_start3A_42] : memref<64x128xf32, #tpu.memory_space<vmem>> -> memref<64x128xf32, #tpu.memory_space<vmem>>
      %dma_start3A_44 = arith.constant 0 : i32
      %dma_start3A_45 = tpu.memref_slice %arg13[%add3A_9, %dma_start3A_44] : memref<10112x128xf32, #tpu.memory_space<vmem_shared>> -> memref<64x128xf32, #tpu.memory_space<vmem_shared>>
      %dma_start3A_46 = arith.constant 0 : i32
      %dma_start3A_47 = tpu.memref_slice %arg13[%add3A_9, %dma_start3A_46] : memref<10112x128xf32, #tpu.memory_space<vmem_shared>> -> memref<64x128xf32, #tpu.memory_space<vmem_shared>>
      %dma_start3A_48 = arith.constant 0 : i32
      %dma_start3A_49 = arith.constant 0 : i32
      %dma_start3A_50 = tpu.memref_slice %arg9[%dma_start3A_48, %dma_start3A_49] : memref<64x128xf32, #tpu.memory_space<vmem>> -> memref<64x128xf32, #tpu.memory_space<vmem>>
      tpu.enqueue_dma source(%dma_start3A_50 : memref<64x128xf32, #tpu.memory_space<vmem>>) target(%dma_start3A_47 : memref<64x128xf32, #tpu.memory_space<vmem_shared>>) target_semaphore(%run_scoped3A : memref<!tpu.dma_semaphore, #tpu.memory_space<semaphore_mem>>)
      %dma_wait3A = arith.constant 0 : i32
      %dma_wait3A_51 = arith.constant 0 : i32
      %dma_wait3A_52 = tpu.memref_slice %arg9[%dma_wait3A, %dma_wait3A_51] : memref<64x128xf32, #tpu.memory_space<vmem>> -> memref<64x128xf32, #tpu.memory_space<vmem>>
      %dma_wait3A_53 = arith.constant 0 : i32
      %dma_wait3A_54 = tpu.memref_slice %arg13[%add3A_9, %dma_wait3A_53] : memref<10112x128xf32, #tpu.memory_space<vmem_shared>> -> memref<64x128xf32, #tpu.memory_space<vmem_shared>>
      %dma_wait3A_55 = arith.constant 0 : i32
      %dma_wait3A_56 = tpu.memref_slice %arg13[%add3A_9, %dma_wait3A_55] : memref<10112x128xf32, #tpu.memory_space<vmem_shared>> -> memref<64x128xf32, #tpu.memory_space<vmem_shared>>
      %dma_wait3A_57 = arith.constant 0 : i32
      %dma_wait3A_58 = arith.constant 0 : i32
      %dma_wait3A_59 = tpu.memref_slice %arg9[%dma_wait3A_57, %dma_wait3A_58] : memref<64x128xf32, #tpu.memory_space<vmem>> -> memref<64x128xf32, #tpu.memory_space<vmem>>
      tpu.wait_dma2 semaphore(%run_scoped3A : memref<!tpu.dma_semaphore, #tpu.memory_space<semaphore_mem>>) src(%dma_wait3A_59 : memref<64x128xf32, #tpu.memory_space<vmem>>) dst(%dma_wait3A_56 : memref<64x128xf32, #tpu.memory_space<vmem_shared>>)
      tpu.yield
    }) : () -> ()
    %add3A_10 = arith.constant 64 : i32
    %add3A_11 = arith.addi %mul3A_7, %add3A_10 : i32
    "tpu.region"() ({
      %run_scoped3A = tpu.sem_alloc : memref<!tpu.dma_semaphore, #tpu.memory_space<semaphore_mem>>
      %dma_start3A = arith.constant 0 : i32
      %dma_start3A_42 = arith.constant 0 : i32
      %dma_start3A_43 = tpu.memref_slice %arg9[%dma_start3A, %dma_start3A_42] : memref<64x128xf32, #tpu.memory_space<vmem>> -> memref<64x128xf32, #tpu.memory_space<vmem>>
      %dma_start3A_44 = arith.constant 0 : i32
      %dma_start3A_45 = tpu.memref_slice %arg13[%add3A_11, %dma_start3A_44] : memref<10112x128xf32, #tpu.memory_space<vmem_shared>> -> memref<64x128xf32, #tpu.memory_space<vmem_shared>>
      %dma_start3A_46 = arith.constant 0 : i32
      %dma_start3A_47 = tpu.memref_slice %arg13[%add3A_11, %dma_start3A_46] : memref<10112x128xf32, #tpu.memory_space<vmem_shared>> -> memref<64x128xf32, #tpu.memory_space<vmem_shared>>
      %dma_start3A_48 = arith.constant 0 : i32
      %dma_start3A_49 = arith.constant 0 : i32
      %dma_start3A_50 = tpu.memref_slice %arg9[%dma_start3A_48, %dma_start3A_49] : memref<64x128xf32, #tpu.memory_space<vmem>> -> memref<64x128xf32, #tpu.memory_space<vmem>>
      tpu.enqueue_dma source(%dma_start3A_50 : memref<64x128xf32, #tpu.memory_space<vmem>>) target(%dma_start3A_47 : memref<64x128xf32, #tpu.memory_space<vmem_shared>>) target_semaphore(%run_scoped3A : memref<!tpu.dma_semaphore, #tpu.memory_space<semaphore_mem>>)
      %dma_wait3A = arith.constant 0 : i32
      %dma_wait3A_51 = arith.constant 0 : i32
      %dma_wait3A_52 = tpu.memref_slice %arg9[%dma_wait3A, %dma_wait3A_51] : memref<64x128xf32, #tpu.memory_space<vmem>> -> memref<64x128xf32, #tpu.memory_space<vmem>>
      %dma_wait3A_53 = arith.constant 0 : i32
      %dma_wait3A_54 = tpu.memref_slice %arg13[%add3A_11, %dma_wait3A_53] : memref<10112x128xf32, #tpu.memory_space<vmem_shared>> -> memref<64x128xf32, #tpu.memory_space<vmem_shared>>
      %dma_wait3A_55 = arith.constant 0 : i32
      %dma_wait3A_56 = tpu.memref_slice %arg13[%add3A_11, %dma_wait3A_55] : memref<10112x128xf32, #tpu.memory_space<vmem_shared>> -> memref<64x128xf32, #tpu.memory_space<vmem_shared>>
      %dma_wait3A_57 = arith.constant 0 : i32
      %dma_wait3A_58 = arith.constant 0 : i32
      %dma_wait3A_59 = tpu.memref_slice %arg9[%dma_wait3A_57, %dma_wait3A_58] : memref<64x128xf32, #tpu.memory_space<vmem>> -> memref<64x128xf32, #tpu.memory_space<vmem>>
      tpu.wait_dma2 semaphore(%run_scoped3A : memref<!tpu.dma_semaphore, #tpu.memory_space<semaphore_mem>>) src(%dma_wait3A_59 : memref<64x128xf32, #tpu.memory_space<vmem>>) dst(%dma_wait3A_56 : memref<64x128xf32, #tpu.memory_space<vmem_shared>>)
      tpu.yield
    }) : () -> ()
    %add3A_12 = arith.constant 128 : i32
    %add3A_13 = arith.addi %mul3A_7, %add3A_12 : i32
    "tpu.region"() ({
      %run_scoped3A = tpu.sem_alloc : memref<!tpu.dma_semaphore, #tpu.memory_space<semaphore_mem>>
      %dma_start3A = arith.constant 0 : i32
      %dma_start3A_42 = arith.constant 0 : i32
      %dma_start3A_43 = tpu.memref_slice %arg9[%dma_start3A, %dma_start3A_42] : memref<64x128xf32, #tpu.memory_space<vmem>> -> memref<64x128xf32, #tpu.memory_space<vmem>>
      %dma_start3A_44 = arith.constant 0 : i32
      %dma_start3A_45 = tpu.memref_slice %arg13[%add3A_13, %dma_start3A_44] : memref<10112x128xf32, #tpu.memory_space<vmem_shared>> -> memref<64x128xf32, #tpu.memory_space<vmem_shared>>
      %dma_start3A_46 = arith.constant 0 : i32
      %dma_start3A_47 = tpu.memref_slice %arg13[%add3A_13, %dma_start3A_46] : memref<10112x128xf32, #tpu.memory_space<vmem_shared>> -> memref<64x128xf32, #tpu.memory_space<vmem_shared>>
      %dma_start3A_48 = arith.constant 0 : i32
      %dma_start3A_49 = arith.constant 0 : i32
      %dma_start3A_50 = tpu.memref_slice %arg9[%dma_start3A_48, %dma_start3A_49] : memref<64x128xf32, #tpu.memory_space<vmem>> -> memref<64x128xf32, #tpu.memory_space<vmem>>
      tpu.enqueue_dma source(%dma_start3A_50 : memref<64x128xf32, #tpu.memory_space<vmem>>) target(%dma_start3A_47 : memref<64x128xf32, #tpu.memory_space<vmem_shared>>) target_semaphore(%run_scoped3A : memref<!tpu.dma_semaphore, #tpu.memory_space<semaphore_mem>>)
      %dma_wait3A = arith.constant 0 : i32
      %dma_wait3A_51 = arith.constant 0 : i32
      %dma_wait3A_52 = tpu.memref_slice %arg9[%dma_wait3A, %dma_wait3A_51] : memref<64x128xf32, #tpu.memory_space<vmem>> -> memref<64x128xf32, #tpu.memory_space<vmem>>
      %dma_wait3A_53 = arith.constant 0 : i32
      %dma_wait3A_54 = tpu.memref_slice %arg13[%add3A_13, %dma_wait3A_53] : memref<10112x128xf32, #tpu.memory_space<vmem_shared>> -> memref<64x128xf32, #tpu.memory_space<vmem_shared>>
      %dma_wait3A_55 = arith.constant 0 : i32
      %dma_wait3A_56 = tpu.memref_slice %arg13[%add3A_13, %dma_wait3A_55] : memref<10112x128xf32, #tpu.memory_space<vmem_shared>> -> memref<64x128xf32, #tpu.memory_space<vmem_shared>>
      %dma_wait3A_57 = arith.constant 0 : i32
      %dma_wait3A_58 = arith.constant 0 : i32
      %dma_wait3A_59 = tpu.memref_slice %arg9[%dma_wait3A_57, %dma_wait3A_58] : memref<64x128xf32, #tpu.memory_space<vmem>> -> memref<64x128xf32, #tpu.memory_space<vmem>>
      tpu.wait_dma2 semaphore(%run_scoped3A : memref<!tpu.dma_semaphore, #tpu.memory_space<semaphore_mem>>) src(%dma_wait3A_59 : memref<64x128xf32, #tpu.memory_space<vmem>>) dst(%dma_wait3A_56 : memref<64x128xf32, #tpu.memory_space<vmem_shared>>)
      tpu.yield
    }) : () -> ()
    %add3A_14 = arith.constant 192 : i32
    %add3A_15 = arith.addi %mul3A_7, %add3A_14 : i32
    "tpu.region"() ({
      %run_scoped3A = tpu.sem_alloc : memref<!tpu.dma_semaphore, #tpu.memory_space<semaphore_mem>>
      %dma_start3A = arith.constant 0 : i32
      %dma_start3A_42 = arith.constant 0 : i32
      %dma_start3A_43 = tpu.memref_slice %arg9[%dma_start3A, %dma_start3A_42] : memref<64x128xf32, #tpu.memory_space<vmem>> -> memref<64x128xf32, #tpu.memory_space<vmem>>
      %dma_start3A_44 = arith.constant 0 : i32
      %dma_start3A_45 = tpu.memref_slice %arg13[%add3A_15, %dma_start3A_44] : memref<10112x128xf32, #tpu.memory_space<vmem_shared>> -> memref<64x128xf32, #tpu.memory_space<vmem_shared>>
      %dma_start3A_46 = arith.constant 0 : i32
      %dma_start3A_47 = tpu.memref_slice %arg13[%add3A_15, %dma_start3A_46] : memref<10112x128xf32, #tpu.memory_space<vmem_shared>> -> memref<64x128xf32, #tpu.memory_space<vmem_shared>>
      %dma_start3A_48 = arith.constant 0 : i32
      %dma_start3A_49 = arith.constant 0 : i32
      %dma_start3A_50 = tpu.memref_slice %arg9[%dma_start3A_48, %dma_start3A_49] : memref<64x128xf32, #tpu.memory_space<vmem>> -> memref<64x128xf32, #tpu.memory_space<vmem>>
      tpu.enqueue_dma source(%dma_start3A_50 : memref<64x128xf32, #tpu.memory_space<vmem>>) target(%dma_start3A_47 : memref<64x128xf32, #tpu.memory_space<vmem_shared>>) target_semaphore(%run_scoped3A : memref<!tpu.dma_semaphore, #tpu.memory_space<semaphore_mem>>)
      %dma_wait3A = arith.constant 0 : i32
      %dma_wait3A_51 = arith.constant 0 : i32
      %dma_wait3A_52 = tpu.memref_slice %arg9[%dma_wait3A, %dma_wait3A_51] : memref<64x128xf32, #tpu.memory_space<vmem>> -> memref<64x128xf32, #tpu.memory_space<vmem>>
      %dma_wait3A_53 = arith.constant 0 : i32
      %dma_wait3A_54 = tpu.memref_slice %arg13[%add3A_15, %dma_wait3A_53] : memref<10112x128xf32, #tpu.memory_space<vmem_shared>> -> memref<64x128xf32, #tpu.memory_space<vmem_shared>>
      %dma_wait3A_55 = arith.constant 0 : i32
      %dma_wait3A_56 = tpu.memref_slice %arg13[%add3A_15, %dma_wait3A_55] : memref<10112x128xf32, #tpu.memory_space<vmem_shared>> -> memref<64x128xf32, #tpu.memory_space<vmem_shared>>
      %dma_wait3A_57 = arith.constant 0 : i32
      %dma_wait3A_58 = arith.constant 0 : i32
      %dma_wait3A_59 = tpu.memref_slice %arg9[%dma_wait3A_57, %dma_wait3A_58] : memref<64x128xf32, #tpu.memory_space<vmem>> -> memref<64x128xf32, #tpu.memory_space<vmem>>
      tpu.wait_dma2 semaphore(%run_scoped3A : memref<!tpu.dma_semaphore, #tpu.memory_space<semaphore_mem>>) src(%dma_wait3A_59 : memref<64x128xf32, #tpu.memory_space<vmem>>) dst(%dma_wait3A_56 : memref<64x128xf32, #tpu.memory_space<vmem_shared>>)
      tpu.yield
    }) : () -> ()
    %add3A_16 = arith.constant 256 : i32
    %add3A_17 = arith.addi %mul3A_7, %add3A_16 : i32
    "tpu.region"() ({
      %run_scoped3A = tpu.sem_alloc : memref<!tpu.dma_semaphore, #tpu.memory_space<semaphore_mem>>
      %dma_start3A = arith.constant 0 : i32
      %dma_start3A_42 = arith.constant 0 : i32
      %dma_start3A_43 = tpu.memref_slice %arg9[%dma_start3A, %dma_start3A_42] : memref<64x128xf32, #tpu.memory_space<vmem>> -> memref<64x128xf32, #tpu.memory_space<vmem>>
      %dma_start3A_44 = arith.constant 0 : i32
      %dma_start3A_45 = tpu.memref_slice %arg13[%add3A_17, %dma_start3A_44] : memref<10112x128xf32, #tpu.memory_space<vmem_shared>> -> memref<64x128xf32, #tpu.memory_space<vmem_shared>>
      %dma_start3A_46 = arith.constant 0 : i32
      %dma_start3A_47 = tpu.memref_slice %arg13[%add3A_17, %dma_start3A_46] : memref<10112x128xf32, #tpu.memory_space<vmem_shared>> -> memref<64x128xf32, #tpu.memory_space<vmem_shared>>
      %dma_start3A_48 = arith.constant 0 : i32
      %dma_start3A_49 = arith.constant 0 : i32
      %dma_start3A_50 = tpu.memref_slice %arg9[%dma_start3A_48, %dma_start3A_49] : memref<64x128xf32, #tpu.memory_space<vmem>> -> memref<64x128xf32, #tpu.memory_space<vmem>>
      tpu.enqueue_dma source(%dma_start3A_50 : memref<64x128xf32, #tpu.memory_space<vmem>>) target(%dma_start3A_47 : memref<64x128xf32, #tpu.memory_space<vmem_shared>>) target_semaphore(%run_scoped3A : memref<!tpu.dma_semaphore, #tpu.memory_space<semaphore_mem>>)
      %dma_wait3A = arith.constant 0 : i32
      %dma_wait3A_51 = arith.constant 0 : i32
      %dma_wait3A_52 = tpu.memref_slice %arg9[%dma_wait3A, %dma_wait3A_51] : memref<64x128xf32, #tpu.memory_space<vmem>> -> memref<64x128xf32, #tpu.memory_space<vmem>>
      %dma_wait3A_53 = arith.constant 0 : i32
      %dma_wait3A_54 = tpu.memref_slice %arg13[%add3A_17, %dma_wait3A_53] : memref<10112x128xf32, #tpu.memory_space<vmem_shared>> -> memref<64x128xf32, #tpu.memory_space<vmem_shared>>
      %dma_wait3A_55 = arith.constant 0 : i32
      %dma_wait3A_56 = tpu.memref_slice %arg13[%add3A_17, %dma_wait3A_55] : memref<10112x128xf32, #tpu.memory_space<vmem_shared>> -> memref<64x128xf32, #tpu.memory_space<vmem_shared>>
      %dma_wait3A_57 = arith.constant 0 : i32
      %dma_wait3A_58 = arith.constant 0 : i32
      %dma_wait3A_59 = tpu.memref_slice %arg9[%dma_wait3A_57, %dma_wait3A_58] : memref<64x128xf32, #tpu.memory_space<vmem>> -> memref<64x128xf32, #tpu.memory_space<vmem>>
      tpu.wait_dma2 semaphore(%run_scoped3A : memref<!tpu.dma_semaphore, #tpu.memory_space<semaphore_mem>>) src(%dma_wait3A_59 : memref<64x128xf32, #tpu.memory_space<vmem>>) dst(%dma_wait3A_56 : memref<64x128xf32, #tpu.memory_space<vmem_shared>>)
      tpu.yield
    }) : () -> ()
    %add3A_18 = arith.constant 320 : i32
    %add3A_19 = arith.addi %mul3A_7, %add3A_18 : i32
    "tpu.region"() ({
      %run_scoped3A = tpu.sem_alloc : memref<!tpu.dma_semaphore, #tpu.memory_space<semaphore_mem>>
      %dma_start3A = arith.constant 0 : i32
      %dma_start3A_42 = arith.constant 0 : i32
      %dma_start3A_43 = tpu.memref_slice %arg9[%dma_start3A, %dma_start3A_42] : memref<64x128xf32, #tpu.memory_space<vmem>> -> memref<64x128xf32, #tpu.memory_space<vmem>>
      %dma_start3A_44 = arith.constant 0 : i32
      %dma_start3A_45 = tpu.memref_slice %arg13[%add3A_19, %dma_start3A_44] : memref<10112x128xf32, #tpu.memory_space<vmem_shared>> -> memref<64x128xf32, #tpu.memory_space<vmem_shared>>
      %dma_start3A_46 = arith.constant 0 : i32
      %dma_start3A_47 = tpu.memref_slice %arg13[%add3A_19, %dma_start3A_46] : memref<10112x128xf32, #tpu.memory_space<vmem_shared>> -> memref<64x128xf32, #tpu.memory_space<vmem_shared>>
      %dma_start3A_48 = arith.constant 0 : i32
      %dma_start3A_49 = arith.constant 0 : i32
      %dma_start3A_50 = tpu.memref_slice %arg9[%dma_start3A_48, %dma_start3A_49] : memref<64x128xf32, #tpu.memory_space<vmem>> -> memref<64x128xf32, #tpu.memory_space<vmem>>
      tpu.enqueue_dma source(%dma_start3A_50 : memref<64x128xf32, #tpu.memory_space<vmem>>) target(%dma_start3A_47 : memref<64x128xf32, #tpu.memory_space<vmem_shared>>) target_semaphore(%run_scoped3A : memref<!tpu.dma_semaphore, #tpu.memory_space<semaphore_mem>>)
      %dma_wait3A = arith.constant 0 : i32
      %dma_wait3A_51 = arith.constant 0 : i32
      %dma_wait3A_52 = tpu.memref_slice %arg9[%dma_wait3A, %dma_wait3A_51] : memref<64x128xf32, #tpu.memory_space<vmem>> -> memref<64x128xf32, #tpu.memory_space<vmem>>
      %dma_wait3A_53 = arith.constant 0 : i32
      %dma_wait3A_54 = tpu.memref_slice %arg13[%add3A_19, %dma_wait3A_53] : memref<10112x128xf32, #tpu.memory_space<vmem_shared>> -> memref<64x128xf32, #tpu.memory_space<vmem_shared>>
      %dma_wait3A_55 = arith.constant 0 : i32
      %dma_wait3A_56 = tpu.memref_slice %arg13[%add3A_19, %dma_wait3A_55] : memref<10112x128xf32, #tpu.memory_space<vmem_shared>> -> memref<64x128xf32, #tpu.memory_space<vmem_shared>>
      %dma_wait3A_57 = arith.constant 0 : i32
      %dma_wait3A_58 = arith.constant 0 : i32
      %dma_wait3A_59 = tpu.memref_slice %arg9[%dma_wait3A_57, %dma_wait3A_58] : memref<64x128xf32, #tpu.memory_space<vmem>> -> memref<64x128xf32, #tpu.memory_space<vmem>>
      tpu.wait_dma2 semaphore(%run_scoped3A : memref<!tpu.dma_semaphore, #tpu.memory_space<semaphore_mem>>) src(%dma_wait3A_59 : memref<64x128xf32, #tpu.memory_space<vmem>>) dst(%dma_wait3A_56 : memref<64x128xf32, #tpu.memory_space<vmem_shared>>)
      tpu.yield
    }) : () -> ()
    %add3A_20 = arith.constant 384 : i32
    %add3A_21 = arith.addi %mul3A_7, %add3A_20 : i32
    "tpu.region"() ({
      %run_scoped3A = tpu.sem_alloc : memref<!tpu.dma_semaphore, #tpu.memory_space<semaphore_mem>>
      %dma_start3A = arith.constant 0 : i32
      %dma_start3A_42 = arith.constant 0 : i32
      %dma_start3A_43 = tpu.memref_slice %arg9[%dma_start3A, %dma_start3A_42] : memref<64x128xf32, #tpu.memory_space<vmem>> -> memref<64x128xf32, #tpu.memory_space<vmem>>
      %dma_start3A_44 = arith.constant 0 : i32
      %dma_start3A_45 = tpu.memref_slice %arg13[%add3A_21, %dma_start3A_44] : memref<10112x128xf32, #tpu.memory_space<vmem_shared>> -> memref<64x128xf32, #tpu.memory_space<vmem_shared>>
      %dma_start3A_46 = arith.constant 0 : i32
      %dma_start3A_47 = tpu.memref_slice %arg13[%add3A_21, %dma_start3A_46] : memref<10112x128xf32, #tpu.memory_space<vmem_shared>> -> memref<64x128xf32, #tpu.memory_space<vmem_shared>>
      %dma_start3A_48 = arith.constant 0 : i32
      %dma_start3A_49 = arith.constant 0 : i32
      %dma_start3A_50 = tpu.memref_slice %arg9[%dma_start3A_48, %dma_start3A_49] : memref<64x128xf32, #tpu.memory_space<vmem>> -> memref<64x128xf32, #tpu.memory_space<vmem>>
      tpu.enqueue_dma source(%dma_start3A_50 : memref<64x128xf32, #tpu.memory_space<vmem>>) target(%dma_start3A_47 : memref<64x128xf32, #tpu.memory_space<vmem_shared>>) target_semaphore(%run_scoped3A : memref<!tpu.dma_semaphore, #tpu.memory_space<semaphore_mem>>)
      %dma_wait3A = arith.constant 0 : i32
      %dma_wait3A_51 = arith.constant 0 : i32
      %dma_wait3A_52 = tpu.memref_slice %arg9[%dma_wait3A, %dma_wait3A_51] : memref<64x128xf32, #tpu.memory_space<vmem>> -> memref<64x128xf32, #tpu.memory_space<vmem>>
      %dma_wait3A_53 = arith.constant 0 : i32
      %dma_wait3A_54 = tpu.memref_slice %arg13[%add3A_21, %dma_wait3A_53] : memref<10112x128xf32, #tpu.memory_space<vmem_shared>> -> memref<64x128xf32, #tpu.memory_space<vmem_shared>>
      %dma_wait3A_55 = arith.constant 0 : i32
      %dma_wait3A_56 = tpu.memref_slice %arg13[%add3A_21, %dma_wait3A_55] : memref<10112x128xf32, #tpu.memory_space<vmem_shared>> -> memref<64x128xf32, #tpu.memory_space<vmem_shared>>
      %dma_wait3A_57 = arith.constant 0 : i32
      %dma_wait3A_58 = arith.constant 0 : i32
      %dma_wait3A_59 = tpu.memref_slice %arg9[%dma_wait3A_57, %dma_wait3A_58] : memref<64x128xf32, #tpu.memory_space<vmem>> -> memref<64x128xf32, #tpu.memory_space<vmem>>
      tpu.wait_dma2 semaphore(%run_scoped3A : memref<!tpu.dma_semaphore, #tpu.memory_space<semaphore_mem>>) src(%dma_wait3A_59 : memref<64x128xf32, #tpu.memory_space<vmem>>) dst(%dma_wait3A_56 : memref<64x128xf32, #tpu.memory_space<vmem_shared>>)
      tpu.yield
    }) : () -> ()
    %add3A_22 = arith.constant 448 : i32
    %add3A_23 = arith.addi %mul3A_7, %add3A_22 : i32
    "tpu.region"() ({
      %run_scoped3A = tpu.sem_alloc : memref<!tpu.dma_semaphore, #tpu.memory_space<semaphore_mem>>
      %dma_start3A = arith.constant 0 : i32
      %dma_start3A_42 = arith.constant 0 : i32
      %dma_start3A_43 = tpu.memref_slice %arg9[%dma_start3A, %dma_start3A_42] : memref<64x128xf32, #tpu.memory_space<vmem>> -> memref<64x128xf32, #tpu.memory_space<vmem>>
      %dma_start3A_44 = arith.constant 0 : i32
      %dma_start3A_45 = tpu.memref_slice %arg13[%add3A_23, %dma_start3A_44] : memref<10112x128xf32, #tpu.memory_space<vmem_shared>> -> memref<64x128xf32, #tpu.memory_space<vmem_shared>>
      %dma_start3A_46 = arith.constant 0 : i32
      %dma_start3A_47 = tpu.memref_slice %arg13[%add3A_23, %dma_start3A_46] : memref<10112x128xf32, #tpu.memory_space<vmem_shared>> -> memref<64x128xf32, #tpu.memory_space<vmem_shared>>
      %dma_start3A_48 = arith.constant 0 : i32
      %dma_start3A_49 = arith.constant 0 : i32
      %dma_start3A_50 = tpu.memref_slice %arg9[%dma_start3A_48, %dma_start3A_49] : memref<64x128xf32, #tpu.memory_space<vmem>> -> memref<64x128xf32, #tpu.memory_space<vmem>>
      tpu.enqueue_dma source(%dma_start3A_50 : memref<64x128xf32, #tpu.memory_space<vmem>>) target(%dma_start3A_47 : memref<64x128xf32, #tpu.memory_space<vmem_shared>>) target_semaphore(%run_scoped3A : memref<!tpu.dma_semaphore, #tpu.memory_space<semaphore_mem>>)
      %dma_wait3A = arith.constant 0 : i32
      %dma_wait3A_51 = arith.constant 0 : i32
      %dma_wait3A_52 = tpu.memref_slice %arg9[%dma_wait3A, %dma_wait3A_51] : memref<64x128xf32, #tpu.memory_space<vmem>> -> memref<64x128xf32, #tpu.memory_space<vmem>>
      %dma_wait3A_53 = arith.constant 0 : i32
      %dma_wait3A_54 = tpu.memref_slice %arg13[%add3A_23, %dma_wait3A_53] : memref<10112x128xf32, #tpu.memory_space<vmem_shared>> -> memref<64x128xf32, #tpu.memory_space<vmem_shared>>
      %dma_wait3A_55 = arith.constant 0 : i32
      %dma_wait3A_56 = tpu.memref_slice %arg13[%add3A_23, %dma_wait3A_55] : memref<10112x128xf32, #tpu.memory_space<vmem_shared>> -> memref<64x128xf32, #tpu.memory_space<vmem_shared>>
      %dma_wait3A_57 = arith.constant 0 : i32
      %dma_wait3A_58 = arith.constant 0 : i32
      %dma_wait3A_59 = tpu.memref_slice %arg9[%dma_wait3A_57, %dma_wait3A_58] : memref<64x128xf32, #tpu.memory_space<vmem>> -> memref<64x128xf32, #tpu.memory_space<vmem>>
      tpu.wait_dma2 semaphore(%run_scoped3A : memref<!tpu.dma_semaphore, #tpu.memory_space<semaphore_mem>>) src(%dma_wait3A_59 : memref<64x128xf32, #tpu.memory_space<vmem>>) dst(%dma_wait3A_56 : memref<64x128xf32, #tpu.memory_space<vmem_shared>>)
      tpu.yield
    }) : () -> ()
    %add3A_24 = arith.constant 512 : i32
    %add3A_25 = arith.addi %mul3A_7, %add3A_24 : i32
    "tpu.region"() ({
      %run_scoped3A = tpu.sem_alloc : memref<!tpu.dma_semaphore, #tpu.memory_space<semaphore_mem>>
      %dma_start3A = arith.constant 0 : i32
      %dma_start3A_42 = arith.constant 0 : i32
      %dma_start3A_43 = tpu.memref_slice %arg9[%dma_start3A, %dma_start3A_42] : memref<64x128xf32, #tpu.memory_space<vmem>> -> memref<64x128xf32, #tpu.memory_space<vmem>>
      %dma_start3A_44 = arith.constant 0 : i32
      %dma_start3A_45 = tpu.memref_slice %arg13[%add3A_25, %dma_start3A_44] : memref<10112x128xf32, #tpu.memory_space<vmem_shared>> -> memref<64x128xf32, #tpu.memory_space<vmem_shared>>
      %dma_start3A_46 = arith.constant 0 : i32
      %dma_start3A_47 = tpu.memref_slice %arg13[%add3A_25, %dma_start3A_46] : memref<10112x128xf32, #tpu.memory_space<vmem_shared>> -> memref<64x128xf32, #tpu.memory_space<vmem_shared>>
      %dma_start3A_48 = arith.constant 0 : i32
      %dma_start3A_49 = arith.constant 0 : i32
      %dma_start3A_50 = tpu.memref_slice %arg9[%dma_start3A_48, %dma_start3A_49] : memref<64x128xf32, #tpu.memory_space<vmem>> -> memref<64x128xf32, #tpu.memory_space<vmem>>
      tpu.enqueue_dma source(%dma_start3A_50 : memref<64x128xf32, #tpu.memory_space<vmem>>) target(%dma_start3A_47 : memref<64x128xf32, #tpu.memory_space<vmem_shared>>) target_semaphore(%run_scoped3A : memref<!tpu.dma_semaphore, #tpu.memory_space<semaphore_mem>>)
      %dma_wait3A = arith.constant 0 : i32
      %dma_wait3A_51 = arith.constant 0 : i32
      %dma_wait3A_52 = tpu.memref_slice %arg9[%dma_wait3A, %dma_wait3A_51] : memref<64x128xf32, #tpu.memory_space<vmem>> -> memref<64x128xf32, #tpu.memory_space<vmem>>
      %dma_wait3A_53 = arith.constant 0 : i32
      %dma_wait3A_54 = tpu.memref_slice %arg13[%add3A_25, %dma_wait3A_53] : memref<10112x128xf32, #tpu.memory_space<vmem_shared>> -> memref<64x128xf32, #tpu.memory_space<vmem_shared>>
      %dma_wait3A_55 = arith.constant 0 : i32
      %dma_wait3A_56 = tpu.memref_slice %arg13[%add3A_25, %dma_wait3A_55] : memref<10112x128xf32, #tpu.memory_space<vmem_shared>> -> memref<64x128xf32, #tpu.memory_space<vmem_shared>>
      %dma_wait3A_57 = arith.constant 0 : i32
      %dma_wait3A_58 = arith.constant 0 : i32
      %dma_wait3A_59 = tpu.memref_slice %arg9[%dma_wait3A_57, %dma_wait3A_58] : memref<64x128xf32, #tpu.memory_space<vmem>> -> memref<64x128xf32, #tpu.memory_space<vmem>>
      tpu.wait_dma2 semaphore(%run_scoped3A : memref<!tpu.dma_semaphore, #tpu.memory_space<semaphore_mem>>) src(%dma_wait3A_59 : memref<64x128xf32, #tpu.memory_space<vmem>>) dst(%dma_wait3A_56 : memref<64x128xf32, #tpu.memory_space<vmem_shared>>)
      tpu.yield
    }) : () -> ()
    %add3A_26 = arith.constant 576 : i32
    %add3A_27 = arith.addi %mul3A_7, %add3A_26 : i32
    "tpu.region"() ({
      %run_scoped3A = tpu.sem_alloc : memref<!tpu.dma_semaphore, #tpu.memory_space<semaphore_mem>>
      %dma_start3A = arith.constant 0 : i32
      %dma_start3A_42 = arith.constant 0 : i32
      %dma_start3A_43 = tpu.memref_slice %arg9[%dma_start3A, %dma_start3A_42] : memref<64x128xf32, #tpu.memory_space<vmem>> -> memref<56x128xf32, #tpu.memory_space<vmem>>
      %dma_start3A_44 = arith.constant 0 : i32
      %dma_start3A_45 = tpu.memref_slice %arg13[%add3A_27, %dma_start3A_44] : memref<10112x128xf32, #tpu.memory_space<vmem_shared>> -> memref<56x128xf32, #tpu.memory_space<vmem_shared>>
      %dma_start3A_46 = arith.constant 0 : i32
      %dma_start3A_47 = tpu.memref_slice %arg13[%add3A_27, %dma_start3A_46] : memref<10112x128xf32, #tpu.memory_space<vmem_shared>> -> memref<56x128xf32, #tpu.memory_space<vmem_shared>>
      %dma_start3A_48 = arith.constant 0 : i32
      %dma_start3A_49 = arith.constant 0 : i32
      %dma_start3A_50 = tpu.memref_slice %arg9[%dma_start3A_48, %dma_start3A_49] : memref<64x128xf32, #tpu.memory_space<vmem>> -> memref<56x128xf32, #tpu.memory_space<vmem>>
      tpu.enqueue_dma source(%dma_start3A_50 : memref<56x128xf32, #tpu.memory_space<vmem>>) target(%dma_start3A_47 : memref<56x128xf32, #tpu.memory_space<vmem_shared>>) target_semaphore(%run_scoped3A : memref<!tpu.dma_semaphore, #tpu.memory_space<semaphore_mem>>)
      %dma_wait3A = arith.constant 0 : i32
      %dma_wait3A_51 = arith.constant 0 : i32
      %dma_wait3A_52 = tpu.memref_slice %arg9[%dma_wait3A, %dma_wait3A_51] : memref<64x128xf32, #tpu.memory_space<vmem>> -> memref<56x128xf32, #tpu.memory_space<vmem>>
      %dma_wait3A_53 = arith.constant 0 : i32
      %dma_wait3A_54 = tpu.memref_slice %arg13[%add3A_27, %dma_wait3A_53] : memref<10112x128xf32, #tpu.memory_space<vmem_shared>> -> memref<56x128xf32, #tpu.memory_space<vmem_shared>>
      %dma_wait3A_55 = arith.constant 0 : i32
      %dma_wait3A_56 = tpu.memref_slice %arg13[%add3A_27, %dma_wait3A_55] : memref<10112x128xf32, #tpu.memory_space<vmem_shared>> -> memref<56x128xf32, #tpu.memory_space<vmem_shared>>
      %dma_wait3A_57 = arith.constant 0 : i32
      %dma_wait3A_58 = arith.constant 0 : i32
      %dma_wait3A_59 = tpu.memref_slice %arg9[%dma_wait3A_57, %dma_wait3A_58] : memref<64x128xf32, #tpu.memory_space<vmem>> -> memref<56x128xf32, #tpu.memory_space<vmem>>
      tpu.wait_dma2 semaphore(%run_scoped3A : memref<!tpu.dma_semaphore, #tpu.memory_space<semaphore_mem>>) src(%dma_wait3A_59 : memref<56x128xf32, #tpu.memory_space<vmem>>) dst(%dma_wait3A_56 : memref<56x128xf32, #tpu.memory_space<vmem_shared>>)
      tpu.yield
    }) : () -> ()
    %barrier3A = arith.constant 0 : index
    tpu.barrier barrier_id(%barrier3A)
    %scan3A_28 = arith.constant 0 : i32
    %scan3A_29 = arith.constant 21 : i32
    %scan3A_30 = arith.addi %scan3A_28, %scan3A_29 : i32
    %scan3A_31 = arith.constant 1 : i32
    scf.for %scan3A_42 = %scan3A_28 to %scan3A_30 step %scan3A_31  : i32 {
      %mul3A_43 = arith.constant 1 : i32
      %mul3A_44 = arith.muli %scan3A_42, %mul3A_43 : i32
      %add3A_45 = arith.constant 0 : i32
      %add3A_46 = arith.addi %add3A_45, %mul3A_44 : i32
      %mul3A_47 = arith.constant 168 : i32
      %mul3A_48 = arith.muli %add3A, %mul3A_47 : i32
      %mul3A_49 = arith.constant 8 : i32
      %mul3A_50 = arith.muli %add3A_46, %mul3A_49 : i32
      %add3A_51 = arith.addi %mul3A_48, %mul3A_50 : i32
      "tpu.region"() ({
        %run_scoped3A = tpu.sem_alloc : memref<!tpu.dma_semaphore, #tpu.memory_space<semaphore_mem>>
        %dma_start3A_426 = arith.constant 0 : i32
        %dma_start3A_427 = tpu.memref_slice %arg4[%add3A_51, %dma_start3A_426] : memref<5376x64xi32, #tpu.memory_space<hbm>> -> memref<8x64xi32, #tpu.memory_space<hbm>>
        %dma_start3A_428 = arith.constant 0 : i32
        %dma_start3A_429 = tpu.memref_slice %arg4[%add3A_51, %dma_start3A_428] : memref<5376x64xi32, #tpu.memory_space<hbm>> -> memref<8x64xi32, #tpu.memory_space<hbm>>
        tpu.enqueue_dma source(%dma_start3A_429 : memref<8x64xi32, #tpu.memory_space<hbm>>) target(%arg7 : memref<8x64xi32, #tpu.memory_space<vmem>>) target_semaphore(%run_scoped3A : memref<!tpu.dma_semaphore, #tpu.memory_space<semaphore_mem>>)
        %dma_wait3A_430 = arith.constant 0 : i32
        %dma_wait3A_431 = tpu.memref_slice %arg4[%add3A_51, %dma_wait3A_430] : memref<5376x64xi32, #tpu.memory_space<hbm>> -> memref<8x64xi32, #tpu.memory_space<hbm>>
        %dma_wait3A_432 = arith.constant 0 : i32
        %dma_wait3A_433 = tpu.memref_slice %arg4[%add3A_51, %dma_wait3A_432] : memref<5376x64xi32, #tpu.memory_space<hbm>> -> memref<8x64xi32, #tpu.memory_space<hbm>>
        tpu.wait_dma2 semaphore(%run_scoped3A : memref<!tpu.dma_semaphore, #tpu.memory_space<semaphore_mem>>) src(%dma_wait3A_433 : memref<8x64xi32, #tpu.memory_space<hbm>>) dst(%arg7 : memref<8x64xi32, #tpu.memory_space<vmem>>)
        tpu.yield
      }) : () -> ()
      "tpu.region"() ({
        %run_scoped3A = tpu.sem_alloc : memref<!tpu.dma_semaphore, #tpu.memory_space<semaphore_mem>>
        %dma_start3A_426 = arith.constant 0 : i32
        %dma_start3A_427 = tpu.memref_slice %arg5[%add3A_51, %dma_start3A_426] : memref<5376x64xi32, #tpu.memory_space<hbm>> -> memref<8x64xi32, #tpu.memory_space<hbm>>
        %dma_start3A_428 = arith.constant 0 : i32
        %dma_start3A_429 = tpu.memref_slice %arg5[%add3A_51, %dma_start3A_428] : memref<5376x64xi32, #tpu.memory_space<hbm>> -> memref<8x64xi32, #tpu.memory_space<hbm>>
        tpu.enqueue_dma source(%dma_start3A_429 : memref<8x64xi32, #tpu.memory_space<hbm>>) target(%arg8 : memref<8x64xi32, #tpu.memory_space<vmem>>) target_semaphore(%run_scoped3A : memref<!tpu.dma_semaphore, #tpu.memory_space<semaphore_mem>>)
        %dma_wait3A_430 = arith.constant 0 : i32
        %dma_wait3A_431 = tpu.memref_slice %arg5[%add3A_51, %dma_wait3A_430] : memref<5376x64xi32, #tpu.memory_space<hbm>> -> memref<8x64xi32, #tpu.memory_space<hbm>>
        %dma_wait3A_432 = arith.constant 0 : i32
        %dma_wait3A_433 = tpu.memref_slice %arg5[%add3A_51, %dma_wait3A_432] : memref<5376x64xi32, #tpu.memory_space<hbm>> -> memref<8x64xi32, #tpu.memory_space<hbm>>
        tpu.wait_dma2 semaphore(%run_scoped3A : memref<!tpu.dma_semaphore, #tpu.memory_space<semaphore_mem>>) src(%dma_wait3A_433 : memref<8x64xi32, #tpu.memory_space<hbm>>) dst(%arg8 : memref<8x64xi32, #tpu.memory_space<vmem>>)
        tpu.yield
      }) : () -> ()
      %dma_start3A = arith.constant 0 : i32
      %dma_start3A_52 = arith.constant 0 : i32
      %dma_start3A_53 = tpu.memref_slice %arg7[%dma_start3A, %dma_start3A_52] : memref<8x64xi32, #tpu.memory_space<vmem>> -> memref<1x64xi32, #tpu.memory_space<vmem>>
      %dma_start3A_54 = tpu.memref_squeeze %dma_start3A_53 : memref<1x64xi32, #tpu.memory_space<vmem>> -> memref<64xi32, #tpu.memory_space<vmem>>
      %dma_start3A_55 = arith.constant 0 : i32
      %dma_start3A_56 = arith.constant 0 : i32
      %dma_start3A_57 = tpu.memref_slice %arg2[%dma_start3A_55, %dma_start3A_56] : memref<10112x128xf32, #tpu.memory_space<hbm>> -> memref<10112x128xf32, #tpu.memory_space<hbm>>
      tpu.enqueue_indirect_dma source(%dma_start3A_57 : memref<10112x128xf32, #tpu.memory_space<hbm>>) target(%arg9 : memref<64x128xf32, #tpu.memory_space<vmem>>) offsets(%dma_start3A_54 : memref<64xi32, #tpu.memory_space<vmem>>) semaphore(%arg14 : memref<!tpu.dma_semaphore, #tpu.memory_space<semaphore_mem>>)
      %dma_start3A_58 = arith.constant 0 : i32
      %dma_start3A_59 = arith.constant 0 : i32
      %dma_start3A_60 = tpu.memref_slice %arg8[%dma_start3A_58, %dma_start3A_59] : memref<8x64xi32, #tpu.memory_space<vmem>> -> memref<1x64xi32, #tpu.memory_space<vmem>>
      %dma_start3A_61 = tpu.memref_squeeze %dma_start3A_60 : memref<1x64xi32, #tpu.memory_space<vmem>> -> memref<64xi32, #tpu.memory_space<vmem>>
      %dma_start3A_62 = arith.constant 0 : i32
      %dma_start3A_63 = arith.constant 0 : i32
      %dma_start3A_64 = tpu.memref_slice %arg3[%dma_start3A_62, %dma_start3A_63] : memref<10112x128xf32, #tpu.memory_space<hbm>> -> memref<10112x128xf32, #tpu.memory_space<hbm>>
      tpu.enqueue_indirect_dma source(%dma_start3A_64 : memref<10112x128xf32, #tpu.memory_space<hbm>>) target(%arg10 : memref<64x128xf32, #tpu.memory_space<vmem>>) offsets(%dma_start3A_61 : memref<64xi32, #tpu.memory_space<vmem>>) semaphore(%arg15 : memref<!tpu.dma_semaphore, #tpu.memory_space<semaphore_mem>>)
      %dma_wait3A = arith.constant 0 : i32
      %dma_wait3A_65 = arith.constant 0 : i32
      %dma_wait3A_66 = tpu.memref_slice %arg7[%dma_wait3A, %dma_wait3A_65] : memref<8x64xi32, #tpu.memory_space<vmem>> -> memref<1x64xi32, #tpu.memory_space<vmem>>
      %dma_wait3A_67 = tpu.memref_squeeze %dma_wait3A_66 : memref<1x64xi32, #tpu.memory_space<vmem>> -> memref<64xi32, #tpu.memory_space<vmem>>
      %dma_wait3A_68 = arith.constant 0 : i32
      %dma_wait3A_69 = arith.constant 0 : i32
      %dma_wait3A_70 = tpu.memref_slice %arg2[%dma_wait3A_68, %dma_wait3A_69] : memref<10112x128xf32, #tpu.memory_space<hbm>> -> memref<10112x128xf32, #tpu.memory_space<hbm>>
      tpu.wait_indirect_dma semaphore(%arg14 : memref<!tpu.dma_semaphore, #tpu.memory_space<semaphore_mem>>) src(%dma_wait3A_70 : memref<10112x128xf32, #tpu.memory_space<hbm>>) dst(%arg9 : memref<64x128xf32, #tpu.memory_space<vmem>>)
      %dma_wait3A_71 = arith.constant 0 : i32
      %dma_wait3A_72 = arith.constant 0 : i32
      %dma_wait3A_73 = tpu.memref_slice %arg8[%dma_wait3A_71, %dma_wait3A_72] : memref<8x64xi32, #tpu.memory_space<vmem>> -> memref<1x64xi32, #tpu.memory_space<vmem>>
      %dma_wait3A_74 = tpu.memref_squeeze %dma_wait3A_73 : memref<1x64xi32, #tpu.memory_space<vmem>> -> memref<64xi32, #tpu.memory_space<vmem>>
      %dma_wait3A_75 = arith.constant 0 : i32
      %dma_wait3A_76 = arith.constant 0 : i32
      %dma_wait3A_77 = tpu.memref_slice %arg3[%dma_wait3A_75, %dma_wait3A_76] : memref<10112x128xf32, #tpu.memory_space<hbm>> -> memref<10112x128xf32, #tpu.memory_space<hbm>>
      tpu.wait_indirect_dma semaphore(%arg15 : memref<!tpu.dma_semaphore, #tpu.memory_space<semaphore_mem>>) src(%dma_wait3A_77 : memref<10112x128xf32, #tpu.memory_space<hbm>>) dst(%arg10 : memref<64x128xf32, #tpu.memory_space<vmem>>)
      %dma_start3A_78 = arith.constant 1 : i32
      %dma_start3A_79 = arith.constant 0 : i32
      %dma_start3A_80 = tpu.memref_slice %arg7[%dma_start3A_78, %dma_start3A_79] : memref<8x64xi32, #tpu.memory_space<vmem>> -> memref<1x64xi32, #tpu.memory_space<vmem>>
      %dma_start3A_81 = tpu.memref_squeeze %dma_start3A_80 : memref<1x64xi32, #tpu.memory_space<vmem>> -> memref<64xi32, #tpu.memory_space<vmem>>
      %dma_start3A_82 = arith.constant 0 : i32
      %dma_start3A_83 = arith.constant 0 : i32
      %dma_start3A_84 = tpu.memref_slice %arg2[%dma_start3A_82, %dma_start3A_83] : memref<10112x128xf32, #tpu.memory_space<hbm>> -> memref<10112x128xf32, #tpu.memory_space<hbm>>
      tpu.enqueue_indirect_dma source(%dma_start3A_84 : memref<10112x128xf32, #tpu.memory_space<hbm>>) target(%arg11 : memref<64x128xf32, #tpu.memory_space<vmem>>) offsets(%dma_start3A_81 : memref<64xi32, #tpu.memory_space<vmem>>) semaphore(%arg14 : memref<!tpu.dma_semaphore, #tpu.memory_space<semaphore_mem>>)
      %dma_start3A_85 = arith.constant 1 : i32
      %dma_start3A_86 = arith.constant 0 : i32
      %dma_start3A_87 = tpu.memref_slice %arg8[%dma_start3A_85, %dma_start3A_86] : memref<8x64xi32, #tpu.memory_space<vmem>> -> memref<1x64xi32, #tpu.memory_space<vmem>>
      %dma_start3A_88 = tpu.memref_squeeze %dma_start3A_87 : memref<1x64xi32, #tpu.memory_space<vmem>> -> memref<64xi32, #tpu.memory_space<vmem>>
      %dma_start3A_89 = arith.constant 0 : i32
      %dma_start3A_90 = arith.constant 0 : i32
      %dma_start3A_91 = tpu.memref_slice %arg3[%dma_start3A_89, %dma_start3A_90] : memref<10112x128xf32, #tpu.memory_space<hbm>> -> memref<10112x128xf32, #tpu.memory_space<hbm>>
      tpu.enqueue_indirect_dma source(%dma_start3A_91 : memref<10112x128xf32, #tpu.memory_space<hbm>>) target(%arg12 : memref<64x128xf32, #tpu.memory_space<vmem>>) offsets(%dma_start3A_88 : memref<64xi32, #tpu.memory_space<vmem>>) semaphore(%arg15 : memref<!tpu.dma_semaphore, #tpu.memory_space<semaphore_mem>>)
      %scan3A_92 = arith.constant 0 : i32
      %scan3A_93 = arith.constant 64 : i32
      %scan3A_94 = arith.addi %scan3A_92, %scan3A_93 : i32
      %scan3A_95 = arith.constant 1 : i32
      scf.for %scan3A_426 = %scan3A_92 to %scan3A_94 step %scan3A_95  : i32 {
        %mul3A_427 = arith.constant 1 : i32
        %mul3A_428 = arith.muli %scan3A_426, %mul3A_427 : i32
        %add3A_429 = arith.constant 0 : i32
        %add3A_430 = arith.addi %add3A_429, %mul3A_428 : i32
        %get3A = arith.index_cast %add3A_430 : i32 to index
        %get3A_431 = arith.constant 48 : index
        %get3A_432 = tpu.vector_load %arg9[%get3A, %get3A_431] {strides = array<i32>} : memref<64x128xf32, #tpu.memory_space<vmem>>, vector<1x16xf32>,
        %get3A_433 = vector.shape_cast %get3A_432 : vector<1x16xf32> to vector<16xf32>
        %get3A_434 = arith.index_cast %add3A_430 : i32 to index
        %get3A_435 = arith.constant 0 : index
        %get3A_436 = tpu.vector_load %arg10[%get3A_434, %get3A_435] {strides = array<i32>} : memref<64x128xf32, #tpu.memory_space<vmem>>, vector<1x16xf32>,
        %get3A_437 = vector.shape_cast %get3A_436 : vector<1x16xf32> to vector<16xf32>
        %add3A_438 = arith.addf %get3A_433, %get3A_437 : vector<16xf32>
        %mul3A_439 = arith.constant 2.000000e-01 : f32
        %mul3A_440 = vector.broadcast %mul3A_439 : f32 to vector<16xf32>
        %mul3A_441 = arith.mulf %mul3A_440, %add3A_438 : vector<16xf32>
        %max3A = arith.maximumf %add3A_438, %mul3A_441 : vector<16xf32>
        %exp3A = math.exp %max3A : vector<16xf32>
        %swap3A = arith.index_cast %add3A_430 : i32 to index
        %swap3A_442 = arith.constant 48 : index
        %swap3A_443 = tpu.vector_load %arg9[%swap3A, %swap3A_442] {strides = array<i32>} : memref<64x128xf32, #tpu.memory_space<vmem>>, vector<1x16xf32>,
        %swap3A_444 = vector.shape_cast %swap3A_443 : vector<1x16xf32> to vector<16xf32>
        %swap3A_445 = vector.shape_cast %exp3A : vector<16xf32> to vector<1x16xf32>
        tpu.vector_store %arg9[%swap3A, %swap3A_442], %swap3A_445 {strides = array<i32>} : memref<64x128xf32, #tpu.memory_space<vmem>>, vector<1x16xf32>,
        %get3A_446 = arith.index_cast %add3A_430 : i32 to index
        %get3A_447 = arith.constant 0 : index
        %get3A_448 = tpu.vector_load %arg9[%get3A_446, %get3A_447] {strides = array<i32>} : memref<64x128xf32, #tpu.memory_space<vmem>>, vector<1x16xf32>,
        %get3A_449 = vector.shape_cast %get3A_448 : vector<1x16xf32> to vector<16xf32>
        %mul3A_450 = arith.mulf %get3A_449, %exp3A : vector<16xf32>
        %swap3A_451 = arith.index_cast %add3A_430 : i32 to index
        %swap3A_452 = arith.constant 0 : index
        %swap3A_453 = tpu.vector_load %arg9[%swap3A_451, %swap3A_452] {strides = array<i32>} : memref<64x128xf32, #tpu.memory_space<vmem>>, vector<1x16xf32>,
        %swap3A_454 = vector.shape_cast %swap3A_453 : vector<1x16xf32> to vector<16xf32>
        %swap3A_455 = vector.shape_cast %mul3A_450 : vector<16xf32> to vector<1x16xf32>
        tpu.vector_store %arg9[%swap3A_451, %swap3A_452], %swap3A_455 {strides = array<i32>} : memref<64x128xf32, #tpu.memory_space<vmem>>, vector<1x16xf32>,
        %get3A_456 = arith.index_cast %add3A_430 : i32 to index
        %get3A_457 = arith.constant 16 : index
        %get3A_458 = tpu.vector_load %arg9[%get3A_456, %get3A_457] {strides = array<i32>} : memref<64x128xf32, #tpu.memory_space<vmem>>, vector<1x16xf32>,
        %get3A_459 = vector.shape_cast %get3A_458 : vector<1x16xf32> to vector<16xf32>
        %mul3A_460 = arith.mulf %get3A_459, %exp3A : vector<16xf32>
        %swap3A_461 = arith.index_cast %add3A_430 : i32 to index
        %swap3A_462 = arith.constant 16 : index
        %swap3A_463 = tpu.vector_load %arg9[%swap3A_461, %swap3A_462] {strides = array<i32>} : memref<64x128xf32, #tpu.memory_space<vmem>>, vector<1x16xf32>,
        %swap3A_464 = vector.shape_cast %swap3A_463 : vector<1x16xf32> to vector<16xf32>
        %swap3A_465 = vector.shape_cast %mul3A_460 : vector<16xf32> to vector<1x16xf32>
        tpu.vector_store %arg9[%swap3A_461, %swap3A_462], %swap3A_465 {strides = array<i32>} : memref<64x128xf32, #tpu.memory_space<vmem>>, vector<1x16xf32>,
        %get3A_466 = arith.index_cast %add3A_430 : i32 to index
        %get3A_467 = arith.constant 32 : index
        %get3A_468 = tpu.vector_load %arg9[%get3A_466, %get3A_467] {strides = array<i32>} : memref<64x128xf32, #tpu.memory_space<vmem>>, vector<1x16xf32>,
        %get3A_469 = vector.shape_cast %get3A_468 : vector<1x16xf32> to vector<16xf32>
        %mul3A_470 = arith.mulf %get3A_469, %exp3A : vector<16xf32>
        %swap3A_471 = arith.index_cast %add3A_430 : i32 to index
        %swap3A_472 = arith.constant 32 : index
        %swap3A_473 = tpu.vector_load %arg9[%swap3A_471, %swap3A_472] {strides = array<i32>} : memref<64x128xf32, #tpu.memory_space<vmem>>, vector<1x16xf32>,
        %swap3A_474 = vector.shape_cast %swap3A_473 : vector<1x16xf32> to vector<16xf32>
        %swap3A_475 = vector.shape_cast %mul3A_470 : vector<16xf32> to vector<1x16xf32>
        tpu.vector_store %arg9[%swap3A_471, %swap3A_472], %swap3A_475 {strides = array<i32>} : memref<64x128xf32, #tpu.memory_space<vmem>>, vector<1x16xf32>,
      }
      %scan3A_96 = arith.constant 64 : i32
      %dma_start3A_97 = arith.constant 0 : i32
      %dma_start3A_98 = arith.constant 0 : i32
      %dma_start3A_99 = tpu.memref_slice %arg8[%dma_start3A_97, %dma_start3A_98] : memref<8x64xi32, #tpu.memory_space<vmem>> -> memref<1x64xi32, #tpu.memory_space<vmem>>
      %dma_start3A_100 = tpu.memref_squeeze %dma_start3A_99 : memref<1x64xi32, #tpu.memory_space<vmem>> -> memref<64xi32, #tpu.memory_space<vmem>>
      %dma_start3A_101 = arith.constant 0 : i32
      %dma_start3A_102 = arith.constant 0 : i32
      %dma_start3A_103 = tpu.memref_slice %arg13[%dma_start3A_101, %dma_start3A_102] : memref<10112x128xf32, #tpu.memory_space<vmem_shared>> -> memref<10112x128xf32, #tpu.memory_space<vmem_shared>>
      tpu.enqueue_indirect_dma source(%arg9 : memref<64x128xf32, #tpu.memory_space<vmem>>) target(%dma_start3A_103 : memref<10112x128xf32, #tpu.memory_space<vmem_shared>>) offsets(%dma_start3A_100 : memref<64xi32, #tpu.memory_space<vmem>>) semaphore(%arg16 : memref<!tpu.dma_semaphore, #tpu.memory_space<semaphore_mem>>) {add = true}
      %dma_wait3A_104 = arith.constant 1 : i32
      %dma_wait3A_105 = arith.constant 0 : i32
      %dma_wait3A_106 = tpu.memref_slice %arg7[%dma_wait3A_104, %dma_wait3A_105] : memref<8x64xi32, #tpu.memory_space<vmem>> -> memref<1x64xi32, #tpu.memory_space<vmem>>
      %dma_wait3A_107 = tpu.memref_squeeze %dma_wait3A_106 : memref<1x64xi32, #tpu.memory_space<vmem>> -> memref<64xi32, #tpu.memory_space<vmem>>
      %dma_wait3A_108 = arith.constant 0 : i32
      %dma_wait3A_109 = arith.constant 0 : i32
      %dma_wait3A_110 = tpu.memref_slice %arg2[%dma_wait3A_108, %dma_wait3A_109] : memref<10112x128xf32, #tpu.memory_space<hbm>> -> memref<10112x128xf32, #tpu.memory_space<hbm>>
      tpu.wait_indirect_dma semaphore(%arg14 : memref<!tpu.dma_semaphore, #tpu.memory_space<semaphore_mem>>) src(%dma_wait3A_110 : memref<10112x128xf32, #tpu.memory_space<hbm>>) dst(%arg11 : memref<64x128xf32, #tpu.memory_space<vmem>>)
      %dma_wait3A_111 = arith.constant 1 : i32
      %dma_wait3A_112 = arith.constant 0 : i32
      %dma_wait3A_113 = tpu.memref_slice %arg8[%dma_wait3A_111, %dma_wait3A_112] : memref<8x64xi32, #tpu.memory_space<vmem>> -> memref<1x64xi32, #tpu.memory_space<vmem>>
      %dma_wait3A_114 = tpu.memref_squeeze %dma_wait3A_113 : memref<1x64xi32, #tpu.memory_space<vmem>> -> memref<64xi32, #tpu.memory_space<vmem>>
      %dma_wait3A_115 = arith.constant 0 : i32
      %dma_wait3A_116 = arith.constant 0 : i32
      %dma_wait3A_117 = tpu.memref_slice %arg3[%dma_wait3A_115, %dma_wait3A_116] : memref<10112x128xf32, #tpu.memory_space<hbm>> -> memref<10112x128xf32, #tpu.memory_space<hbm>>
      tpu.wait_indirect_dma semaphore(%arg15 : memref<!tpu.dma_semaphore, #tpu.memory_space<semaphore_mem>>) src(%dma_wait3A_117 : memref<10112x128xf32, #tpu.memory_space<hbm>>) dst(%arg12 : memref<64x128xf32, #tpu.memory_space<vmem>>)
      %dma_wait3A_118 = arith.constant 0 : i32
      %dma_wait3A_119 = arith.constant 0 : i32
      %dma_wait3A_120 = tpu.memref_slice %arg8[%dma_wait3A_118, %dma_wait3A_119] : memref<8x64xi32, #tpu.memory_space<vmem>> -> memref<1x64xi32, #tpu.memory_space<vmem>>
      %dma_wait3A_121 = tpu.memref_squeeze %dma_wait3A_120 : memref<1x64xi32, #tpu.memory_space<vmem>> -> memref<64xi32, #tpu.memory_space<vmem>>
      %dma_wait3A_122 = arith.constant 0 : i32
      %dma_wait3A_123 = arith.constant 0 : i32
      %dma_wait3A_124 = tpu.memref_slice %arg13[%dma_wait3A_122, %dma_wait3A_123] : memref<10112x128xf32, #tpu.memory_space<vmem_shared>> -> memref<10112x128xf32, #tpu.memory_space<vmem_shared>>
      tpu.wait_indirect_dma semaphore(%arg16 : memref<!tpu.dma_semaphore, #tpu.memory_space<semaphore_mem>>) src(%arg9 : memref<64x128xf32, #tpu.memory_space<vmem>>) dst(%dma_wait3A_124 : memref<10112x128xf32, #tpu.memory_space<vmem_shared>>)
      %dma_start3A_125 = arith.constant 2 : i32
      %dma_start3A_126 = arith.constant 0 : i32
      %dma_start3A_127 = tpu.memref_slice %arg7[%dma_start3A_125, %dma_start3A_126] : memref<8x64xi32, #tpu.memory_space<vmem>> -> memref<1x64xi32, #tpu.memory_space<vmem>>
      %dma_start3A_128 = tpu.memref_squeeze %dma_start3A_127 : memref<1x64xi32, #tpu.memory_space<vmem>> -> memref<64xi32, #tpu.memory_space<vmem>>
      %dma_start3A_129 = arith.constant 0 : i32
      %dma_start3A_130 = arith.constant 0 : i32
      %dma_start3A_131 = tpu.memref_slice %arg2[%dma_start3A_129, %dma_start3A_130] : memref<10112x128xf32, #tpu.memory_space<hbm>> -> memref<10112x128xf32, #tpu.memory_space<hbm>>
      tpu.enqueue_indirect_dma source(%dma_start3A_131 : memref<10112x128xf32, #tpu.memory_space<hbm>>) target(%arg9 : memref<64x128xf32, #tpu.memory_space<vmem>>) offsets(%dma_start3A_128 : memref<64xi32, #tpu.memory_space<vmem>>) semaphore(%arg14 : memref<!tpu.dma_semaphore, #tpu.memory_space<semaphore_mem>>)
      %dma_start3A_132 = arith.constant 2 : i32
      %dma_start3A_133 = arith.constant 0 : i32
      %dma_start3A_134 = tpu.memref_slice %arg8[%dma_start3A_132, %dma_start3A_133] : memref<8x64xi32, #tpu.memory_space<vmem>> -> memref<1x64xi32, #tpu.memory_space<vmem>>
      %dma_start3A_135 = tpu.memref_squeeze %dma_start3A_134 : memref<1x64xi32, #tpu.memory_space<vmem>> -> memref<64xi32, #tpu.memory_space<vmem>>
      %dma_start3A_136 = arith.constant 0 : i32
      %dma_start3A_137 = arith.constant 0 : i32
      %dma_start3A_138 = tpu.memref_slice %arg3[%dma_start3A_136, %dma_start3A_137] : memref<10112x128xf32, #tpu.memory_space<hbm>> -> memref<10112x128xf32, #tpu.memory_space<hbm>>
      tpu.enqueue_indirect_dma source(%dma_start3A_138 : memref<10112x128xf32, #tpu.memory_space<hbm>>) target(%arg10 : memref<64x128xf32, #tpu.memory_space<vmem>>) offsets(%dma_start3A_135 : memref<64xi32, #tpu.memory_space<vmem>>) semaphore(%arg15 : memref<!tpu.dma_semaphore, #tpu.memory_space<semaphore_mem>>)
      %scan3A_139 = arith.constant 0 : i32
      %scan3A_140 = arith.constant 64 : i32
      %scan3A_141 = arith.addi %scan3A_139, %scan3A_140 : i32
      %scan3A_142 = arith.constant 1 : i32
      scf.for %scan3A_426 = %scan3A_139 to %scan3A_141 step %scan3A_142  : i32 {
        %mul3A_427 = arith.constant 1 : i32
        %mul3A_428 = arith.muli %scan3A_426, %mul3A_427 : i32
        %add3A_429 = arith.constant 0 : i32
        %add3A_430 = arith.addi %add3A_429, %mul3A_428 : i32
        %get3A = arith.index_cast %add3A_430 : i32 to index
        %get3A_431 = arith.constant 48 : index
        %get3A_432 = tpu.vector_load %arg11[%get3A, %get3A_431] {strides = array<i32>} : memref<64x128xf32, #tpu.memory_space<vmem>>, vector<1x16xf32>,
        %get3A_433 = vector.shape_cast %get3A_432 : vector<1x16xf32> to vector<16xf32>
        %get3A_434 = arith.index_cast %add3A_430 : i32 to index
        %get3A_435 = arith.constant 0 : index
        %get3A_436 = tpu.vector_load %arg12[%get3A_434, %get3A_435] {strides = array<i32>} : memref<64x128xf32, #tpu.memory_space<vmem>>, vector<1x16xf32>,
        %get3A_437 = vector.shape_cast %get3A_436 : vector<1x16xf32> to vector<16xf32>
        %add3A_438 = arith.addf %get3A_433, %get3A_437 : vector<16xf32>
        %mul3A_439 = arith.constant 2.000000e-01 : f32
        %mul3A_440 = vector.broadcast %mul3A_439 : f32 to vector<16xf32>
        %mul3A_441 = arith.mulf %mul3A_440, %add3A_438 : vector<16xf32>
        %max3A = arith.maximumf %add3A_438, %mul3A_441 : vector<16xf32>
        %exp3A = math.exp %max3A : vector<16xf32>
        %swap3A = arith.index_cast %add3A_430 : i32 to index
        %swap3A_442 = arith.constant 48 : index
        %swap3A_443 = tpu.vector_load %arg11[%swap3A, %swap3A_442] {strides = array<i32>} : memref<64x128xf32, #tpu.memory_space<vmem>>, vector<1x16xf32>,
        %swap3A_444 = vector.shape_cast %swap3A_443 : vector<1x16xf32> to vector<16xf32>
        %swap3A_445 = vector.shape_cast %exp3A : vector<16xf32> to vector<1x16xf32>
        tpu.vector_store %arg11[%swap3A, %swap3A_442], %swap3A_445 {strides = array<i32>} : memref<64x128xf32, #tpu.memory_space<vmem>>, vector<1x16xf32>,
        %get3A_446 = arith.index_cast %add3A_430 : i32 to index
        %get3A_447 = arith.constant 0 : index
        %get3A_448 = tpu.vector_load %arg11[%get3A_446, %get3A_447] {strides = array<i32>} : memref<64x128xf32, #tpu.memory_space<vmem>>, vector<1x16xf32>,
        %get3A_449 = vector.shape_cast %get3A_448 : vector<1x16xf32> to vector<16xf32>
        %mul3A_450 = arith.mulf %get3A_449, %exp3A : vector<16xf32>
        %swap3A_451 = arith.index_cast %add3A_430 : i32 to index
        %swap3A_452 = arith.constant 0 : index
        %swap3A_453 = tpu.vector_load %arg11[%swap3A_451, %swap3A_452] {strides = array<i32>} : memref<64x128xf32, #tpu.memory_space<vmem>>, vector<1x16xf32>,
        %swap3A_454 = vector.shape_cast %swap3A_453 : vector<1x16xf32> to vector<16xf32>
        %swap3A_455 = vector.shape_cast %mul3A_450 : vector<16xf32> to vector<1x16xf32>
        tpu.vector_store %arg11[%swap3A_451, %swap3A_452], %swap3A_455 {strides = array<i32>} : memref<64x128xf32, #tpu.memory_space<vmem>>, vector<1x16xf32>,
        %get3A_456 = arith.index_cast %add3A_430 : i32 to index
        %get3A_457 = arith.constant 16 : index
        %get3A_458 = tpu.vector_load %arg11[%get3A_456, %get3A_457] {strides = array<i32>} : memref<64x128xf32, #tpu.memory_space<vmem>>, vector<1x16xf32>,
        %get3A_459 = vector.shape_cast %get3A_458 : vector<1x16xf32> to vector<16xf32>
        %mul3A_460 = arith.mulf %get3A_459, %exp3A : vector<16xf32>
        %swap3A_461 = arith.index_cast %add3A_430 : i32 to index
        %swap3A_462 = arith.constant 16 : index
        %swap3A_463 = tpu.vector_load %arg11[%swap3A_461, %swap3A_462] {strides = array<i32>} : memref<64x128xf32, #tpu.memory_space<vmem>>, vector<1x16xf32>,
        %swap3A_464 = vector.shape_cast %swap3A_463 : vector<1x16xf32> to vector<16xf32>
        %swap3A_465 = vector.shape_cast %mul3A_460 : vector<16xf32> to vector<1x16xf32>
        tpu.vector_store %arg11[%swap3A_461, %swap3A_462], %swap3A_465 {strides = array<i32>} : memref<64x128xf32, #tpu.memory_space<vmem>>, vector<1x16xf32>,
        %get3A_466 = arith.index_cast %add3A_430 : i32 to index
        %get3A_467 = arith.constant 32 : index
        %get3A_468 = tpu.vector_load %arg11[%get3A_466, %get3A_467] {strides = array<i32>} : memref<64x128xf32, #tpu.memory_space<vmem>>, vector<1x16xf32>,
        %get3A_469 = vector.shape_cast %get3A_468 : vector<1x16xf32> to vector<16xf32>
        %mul3A_470 = arith.mulf %get3A_469, %exp3A : vector<16xf32>
        %swap3A_471 = arith.index_cast %add3A_430 : i32 to index
        %swap3A_472 = arith.constant 32 : index
        %swap3A_473 = tpu.vector_load %arg11[%swap3A_471, %swap3A_472] {strides = array<i32>} : memref<64x128xf32, #tpu.memory_space<vmem>>, vector<1x16xf32>,
        %swap3A_474 = vector.shape_cast %swap3A_473 : vector<1x16xf32> to vector<16xf32>
        %swap3A_475 = vector.shape_cast %mul3A_470 : vector<16xf32> to vector<1x16xf32>
        tpu.vector_store %arg11[%swap3A_471, %swap3A_472], %swap3A_475 {strides = array<i32>} : memref<64x128xf32, #tpu.memory_space<vmem>>, vector<1x16xf32>,
      }
      %scan3A_143 = arith.constant 64 : i32
      %dma_start3A_144 = arith.constant 1 : i32
      %dma_start3A_145 = arith.constant 0 : i32
      %dma_start3A_146 = tpu.memref_slice %arg8[%dma_start3A_144, %dma_start3A_145] : memref<8x64xi32, #tpu.memory_space<vmem>> -> memref<1x64xi32, #tpu.memory_space<vmem>>
      %dma_start3A_147 = tpu.memref_squeeze %dma_start3A_146 : memref<1x64xi32, #tpu.memory_space<vmem>> -> memref<64xi32, #tpu.memory_space<vmem>>
      %dma_start3A_148 = arith.constant 0 : i32
      %dma_start3A_149 = arith.constant 0 : i32
      %dma_start3A_150 = tpu.memref_slice %arg13[%dma_start3A_148, %dma_start3A_149] : memref<10112x128xf32, #tpu.memory_space<vmem_shared>> -> memref<10112x128xf32, #tpu.memory_space<vmem_shared>>
      tpu.enqueue_indirect_dma source(%arg11 : memref<64x128xf32, #tpu.memory_space<vmem>>) target(%dma_start3A_150 : memref<10112x128xf32, #tpu.memory_space<vmem_shared>>) offsets(%dma_start3A_147 : memref<64xi32, #tpu.memory_space<vmem>>) semaphore(%arg17 : memref<!tpu.dma_semaphore, #tpu.memory_space<semaphore_mem>>) {add = true}
      %dma_wait3A_151 = arith.constant 2 : i32
      %dma_wait3A_152 = arith.constant 0 : i32
      %dma_wait3A_153 = tpu.memref_slice %arg7[%dma_wait3A_151, %dma_wait3A_152] : memref<8x64xi32, #tpu.memory_space<vmem>> -> memref<1x64xi32, #tpu.memory_space<vmem>>
      %dma_wait3A_154 = tpu.memref_squeeze %dma_wait3A_153 : memref<1x64xi32, #tpu.memory_space<vmem>> -> memref<64xi32, #tpu.memory_space<vmem>>
      %dma_wait3A_155 = arith.constant 0 : i32
      %dma_wait3A_156 = arith.constant 0 : i32
      %dma_wait3A_157 = tpu.memref_slice %arg2[%dma_wait3A_155, %dma_wait3A_156] : memref<10112x128xf32, #tpu.memory_space<hbm>> -> memref<10112x128xf32, #tpu.memory_space<hbm>>
      tpu.wait_indirect_dma semaphore(%arg14 : memref<!tpu.dma_semaphore, #tpu.memory_space<semaphore_mem>>) src(%dma_wait3A_157 : memref<10112x128xf32, #tpu.memory_space<hbm>>) dst(%arg9 : memref<64x128xf32, #tpu.memory_space<vmem>>)
      %dma_wait3A_158 = arith.constant 2 : i32
      %dma_wait3A_159 = arith.constant 0 : i32
      %dma_wait3A_160 = tpu.memref_slice %arg8[%dma_wait3A_158, %dma_wait3A_159] : memref<8x64xi32, #tpu.memory_space<vmem>> -> memref<1x64xi32, #tpu.memory_space<vmem>>
      %dma_wait3A_161 = tpu.memref_squeeze %dma_wait3A_160 : memref<1x64xi32, #tpu.memory_space<vmem>> -> memref<64xi32, #tpu.memory_space<vmem>>
      %dma_wait3A_162 = arith.constant 0 : i32
      %dma_wait3A_163 = arith.constant 0 : i32
      %dma_wait3A_164 = tpu.memref_slice %arg3[%dma_wait3A_162, %dma_wait3A_163] : memref<10112x128xf32, #tpu.memory_space<hbm>> -> memref<10112x128xf32, #tpu.memory_space<hbm>>
      tpu.wait_indirect_dma semaphore(%arg15 : memref<!tpu.dma_semaphore, #tpu.memory_space<semaphore_mem>>) src(%dma_wait3A_164 : memref<10112x128xf32, #tpu.memory_space<hbm>>) dst(%arg10 : memref<64x128xf32, #tpu.memory_space<vmem>>)
      %dma_wait3A_165 = arith.constant 1 : i32
      %dma_wait3A_166 = arith.constant 0 : i32
      %dma_wait3A_167 = tpu.memref_slice %arg8[%dma_wait3A_165, %dma_wait3A_166] : memref<8x64xi32, #tpu.memory_space<vmem>> -> memref<1x64xi32, #tpu.memory_space<vmem>>
      %dma_wait3A_168 = tpu.memref_squeeze %dma_wait3A_167 : memref<1x64xi32, #tpu.memory_space<vmem>> -> memref<64xi32, #tpu.memory_space<vmem>>
      %dma_wait3A_169 = arith.constant 0 : i32
      %dma_wait3A_170 = arith.constant 0 : i32
      %dma_wait3A_171 = tpu.memref_slice %arg13[%dma_wait3A_169, %dma_wait3A_170] : memref<10112x128xf32, #tpu.memory_space<vmem_shared>> -> memref<10112x128xf32, #tpu.memory_space<vmem_shared>>
      tpu.wait_indirect_dma semaphore(%arg17 : memref<!tpu.dma_semaphore, #tpu.memory_space<semaphore_mem>>) src(%arg11 : memref<64x128xf32, #tpu.memory_space<vmem>>) dst(%dma_wait3A_171 : memref<10112x128xf32, #tpu.memory_space<vmem_shared>>)
      %dma_start3A_172 = arith.constant 3 : i32
      %dma_start3A_173 = arith.constant 0 : i32
      %dma_start3A_174 = tpu.memref_slice %arg7[%dma_start3A_172, %dma_start3A_173] : memref<8x64xi32, #tpu.memory_space<vmem>> -> memref<1x64xi32, #tpu.memory_space<vmem>>
      %dma_start3A_175 = tpu.memref_squeeze %dma_start3A_174 : memref<1x64xi32, #tpu.memory_space<vmem>> -> memref<64xi32, #tpu.memory_space<vmem>>
      %dma_start3A_176 = arith.constant 0 : i32
      %dma_start3A_177 = arith.constant 0 : i32
      %dma_start3A_178 = tpu.memref_slice %arg2[%dma_start3A_176, %dma_start3A_177] : memref<10112x128xf32, #tpu.memory_space<hbm>> -> memref<10112x128xf32, #tpu.memory_space<hbm>>
      tpu.enqueue_indirect_dma source(%dma_start3A_178 : memref<10112x128xf32, #tpu.memory_space<hbm>>) target(%arg11 : memref<64x128xf32, #tpu.memory_space<vmem>>) offsets(%dma_start3A_175 : memref<64xi32, #tpu.memory_space<vmem>>) semaphore(%arg14 : memref<!tpu.dma_semaphore, #tpu.memory_space<semaphore_mem>>)
      %dma_start3A_179 = arith.constant 3 : i32
      %dma_start3A_180 = arith.constant 0 : i32
      %dma_start3A_181 = tpu.memref_slice %arg8[%dma_start3A_179, %dma_start3A_180] : memref<8x64xi32, #tpu.memory_space<vmem>> -> memref<1x64xi32, #tpu.memory_space<vmem>>
      %dma_start3A_182 = tpu.memref_squeeze %dma_start3A_181 : memref<1x64xi32, #tpu.memory_space<vmem>> -> memref<64xi32, #tpu.memory_space<vmem>>
      %dma_start3A_183 = arith.constant 0 : i32
      %dma_start3A_184 = arith.constant 0 : i32
      %dma_start3A_185 = tpu.memref_slice %arg3[%dma_start3A_183, %dma_start3A_184] : memref<10112x128xf32, #tpu.memory_space<hbm>> -> memref<10112x128xf32, #tpu.memory_space<hbm>>
      tpu.enqueue_indirect_dma source(%dma_start3A_185 : memref<10112x128xf32, #tpu.memory_space<hbm>>) target(%arg12 : memref<64x128xf32, #tpu.memory_space<vmem>>) offsets(%dma_start3A_182 : memref<64xi32, #tpu.memory_space<vmem>>) semaphore(%arg15 : memref<!tpu.dma_semaphore, #tpu.memory_space<semaphore_mem>>)
      %scan3A_186 = arith.constant 0 : i32
      %scan3A_187 = arith.constant 64 : i32
      %scan3A_188 = arith.addi %scan3A_186, %scan3A_187 : i32
      %scan3A_189 = arith.constant 1 : i32
      scf.for %scan3A_426 = %scan3A_186 to %scan3A_188 step %scan3A_189  : i32 {
        %mul3A_427 = arith.constant 1 : i32
        %mul3A_428 = arith.muli %scan3A_426, %mul3A_427 : i32
        %add3A_429 = arith.constant 0 : i32
        %add3A_430 = arith.addi %add3A_429, %mul3A_428 : i32
        %get3A = arith.index_cast %add3A_430 : i32 to index
        %get3A_431 = arith.constant 48 : index
        %get3A_432 = tpu.vector_load %arg9[%get3A, %get3A_431] {strides = array<i32>} : memref<64x128xf32, #tpu.memory_space<vmem>>, vector<1x16xf32>,
        %get3A_433 = vector.shape_cast %get3A_432 : vector<1x16xf32> to vector<16xf32>
        %get3A_434 = arith.index_cast %add3A_430 : i32 to index
        %get3A_435 = arith.constant 0 : index
        %get3A_436 = tpu.vector_load %arg10[%get3A_434, %get3A_435] {strides = array<i32>} : memref<64x128xf32, #tpu.memory_space<vmem>>, vector<1x16xf32>,
        %get3A_437 = vector.shape_cast %get3A_436 : vector<1x16xf32> to vector<16xf32>
        %add3A_438 = arith.addf %get3A_433, %get3A_437 : vector<16xf32>
        %mul3A_439 = arith.constant 2.000000e-01 : f32
        %mul3A_440 = vector.broadcast %mul3A_439 : f32 to vector<16xf32>
        %mul3A_441 = arith.mulf %mul3A_440, %add3A_438 : vector<16xf32>
        %max3A = arith.maximumf %add3A_438, %mul3A_441 : vector<16xf32>
        %exp3A = math.exp %max3A : vector<16xf32>
        %swap3A = arith.index_cast %add3A_430 : i32 to index
        %swap3A_442 = arith.constant 48 : index
        %swap3A_443 = tpu.vector_load %arg9[%swap3A, %swap3A_442] {strides = array<i32>} : memref<64x128xf32, #tpu.memory_space<vmem>>, vector<1x16xf32>,
        %swap3A_444 = vector.shape_cast %swap3A_443 : vector<1x16xf32> to vector<16xf32>
        %swap3A_445 = vector.shape_cast %exp3A : vector<16xf32> to vector<1x16xf32>
        tpu.vector_store %arg9[%swap3A, %swap3A_442], %swap3A_445 {strides = array<i32>} : memref<64x128xf32, #tpu.memory_space<vmem>>, vector<1x16xf32>,
        %get3A_446 = arith.index_cast %add3A_430 : i32 to index
        %get3A_447 = arith.constant 0 : index
        %get3A_448 = tpu.vector_load %arg9[%get3A_446, %get3A_447] {strides = array<i32>} : memref<64x128xf32, #tpu.memory_space<vmem>>, vector<1x16xf32>,
        %get3A_449 = vector.shape_cast %get3A_448 : vector<1x16xf32> to vector<16xf32>
        %mul3A_450 = arith.mulf %get3A_449, %exp3A : vector<16xf32>
        %swap3A_451 = arith.index_cast %add3A_430 : i32 to index
        %swap3A_452 = arith.constant 0 : index
        %swap3A_453 = tpu.vector_load %arg9[%swap3A_451, %swap3A_452] {strides = array<i32>} : memref<64x128xf32, #tpu.memory_space<vmem>>, vector<1x16xf32>,
        %swap3A_454 = vector.shape_cast %swap3A_453 : vector<1x16xf32> to vector<16xf32>
        %swap3A_455 = vector.shape_cast %mul3A_450 : vector<16xf32> to vector<1x16xf32>
        tpu.vector_store %arg9[%swap3A_451, %swap3A_452], %swap3A_455 {strides = array<i32>} : memref<64x128xf32, #tpu.memory_space<vmem>>, vector<1x16xf32>,
        %get3A_456 = arith.index_cast %add3A_430 : i32 to index
        %get3A_457 = arith.constant 16 : index
        %get3A_458 = tpu.vector_load %arg9[%get3A_456, %get3A_457] {strides = array<i32>} : memref<64x128xf32, #tpu.memory_space<vmem>>, vector<1x16xf32>,
        %get3A_459 = vector.shape_cast %get3A_458 : vector<1x16xf32> to vector<16xf32>
        %mul3A_460 = arith.mulf %get3A_459, %exp3A : vector<16xf32>
        %swap3A_461 = arith.index_cast %add3A_430 : i32 to index
        %swap3A_462 = arith.constant 16 : index
        %swap3A_463 = tpu.vector_load %arg9[%swap3A_461, %swap3A_462] {strides = array<i32>} : memref<64x128xf32, #tpu.memory_space<vmem>>, vector<1x16xf32>,
        %swap3A_464 = vector.shape_cast %swap3A_463 : vector<1x16xf32> to vector<16xf32>
        %swap3A_465 = vector.shape_cast %mul3A_460 : vector<16xf32> to vector<1x16xf32>
        tpu.vector_store %arg9[%swap3A_461, %swap3A_462], %swap3A_465 {strides = array<i32>} : memref<64x128xf32, #tpu.memory_space<vmem>>, vector<1x16xf32>,
        %get3A_466 = arith.index_cast %add3A_430 : i32 to index
        %get3A_467 = arith.constant 32 : index
        %get3A_468 = tpu.vector_load %arg9[%get3A_466, %get3A_467] {strides = array<i32>} : memref<64x128xf32, #tpu.memory_space<vmem>>, vector<1x16xf32>,
        %get3A_469 = vector.shape_cast %get3A_468 : vector<1x16xf32> to vector<16xf32>
        %mul3A_470 = arith.mulf %get3A_469, %exp3A : vector<16xf32>
        %swap3A_471 = arith.index_cast %add3A_430 : i32 to index
        %swap3A_472 = arith.constant 32 : index
        %swap3A_473 = tpu.vector_load %arg9[%swap3A_471, %swap3A_472] {strides = array<i32>} : memref<64x128xf32, #tpu.memory_space<vmem>>, vector<1x16xf32>,
        %swap3A_474 = vector.shape_cast %swap3A_473 : vector<1x16xf32> to vector<16xf32>
        %swap3A_475 = vector.shape_cast %mul3A_470 : vector<16xf32> to vector<1x16xf32>
        tpu.vector_store %arg9[%swap3A_471, %swap3A_472], %swap3A_475 {strides = array<i32>} : memref<64x128xf32, #tpu.memory_space<vmem>>, vector<1x16xf32>,
      }
      %scan3A_190 = arith.constant 64 : i32
      %dma_start3A_191 = arith.constant 2 : i32
      %dma_start3A_192 = arith.constant 0 : i32
      %dma_start3A_193 = tpu.memref_slice %arg8[%dma_start3A_191, %dma_start3A_192] : memref<8x64xi32, #tpu.memory_space<vmem>> -> memref<1x64xi32, #tpu.memory_space<vmem>>
      %dma_start3A_194 = tpu.memref_squeeze %dma_start3A_193 : memref<1x64xi32, #tpu.memory_space<vmem>> -> memref<64xi32, #tpu.memory_space<vmem>>
      %dma_start3A_195 = arith.constant 0 : i32
      %dma_start3A_196 = arith.constant 0 : i32
      %dma_start3A_197 = tpu.memref_slice %arg13[%dma_start3A_195, %dma_start3A_196] : memref<10112x128xf32, #tpu.memory_space<vmem_shared>> -> memref<10112x128xf32, #tpu.memory_space<vmem_shared>>
      tpu.enqueue_indirect_dma source(%arg9 : memref<64x128xf32, #tpu.memory_space<vmem>>) target(%dma_start3A_197 : memref<10112x128xf32, #tpu.memory_space<vmem_shared>>) offsets(%dma_start3A_194 : memref<64xi32, #tpu.memory_space<vmem>>) semaphore(%arg16 : memref<!tpu.dma_semaphore, #tpu.memory_space<semaphore_mem>>) {add = true}
      %dma_wait3A_198 = arith.constant 3 : i32
      %dma_wait3A_199 = arith.constant 0 : i32
      %dma_wait3A_200 = tpu.memref_slice %arg7[%dma_wait3A_198, %dma_wait3A_199] : memref<8x64xi32, #tpu.memory_space<vmem>> -> memref<1x64xi32, #tpu.memory_space<vmem>>
      %dma_wait3A_201 = tpu.memref_squeeze %dma_wait3A_200 : memref<1x64xi32, #tpu.memory_space<vmem>> -> memref<64xi32, #tpu.memory_space<vmem>>
      %dma_wait3A_202 = arith.constant 0 : i32
      %dma_wait3A_203 = arith.constant 0 : i32
      %dma_wait3A_204 = tpu.memref_slice %arg2[%dma_wait3A_202, %dma_wait3A_203] : memref<10112x128xf32, #tpu.memory_space<hbm>> -> memref<10112x128xf32, #tpu.memory_space<hbm>>
      tpu.wait_indirect_dma semaphore(%arg14 : memref<!tpu.dma_semaphore, #tpu.memory_space<semaphore_mem>>) src(%dma_wait3A_204 : memref<10112x128xf32, #tpu.memory_space<hbm>>) dst(%arg11 : memref<64x128xf32, #tpu.memory_space<vmem>>)
      %dma_wait3A_205 = arith.constant 3 : i32
      %dma_wait3A_206 = arith.constant 0 : i32
      %dma_wait3A_207 = tpu.memref_slice %arg8[%dma_wait3A_205, %dma_wait3A_206] : memref<8x64xi32, #tpu.memory_space<vmem>> -> memref<1x64xi32, #tpu.memory_space<vmem>>
      %dma_wait3A_208 = tpu.memref_squeeze %dma_wait3A_207 : memref<1x64xi32, #tpu.memory_space<vmem>> -> memref<64xi32, #tpu.memory_space<vmem>>
      %dma_wait3A_209 = arith.constant 0 : i32
      %dma_wait3A_210 = arith.constant 0 : i32
      %dma_wait3A_211 = tpu.memref_slice %arg3[%dma_wait3A_209, %dma_wait3A_210] : memref<10112x128xf32, #tpu.memory_space<hbm>> -> memref<10112x128xf32, #tpu.memory_space<hbm>>
      tpu.wait_indirect_dma semaphore(%arg15 : memref<!tpu.dma_semaphore, #tpu.memory_space<semaphore_mem>>) src(%dma_wait3A_211 : memref<10112x128xf32, #tpu.memory_space<hbm>>) dst(%arg12 : memref<64x128xf32, #tpu.memory_space<vmem>>)
      %dma_wait3A_212 = arith.constant 2 : i32
      %dma_wait3A_213 = arith.constant 0 : i32
      %dma_wait3A_214 = tpu.memref_slice %arg8[%dma_wait3A_212, %dma_wait3A_213] : memref<8x64xi32, #tpu.memory_space<vmem>> -> memref<1x64xi32, #tpu.memory_space<vmem>>
      %dma_wait3A_215 = tpu.memref_squeeze %dma_wait3A_214 : memref<1x64xi32, #tpu.memory_space<vmem>> -> memref<64xi32, #tpu.memory_space<vmem>>
      %dma_wait3A_216 = arith.constant 0 : i32
      %dma_wait3A_217 = arith.constant 0 : i32
      %dma_wait3A_218 = tpu.memref_slice %arg13[%dma_wait3A_216, %dma_wait3A_217] : memref<10112x128xf32, #tpu.memory_space<vmem_shared>> -> memref<10112x128xf32, #tpu.memory_space<vmem_shared>>
      tpu.wait_indirect_dma semaphore(%arg16 : memref<!tpu.dma_semaphore, #tpu.memory_space<semaphore_mem>>) src(%arg9 : memref<64x128xf32, #tpu.memory_space<vmem>>) dst(%dma_wait3A_218 : memref<10112x128xf32, #tpu.memory_space<vmem_shared>>)
      %dma_start3A_219 = arith.constant 4 : i32
      %dma_start3A_220 = arith.constant 0 : i32
      %dma_start3A_221 = tpu.memref_slice %arg7[%dma_start3A_219, %dma_start3A_220] : memref<8x64xi32, #tpu.memory_space<vmem>> -> memref<1x64xi32, #tpu.memory_space<vmem>>
      %dma_start3A_222 = tpu.memref_squeeze %dma_start3A_221 : memref<1x64xi32, #tpu.memory_space<vmem>> -> memref<64xi32, #tpu.memory_space<vmem>>
      %dma_start3A_223 = arith.constant 0 : i32
      %dma_start3A_224 = arith.constant 0 : i32
      %dma_start3A_225 = tpu.memref_slice %arg2[%dma_start3A_223, %dma_start3A_224] : memref<10112x128xf32, #tpu.memory_space<hbm>> -> memref<10112x128xf32, #tpu.memory_space<hbm>>
      tpu.enqueue_indirect_dma source(%dma_start3A_225 : memref<10112x128xf32, #tpu.memory_space<hbm>>) target(%arg9 : memref<64x128xf32, #tpu.memory_space<vmem>>) offsets(%dma_start3A_222 : memref<64xi32, #tpu.memory_space<vmem>>) semaphore(%arg14 : memref<!tpu.dma_semaphore, #tpu.memory_space<semaphore_mem>>)
      %dma_start3A_226 = arith.constant 4 : i32
      %dma_start3A_227 = arith.constant 0 : i32
      %dma_start3A_228 = tpu.memref_slice %arg8[%dma_start3A_226, %dma_start3A_227] : memref<8x64xi32, #tpu.memory_space<vmem>> -> memref<1x64xi32, #tpu.memory_space<vmem>>
      %dma_start3A_229 = tpu.memref_squeeze %dma_start3A_228 : memref<1x64xi32, #tpu.memory_space<vmem>> -> memref<64xi32, #tpu.memory_space<vmem>>
      %dma_start3A_230 = arith.constant 0 : i32
      %dma_start3A_231 = arith.constant 0 : i32
      %dma_start3A_232 = tpu.memref_slice %arg3[%dma_start3A_230, %dma_start3A_231] : memref<10112x128xf32, #tpu.memory_space<hbm>> -> memref<10112x128xf32, #tpu.memory_space<hbm>>
      tpu.enqueue_indirect_dma source(%dma_start3A_232 : memref<10112x128xf32, #tpu.memory_space<hbm>>) target(%arg10 : memref<64x128xf32, #tpu.memory_space<vmem>>) offsets(%dma_start3A_229 : memref<64xi32, #tpu.memory_space<vmem>>) semaphore(%arg15 : memref<!tpu.dma_semaphore, #tpu.memory_space<semaphore_mem>>)
      %scan3A_233 = arith.constant 0 : i32
      %scan3A_234 = arith.constant 64 : i32
      %scan3A_235 = arith.addi %scan3A_233, %scan3A_234 : i32
      %scan3A_236 = arith.constant 1 : i32
      scf.for %scan3A_426 = %scan3A_233 to %scan3A_235 step %scan3A_236  : i32 {
        %mul3A_427 = arith.constant 1 : i32
        %mul3A_428 = arith.muli %scan3A_426, %mul3A_427 : i32
        %add3A_429 = arith.constant 0 : i32
        %add3A_430 = arith.addi %add3A_429, %mul3A_428 : i32
        %get3A = arith.index_cast %add3A_430 : i32 to index
        %get3A_431 = arith.constant 48 : index
        %get3A_432 = tpu.vector_load %arg11[%get3A, %get3A_431] {strides = array<i32>} : memref<64x128xf32, #tpu.memory_space<vmem>>, vector<1x16xf32>,
        %get3A_433 = vector.shape_cast %get3A_432 : vector<1x16xf32> to vector<16xf32>
        %get3A_434 = arith.index_cast %add3A_430 : i32 to index
        %get3A_435 = arith.constant 0 : index
        %get3A_436 = tpu.vector_load %arg12[%get3A_434, %get3A_435] {strides = array<i32>} : memref<64x128xf32, #tpu.memory_space<vmem>>, vector<1x16xf32>,
        %get3A_437 = vector.shape_cast %get3A_436 : vector<1x16xf32> to vector<16xf32>
        %add3A_438 = arith.addf %get3A_433, %get3A_437 : vector<16xf32>
        %mul3A_439 = arith.constant 2.000000e-01 : f32
        %mul3A_440 = vector.broadcast %mul3A_439 : f32 to vector<16xf32>
        %mul3A_441 = arith.mulf %mul3A_440, %add3A_438 : vector<16xf32>
        %max3A = arith.maximumf %add3A_438, %mul3A_441 : vector<16xf32>
        %exp3A = math.exp %max3A : vector<16xf32>
        %swap3A = arith.index_cast %add3A_430 : i32 to index
        %swap3A_442 = arith.constant 48 : index
        %swap3A_443 = tpu.vector_load %arg11[%swap3A, %swap3A_442] {strides = array<i32>} : memref<64x128xf32, #tpu.memory_space<vmem>>, vector<1x16xf32>,
        %swap3A_444 = vector.shape_cast %swap3A_443 : vector<1x16xf32> to vector<16xf32>
        %swap3A_445 = vector.shape_cast %exp3A : vector<16xf32> to vector<1x16xf32>
        tpu.vector_store %arg11[%swap3A, %swap3A_442], %swap3A_445 {strides = array<i32>} : memref<64x128xf32, #tpu.memory_space<vmem>>, vector<1x16xf32>,
        %get3A_446 = arith.index_cast %add3A_430 : i32 to index
        %get3A_447 = arith.constant 0 : index
        %get3A_448 = tpu.vector_load %arg11[%get3A_446, %get3A_447] {strides = array<i32>} : memref<64x128xf32, #tpu.memory_space<vmem>>, vector<1x16xf32>,
        %get3A_449 = vector.shape_cast %get3A_448 : vector<1x16xf32> to vector<16xf32>
        %mul3A_450 = arith.mulf %get3A_449, %exp3A : vector<16xf32>
        %swap3A_451 = arith.index_cast %add3A_430 : i32 to index
        %swap3A_452 = arith.constant 0 : index
        %swap3A_453 = tpu.vector_load %arg11[%swap3A_451, %swap3A_452] {strides = array<i32>} : memref<64x128xf32, #tpu.memory_space<vmem>>, vector<1x16xf32>,
        %swap3A_454 = vector.shape_cast %swap3A_453 : vector<1x16xf32> to vector<16xf32>
        %swap3A_455 = vector.shape_cast %mul3A_450 : vector<16xf32> to vector<1x16xf32>
        tpu.vector_store %arg11[%swap3A_451, %swap3A_452], %swap3A_455 {strides = array<i32>} : memref<64x128xf32, #tpu.memory_space<vmem>>, vector<1x16xf32>,
        %get3A_456 = arith.index_cast %add3A_430 : i32 to index
        %get3A_457 = arith.constant 16 : index
        %get3A_458 = tpu.vector_load %arg11[%get3A_456, %get3A_457] {strides = array<i32>} : memref<64x128xf32, #tpu.memory_space<vmem>>, vector<1x16xf32>,
        %get3A_459 = vector.shape_cast %get3A_458 : vector<1x16xf32> to vector<16xf32>
        %mul3A_460 = arith.mulf %get3A_459, %exp3A : vector<16xf32>
        %swap3A_461 = arith.index_cast %add3A_430 : i32 to index
        %swap3A_462 = arith.constant 16 : index
        %swap3A_463 = tpu.vector_load %arg11[%swap3A_461, %swap3A_462] {strides = array<i32>} : memref<64x128xf32, #tpu.memory_space<vmem>>, vector<1x16xf32>,
        %swap3A_464 = vector.shape_cast %swap3A_463 : vector<1x16xf32> to vector<16xf32>
        %swap3A_465 = vector.shape_cast %mul3A_460 : vector<16xf32> to vector<1x16xf32>
        tpu.vector_store %arg11[%swap3A_461, %swap3A_462], %swap3A_465 {strides = array<i32>} : memref<64x128xf32, #tpu.memory_space<vmem>>, vector<1x16xf32>,
        %get3A_466 = arith.index_cast %add3A_430 : i32 to index
        %get3A_467 = arith.constant 32 : index
        %get3A_468 = tpu.vector_load %arg11[%get3A_466, %get3A_467] {strides = array<i32>} : memref<64x128xf32, #tpu.memory_space<vmem>>, vector<1x16xf32>,
        %get3A_469 = vector.shape_cast %get3A_468 : vector<1x16xf32> to vector<16xf32>
        %mul3A_470 = arith.mulf %get3A_469, %exp3A : vector<16xf32>
        %swap3A_471 = arith.index_cast %add3A_430 : i32 to index
        %swap3A_472 = arith.constant 32 : index
        %swap3A_473 = tpu.vector_load %arg11[%swap3A_471, %swap3A_472] {strides = array<i32>} : memref<64x128xf32, #tpu.memory_space<vmem>>, vector<1x16xf32>,
        %swap3A_474 = vector.shape_cast %swap3A_473 : vector<1x16xf32> to vector<16xf32>
        %swap3A_475 = vector.shape_cast %mul3A_470 : vector<16xf32> to vector<1x16xf32>
        tpu.vector_store %arg11[%swap3A_471, %swap3A_472], %swap3A_475 {strides = array<i32>} : memref<64x128xf32, #tpu.memory_space<vmem>>, vector<1x16xf32>,
      }
      %scan3A_237 = arith.constant 64 : i32
      %dma_start3A_238 = arith.constant 3 : i32
      %dma_start3A_239 = arith.constant 0 : i32
      %dma_start3A_240 = tpu.memref_slice %arg8[%dma_start3A_238, %dma_start3A_239] : memref<8x64xi32, #tpu.memory_space<vmem>> -> memref<1x64xi32, #tpu.memory_space<vmem>>
      %dma_start3A_241 = tpu.memref_squeeze %dma_start3A_240 : memref<1x64xi32, #tpu.memory_space<vmem>> -> memref<64xi32, #tpu.memory_space<vmem>>
      %dma_start3A_242 = arith.constant 0 : i32
      %dma_start3A_243 = arith.constant 0 : i32
      %dma_start3A_244 = tpu.memref_slice %arg13[%dma_start3A_242, %dma_start3A_243] : memref<10112x128xf32, #tpu.memory_space<vmem_shared>> -> memref<10112x128xf32, #tpu.memory_space<vmem_shared>>
      tpu.enqueue_indirect_dma source(%arg11 : memref<64x128xf32, #tpu.memory_space<vmem>>) target(%dma_start3A_244 : memref<10112x128xf32, #tpu.memory_space<vmem_shared>>) offsets(%dma_start3A_241 : memref<64xi32, #tpu.memory_space<vmem>>) semaphore(%arg17 : memref<!tpu.dma_semaphore, #tpu.memory_space<semaphore_mem>>) {add = true}
      %dma_wait3A_245 = arith.constant 4 : i32
      %dma_wait3A_246 = arith.constant 0 : i32
      %dma_wait3A_247 = tpu.memref_slice %arg7[%dma_wait3A_245, %dma_wait3A_246] : memref<8x64xi32, #tpu.memory_space<vmem>> -> memref<1x64xi32, #tpu.memory_space<vmem>>
      %dma_wait3A_248 = tpu.memref_squeeze %dma_wait3A_247 : memref<1x64xi32, #tpu.memory_space<vmem>> -> memref<64xi32, #tpu.memory_space<vmem>>
      %dma_wait3A_249 = arith.constant 0 : i32
      %dma_wait3A_250 = arith.constant 0 : i32
      %dma_wait3A_251 = tpu.memref_slice %arg2[%dma_wait3A_249, %dma_wait3A_250] : memref<10112x128xf32, #tpu.memory_space<hbm>> -> memref<10112x128xf32, #tpu.memory_space<hbm>>
      tpu.wait_indirect_dma semaphore(%arg14 : memref<!tpu.dma_semaphore, #tpu.memory_space<semaphore_mem>>) src(%dma_wait3A_251 : memref<10112x128xf32, #tpu.memory_space<hbm>>) dst(%arg9 : memref<64x128xf32, #tpu.memory_space<vmem>>)
      %dma_wait3A_252 = arith.constant 4 : i32
      %dma_wait3A_253 = arith.constant 0 : i32
      %dma_wait3A_254 = tpu.memref_slice %arg8[%dma_wait3A_252, %dma_wait3A_253] : memref<8x64xi32, #tpu.memory_space<vmem>> -> memref<1x64xi32, #tpu.memory_space<vmem>>
      %dma_wait3A_255 = tpu.memref_squeeze %dma_wait3A_254 : memref<1x64xi32, #tpu.memory_space<vmem>> -> memref<64xi32, #tpu.memory_space<vmem>>
      %dma_wait3A_256 = arith.constant 0 : i32
      %dma_wait3A_257 = arith.constant 0 : i32
      %dma_wait3A_258 = tpu.memref_slice %arg3[%dma_wait3A_256, %dma_wait3A_257] : memref<10112x128xf32, #tpu.memory_space<hbm>> -> memref<10112x128xf32, #tpu.memory_space<hbm>>
      tpu.wait_indirect_dma semaphore(%arg15 : memref<!tpu.dma_semaphore, #tpu.memory_space<semaphore_mem>>) src(%dma_wait3A_258 : memref<10112x128xf32, #tpu.memory_space<hbm>>) dst(%arg10 : memref<64x128xf32, #tpu.memory_space<vmem>>)
      %dma_wait3A_259 = arith.constant 3 : i32
      %dma_wait3A_260 = arith.constant 0 : i32
      %dma_wait3A_261 = tpu.memref_slice %arg8[%dma_wait3A_259, %dma_wait3A_260] : memref<8x64xi32, #tpu.memory_space<vmem>> -> memref<1x64xi32, #tpu.memory_space<vmem>>
      %dma_wait3A_262 = tpu.memref_squeeze %dma_wait3A_261 : memref<1x64xi32, #tpu.memory_space<vmem>> -> memref<64xi32, #tpu.memory_space<vmem>>
      %dma_wait3A_263 = arith.constant 0 : i32
      %dma_wait3A_264 = arith.constant 0 : i32
      %dma_wait3A_265 = tpu.memref_slice %arg13[%dma_wait3A_263, %dma_wait3A_264] : memref<10112x128xf32, #tpu.memory_space<vmem_shared>> -> memref<10112x128xf32, #tpu.memory_space<vmem_shared>>
      tpu.wait_indirect_dma semaphore(%arg17 : memref<!tpu.dma_semaphore, #tpu.memory_space<semaphore_mem>>) src(%arg11 : memref<64x128xf32, #tpu.memory_space<vmem>>) dst(%dma_wait3A_265 : memref<10112x128xf32, #tpu.memory_space<vmem_shared>>)
      %dma_start3A_266 = arith.constant 5 : i32
      %dma_start3A_267 = arith.constant 0 : i32
      %dma_start3A_268 = tpu.memref_slice %arg7[%dma_start3A_266, %dma_start3A_267] : memref<8x64xi32, #tpu.memory_space<vmem>> -> memref<1x64xi32, #tpu.memory_space<vmem>>
      %dma_start3A_269 = tpu.memref_squeeze %dma_start3A_268 : memref<1x64xi32, #tpu.memory_space<vmem>> -> memref<64xi32, #tpu.memory_space<vmem>>
      %dma_start3A_270 = arith.constant 0 : i32
      %dma_start3A_271 = arith.constant 0 : i32
      %dma_start3A_272 = tpu.memref_slice %arg2[%dma_start3A_270, %dma_start3A_271] : memref<10112x128xf32, #tpu.memory_space<hbm>> -> memref<10112x128xf32, #tpu.memory_space<hbm>>
      tpu.enqueue_indirect_dma source(%dma_start3A_272 : memref<10112x128xf32, #tpu.memory_space<hbm>>) target(%arg11 : memref<64x128xf32, #tpu.memory_space<vmem>>) offsets(%dma_start3A_269 : memref<64xi32, #tpu.memory_space<vmem>>) semaphore(%arg14 : memref<!tpu.dma_semaphore, #tpu.memory_space<semaphore_mem>>)
      %dma_start3A_273 = arith.constant 5 : i32
      %dma_start3A_274 = arith.constant 0 : i32
      %dma_start3A_275 = tpu.memref_slice %arg8[%dma_start3A_273, %dma_start3A_274] : memref<8x64xi32, #tpu.memory_space<vmem>> -> memref<1x64xi32, #tpu.memory_space<vmem>>
      %dma_start3A_276 = tpu.memref_squeeze %dma_start3A_275 : memref<1x64xi32, #tpu.memory_space<vmem>> -> memref<64xi32, #tpu.memory_space<vmem>>
      %dma_start3A_277 = arith.constant 0 : i32
      %dma_start3A_278 = arith.constant 0 : i32
      %dma_start3A_279 = tpu.memref_slice %arg3[%dma_start3A_277, %dma_start3A_278] : memref<10112x128xf32, #tpu.memory_space<hbm>> -> memref<10112x128xf32, #tpu.memory_space<hbm>>
      tpu.enqueue_indirect_dma source(%dma_start3A_279 : memref<10112x128xf32, #tpu.memory_space<hbm>>) target(%arg12 : memref<64x128xf32, #tpu.memory_space<vmem>>) offsets(%dma_start3A_276 : memref<64xi32, #tpu.memory_space<vmem>>) semaphore(%arg15 : memref<!tpu.dma_semaphore, #tpu.memory_space<semaphore_mem>>)
      %scan3A_280 = arith.constant 0 : i32
      %scan3A_281 = arith.constant 64 : i32
      %scan3A_282 = arith.addi %scan3A_280, %scan3A_281 : i32
      %scan3A_283 = arith.constant 1 : i32
      scf.for %scan3A_426 = %scan3A_280 to %scan3A_282 step %scan3A_283  : i32 {
        %mul3A_427 = arith.constant 1 : i32
        %mul3A_428 = arith.muli %scan3A_426, %mul3A_427 : i32
        %add3A_429 = arith.constant 0 : i32
        %add3A_430 = arith.addi %add3A_429, %mul3A_428 : i32
        %get3A = arith.index_cast %add3A_430 : i32 to index
        %get3A_431 = arith.constant 48 : index
        %get3A_432 = tpu.vector_load %arg9[%get3A, %get3A_431] {strides = array<i32>} : memref<64x128xf32, #tpu.memory_space<vmem>>, vector<1x16xf32>,
        %get3A_433 = vector.shape_cast %get3A_432 : vector<1x16xf32> to vector<16xf32>
        %get3A_434 = arith.index_cast %add3A_430 : i32 to index
        %get3A_435 = arith.constant 0 : index
        %get3A_436 = tpu.vector_load %arg10[%get3A_434, %get3A_435] {strides = array<i32>} : memref<64x128xf32, #tpu.memory_space<vmem>>, vector<1x16xf32>,
        %get3A_437 = vector.shape_cast %get3A_436 : vector<1x16xf32> to vector<16xf32>
        %add3A_438 = arith.addf %get3A_433, %get3A_437 : vector<16xf32>
        %mul3A_439 = arith.constant 2.000000e-01 : f32
        %mul3A_440 = vector.broadcast %mul3A_439 : f32 to vector<16xf32>
        %mul3A_441 = arith.mulf %mul3A_440, %add3A_438 : vector<16xf32>
        %max3A = arith.maximumf %add3A_438, %mul3A_441 : vector<16xf32>
        %exp3A = math.exp %max3A : vector<16xf32>
        %swap3A = arith.index_cast %add3A_430 : i32 to index
        %swap3A_442 = arith.constant 48 : index
        %swap3A_443 = tpu.vector_load %arg9[%swap3A, %swap3A_442] {strides = array<i32>} : memref<64x128xf32, #tpu.memory_space<vmem>>, vector<1x16xf32>,
        %swap3A_444 = vector.shape_cast %swap3A_443 : vector<1x16xf32> to vector<16xf32>
        %swap3A_445 = vector.shape_cast %exp3A : vector<16xf32> to vector<1x16xf32>
        tpu.vector_store %arg9[%swap3A, %swap3A_442], %swap3A_445 {strides = array<i32>} : memref<64x128xf32, #tpu.memory_space<vmem>>, vector<1x16xf32>,
        %get3A_446 = arith.index_cast %add3A_430 : i32 to index
        %get3A_447 = arith.constant 0 : index
        %get3A_448 = tpu.vector_load %arg9[%get3A_446, %get3A_447] {strides = array<i32>} : memref<64x128xf32, #tpu.memory_space<vmem>>, vector<1x16xf32>,
        %get3A_449 = vector.shape_cast %get3A_448 : vector<1x16xf32> to vector<16xf32>
        %mul3A_450 = arith.mulf %get3A_449, %exp3A : vector<16xf32>
        %swap3A_451 = arith.index_cast %add3A_430 : i32 to index
        %swap3A_452 = arith.constant 0 : index
        %swap3A_453 = tpu.vector_load %arg9[%swap3A_451, %swap3A_452] {strides = array<i32>} : memref<64x128xf32, #tpu.memory_space<vmem>>, vector<1x16xf32>,
        %swap3A_454 = vector.shape_cast %swap3A_453 : vector<1x16xf32> to vector<16xf32>
        %swap3A_455 = vector.shape_cast %mul3A_450 : vector<16xf32> to vector<1x16xf32>
        tpu.vector_store %arg9[%swap3A_451, %swap3A_452], %swap3A_455 {strides = array<i32>} : memref<64x128xf32, #tpu.memory_space<vmem>>, vector<1x16xf32>,
        %get3A_456 = arith.index_cast %add3A_430 : i32 to index
        %get3A_457 = arith.constant 16 : index
        %get3A_458 = tpu.vector_load %arg9[%get3A_456, %get3A_457] {strides = array<i32>} : memref<64x128xf32, #tpu.memory_space<vmem>>, vector<1x16xf32>,
        %get3A_459 = vector.shape_cast %get3A_458 : vector<1x16xf32> to vector<16xf32>
        %mul3A_460 = arith.mulf %get3A_459, %exp3A : vector<16xf32>
        %swap3A_461 = arith.index_cast %add3A_430 : i32 to index
        %swap3A_462 = arith.constant 16 : index
        %swap3A_463 = tpu.vector_load %arg9[%swap3A_461, %swap3A_462] {strides = array<i32>} : memref<64x128xf32, #tpu.memory_space<vmem>>, vector<1x16xf32>,
        %swap3A_464 = vector.shape_cast %swap3A_463 : vector<1x16xf32> to vector<16xf32>
        %swap3A_465 = vector.shape_cast %mul3A_460 : vector<16xf32> to vector<1x16xf32>
        tpu.vector_store %arg9[%swap3A_461, %swap3A_462], %swap3A_465 {strides = array<i32>} : memref<64x128xf32, #tpu.memory_space<vmem>>, vector<1x16xf32>,
        %get3A_466 = arith.index_cast %add3A_430 : i32 to index
        %get3A_467 = arith.constant 32 : index
        %get3A_468 = tpu.vector_load %arg9[%get3A_466, %get3A_467] {strides = array<i32>} : memref<64x128xf32, #tpu.memory_space<vmem>>, vector<1x16xf32>,
        %get3A_469 = vector.shape_cast %get3A_468 : vector<1x16xf32> to vector<16xf32>
        %mul3A_470 = arith.mulf %get3A_469, %exp3A : vector<16xf32>
        %swap3A_471 = arith.index_cast %add3A_430 : i32 to index
        %swap3A_472 = arith.constant 32 : index
        %swap3A_473 = tpu.vector_load %arg9[%swap3A_471, %swap3A_472] {strides = array<i32>} : memref<64x128xf32, #tpu.memory_space<vmem>>, vector<1x16xf32>,
        %swap3A_474 = vector.shape_cast %swap3A_473 : vector<1x16xf32> to vector<16xf32>
        %swap3A_475 = vector.shape_cast %mul3A_470 : vector<16xf32> to vector<1x16xf32>
        tpu.vector_store %arg9[%swap3A_471, %swap3A_472], %swap3A_475 {strides = array<i32>} : memref<64x128xf32, #tpu.memory_space<vmem>>, vector<1x16xf32>,
      }
      %scan3A_284 = arith.constant 64 : i32
      %dma_start3A_285 = arith.constant 4 : i32
      %dma_start3A_286 = arith.constant 0 : i32
      %dma_start3A_287 = tpu.memref_slice %arg8[%dma_start3A_285, %dma_start3A_286] : memref<8x64xi32, #tpu.memory_space<vmem>> -> memref<1x64xi32, #tpu.memory_space<vmem>>
      %dma_start3A_288 = tpu.memref_squeeze %dma_start3A_287 : memref<1x64xi32, #tpu.memory_space<vmem>> -> memref<64xi32, #tpu.memory_space<vmem>>
      %dma_start3A_289 = arith.constant 0 : i32
      %dma_start3A_290 = arith.constant 0 : i32
      %dma_start3A_291 = tpu.memref_slice %arg13[%dma_start3A_289, %dma_start3A_290] : memref<10112x128xf32, #tpu.memory_space<vmem_shared>> -> memref<10112x128xf32, #tpu.memory_space<vmem_shared>>
      tpu.enqueue_indirect_dma source(%arg9 : memref<64x128xf32, #tpu.memory_space<vmem>>) target(%dma_start3A_291 : memref<10112x128xf32, #tpu.memory_space<vmem_shared>>) offsets(%dma_start3A_288 : memref<64xi32, #tpu.memory_space<vmem>>) semaphore(%arg16 : memref<!tpu.dma_semaphore, #tpu.memory_space<semaphore_mem>>) {add = true}
      %dma_wait3A_292 = arith.constant 5 : i32
      %dma_wait3A_293 = arith.constant 0 : i32
      %dma_wait3A_294 = tpu.memref_slice %arg7[%dma_wait3A_292, %dma_wait3A_293] : memref<8x64xi32, #tpu.memory_space<vmem>> -> memref<1x64xi32, #tpu.memory_space<vmem>>
      %dma_wait3A_295 = tpu.memref_squeeze %dma_wait3A_294 : memref<1x64xi32, #tpu.memory_space<vmem>> -> memref<64xi32, #tpu.memory_space<vmem>>
      %dma_wait3A_296 = arith.constant 0 : i32
      %dma_wait3A_297 = arith.constant 0 : i32
      %dma_wait3A_298 = tpu.memref_slice %arg2[%dma_wait3A_296, %dma_wait3A_297] : memref<10112x128xf32, #tpu.memory_space<hbm>> -> memref<10112x128xf32, #tpu.memory_space<hbm>>
      tpu.wait_indirect_dma semaphore(%arg14 : memref<!tpu.dma_semaphore, #tpu.memory_space<semaphore_mem>>) src(%dma_wait3A_298 : memref<10112x128xf32, #tpu.memory_space<hbm>>) dst(%arg11 : memref<64x128xf32, #tpu.memory_space<vmem>>)
      %dma_wait3A_299 = arith.constant 5 : i32
      %dma_wait3A_300 = arith.constant 0 : i32
      %dma_wait3A_301 = tpu.memref_slice %arg8[%dma_wait3A_299, %dma_wait3A_300] : memref<8x64xi32, #tpu.memory_space<vmem>> -> memref<1x64xi32, #tpu.memory_space<vmem>>
      %dma_wait3A_302 = tpu.memref_squeeze %dma_wait3A_301 : memref<1x64xi32, #tpu.memory_space<vmem>> -> memref<64xi32, #tpu.memory_space<vmem>>
      %dma_wait3A_303 = arith.constant 0 : i32
      %dma_wait3A_304 = arith.constant 0 : i32
      %dma_wait3A_305 = tpu.memref_slice %arg3[%dma_wait3A_303, %dma_wait3A_304] : memref<10112x128xf32, #tpu.memory_space<hbm>> -> memref<10112x128xf32, #tpu.memory_space<hbm>>
      tpu.wait_indirect_dma semaphore(%arg15 : memref<!tpu.dma_semaphore, #tpu.memory_space<semaphore_mem>>) src(%dma_wait3A_305 : memref<10112x128xf32, #tpu.memory_space<hbm>>) dst(%arg12 : memref<64x128xf32, #tpu.memory_space<vmem>>)
      %dma_wait3A_306 = arith.constant 4 : i32
      %dma_wait3A_307 = arith.constant 0 : i32
      %dma_wait3A_308 = tpu.memref_slice %arg8[%dma_wait3A_306, %dma_wait3A_307] : memref<8x64xi32, #tpu.memory_space<vmem>> -> memref<1x64xi32, #tpu.memory_space<vmem>>
      %dma_wait3A_309 = tpu.memref_squeeze %dma_wait3A_308 : memref<1x64xi32, #tpu.memory_space<vmem>> -> memref<64xi32, #tpu.memory_space<vmem>>
      %dma_wait3A_310 = arith.constant 0 : i32
      %dma_wait3A_311 = arith.constant 0 : i32
      %dma_wait3A_312 = tpu.memref_slice %arg13[%dma_wait3A_310, %dma_wait3A_311] : memref<10112x128xf32, #tpu.memory_space<vmem_shared>> -> memref<10112x128xf32, #tpu.memory_space<vmem_shared>>
      tpu.wait_indirect_dma semaphore(%arg16 : memref<!tpu.dma_semaphore, #tpu.memory_space<semaphore_mem>>) src(%arg9 : memref<64x128xf32, #tpu.memory_space<vmem>>) dst(%dma_wait3A_312 : memref<10112x128xf32, #tpu.memory_space<vmem_shared>>)
      %dma_start3A_313 = arith.constant 6 : i32
      %dma_start3A_314 = arith.constant 0 : i32
      %dma_start3A_315 = tpu.memref_slice %arg7[%dma_start3A_313, %dma_start3A_314] : memref<8x64xi32, #tpu.memory_space<vmem>> -> memref<1x64xi32, #tpu.memory_space<vmem>>
      %dma_start3A_316 = tpu.memref_squeeze %dma_start3A_315 : memref<1x64xi32, #tpu.memory_space<vmem>> -> memref<64xi32, #tpu.memory_space<vmem>>
      %dma_start3A_317 = arith.constant 0 : i32
      %dma_start3A_318 = arith.constant 0 : i32
      %dma_start3A_319 = tpu.memref_slice %arg2[%dma_start3A_317, %dma_start3A_318] : memref<10112x128xf32, #tpu.memory_space<hbm>> -> memref<10112x128xf32, #tpu.memory_space<hbm>>
      tpu.enqueue_indirect_dma source(%dma_start3A_319 : memref<10112x128xf32, #tpu.memory_space<hbm>>) target(%arg9 : memref<64x128xf32, #tpu.memory_space<vmem>>) offsets(%dma_start3A_316 : memref<64xi32, #tpu.memory_space<vmem>>) semaphore(%arg14 : memref<!tpu.dma_semaphore, #tpu.memory_space<semaphore_mem>>)
      %dma_start3A_320 = arith.constant 6 : i32
      %dma_start3A_321 = arith.constant 0 : i32
      %dma_start3A_322 = tpu.memref_slice %arg8[%dma_start3A_320, %dma_start3A_321] : memref<8x64xi32, #tpu.memory_space<vmem>> -> memref<1x64xi32, #tpu.memory_space<vmem>>
      %dma_start3A_323 = tpu.memref_squeeze %dma_start3A_322 : memref<1x64xi32, #tpu.memory_space<vmem>> -> memref<64xi32, #tpu.memory_space<vmem>>
      %dma_start3A_324 = arith.constant 0 : i32
      %dma_start3A_325 = arith.constant 0 : i32
      %dma_start3A_326 = tpu.memref_slice %arg3[%dma_start3A_324, %dma_start3A_325] : memref<10112x128xf32, #tpu.memory_space<hbm>> -> memref<10112x128xf32, #tpu.memory_space<hbm>>
      tpu.enqueue_indirect_dma source(%dma_start3A_326 : memref<10112x128xf32, #tpu.memory_space<hbm>>) target(%arg10 : memref<64x128xf32, #tpu.memory_space<vmem>>) offsets(%dma_start3A_323 : memref<64xi32, #tpu.memory_space<vmem>>) semaphore(%arg15 : memref<!tpu.dma_semaphore, #tpu.memory_space<semaphore_mem>>)
      %scan3A_327 = arith.constant 0 : i32
      %scan3A_328 = arith.constant 64 : i32
      %scan3A_329 = arith.addi %scan3A_327, %scan3A_328 : i32
      %scan3A_330 = arith.constant 1 : i32
      scf.for %scan3A_426 = %scan3A_327 to %scan3A_329 step %scan3A_330  : i32 {
        %mul3A_427 = arith.constant 1 : i32
        %mul3A_428 = arith.muli %scan3A_426, %mul3A_427 : i32
        %add3A_429 = arith.constant 0 : i32
        %add3A_430 = arith.addi %add3A_429, %mul3A_428 : i32
        %get3A = arith.index_cast %add3A_430 : i32 to index
        %get3A_431 = arith.constant 48 : index
        %get3A_432 = tpu.vector_load %arg11[%get3A, %get3A_431] {strides = array<i32>} : memref<64x128xf32, #tpu.memory_space<vmem>>, vector<1x16xf32>,
        %get3A_433 = vector.shape_cast %get3A_432 : vector<1x16xf32> to vector<16xf32>
        %get3A_434 = arith.index_cast %add3A_430 : i32 to index
        %get3A_435 = arith.constant 0 : index
        %get3A_436 = tpu.vector_load %arg12[%get3A_434, %get3A_435] {strides = array<i32>} : memref<64x128xf32, #tpu.memory_space<vmem>>, vector<1x16xf32>,
        %get3A_437 = vector.shape_cast %get3A_436 : vector<1x16xf32> to vector<16xf32>
        %add3A_438 = arith.addf %get3A_433, %get3A_437 : vector<16xf32>
        %mul3A_439 = arith.constant 2.000000e-01 : f32
        %mul3A_440 = vector.broadcast %mul3A_439 : f32 to vector<16xf32>
        %mul3A_441 = arith.mulf %mul3A_440, %add3A_438 : vector<16xf32>
        %max3A = arith.maximumf %add3A_438, %mul3A_441 : vector<16xf32>
        %exp3A = math.exp %max3A : vector<16xf32>
        %swap3A = arith.index_cast %add3A_430 : i32 to index
        %swap3A_442 = arith.constant 48 : index
        %swap3A_443 = tpu.vector_load %arg11[%swap3A, %swap3A_442] {strides = array<i32>} : memref<64x128xf32, #tpu.memory_space<vmem>>, vector<1x16xf32>,
        %swap3A_444 = vector.shape_cast %swap3A_443 : vector<1x16xf32> to vector<16xf32>
        %swap3A_445 = vector.shape_cast %exp3A : vector<16xf32> to vector<1x16xf32>
        tpu.vector_store %arg11[%swap3A, %swap3A_442], %swap3A_445 {strides = array<i32>} : memref<64x128xf32, #tpu.memory_space<vmem>>, vector<1x16xf32>,
        %get3A_446 = arith.index_cast %add3A_430 : i32 to index
        %get3A_447 = arith.constant 0 : index
        %get3A_448 = tpu.vector_load %arg11[%get3A_446, %get3A_447] {strides = array<i32>} : memref<64x128xf32, #tpu.memory_space<vmem>>, vector<1x16xf32>,
        %get3A_449 = vector.shape_cast %get3A_448 : vector<1x16xf32> to vector<16xf32>
        %mul3A_450 = arith.mulf %get3A_449, %exp3A : vector<16xf32>
        %swap3A_451 = arith.index_cast %add3A_430 : i32 to index
        %swap3A_452 = arith.constant 0 : index
        %swap3A_453 = tpu.vector_load %arg11[%swap3A_451, %swap3A_452] {strides = array<i32>} : memref<64x128xf32, #tpu.memory_space<vmem>>, vector<1x16xf32>,
        %swap3A_454 = vector.shape_cast %swap3A_453 : vector<1x16xf32> to vector<16xf32>
        %swap3A_455 = vector.shape_cast %mul3A_450 : vector<16xf32> to vector<1x16xf32>
        tpu.vector_store %arg11[%swap3A_451, %swap3A_452], %swap3A_455 {strides = array<i32>} : memref<64x128xf32, #tpu.memory_space<vmem>>, vector<1x16xf32>,
        %get3A_456 = arith.index_cast %add3A_430 : i32 to index
        %get3A_457 = arith.constant 16 : index
        %get3A_458 = tpu.vector_load %arg11[%get3A_456, %get3A_457] {strides = array<i32>} : memref<64x128xf32, #tpu.memory_space<vmem>>, vector<1x16xf32>,
        %get3A_459 = vector.shape_cast %get3A_458 : vector<1x16xf32> to vector<16xf32>
        %mul3A_460 = arith.mulf %get3A_459, %exp3A : vector<16xf32>
        %swap3A_461 = arith.index_cast %add3A_430 : i32 to index
        %swap3A_462 = arith.constant 16 : index
        %swap3A_463 = tpu.vector_load %arg11[%swap3A_461, %swap3A_462] {strides = array<i32>} : memref<64x128xf32, #tpu.memory_space<vmem>>, vector<1x16xf32>,
        %swap3A_464 = vector.shape_cast %swap3A_463 : vector<1x16xf32> to vector<16xf32>
        %swap3A_465 = vector.shape_cast %mul3A_460 : vector<16xf32> to vector<1x16xf32>
        tpu.vector_store %arg11[%swap3A_461, %swap3A_462], %swap3A_465 {strides = array<i32>} : memref<64x128xf32, #tpu.memory_space<vmem>>, vector<1x16xf32>,
        %get3A_466 = arith.index_cast %add3A_430 : i32 to index
        %get3A_467 = arith.constant 32 : index
        %get3A_468 = tpu.vector_load %arg11[%get3A_466, %get3A_467] {strides = array<i32>} : memref<64x128xf32, #tpu.memory_space<vmem>>, vector<1x16xf32>,
        %get3A_469 = vector.shape_cast %get3A_468 : vector<1x16xf32> to vector<16xf32>
        %mul3A_470 = arith.mulf %get3A_469, %exp3A : vector<16xf32>
        %swap3A_471 = arith.index_cast %add3A_430 : i32 to index
        %swap3A_472 = arith.constant 32 : index
        %swap3A_473 = tpu.vector_load %arg11[%swap3A_471, %swap3A_472] {strides = array<i32>} : memref<64x128xf32, #tpu.memory_space<vmem>>, vector<1x16xf32>,
        %swap3A_474 = vector.shape_cast %swap3A_473 : vector<1x16xf32> to vector<16xf32>
        %swap3A_475 = vector.shape_cast %mul3A_470 : vector<16xf32> to vector<1x16xf32>
        tpu.vector_store %arg11[%swap3A_471, %swap3A_472], %swap3A_475 {strides = array<i32>} : memref<64x128xf32, #tpu.memory_space<vmem>>, vector<1x16xf32>,
      }
      %scan3A_331 = arith.constant 64 : i32
      %dma_start3A_332 = arith.constant 5 : i32
      %dma_start3A_333 = arith.constant 0 : i32
      %dma_start3A_334 = tpu.memref_slice %arg8[%dma_start3A_332, %dma_start3A_333] : memref<8x64xi32, #tpu.memory_space<vmem>> -> memref<1x64xi32, #tpu.memory_space<vmem>>
      %dma_start3A_335 = tpu.memref_squeeze %dma_start3A_334 : memref<1x64xi32, #tpu.memory_space<vmem>> -> memref<64xi32, #tpu.memory_space<vmem>>
      %dma_start3A_336 = arith.constant 0 : i32
      %dma_start3A_337 = arith.constant 0 : i32
      %dma_start3A_338 = tpu.memref_slice %arg13[%dma_start3A_336, %dma_start3A_337] : memref<10112x128xf32, #tpu.memory_space<vmem_shared>> -> memref<10112x128xf32, #tpu.memory_space<vmem_shared>>
      tpu.enqueue_indirect_dma source(%arg11 : memref<64x128xf32, #tpu.memory_space<vmem>>) target(%dma_start3A_338 : memref<10112x128xf32, #tpu.memory_space<vmem_shared>>) offsets(%dma_start3A_335 : memref<64xi32, #tpu.memory_space<vmem>>) semaphore(%arg17 : memref<!tpu.dma_semaphore, #tpu.memory_space<semaphore_mem>>) {add = true}
      %dma_wait3A_339 = arith.constant 6 : i32
      %dma_wait3A_340 = arith.constant 0 : i32
      %dma_wait3A_341 = tpu.memref_slice %arg7[%dma_wait3A_339, %dma_wait3A_340] : memref<8x64xi32, #tpu.memory_space<vmem>> -> memref<1x64xi32, #tpu.memory_space<vmem>>
      %dma_wait3A_342 = tpu.memref_squeeze %dma_wait3A_341 : memref<1x64xi32, #tpu.memory_space<vmem>> -> memref<64xi32, #tpu.memory_space<vmem>>
      %dma_wait3A_343 = arith.constant 0 : i32
      %dma_wait3A_344 = arith.constant 0 : i32
      %dma_wait3A_345 = tpu.memref_slice %arg2[%dma_wait3A_343, %dma_wait3A_344] : memref<10112x128xf32, #tpu.memory_space<hbm>> -> memref<10112x128xf32, #tpu.memory_space<hbm>>
      tpu.wait_indirect_dma semaphore(%arg14 : memref<!tpu.dma_semaphore, #tpu.memory_space<semaphore_mem>>) src(%dma_wait3A_345 : memref<10112x128xf32, #tpu.memory_space<hbm>>) dst(%arg9 : memref<64x128xf32, #tpu.memory_space<vmem>>)
      %dma_wait3A_346 = arith.constant 6 : i32
      %dma_wait3A_347 = arith.constant 0 : i32
      %dma_wait3A_348 = tpu.memref_slice %arg8[%dma_wait3A_346, %dma_wait3A_347] : memref<8x64xi32, #tpu.memory_space<vmem>> -> memref<1x64xi32, #tpu.memory_space<vmem>>
      %dma_wait3A_349 = tpu.memref_squeeze %dma_wait3A_348 : memref<1x64xi32, #tpu.memory_space<vmem>> -> memref<64xi32, #tpu.memory_space<vmem>>
      %dma_wait3A_350 = arith.constant 0 : i32
      %dma_wait3A_351 = arith.constant 0 : i32
      %dma_wait3A_352 = tpu.memref_slice %arg3[%dma_wait3A_350, %dma_wait3A_351] : memref<10112x128xf32, #tpu.memory_space<hbm>> -> memref<10112x128xf32, #tpu.memory_space<hbm>>
      tpu.wait_indirect_dma semaphore(%arg15 : memref<!tpu.dma_semaphore, #tpu.memory_space<semaphore_mem>>) src(%dma_wait3A_352 : memref<10112x128xf32, #tpu.memory_space<hbm>>) dst(%arg10 : memref<64x128xf32, #tpu.memory_space<vmem>>)
      %dma_wait3A_353 = arith.constant 5 : i32
      %dma_wait3A_354 = arith.constant 0 : i32
      %dma_wait3A_355 = tpu.memref_slice %arg8[%dma_wait3A_353, %dma_wait3A_354] : memref<8x64xi32, #tpu.memory_space<vmem>> -> memref<1x64xi32, #tpu.memory_space<vmem>>
      %dma_wait3A_356 = tpu.memref_squeeze %dma_wait3A_355 : memref<1x64xi32, #tpu.memory_space<vmem>> -> memref<64xi32, #tpu.memory_space<vmem>>
      %dma_wait3A_357 = arith.constant 0 : i32
      %dma_wait3A_358 = arith.constant 0 : i32
      %dma_wait3A_359 = tpu.memref_slice %arg13[%dma_wait3A_357, %dma_wait3A_358] : memref<10112x128xf32, #tpu.memory_space<vmem_shared>> -> memref<10112x128xf32, #tpu.memory_space<vmem_shared>>
      tpu.wait_indirect_dma semaphore(%arg17 : memref<!tpu.dma_semaphore, #tpu.memory_space<semaphore_mem>>) src(%arg11 : memref<64x128xf32, #tpu.memory_space<vmem>>) dst(%dma_wait3A_359 : memref<10112x128xf32, #tpu.memory_space<vmem_shared>>)
      %dma_start3A_360 = arith.constant 7 : i32
      %dma_start3A_361 = arith.constant 0 : i32
      %dma_start3A_362 = tpu.memref_slice %arg7[%dma_start3A_360, %dma_start3A_361] : memref<8x64xi32, #tpu.memory_space<vmem>> -> memref<1x64xi32, #tpu.memory_space<vmem>>
      %dma_start3A_363 = tpu.memref_squeeze %dma_start3A_362 : memref<1x64xi32, #tpu.memory_space<vmem>> -> memref<64xi32, #tpu.memory_space<vmem>>
      %dma_start3A_364 = arith.constant 0 : i32
      %dma_start3A_365 = arith.constant 0 : i32
      %dma_start3A_366 = tpu.memref_slice %arg2[%dma_start3A_364, %dma_start3A_365] : memref<10112x128xf32, #tpu.memory_space<hbm>> -> memref<10112x128xf32, #tpu.memory_space<hbm>>
      tpu.enqueue_indirect_dma source(%dma_start3A_366 : memref<10112x128xf32, #tpu.memory_space<hbm>>) target(%arg11 : memref<64x128xf32, #tpu.memory_space<vmem>>) offsets(%dma_start3A_363 : memref<64xi32, #tpu.memory_space<vmem>>) semaphore(%arg14 : memref<!tpu.dma_semaphore, #tpu.memory_space<semaphore_mem>>)
      %dma_start3A_367 = arith.constant 7 : i32
      %dma_start3A_368 = arith.constant 0 : i32
      %dma_start3A_369 = tpu.memref_slice %arg8[%dma_start3A_367, %dma_start3A_368] : memref<8x64xi32, #tpu.memory_space<vmem>> -> memref<1x64xi32, #tpu.memory_space<vmem>>
      %dma_start3A_370 = tpu.memref_squeeze %dma_start3A_369 : memref<1x64xi32, #tpu.memory_space<vmem>> -> memref<64xi32, #tpu.memory_space<vmem>>
      %dma_start3A_371 = arith.constant 0 : i32
      %dma_start3A_372 = arith.constant 0 : i32
      %dma_start3A_373 = tpu.memref_slice %arg3[%dma_start3A_371, %dma_start3A_372] : memref<10112x128xf32, #tpu.memory_space<hbm>> -> memref<10112x128xf32, #tpu.memory_space<hbm>>
      tpu.enqueue_indirect_dma source(%dma_start3A_373 : memref<10112x128xf32, #tpu.memory_space<hbm>>) target(%arg12 : memref<64x128xf32, #tpu.memory_space<vmem>>) offsets(%dma_start3A_370 : memref<64xi32, #tpu.memory_space<vmem>>) semaphore(%arg15 : memref<!tpu.dma_semaphore, #tpu.memory_space<semaphore_mem>>)
      %scan3A_374 = arith.constant 0 : i32
      %scan3A_375 = arith.constant 64 : i32
      %scan3A_376 = arith.addi %scan3A_374, %scan3A_375 : i32
      %scan3A_377 = arith.constant 1 : i32
      scf.for %scan3A_426 = %scan3A_374 to %scan3A_376 step %scan3A_377  : i32 {
        %mul3A_427 = arith.constant 1 : i32
        %mul3A_428 = arith.muli %scan3A_426, %mul3A_427 : i32
        %add3A_429 = arith.constant 0 : i32
        %add3A_430 = arith.addi %add3A_429, %mul3A_428 : i32
        %get3A = arith.index_cast %add3A_430 : i32 to index
        %get3A_431 = arith.constant 48 : index
        %get3A_432 = tpu.vector_load %arg9[%get3A, %get3A_431] {strides = array<i32>} : memref<64x128xf32, #tpu.memory_space<vmem>>, vector<1x16xf32>,
        %get3A_433 = vector.shape_cast %get3A_432 : vector<1x16xf32> to vector<16xf32>
        %get3A_434 = arith.index_cast %add3A_430 : i32 to index
        %get3A_435 = arith.constant 0 : index
        %get3A_436 = tpu.vector_load %arg10[%get3A_434, %get3A_435] {strides = array<i32>} : memref<64x128xf32, #tpu.memory_space<vmem>>, vector<1x16xf32>,
        %get3A_437 = vector.shape_cast %get3A_436 : vector<1x16xf32> to vector<16xf32>
        %add3A_438 = arith.addf %get3A_433, %get3A_437 : vector<16xf32>
        %mul3A_439 = arith.constant 2.000000e-01 : f32
        %mul3A_440 = vector.broadcast %mul3A_439 : f32 to vector<16xf32>
        %mul3A_441 = arith.mulf %mul3A_440, %add3A_438 : vector<16xf32>
        %max3A = arith.maximumf %add3A_438, %mul3A_441 : vector<16xf32>
        %exp3A = math.exp %max3A : vector<16xf32>
        %swap3A = arith.index_cast %add3A_430 : i32 to index
        %swap3A_442 = arith.constant 48 : index
        %swap3A_443 = tpu.vector_load %arg9[%swap3A, %swap3A_442] {strides = array<i32>} : memref<64x128xf32, #tpu.memory_space<vmem>>, vector<1x16xf32>,
        %swap3A_444 = vector.shape_cast %swap3A_443 : vector<1x16xf32> to vector<16xf32>
        %swap3A_445 = vector.shape_cast %exp3A : vector<16xf32> to vector<1x16xf32>
        tpu.vector_store %arg9[%swap3A, %swap3A_442], %swap3A_445 {strides = array<i32>} : memref<64x128xf32, #tpu.memory_space<vmem>>, vector<1x16xf32>,
        %get3A_446 = arith.index_cast %add3A_430 : i32 to index
        %get3A_447 = arith.constant 0 : index
        %get3A_448 = tpu.vector_load %arg9[%get3A_446, %get3A_447] {strides = array<i32>} : memref<64x128xf32, #tpu.memory_space<vmem>>, vector<1x16xf32>,
        %get3A_449 = vector.shape_cast %get3A_448 : vector<1x16xf32> to vector<16xf32>
        %mul3A_450 = arith.mulf %get3A_449, %exp3A : vector<16xf32>
        %swap3A_451 = arith.index_cast %add3A_430 : i32 to index
        %swap3A_452 = arith.constant 0 : index
        %swap3A_453 = tpu.vector_load %arg9[%swap3A_451, %swap3A_452] {strides = array<i32>} : memref<64x128xf32, #tpu.memory_space<vmem>>, vector<1x16xf32>,
        %swap3A_454 = vector.shape_cast %swap3A_453 : vector<1x16xf32> to vector<16xf32>
        %swap3A_455 = vector.shape_cast %mul3A_450 : vector<16xf32> to vector<1x16xf32>
        tpu.vector_store %arg9[%swap3A_451, %swap3A_452], %swap3A_455 {strides = array<i32>} : memref<64x128xf32, #tpu.memory_space<vmem>>, vector<1x16xf32>,
        %get3A_456 = arith.index_cast %add3A_430 : i32 to index
        %get3A_457 = arith.constant 16 : index
        %get3A_458 = tpu.vector_load %arg9[%get3A_456, %get3A_457] {strides = array<i32>} : memref<64x128xf32, #tpu.memory_space<vmem>>, vector<1x16xf32>,
        %get3A_459 = vector.shape_cast %get3A_458 : vector<1x16xf32> to vector<16xf32>
        %mul3A_460 = arith.mulf %get3A_459, %exp3A : vector<16xf32>
        %swap3A_461 = arith.index_cast %add3A_430 : i32 to index
        %swap3A_462 = arith.constant 16 : index
        %swap3A_463 = tpu.vector_load %arg9[%swap3A_461, %swap3A_462] {strides = array<i32>} : memref<64x128xf32, #tpu.memory_space<vmem>>, vector<1x16xf32>,
        %swap3A_464 = vector.shape_cast %swap3A_463 : vector<1x16xf32> to vector<16xf32>
        %swap3A_465 = vector.shape_cast %mul3A_460 : vector<16xf32> to vector<1x16xf32>
        tpu.vector_store %arg9[%swap3A_461, %swap3A_462], %swap3A_465 {strides = array<i32>} : memref<64x128xf32, #tpu.memory_space<vmem>>, vector<1x16xf32>,
        %get3A_466 = arith.index_cast %add3A_430 : i32 to index
        %get3A_467 = arith.constant 32 : index
        %get3A_468 = tpu.vector_load %arg9[%get3A_466, %get3A_467] {strides = array<i32>} : memref<64x128xf32, #tpu.memory_space<vmem>>, vector<1x16xf32>,
        %get3A_469 = vector.shape_cast %get3A_468 : vector<1x16xf32> to vector<16xf32>
        %mul3A_470 = arith.mulf %get3A_469, %exp3A : vector<16xf32>
        %swap3A_471 = arith.index_cast %add3A_430 : i32 to index
        %swap3A_472 = arith.constant 32 : index
        %swap3A_473 = tpu.vector_load %arg9[%swap3A_471, %swap3A_472] {strides = array<i32>} : memref<64x128xf32, #tpu.memory_space<vmem>>, vector<1x16xf32>,
        %swap3A_474 = vector.shape_cast %swap3A_473 : vector<1x16xf32> to vector<16xf32>
        %swap3A_475 = vector.shape_cast %mul3A_470 : vector<16xf32> to vector<1x16xf32>
        tpu.vector_store %arg9[%swap3A_471, %swap3A_472], %swap3A_475 {strides = array<i32>} : memref<64x128xf32, #tpu.memory_space<vmem>>, vector<1x16xf32>,
      }
      %scan3A_378 = arith.constant 64 : i32
      %dma_start3A_379 = arith.constant 6 : i32
      %dma_start3A_380 = arith.constant 0 : i32
      %dma_start3A_381 = tpu.memref_slice %arg8[%dma_start3A_379, %dma_start3A_380] : memref<8x64xi32, #tpu.memory_space<vmem>> -> memref<1x64xi32, #tpu.memory_space<vmem>>
      %dma_start3A_382 = tpu.memref_squeeze %dma_start3A_381 : memref<1x64xi32, #tpu.memory_space<vmem>> -> memref<64xi32, #tpu.memory_space<vmem>>
      %dma_start3A_383 = arith.constant 0 : i32
      %dma_start3A_384 = arith.constant 0 : i32
      %dma_start3A_385 = tpu.memref_slice %arg13[%dma_start3A_383, %dma_start3A_384] : memref<10112x128xf32, #tpu.memory_space<vmem_shared>> -> memref<10112x128xf32, #tpu.memory_space<vmem_shared>>
      tpu.enqueue_indirect_dma source(%arg9 : memref<64x128xf32, #tpu.memory_space<vmem>>) target(%dma_start3A_385 : memref<10112x128xf32, #tpu.memory_space<vmem_shared>>) offsets(%dma_start3A_382 : memref<64xi32, #tpu.memory_space<vmem>>) semaphore(%arg16 : memref<!tpu.dma_semaphore, #tpu.memory_space<semaphore_mem>>) {add = true}
      %dma_wait3A_386 = arith.constant 7 : i32
      %dma_wait3A_387 = arith.constant 0 : i32
      %dma_wait3A_388 = tpu.memref_slice %arg7[%dma_wait3A_386, %dma_wait3A_387] : memref<8x64xi32, #tpu.memory_space<vmem>> -> memref<1x64xi32, #tpu.memory_space<vmem>>
      %dma_wait3A_389 = tpu.memref_squeeze %dma_wait3A_388 : memref<1x64xi32, #tpu.memory_space<vmem>> -> memref<64xi32, #tpu.memory_space<vmem>>
      %dma_wait3A_390 = arith.constant 0 : i32
      %dma_wait3A_391 = arith.constant 0 : i32
      %dma_wait3A_392 = tpu.memref_slice %arg2[%dma_wait3A_390, %dma_wait3A_391] : memref<10112x128xf32, #tpu.memory_space<hbm>> -> memref<10112x128xf32, #tpu.memory_space<hbm>>
      tpu.wait_indirect_dma semaphore(%arg14 : memref<!tpu.dma_semaphore, #tpu.memory_space<semaphore_mem>>) src(%dma_wait3A_392 : memref<10112x128xf32, #tpu.memory_space<hbm>>) dst(%arg11 : memref<64x128xf32, #tpu.memory_space<vmem>>)
      %dma_wait3A_393 = arith.constant 7 : i32
      %dma_wait3A_394 = arith.constant 0 : i32
      %dma_wait3A_395 = tpu.memref_slice %arg8[%dma_wait3A_393, %dma_wait3A_394] : memref<8x64xi32, #tpu.memory_space<vmem>> -> memref<1x64xi32, #tpu.memory_space<vmem>>
      %dma_wait3A_396 = tpu.memref_squeeze %dma_wait3A_395 : memref<1x64xi32, #tpu.memory_space<vmem>> -> memref<64xi32, #tpu.memory_space<vmem>>
      %dma_wait3A_397 = arith.constant 0 : i32
      %dma_wait3A_398 = arith.constant 0 : i32
      %dma_wait3A_399 = tpu.memref_slice %arg3[%dma_wait3A_397, %dma_wait3A_398] : memref<10112x128xf32, #tpu.memory_space<hbm>> -> memref<10112x128xf32, #tpu.memory_space<hbm>>
      tpu.wait_indirect_dma semaphore(%arg15 : memref<!tpu.dma_semaphore, #tpu.memory_space<semaphore_mem>>) src(%dma_wait3A_399 : memref<10112x128xf32, #tpu.memory_space<hbm>>) dst(%arg12 : memref<64x128xf32, #tpu.memory_space<vmem>>)
      %scan3A_400 = arith.constant 0 : i32
      %scan3A_401 = arith.constant 64 : i32
      %scan3A_402 = arith.addi %scan3A_400, %scan3A_401 : i32
      %scan3A_403 = arith.constant 1 : i32
      scf.for %scan3A_426 = %scan3A_400 to %scan3A_402 step %scan3A_403  : i32 {
        %mul3A_427 = arith.constant 1 : i32
        %mul3A_428 = arith.muli %scan3A_426, %mul3A_427 : i32
        %add3A_429 = arith.constant 0 : i32
        %add3A_430 = arith.addi %add3A_429, %mul3A_428 : i32
        %get3A = arith.index_cast %add3A_430 : i32 to index
        %get3A_431 = arith.constant 48 : index
        %get3A_432 = tpu.vector_load %arg11[%get3A, %get3A_431] {strides = array<i32>} : memref<64x128xf32, #tpu.memory_space<vmem>>, vector<1x16xf32>,
        %get3A_433 = vector.shape_cast %get3A_432 : vector<1x16xf32> to vector<16xf32>
        %get3A_434 = arith.index_cast %add3A_430 : i32 to index
        %get3A_435 = arith.constant 0 : index
        %get3A_436 = tpu.vector_load %arg12[%get3A_434, %get3A_435] {strides = array<i32>} : memref<64x128xf32, #tpu.memory_space<vmem>>, vector<1x16xf32>,
        %get3A_437 = vector.shape_cast %get3A_436 : vector<1x16xf32> to vector<16xf32>
        %add3A_438 = arith.addf %get3A_433, %get3A_437 : vector<16xf32>
        %mul3A_439 = arith.constant 2.000000e-01 : f32
        %mul3A_440 = vector.broadcast %mul3A_439 : f32 to vector<16xf32>
        %mul3A_441 = arith.mulf %mul3A_440, %add3A_438 : vector<16xf32>
        %max3A = arith.maximumf %add3A_438, %mul3A_441 : vector<16xf32>
        %exp3A = math.exp %max3A : vector<16xf32>
        %swap3A = arith.index_cast %add3A_430 : i32 to index
        %swap3A_442 = arith.constant 48 : index
        %swap3A_443 = tpu.vector_load %arg11[%swap3A, %swap3A_442] {strides = array<i32>} : memref<64x128xf32, #tpu.memory_space<vmem>>, vector<1x16xf32>,
        %swap3A_444 = vector.shape_cast %swap3A_443 : vector<1x16xf32> to vector<16xf32>
        %swap3A_445 = vector.shape_cast %exp3A : vector<16xf32> to vector<1x16xf32>
        tpu.vector_store %arg11[%swap3A, %swap3A_442], %swap3A_445 {strides = array<i32>} : memref<64x128xf32, #tpu.memory_space<vmem>>, vector<1x16xf32>,
        %get3A_446 = arith.index_cast %add3A_430 : i32 to index
        %get3A_447 = arith.constant 0 : index
        %get3A_448 = tpu.vector_load %arg11[%get3A_446, %get3A_447] {strides = array<i32>} : memref<64x128xf32, #tpu.memory_space<vmem>>, vector<1x16xf32>,
        %get3A_449 = vector.shape_cast %get3A_448 : vector<1x16xf32> to vector<16xf32>
        %mul3A_450 = arith.mulf %get3A_449, %exp3A : vector<16xf32>
        %swap3A_451 = arith.index_cast %add3A_430 : i32 to index
        %swap3A_452 = arith.constant 0 : index
        %swap3A_453 = tpu.vector_load %arg11[%swap3A_451, %swap3A_452] {strides = array<i32>} : memref<64x128xf32, #tpu.memory_space<vmem>>, vector<1x16xf32>,
        %swap3A_454 = vector.shape_cast %swap3A_453 : vector<1x16xf32> to vector<16xf32>
        %swap3A_455 = vector.shape_cast %mul3A_450 : vector<16xf32> to vector<1x16xf32>
        tpu.vector_store %arg11[%swap3A_451, %swap3A_452], %swap3A_455 {strides = array<i32>} : memref<64x128xf32, #tpu.memory_space<vmem>>, vector<1x16xf32>,
        %get3A_456 = arith.index_cast %add3A_430 : i32 to index
        %get3A_457 = arith.constant 16 : index
        %get3A_458 = tpu.vector_load %arg11[%get3A_456, %get3A_457] {strides = array<i32>} : memref<64x128xf32, #tpu.memory_space<vmem>>, vector<1x16xf32>,
        %get3A_459 = vector.shape_cast %get3A_458 : vector<1x16xf32> to vector<16xf32>
        %mul3A_460 = arith.mulf %get3A_459, %exp3A : vector<16xf32>
        %swap3A_461 = arith.index_cast %add3A_430 : i32 to index
        %swap3A_462 = arith.constant 16 : index
        %swap3A_463 = tpu.vector_load %arg11[%swap3A_461, %swap3A_462] {strides = array<i32>} : memref<64x128xf32, #tpu.memory_space<vmem>>, vector<1x16xf32>,
        %swap3A_464 = vector.shape_cast %swap3A_463 : vector<1x16xf32> to vector<16xf32>
        %swap3A_465 = vector.shape_cast %mul3A_460 : vector<16xf32> to vector<1x16xf32>
        tpu.vector_store %arg11[%swap3A_461, %swap3A_462], %swap3A_465 {strides = array<i32>} : memref<64x128xf32, #tpu.memory_space<vmem>>, vector<1x16xf32>,
        %get3A_466 = arith.index_cast %add3A_430 : i32 to index
        %get3A_467 = arith.constant 32 : index
        %get3A_468 = tpu.vector_load %arg11[%get3A_466, %get3A_467] {strides = array<i32>} : memref<64x128xf32, #tpu.memory_space<vmem>>, vector<1x16xf32>,
        %get3A_469 = vector.shape_cast %get3A_468 : vector<1x16xf32> to vector<16xf32>
        %mul3A_470 = arith.mulf %get3A_469, %exp3A : vector<16xf32>
        %swap3A_471 = arith.index_cast %add3A_430 : i32 to index
        %swap3A_472 = arith.constant 32 : index
        %swap3A_473 = tpu.vector_load %arg11[%swap3A_471, %swap3A_472] {strides = array<i32>} : memref<64x128xf32, #tpu.memory_space<vmem>>, vector<1x16xf32>,
        %swap3A_474 = vector.shape_cast %swap3A_473 : vector<1x16xf32> to vector<16xf32>
        %swap3A_475 = vector.shape_cast %mul3A_470 : vector<16xf32> to vector<1x16xf32>
        tpu.vector_store %arg11[%swap3A_471, %swap3A_472], %swap3A_475 {strides = array<i32>} : memref<64x128xf32, #tpu.memory_space<vmem>>, vector<1x16xf32>,
      }
      %scan3A_404 = arith.constant 64 : i32
      %dma_start3A_405 = arith.constant 7 : i32
      %dma_start3A_406 = arith.constant 0 : i32
      %dma_start3A_407 = tpu.memref_slice %arg8[%dma_start3A_405, %dma_start3A_406] : memref<8x64xi32, #tpu.memory_space<vmem>> -> memref<1x64xi32, #tpu.memory_space<vmem>>
      %dma_start3A_408 = tpu.memref_squeeze %dma_start3A_407 : memref<1x64xi32, #tpu.memory_space<vmem>> -> memref<64xi32, #tpu.memory_space<vmem>>
      %dma_start3A_409 = arith.constant 0 : i32
      %dma_start3A_410 = arith.constant 0 : i32
      %dma_start3A_411 = tpu.memref_slice %arg13[%dma_start3A_409, %dma_start3A_410] : memref<10112x128xf32, #tpu.memory_space<vmem_shared>> -> memref<10112x128xf32, #tpu.memory_space<vmem_shared>>
      tpu.enqueue_indirect_dma source(%arg11 : memref<64x128xf32, #tpu.memory_space<vmem>>) target(%dma_start3A_411 : memref<10112x128xf32, #tpu.memory_space<vmem_shared>>) offsets(%dma_start3A_408 : memref<64xi32, #tpu.memory_space<vmem>>) semaphore(%arg17 : memref<!tpu.dma_semaphore, #tpu.memory_space<semaphore_mem>>) {add = true}
      %dma_wait3A_412 = arith.constant 6 : i32
      %dma_wait3A_413 = arith.constant 0 : i32
      %dma_wait3A_414 = tpu.memref_slice %arg8[%dma_wait3A_412, %dma_wait3A_413] : memref<8x64xi32, #tpu.memory_space<vmem>> -> memref<1x64xi32, #tpu.memory_space<vmem>>
      %dma_wait3A_415 = tpu.memref_squeeze %dma_wait3A_414 : memref<1x64xi32, #tpu.memory_space<vmem>> -> memref<64xi32, #tpu.memory_space<vmem>>
      %dma_wait3A_416 = arith.constant 0 : i32
      %dma_wait3A_417 = arith.constant 0 : i32
      %dma_wait3A_418 = tpu.memref_slice %arg13[%dma_wait3A_416, %dma_wait3A_417] : memref<10112x128xf32, #tpu.memory_space<vmem_shared>> -> memref<10112x128xf32, #tpu.memory_space<vmem_shared>>
      tpu.wait_indirect_dma semaphore(%arg16 : memref<!tpu.dma_semaphore, #tpu.memory_space<semaphore_mem>>) src(%arg9 : memref<64x128xf32, #tpu.memory_space<vmem>>) dst(%dma_wait3A_418 : memref<10112x128xf32, #tpu.memory_space<vmem_shared>>)
      %dma_wait3A_419 = arith.constant 7 : i32
      %dma_wait3A_420 = arith.constant 0 : i32
      %dma_wait3A_421 = tpu.memref_slice %arg8[%dma_wait3A_419, %dma_wait3A_420] : memref<8x64xi32, #tpu.memory_space<vmem>> -> memref<1x64xi32, #tpu.memory_space<vmem>>
      %dma_wait3A_422 = tpu.memref_squeeze %dma_wait3A_421 : memref<1x64xi32, #tpu.memory_space<vmem>> -> memref<64xi32, #tpu.memory_space<vmem>>
      %dma_wait3A_423 = arith.constant 0 : i32
      %dma_wait3A_424 = arith.constant 0 : i32
      %dma_wait3A_425 = tpu.memref_slice %arg13[%dma_wait3A_423, %dma_wait3A_424] : memref<10112x128xf32, #tpu.memory_space<vmem_shared>> -> memref<10112x128xf32, #tpu.memory_space<vmem_shared>>
      tpu.wait_indirect_dma semaphore(%arg17 : memref<!tpu.dma_semaphore, #tpu.memory_space<semaphore_mem>>) src(%arg11 : memref<64x128xf32, #tpu.memory_space<vmem>>) dst(%dma_wait3A_425 : memref<10112x128xf32, #tpu.memory_space<vmem_shared>>)
    }
    %scan3A_32 = arith.constant 21 : i32
    %barrier3A_33 = arith.constant 0 : index
    tpu.barrier barrier_id(%barrier3A_33)
    %add3A_34 = arith.constant 0 : i32
    %add3A_35 = arith.addi %mul3A_7, %add3A_34 : i32
    %add3A_36 = arith.constant 0 : i32
    %add3A_37 = arith.addi %mul3A_7, %add3A_36 : i32
    "tpu.region"() ({
      %run_scoped3A = tpu.sem_alloc : memref<!tpu.dma_semaphore, #tpu.memory_space<semaphore_mem>>
      %dma_start3A = arith.constant 0 : i32
      %dma_start3A_42 = tpu.memref_slice %arg6[%arg0, %add3A_37, %dma_start3A] : memref<2x10112x128xf32, #tpu.memory_space<hbm>> -> memref<1x512x128xf32, #tpu.memory_space<hbm>>
      %dma_start3A_43 = tpu.memref_squeeze %dma_start3A_42 : memref<1x512x128xf32, #tpu.memory_space<hbm>> -> memref<512x128xf32, #tpu.memory_space<hbm>>
      %dma_start3A_44 = arith.constant 0 : i32
      %dma_start3A_45 = tpu.memref_slice %arg13[%add3A_35, %dma_start3A_44] : memref<10112x128xf32, #tpu.memory_space<vmem_shared>> -> memref<512x128xf32, #tpu.memory_space<vmem_shared>>
      tpu.enqueue_dma source(%dma_start3A_45 : memref<512x128xf32, #tpu.memory_space<vmem_shared>>) target(%dma_start3A_43 : memref<512x128xf32, #tpu.memory_space<hbm>>) target_semaphore(%run_scoped3A : memref<!tpu.dma_semaphore, #tpu.memory_space<semaphore_mem>>)
      %dma_wait3A = arith.constant 0 : i32
      %dma_wait3A_46 = tpu.memref_slice %arg6[%arg0, %add3A_37, %dma_wait3A] : memref<2x10112x128xf32, #tpu.memory_space<hbm>> -> memref<1x512x128xf32, #tpu.memory_space<hbm>>
      %dma_wait3A_47 = tpu.memref_squeeze %dma_wait3A_46 : memref<1x512x128xf32, #tpu.memory_space<hbm>> -> memref<512x128xf32, #tpu.memory_space<hbm>>
      %dma_wait3A_48 = arith.constant 0 : i32
      %dma_wait3A_49 = tpu.memref_slice %arg13[%add3A_35, %dma_wait3A_48] : memref<10112x128xf32, #tpu.memory_space<vmem_shared>> -> memref<512x128xf32, #tpu.memory_space<vmem_shared>>
      tpu.wait_dma2 semaphore(%run_scoped3A : memref<!tpu.dma_semaphore, #tpu.memory_space<semaphore_mem>>) src(%dma_wait3A_49 : memref<512x128xf32, #tpu.memory_space<vmem_shared>>) dst(%dma_wait3A_47 : memref<512x128xf32, #tpu.memory_space<hbm>>)
      tpu.yield
    }) : () -> ()
    %add3A_38 = arith.constant 512 : i32
    %add3A_39 = arith.addi %mul3A_7, %add3A_38 : i32
    %add3A_40 = arith.constant 512 : i32
    %add3A_41 = arith.addi %mul3A_7, %add3A_40 : i32
    "tpu.region"() ({
      %run_scoped3A = tpu.sem_alloc : memref<!tpu.dma_semaphore, #tpu.memory_space<semaphore_mem>>
      %dma_start3A = arith.constant 0 : i32
      %dma_start3A_42 = tpu.memref_slice %arg6[%arg0, %add3A_41, %dma_start3A] : memref<2x10112x128xf32, #tpu.memory_space<hbm>> -> memref<1x120x128xf32, #tpu.memory_space<hbm>>
      %dma_start3A_43 = tpu.memref_squeeze %dma_start3A_42 : memref<1x120x128xf32, #tpu.memory_space<hbm>> -> memref<120x128xf32, #tpu.memory_space<hbm>>
      %dma_start3A_44 = arith.constant 0 : i32
      %dma_start3A_45 = tpu.memref_slice %arg13[%add3A_39, %dma_start3A_44] : memref<10112x128xf32, #tpu.memory_space<vmem_shared>> -> memref<120x128xf32, #tpu.memory_space<vmem_shared>>
      tpu.enqueue_dma source(%dma_start3A_45 : memref<120x128xf32, #tpu.memory_space<vmem_shared>>) target(%dma_start3A_43 : memref<120x128xf32, #tpu.memory_space<hbm>>) target_semaphore(%run_scoped3A : memref<!tpu.dma_semaphore, #tpu.memory_space<semaphore_mem>>)
      %dma_wait3A = arith.constant 0 : i32
      %dma_wait3A_46 = tpu.memref_slice %arg6[%arg0, %add3A_41, %dma_wait3A] : memref<2x10112x128xf32, #tpu.memory_space<hbm>> -> memref<1x120x128xf32, #tpu.memory_space<hbm>>
      %dma_wait3A_47 = tpu.memref_squeeze %dma_wait3A_46 : memref<1x120x128xf32, #tpu.memory_space<hbm>> -> memref<120x128xf32, #tpu.memory_space<hbm>>
      %dma_wait3A_48 = arith.constant 0 : i32
      %dma_wait3A_49 = tpu.memref_slice %arg13[%add3A_39, %dma_wait3A_48] : memref<10112x128xf32, #tpu.memory_space<vmem_shared>> -> memref<120x128xf32, #tpu.memory_space<vmem_shared>>
      tpu.wait_dma2 semaphore(%run_scoped3A : memref<!tpu.dma_semaphore, #tpu.memory_space<semaphore_mem>>) src(%dma_wait3A_49 : memref<120x128xf32, #tpu.memory_space<vmem_shared>>) dst(%dma_wait3A_47 : memref<120x128xf32, #tpu.memory_space<hbm>>)
      tpu.yield
    }) : () -> ()
    return
  }
}

module attributes {stable_mosaic.version = 14 : i64} {
  func.func @_tc1_body(%arg0: i32, %arg1: memref<1000x128xf32, #tpu.memory_space<vmem>>, %arg2: memref<128x64xf32, #tpu.memory_space<vmem>>, %arg3: memref<64x64xf32, #tpu.memory_space<vmem>>, %arg4: memref<64x64xf32, #tpu.memory_space<vmem>>, %arg5: memref<1000x128xf32, #tpu.memory_space<vmem>>, %arg6: memref<1000x128xf32, #tpu.memory_space<vmem>>) attributes {dimension_semantics = [#tpu.dimension_semantics<arbitrary>], iteration_bounds = array<i64: 10>, scalar_prefetch = 0 : i64, scratch_operands = 0 : i64, tpu.core_type = #tpu.core_type<tc>, window_params = [{transform_indices = @transform_0, window_bounds = array<i64: 1000, 128>}, {pipeline_mode = #tpu.pipeline_mode<synchronous>, transform_indices = @transform_1, window_bounds = array<i64: 128, 64>}, {pipeline_mode = #tpu.pipeline_mode<synchronous>, transform_indices = @transform_2, window_bounds = array<i64: 64, 64>}, {pipeline_mode = #tpu.pipeline_mode<synchronous>, transform_indices = @transform_3, window_bounds = array<i64: 64, 64>}, {transform_indices = @transform_4, window_bounds = array<i64: 1000, 128>}, {transform_indices = @transform_5, window_bounds = array<i64: 1000, 128>}]} {
    %get3A = arith.constant 0 : index
    %get3A_0 = arith.constant 0 : index
    %get3A_1 = vector.load %arg1[%get3A, %get3A_0] : memref<1000x128xf32, #tpu.memory_space<vmem>>, vector<1000x128xf32>
    %get3A_2 = arith.constant 0 : index
    %get3A_3 = arith.constant 0 : index
    %get3A_4 = vector.load %arg2[%get3A_2, %get3A_3] : memref<128x64xf32, #tpu.memory_space<vmem>>, vector<128x64xf32>
    %dot_general3A = arith.constant dense<0.000000e+00> : vector<1000x64xf32>
    %dot_general3A_5 = tpu.matmul %get3A_1, %get3A_4, %dot_general3A {dimension_numbers = #tpu.dot_dimension_numbers<[1], [0], [0], [1], [0, 0, 1, 1], [], []>, transpose_lhs_hint = false} : vector<1000x128xf32>, vector<128x64xf32>, vector<1000x64xf32> -> vector<1000x64xf32>
    %get3A_6 = arith.constant 0 : index
    %get3A_7 = arith.constant 0 : index
    %get3A_8 = vector.load %arg3[%get3A_6, %get3A_7] : memref<64x64xf32, #tpu.memory_space<vmem>>, vector<64x64xf32>
    %dot_general3A_9 = arith.constant dense<0.000000e+00> : vector<1000x64xf32>
    %dot_general3A_10 = tpu.matmul %dot_general3A_5, %get3A_8, %dot_general3A_9 {dimension_numbers = #tpu.dot_dimension_numbers<[1], [0], [0], [1], [0, 0, 1, 1], [], []>, transpose_lhs_hint = false} : vector<1000x64xf32>, vector<64x64xf32>, vector<1000x64xf32> -> vector<1000x64xf32>
    %concatenate3A = tpu.concatenate %dot_general3A_5, %dot_general3A_10 in 1 : vector<1000x64xf32>, vector<1000x64xf32> -> vector<1000x128xf32>
    %swap3A = arith.constant 0 : index
    %swap3A_11 = arith.constant 0 : index
    %swap3A_12 = vector.load %arg5[%swap3A, %swap3A_11] : memref<1000x128xf32, #tpu.memory_space<vmem>>, vector<1000x128xf32>
    tpu.vector_store %arg5[%swap3A, %swap3A_11], %concatenate3A {strides = array<i32>} : memref<1000x128xf32, #tpu.memory_space<vmem>>, vector<1000x128xf32>,
    %get3A_13 = arith.constant 0 : index
    %get3A_14 = arith.constant 0 : index
    %get3A_15 = vector.load %arg4[%get3A_13, %get3A_14] : memref<64x64xf32, #tpu.memory_space<vmem>>, vector<64x64xf32>
    %dot_general3A_16 = arith.constant dense<0.000000e+00> : vector<1000x64xf32>
    %dot_general3A_17 = tpu.matmul %dot_general3A_5, %get3A_15, %dot_general3A_16 {dimension_numbers = #tpu.dot_dimension_numbers<[1], [0], [0], [1], [0, 0, 1, 1], [], []>, transpose_lhs_hint = false} : vector<1000x64xf32>, vector<64x64xf32>, vector<1000x64xf32> -> vector<1000x64xf32>
    %broadcast_in_dim3A = arith.constant 0.000000e+00 : f32
    %broadcast_in_dim3A_18 = vector.broadcast %broadcast_in_dim3A : f32 to vector<1000x64xf32>
    %concatenate3A_19 = tpu.concatenate %dot_general3A_17, %broadcast_in_dim3A_18 in 1 : vector<1000x64xf32>, vector<1000x64xf32> -> vector<1000x128xf32>
    %swap3A_20 = arith.constant 0 : index
    %swap3A_21 = arith.constant 0 : index
    %swap3A_22 = vector.load %arg6[%swap3A_20, %swap3A_21] : memref<1000x128xf32, #tpu.memory_space<vmem>>, vector<1000x128xf32>
    tpu.vector_store %arg6[%swap3A_20, %swap3A_21], %concatenate3A_19 {strides = array<i32>} : memref<1000x128xf32, #tpu.memory_space<vmem>>, vector<1000x128xf32>,
    return
  }
  func.func @transform_0(%arg0: i32) -> (i32, i32) {
    %c0_i32 = arith.constant 0 : i32
    %c0_i32_0 = arith.constant 0 : i32
    return %arg0, %c0_i32 : i32, i32
  }
  func.func @transform_1(%arg0: i32) -> (i32, i32) {
    %c0_i32 = arith.constant 0 : i32
    %c0_i32_0 = arith.constant 0 : i32
    %c0_i32_1 = arith.constant 0 : i32
    return %c0_i32, %c0_i32_0 : i32, i32
  }
  func.func @transform_2(%arg0: i32) -> (i32, i32) {
    %c0_i32 = arith.constant 0 : i32
    %c0_i32_0 = arith.constant 0 : i32
    %c0_i32_1 = arith.constant 0 : i32
    return %c0_i32, %c0_i32_0 : i32, i32
  }
  func.func @transform_3(%arg0: i32) -> (i32, i32) {
    %c0_i32 = arith.constant 0 : i32
    %c0_i32_0 = arith.constant 0 : i32
    %c0_i32_1 = arith.constant 0 : i32
    return %c0_i32, %c0_i32_0 : i32, i32
  }
  func.func @transform_4(%arg0: i32) -> (i32, i32) {
    %c0_i32 = arith.constant 0 : i32
    %c0_i32_0 = arith.constant 0 : i32
    return %arg0, %c0_i32 : i32, i32
  }
  func.func @transform_5(%arg0: i32) -> (i32, i32) {
    %c0_i32 = arith.constant 0 : i32
    %c0_i32_0 = arith.constant 0 : i32
    return %arg0, %c0_i32 : i32, i32
  }
}

module attributes {stable_mosaic.version = 14 : i64} {
  func.func @_tc2_body(%arg0: i32, %arg1: memref<2x1000x128xf32, #tpu.memory_space<vmem>>, %arg2: memref<1x64xf32, #tpu.memory_space<vmem>>, %arg3: memref<64x40xf32, #tpu.memory_space<vmem>>, %arg4: memref<40x16xf32, #tpu.memory_space<vmem>>, %arg5: memref<40x16xf32, #tpu.memory_space<vmem>>, %arg6: memref<1000x128xf32, #tpu.memory_space<vmem>>, %arg7: memref<1000x128xf32, #tpu.memory_space<vmem>>) attributes {dimension_semantics = [#tpu.dimension_semantics<arbitrary>], iteration_bounds = array<i64: 10>, scalar_prefetch = 0 : i64, scratch_operands = 0 : i64, tpu.core_type = #tpu.core_type<tc>, window_params = [{transform_indices = @transform_0, window_bounds = array<i64: 2, 1000, 128>}, {pipeline_mode = #tpu.pipeline_mode<synchronous>, transform_indices = @transform_1, window_bounds = array<i64: 1, 64>}, {pipeline_mode = #tpu.pipeline_mode<synchronous>, transform_indices = @transform_2, window_bounds = array<i64: 64, 40>}, {pipeline_mode = #tpu.pipeline_mode<synchronous>, transform_indices = @transform_3, window_bounds = array<i64: 40, 16>}, {pipeline_mode = #tpu.pipeline_mode<synchronous>, transform_indices = @transform_4, window_bounds = array<i64: 40, 16>}, {transform_indices = @transform_5, window_bounds = array<i64: 1000, 128>}, {transform_indices = @transform_6, window_bounds = array<i64: 1000, 128>}]} {
    %get3A = arith.constant 0 : index
    %get3A_0 = arith.constant 0 : index
    %get3A_1 = arith.constant 0 : index
    %get3A_2 = vector.load %arg1[%get3A, %get3A_0, %get3A_1] : memref<2x1000x128xf32, #tpu.memory_space<vmem>>, vector<1x1000x128xf32>
    %get3A_3 = vector.shape_cast %get3A_2 : vector<1x1000x128xf32> to vector<1000x128xf32>
    %get3A_4 = arith.constant 1 : index
    %get3A_5 = arith.constant 0 : index
    %get3A_6 = arith.constant 0 : index
    %get3A_7 = vector.load %arg1[%get3A_4, %get3A_5, %get3A_6] : memref<2x1000x128xf32, #tpu.memory_space<vmem>>, vector<1x1000x128xf32>
    %get3A_8 = vector.shape_cast %get3A_7 : vector<1x1000x128xf32> to vector<1000x128xf32>
    %add3A = arith.addf %get3A_3, %get3A_8 : vector<1000x128xf32>
    %slice3A = vector.extract_strided_slice %add3A {offsets = [0, 0], sizes = [1000, 64], strides = [1, 1]} : vector<1000x128xf32> to vector<1000x64xf32>
    %slice3A_9 = vector.extract_strided_slice %add3A {offsets = [0, 64], sizes = [1000, 64], strides = [1, 1]} : vector<1000x128xf32> to vector<1000x64xf32>
    %add3A_10 = arith.constant 1.000000e-16 : f32
    %add3A_11 = vector.broadcast %add3A_10 : f32 to vector<1000x64xf32>
    %add3A_12 = arith.addf %slice3A_9, %add3A_11 : vector<1000x64xf32>
    %div3A = arith.divf %slice3A, %add3A_12 : vector<1000x64xf32>
    %get3A_13 = arith.constant 0 : index
    %get3A_14 = arith.constant 0 : index
    %get3A_15 = vector.load %arg2[%get3A_13, %get3A_14] : memref<1x64xf32, #tpu.memory_space<vmem>>, vector<1x64xf32>
    %add3A_16 = vector.broadcast %get3A_15 : vector<1x64xf32> to vector<1000x64xf32>
    %add3A_17 = arith.addf %div3A, %add3A_16 : vector<1000x64xf32>
    %gt3A = arith.constant 0.000000e+00 : f32
    %gt3A_18 = vector.broadcast %gt3A : f32 to vector<1000x64xf32>
    %gt3A_19 = arith.cmpf ogt, %add3A_17, %gt3A_18 : vector<1000x64xf32>
    %min3A = arith.constant 0.000000e+00 : f32
    %min3A_20 = vector.broadcast %min3A : f32 to vector<1000x64xf32>
    %min3A_21 = arith.minimumf %add3A_17, %min3A_20 : vector<1000x64xf32>
    %exp3A = math.exp %min3A_21 : vector<1000x64xf32>
    %sub3A = arith.constant 1.000000e+00 : f32
    %sub3A_22 = vector.broadcast %sub3A : f32 to vector<1000x64xf32>
    %sub3A_23 = arith.subf %exp3A, %sub3A_22 : vector<1000x64xf32>
    %select_n3A = arith.select %gt3A_19, %add3A_17, %sub3A_23 : vector<1000x64xi1>, vector<1000x64xf32>
    %get3A_24 = arith.constant 0 : index
    %get3A_25 = arith.constant 0 : index
    %get3A_26 = vector.load %arg3[%get3A_24, %get3A_25] : memref<64x40xf32, #tpu.memory_space<vmem>>, vector<64x40xf32>
    %dot_general3A = arith.constant dense<0.000000e+00> : vector<1000x40xf32>
    %dot_general3A_27 = tpu.matmul %select_n3A, %get3A_26, %dot_general3A {dimension_numbers = #tpu.dot_dimension_numbers<[1], [0], [0], [1], [0, 0, 1, 1], [], []>, transpose_lhs_hint = false} : vector<1000x64xf32>, vector<64x40xf32>, vector<1000x40xf32> -> vector<1000x40xf32>
    %get3A_28 = arith.constant 0 : index
    %get3A_29 = arith.constant 0 : index
    %get3A_30 = vector.load %arg4[%get3A_28, %get3A_29] : memref<40x16xf32, #tpu.memory_space<vmem>>, vector<40x16xf32>
    %dot_general3A_31 = arith.constant dense<0.000000e+00> : vector<1000x16xf32>
    %dot_general3A_32 = tpu.matmul %dot_general3A_27, %get3A_30, %dot_general3A_31 {dimension_numbers = #tpu.dot_dimension_numbers<[1], [0], [0], [1], [0, 0, 1, 1], [], []>, transpose_lhs_hint = false} : vector<1000x40xf32>, vector<40x16xf32>, vector<1000x16xf32> -> vector<1000x16xf32>
    %broadcast_in_dim3A = arith.constant 0.000000e+00 : f32
    %broadcast_in_dim3A_33 = vector.broadcast %broadcast_in_dim3A : f32 to vector<1000x8xf32>
    %broadcast_in_dim3A_34 = arith.constant 0.000000e+00 : f32
    %broadcast_in_dim3A_35 = vector.broadcast %broadcast_in_dim3A_34 : f32 to vector<1000x64xf32>
    %concatenate3A = tpu.concatenate %dot_general3A_27, %broadcast_in_dim3A_33, %dot_general3A_32, %broadcast_in_dim3A_35 in 1 : vector<1000x40xf32>, vector<1000x8xf32>, vector<1000x16xf32>, vector<1000x64xf32> -> vector<1000x128xf32>
    %swap3A = arith.constant 0 : index
    %swap3A_36 = arith.constant 0 : index
    %swap3A_37 = vector.load %arg6[%swap3A, %swap3A_36] : memref<1000x128xf32, #tpu.memory_space<vmem>>, vector<1000x128xf32>
    tpu.vector_store %arg6[%swap3A, %swap3A_36], %concatenate3A {strides = array<i32>} : memref<1000x128xf32, #tpu.memory_space<vmem>>, vector<1000x128xf32>,
    %get3A_38 = arith.constant 0 : index
    %get3A_39 = arith.constant 0 : index
    %get3A_40 = vector.load %arg5[%get3A_38, %get3A_39] : memref<40x16xf32, #tpu.memory_space<vmem>>, vector<40x16xf32>
    %dot_general3A_41 = arith.constant dense<0.000000e+00> : vector<1000x16xf32>
    %dot_general3A_42 = tpu.matmul %dot_general3A_27, %get3A_40, %dot_general3A_41 {dimension_numbers = #tpu.dot_dimension_numbers<[1], [0], [0], [1], [0, 0, 1, 1], [], []>, transpose_lhs_hint = false} : vector<1000x40xf32>, vector<40x16xf32>, vector<1000x16xf32> -> vector<1000x16xf32>
    %broadcast_in_dim3A_43 = arith.constant 0.000000e+00 : f32
    %broadcast_in_dim3A_44 = vector.broadcast %broadcast_in_dim3A_43 : f32 to vector<1000x112xf32>
    %concatenate3A_45 = tpu.concatenate %dot_general3A_42, %broadcast_in_dim3A_44 in 1 : vector<1000x16xf32>, vector<1000x112xf32> -> vector<1000x128xf32>
    %swap3A_46 = arith.constant 0 : index
    %swap3A_47 = arith.constant 0 : index
    %swap3A_48 = vector.load %arg7[%swap3A_46, %swap3A_47] : memref<1000x128xf32, #tpu.memory_space<vmem>>, vector<1000x128xf32>
    tpu.vector_store %arg7[%swap3A_46, %swap3A_47], %concatenate3A_45 {strides = array<i32>} : memref<1000x128xf32, #tpu.memory_space<vmem>>, vector<1000x128xf32>,
    return
  }
  func.func @transform_0(%arg0: i32) -> (i32, i32, i32) {
    %c0_i32 = arith.constant 0 : i32
    %c0_i32_0 = arith.constant 0 : i32
    %c0_i32_1 = arith.constant 0 : i32
    return %c0_i32, %arg0, %c0_i32_0 : i32, i32, i32
  }
  func.func @transform_1(%arg0: i32) -> (i32, i32) {
    %c0_i32 = arith.constant 0 : i32
    %c0_i32_0 = arith.constant 0 : i32
    %c0_i32_1 = arith.constant 0 : i32
    return %c0_i32, %c0_i32_0 : i32, i32
  }
  func.func @transform_2(%arg0: i32) -> (i32, i32) {
    %c0_i32 = arith.constant 0 : i32
    %c0_i32_0 = arith.constant 0 : i32
    %c0_i32_1 = arith.constant 0 : i32
    return %c0_i32, %c0_i32_0 : i32, i32
  }
  func.func @transform_3(%arg0: i32) -> (i32, i32) {
    %c0_i32 = arith.constant 0 : i32
    %c0_i32_0 = arith.constant 0 : i32
    %c0_i32_1 = arith.constant 0 : i32
    return %c0_i32, %c0_i32_0 : i32, i32
  }
  func.func @transform_4(%arg0: i32) -> (i32, i32) {
    %c0_i32 = arith.constant 0 : i32
    %c0_i32_0 = arith.constant 0 : i32
    %c0_i32_1 = arith.constant 0 : i32
    return %c0_i32, %c0_i32_0 : i32, i32
  }
  func.func @transform_5(%arg0: i32) -> (i32, i32) {
    %c0_i32 = arith.constant 0 : i32
    %c0_i32_0 = arith.constant 0 : i32
    return %arg0, %c0_i32 : i32, i32
  }
  func.func @transform_6(%arg0: i32) -> (i32, i32) {
    %c0_i32 = arith.constant 0 : i32
    %c0_i32_0 = arith.constant 0 : i32
    return %arg0, %c0_i32 : i32, i32
  }
}

module attributes {stable_mosaic.version = 14 : i64} {
  func.func @_tc3_body(%arg0: i32, %arg1: memref<2x1000x128xf32, #tpu.memory_space<vmem>>, %arg2: memref<1x40xf32, #tpu.memory_space<vmem>>, %arg3: memref<1000x40xf32, #tpu.memory_space<vmem>>) attributes {dimension_semantics = [#tpu.dimension_semantics<arbitrary>], iteration_bounds = array<i64: 10>, scalar_prefetch = 0 : i64, scratch_operands = 0 : i64, tpu.core_type = #tpu.core_type<tc>, window_params = [{transform_indices = @transform_0, window_bounds = array<i64: 2, 1000, 128>}, {pipeline_mode = #tpu.pipeline_mode<synchronous>, transform_indices = @transform_1, window_bounds = array<i64: 1, 40>}, {transform_indices = @transform_2, window_bounds = array<i64: 1000, 40>}]} {
    %get3A = arith.constant 0 : index
    %get3A_0 = arith.constant 0 : index
    %get3A_1 = arith.constant 0 : index
    %get3A_2 = vector.load %arg1[%get3A, %get3A_0, %get3A_1] : memref<2x1000x128xf32, #tpu.memory_space<vmem>>, vector<1x1000x128xf32>
    %get3A_3 = vector.shape_cast %get3A_2 : vector<1x1000x128xf32> to vector<1000x128xf32>
    %get3A_4 = arith.constant 1 : index
    %get3A_5 = arith.constant 0 : index
    %get3A_6 = arith.constant 0 : index
    %get3A_7 = vector.load %arg1[%get3A_4, %get3A_5, %get3A_6] : memref<2x1000x128xf32, #tpu.memory_space<vmem>>, vector<1x1000x128xf32>
    %get3A_8 = vector.shape_cast %get3A_7 : vector<1x1000x128xf32> to vector<1000x128xf32>
    %add3A = arith.addf %get3A_3, %get3A_8 : vector<1000x128xf32>
    %slice3A = vector.extract_strided_slice %add3A {offsets = [0, 0], sizes = [1000, 40], strides = [1, 1]} : vector<1000x128xf32> to vector<1000x40xf32>
    %slice3A_9 = vector.extract_strided_slice %add3A {offsets = [0, 48], sizes = [1000, 1], strides = [1, 1]} : vector<1000x128xf32> to vector<1000x1xf32>
    %add3A_10 = arith.constant 1.000000e-16 : f32
    %add3A_11 = vector.broadcast %add3A_10 : f32 to vector<1000x1xf32>
    %add3A_12 = arith.addf %slice3A_9, %add3A_11 : vector<1000x1xf32>
    %div3A = vector.broadcast %add3A_12 : vector<1000x1xf32> to vector<1000x40xf32>
    %div3A_13 = arith.divf %slice3A, %div3A : vector<1000x40xf32>
    %get3A_14 = arith.constant 0 : index
    %get3A_15 = arith.constant 0 : index
    %get3A_16 = vector.load %arg2[%get3A_14, %get3A_15] : memref<1x40xf32, #tpu.memory_space<vmem>>, vector<1x40xf32>
    %add3A_17 = vector.broadcast %get3A_16 : vector<1x40xf32> to vector<1000x40xf32>
    %add3A_18 = arith.addf %div3A_13, %add3A_17 : vector<1000x40xf32>
    %reduce_max3A = arith.constant dense<0xFF800000> : vector<1000xf32>
    %reduce_max3A_19 = vector.multi_reduction <maximumf>, %add3A_18, %reduce_max3A [1] : vector<1000x40xf32> to vector<1000xf32>
    %broadcast_in_dim3A = vector.shape_cast %reduce_max3A_19 : vector<1000xf32> to vector<1000x1xf32>
    %sub3A = vector.broadcast %broadcast_in_dim3A : vector<1000x1xf32> to vector<1000x40xf32>
    %sub3A_20 = arith.subf %add3A_18, %sub3A : vector<1000x40xf32>
    %exp3A = math.exp %sub3A_20 : vector<1000x40xf32>
    %reduce_sum3A = arith.constant dense<0.000000e+00> : vector<1000xf32>
    %reduce_sum3A_21 = vector.multi_reduction <add>, %exp3A, %reduce_sum3A [1] : vector<1000x40xf32> to vector<1000xf32>
    %broadcast_in_dim3A_22 = vector.shape_cast %reduce_sum3A_21 : vector<1000xf32> to vector<1000x1xf32>
    %log3A = math.log %broadcast_in_dim3A_22 : vector<1000x1xf32>
    %sub3A_23 = vector.broadcast %log3A : vector<1000x1xf32> to vector<1000x40xf32>
    %sub3A_24 = arith.subf %sub3A_20, %sub3A_23 : vector<1000x40xf32>
    %swap3A = arith.constant 0 : index
    %swap3A_25 = arith.constant 0 : index
    %swap3A_26 = vector.load %arg3[%swap3A, %swap3A_25] : memref<1000x40xf32, #tpu.memory_space<vmem>>, vector<1000x40xf32>
    tpu.vector_store %arg3[%swap3A, %swap3A_25], %sub3A_24 {strides = array<i32>} : memref<1000x40xf32, #tpu.memory_space<vmem>>, vector<1000x40xf32>,
    return
  }
  func.func @transform_0(%arg0: i32) -> (i32, i32, i32) {
    %c0_i32 = arith.constant 0 : i32
    %c0_i32_0 = arith.constant 0 : i32
    %c0_i32_1 = arith.constant 0 : i32
    return %c0_i32, %arg0, %c0_i32_0 : i32, i32, i32
  }
  func.func @transform_1(%arg0: i32) -> (i32, i32) {
    %c0_i32 = arith.constant 0 : i32
    %c0_i32_0 = arith.constant 0 : i32
    %c0_i32_1 = arith.constant 0 : i32
    return %c0_i32, %c0_i32_0 : i32, i32
  }
  func.func @transform_2(%arg0: i32) -> (i32, i32) {
    %c0_i32 = arith.constant 0 : i32
    %c0_i32_0 = arith.constant 0 : i32
    return %arg0, %c0_i32 : i32, i32
  }
}

</mosaic_0001>

<sc_bundles>
// kernel: kernel.10.cloned.1.call-start
scs
__scs_entry_jumppad:
0x0: {  	(pc) =	sbr.rel $0x88, $3  }
0x1: {  	(tag) =	ssettag $0x0;
	lr =	simm.s32 $0x1  }
0x2: {  	[smem:$0x3F97] =	sst lr;
	_ =	strace $0xD0000000  }
0x3: {  	_ = 	snop  }
0x4: {  	_ = 	snop  }
0x5: {  	_ = 	snop  }
0x6: {  	_ = 	snop  }
0x7: {  	_ = 	snop  }
__scs_overlays_trampoline_lowered:
0x8: {  	[smem:$0x3FA6] =	sst s0  }
0x9: {  	[smem:$0x3FA7] =	sst s1  }
0xa: {  	[smem:$0x3FA8] =	sst s2  }
0xb: {  	[smem:$0x3FA9] =	sst s3  }
0xc: {  	[smem:$0x3FAA] =	sst s4  }
0xd: {  	[smem:$0x3FAB] =	sst s5  }
0xe: {  	[smem:$0x3FAC] =	sst s6  }
0xf: {  	[smem:$0x3FAD] =	sst s7  }
0x10: {  	[smem:$0x3FAE] =	sst s8  }
0x11: {  	[smem:$0x3FAF] =	sst s9;
	s0 =	simm.s32 @!p0 $0x0  }
0x12: {  	s1 =	sld [smem:$0x3F95];
	s0 =	simm.s32 @p0 $0x1  }
0x13: {  	[smem:$0x3FB0] =	sst s0;
	s0 =	simm.s32 @!p1 $0x0  }
0x14: {  	s2 =	sld [smem:$0x3F94];
	s0 =	simm.s32 @p1 $0x1  }
0x15: {  	[smem:$0x3FB1] =	sst s0;
	s0 =	simm.s32 @!p2 $0x0  }
0x16: {  	s3 =	sld [smem:$0x3FDB];
	s0 =	simm.s32 @p2 $0x1  }
0x17: {  	s4 =	simm.s32 $0x1BF5;
	[smem:$0x3FB3] =	sst s0  }
0x18: {  	s0 =	sld [smem:$0x3F96];
	_ =	swait.ge [sflag:s4], $0x0  }
0x19: {  	s7 =	sld [smem:$0x3F97]  }
0x1a: {  	s8 =	sadd.s32 $0xFFFFE003, lr  }
0x1b: {  	s9 =	sadd.s32 $0xFFFFFEF7, lr;
	s5 =	simm.s32 $0xFFFFFFFF;
	p2 =	slt.u32 s8, $0xFFFFF086  }
0x1c: {  	p1 =	slt.u32 s9, $0xF7A;
	s5 =	simm.s32 @!p2 $0x0  }
0x1d: {  	s5 =	simm.s32 @p1 $0x1;
	p0 =	seq.s32 s7, s2  }
0x1e: {  	s7 =	smul.u32 @!p0 $0xF7A, s2;
	p2 =	seq.s32 @!p0 s5, $0x0  }
0x1f: {  	s9 =	smul.u32 $0xF7A, s1;
	s8 =	simm.s32 @!p0 $0x1BF5;
	p2 =	por !p2, p0  }
0x20: {  	[sflag:s8] =	ssyncset.s32 @!p0 $0xFFFFF086;
	s6 =	sadd.s32 @!p0 s3, s7;
	s7 =	simm.s32 @!p0 $0x108  }
0x21: {  	s3 =	sadd.s32 s3, s9;
	s6 =	sadd.s32 @!p0 $0x88, s6;
	s7 =	simm.s32 @p2 $0x1082  }
0x22: {  	[simem:s7], [sflag:s8] =	dma.local @!p0 [hbm:s6], $0xF7A  }
0x23: {  	s9 =	sor.u32 $0xD0000000, s2;
	s6 =	simm.s32 $0x108;
	_ =	swait.ge @!p0 [sflag:s8], $0x0  }
0x24: {  	s3 =	sadd.s32 $0x88, s3;
	s6 =	simm.s32 @!p1 $0x1082;
	[sflag:s4] =	ssyncset.s32 $0xFFFFF086  }
0x25: {  	[simem:s6], [sflag:s4] =	dma.local [hbm:s3], $0xF7A  }
0x26: {  	[smem:$0x3F97] =	sst s1;
	(tag) =	ssettag s2;
	_ =	strace s9  }
0x27: {  	s1 =	sld [smem:$0x3FA7]  }
0x28: {  	s2 =	sld [smem:$0x3FA8]  }
0x29: {  	s4 =	sld [smem:$0x3FAA]  }
0x2a: {  	p0 =	seq.s32 s5, $0x0;
	s5 =	sld [smem:$0x3FAB]  }
0x2b: {  	s6 =	sld [smem:$0x3FAC]  }
0x2c: {  	s7 =	sld [smem:$0x3FAD]  }
0x2d: {  	s3 =	simm.s32 $0x108;
	s8 =	sld [smem:$0x3FAE]  }
0x2e: {  	s3 =	simm.s32 @!p0 $0x1082;
	s9 =	sld [smem:$0x3FAF]  }
0x2f: {  	lr =	sadd.s32 s0, s3;
	s0 =	sld [smem:$0x3FA6]  }
0x30: {  	s3 =	sld [smem:$0x3FA9]  }
0x31: {  	[smem:$0x3FB2] =	sst s10  }
0x32: {  	s10 =	sld [smem:$0x3FB0];
	_ =	sdelay $0x3  }
0x33: {  	p0 =	seq.s32 s10, $0x1;
	s10 =	sld [smem:$0x3FB2];
	_ =	sdelay $0x3  }
0x34: {  	[smem:$0x3FB2] =	sst s10  }
0x35: {  	s10 =	sld [smem:$0x3FB1];
	_ =	sdelay $0x3  }
0x36: {  	p1 =	seq.s32 s10, $0x1;
	s10 =	sld [smem:$0x3FB2];
	_ =	sdelay $0x3  }
0x37: {  	[smem:$0x3FB2] =	sst s10  }
0x38: {  	s10 =	sld [smem:$0x3FB3]  }
0x39: {  	_ = 	snop;
	(pc) =	sbr.ind lr, $3  }
0x3a: {  	_ = 	snop  }
0x3b: {  	_ = 	snop  }
0x3c: {  	p2 =	seq.s32 s10, $0x1;
	s10 =	sld [smem:$0x3FB2]  }
0x3d: {  	_ =	shalt  }
0x3e: {  	_ =	shalt  }
0x3f: {  	_ =	shalt  }
0x40: {  	_ =	shalt  }
0x41: {  	_ =	shalt  }
0x42: {  	_ =	shalt  }
0x43: {  	_ =	shalt  }
0x44: {  	_ =	shalt  }
0x45: {  	_ =	shalt  }
0x46: {  	_ =	shalt  }
0x47: {  	_ =	shalt  }
0x48: {  	_ =	shalt  }
0x49: {  	_ =	shalt  }
0x4a: {  	_ =	shalt  }
0x4b: {  	_ =	shalt  }
0x4c: {  	_ =	shalt  }
0x4d: {  	_ =	shalt  }
0x4e: {  	_ =	shalt  }
0x4f: {  	_ =	shalt  }
0x50: {  	_ =	shalt  }
0x51: {  	_ =	shalt  }
0x52: {  	_ =	shalt  }
0x53: {  	_ =	shalt  }
0x54: {  	_ =	shalt  }
0x55: {  	_ =	shalt  }
0x56: {  	_ =	shalt  }
0x57: {  	_ =	shalt  }
0x58: {  	_ =	shalt  }
0x59: {  	_ =	shalt  }
0x5a: {  	_ =	shalt  }
0x5b: {  	_ =	shalt  }
0x5c: {  	_ =	shalt  }
0x5d: {  	_ =	shalt  }
0x5e: {  	_ =	shalt  }
0x5f: {  	_ =	shalt  }
0x60: {  	_ =	shalt  }
0x61: {  	_ =	shalt  }
0x62: {  	_ =	shalt  }
0x63: {  	_ =	shalt  }
0x64: {  	_ =	shalt  }
0x65: {  	_ =	shalt  }
0x66: {  	_ =	shalt  }
0x67: {  	_ =	shalt  }
0x68: {  	_ =	shalt  }
0x69: {  	_ =	shalt  }
0x6a: {  	_ =	shalt  }
0x6b: {  	_ =	shalt  }
0x6c: {  	_ =	shalt  }
0x6d: {  	_ =	shalt  }
0x6e: {  	_ =	shalt  }
0x6f: {  	_ =	shalt  }
0x70: {  	_ =	shalt  }
0x71: {  	_ =	shalt  }
0x72: {  	_ =	shalt  }
0x73: {  	_ =	shalt  }
0x74: {  	_ =	shalt  }
0x75: {  	_ =	shalt  }
0x76: {  	_ =	shalt  }
0x77: {  	_ =	shalt  }
0x78: {  	_ =	shalt  }
0x79: {  	_ =	shalt  }
0x7a: {  	_ =	shalt  }
0x7b: {  	_ =	shalt  }
0x7c: {  	_ =	shalt  }
0x7d: {  	_ =	shalt  }
0x7e: {  	_ =	shalt  }
0x7f: {  	_ =	shalt  }
0x80: {  	_ =	shalt  }
0x81: {  	_ =	shalt  }
0x82: {  	_ =	shalt  }
0x83: {  	_ =	shalt  }
0x84: {  	_ =	shalt  }
0x85: {  	_ =	shalt  }
0x86: {  	_ =	shalt  }
0x87: {  	_ =	shalt  }
.Lfunc_end0:
.L_simem_size_0:
called_computation.1_lowered:
.L_overlay_start_0:
0x88: {  	s2 =	sld [smem:$0x3FD9]  }
0x89: {  	s3 =	sld [smem:$0x3FFE];
	_ =	sdelay $0x1  }
0x8a: {  	s1 =	srdreg.scid  }
0x8b: {  	s0 =	sand.u32 $0x1, s1  }
0x8c: {  	s16 =	sshll.u32 s0, $0xA;
	s2 =	sadd.s32 s3, s2  }
0x8d: {  	s2 =	sadd.s32 s2, s16  }
0x8e: {  	[smem:$0x3FBE] =	sst s2  }
0x8f: {  	_ = 	snop  }
0x90: {  	(tm) =	ssettm $0x1  }
0x91: {  	s17 =	sld [smem:$0x3FFB];
	_ =	sdelay $0x3  }
0x92: {  	_ =	strace s17  }
0x93: {  	s2 =	sld [smem:$0x3FFC];
	_ =	sdelay $0x3  }
0x94: {  	_ =	strace s2  }
0x95: {  	s2 =	sld [smem:$0x3FFD];
	_ =	sdelay $0x3  }
0x96: {  	_ =	strace s2  }
0x97: {  	_ =	strace $0x8FFFFFFF  }
0x98: {  	s18 =	sld [smem:$0x3FDB];
	_ =	sdelay $0x1  }
0x99: {  	s19 =	simm.s32 $_scs_section_size  }
0x9a: {  	s4 =	simm.s32 $_size__tile_overlayer_lowered;
	s5 =	simm.s32 $_tile_overlayer_lowered  }
0x9b: {  	s22 =	simm.s32 $0x1BFF;
	s21 =	sshll.u32 s5, $0x1;
	s2 =	sadd.s32 s19, s18  }
0x9c: {  	s6 =	simm.s32 $0x0;
	s20 =	sshll.u32 s4, $0x1;
	s4 =	sadd.s32 s21, s2  }
0x9d: {  	[timem:s6], [sflag:s22] =	dma.local [hbm:s4], s20  }
0x9e: {  	_ =	swait.ge [sflag:s22], s20  }
0x9f: {  	s3 =	ssub.s32 $0x0, s20;
	[sflag:s22] =	ssyncset.done $0x0  }
0xa0: {  	[sflag:s22] =	ssyncadd.s32 s3;
	_ =	sdelay $0x1  }
0xa1: {  	s23 =	simm.s32 $0x1B8B  }
0xa2: {  	_ =	swait.ge [sflag:s23], $0x1  }
0xa3: {  	[sflag:s23] =	ssyncset.done $0x0  }
0xa4: {  	s25 =	simm.s32 $0x1B8E;
	s24 =	sld [smem:$0x3FFE];
	[sflag:s23] =	ssyncadd.s32 $0xFFFFFFFF  }
0xa5: {  	s26 =	simm.s32 $execute0_lowered;
	[smem:$0x3FD2] =	sst s25  }
0xa6: {  	s4 =	sshll.u32 s26, $0x1;
	_ =	strace $0x80000049;
	[dreg:$0x1] =	wrdreg $0xFFFFFFFF  }
0xa7: {  	s28 =	simm.s32 $_size_execute0_lowered;
	s2 =	sadd.s32 s2, s4;
	[dreg:$0x0] =	wrdreg $0x0  }
0xa8: {  	s4 =	sshll.u32 s28, $0x1;
	[dreg:$0x2] =	wrdreg s2  }
0xa9: {  	[dreg:$0x3] =	wrdreg s4  }
0xaa: {  	[dreg:$0x4] =	wrdreg $0xC0  }
0xab: {  	_ =	task [dreg:s6], $0x5FFFF  }
0xac: {  	[dreg:$0x1] =	wrdreg $0xFFFFFFFF  }
0xad: {  	[dreg:$0x0] =	wrdreg $0x60  }
0xae: {  	[dreg:$0x2] =	wrdreg s24  }
0xaf: {  	[dreg:$0x3] =	wrdreg $0x88000  }
0xb0: {  	[dreg:$0x4] =	wrdreg $0x9  }
0xb1: {  	_ =	task.clear_ibuf [dreg:s6], $0x5FFFF;
	_ =	strace $0x90000049  }
0xb2: {  	s29 =	simm.s32 $0x9;
	_ =	strace $0x8000004B  }
0xb3: {  	_ =	swait.ge [sflag:s29], $0x1  }
0xb4: {  	[sflag:s29] =	ssyncadd.s32 $0xFFFFFFFF  }
0xb5: {  	_ =	strace $0x9000004B  }
0xb6: {  	_ =	sfence  }
0xb7: {  	s30 =	sld [smem:$0x0];
	_ =	sdelay $0x2  }
0xb8: {  	s31 =	sshll.u32 s1, $0xD;
	s1 =	sshrl.u32 s1, $0x2  }
0xb9: {  	s3 =	sand.u32 $0x4000, s31;
	s1 =	sadd.s32 s1, s30  }
0xba: {  	s0 =	sor.u32 s3, s0;
	s1 =	sshll.u32 s1, $0x11  }
0xbb: {  	s0 =	sor.u32 s1, s0  }
0xbc: {  	s0 =	sadd.s32 $0x8F2B, s0  }
0xbd: {  	[sflag:s0] =	ssyncadd.remote.s32 $0x1  }
0xbe: {  	_ =	sfence.sel $0xFFFF  }
0xbf: {  	[dreg:$0x0] =	wrdreg $0xFFFFFFFF;
	(pc) =	sbr.abs _section_cstart, $3  }
0xc0: {  	[dreg:$0x1] =	wrdreg $0xFFFFFFFF  }
0xc1: {  	_ =	task.clear_ibuf [dreg:s6], $0x2FFFF;
	_ =	strace $0x9FFFFFFF  }
0xc2: {  	(tm) =	ssettm $0x7FFFFFFF  }
0xc3: {  	_ =	shalt  }
tec
execute0_lowered:
.L_overlay_start_1:
0x0: {  	(tag) =	ssettag $0x1  }
0x1: {  	s0 =	rddreg [dreg:$0x0]  }
0x2: {  	s1 =	rddreg [dreg:$0x1]  }
0x3: {  	s13 =	simm.s32 $0x0;
	s2 =	srdreg.scid;
	s11 =	stileid.u32  }
0x4: {  	s28 =	simm.s32 $0x1;
	s29 =	simm.s32 $0x2;
	s31 =	simm.s32 $0x4800  }
0x5: {  	s12 =	simm.s32 $0x4;
	s14 =	simm.s32 $0x580;
	s30 =	simm.s32 $0x0  }
0x6: {  	[smem:$0x7FF] =	sst s13;
	s4 =	sadd.s32 $0x2C600, s0;
	s5 =	sadd.s32 $0x53E00, s0  }
0x7: {  	s6 =	sadd.s32 $0x2600, s0;
	s2 =	sand.u32 $0x1, s2;
	s3 =	smul.u32 $0x4F000, s11  }
0x8: {  	s7 =	sadd.s32 $0x17600, s0;
	s0 =	sadd.s32 $0x7B600, s0;
	s10 =	sshll.u32 s11, $0x1  }
0x9: {  	s18 =	smul.u32 $0x13C00, s11;
	s11 =	simm.s32 $0x500;
	s3 =	sshrl.u32 s3, $0x2  }
0xa: {  	_ =	strace $0x8000004A;
	s8 =	ssub.s32 $0x2, s2;
	s15 =	sadd.s32 s3, s1  }
0xb: {  	s16 =	sor.u32 s2, s10;
	s3 =	sadd.s32 $0x2000, s15;
	[dreg:$0x4] =	wrdreg s15  }
0xc: {  	s2 =	smul.u32 $0x13C000, s2;
	s17 =	sadd.s32 $0x4000, s15;
	[dreg:$0x5] =	wrdreg s3  }
0xd: {  	s9 =	sshrl.u32 s8, $0x1;
	s19 =	sadd.s32 $0x6000, s15;
	[dreg:$0x6] =	wrdreg s17  }
0xe: {  	s23 =	sadd.s32 $0x10000, s18;
	s20 =	sadd.s32 $0x8000, s15;
	[dreg:$0x7] =	wrdreg s19  }
0xf: {  	s8 =	ssub.s32 s8, s9;
	s21 =	sadd.s32 $0xA000, s15;
	[dreg:$0x8] =	wrdreg s20  }
0x10: {  	s9 =	simm.s32 $0x3;
	s22 =	sadd.s32 $0xC000, s15;
	[dreg:$0x9] =	wrdreg s21  }
0x11: {  	s24 =	sadd.s32 $0xE000, s15;
	s25 =	sadd.s32 $0x12000, s15;
	[dreg:$0xa] =	wrdreg s22  }
0x12: {  	s26 =	smax.u32 s8, $0x1;
	s8 =	simm.s32 $0x380;
	[dreg:$0xb] =	wrdreg s24  }
0x13: {  	s19 =	sadd.s32 s23, s1;
	s3 =	sadd.s32 s18, s2;
	[dreg:$0xd] =	wrdreg s25  }
0x14: {  	s2 =	sadd.s32 s2, s23;
	s18 =	smul.u32 $0x15, s16;
	[dreg:$0x10] =	wrdreg s26  }
0x15: {  	s22 =	simm.s32 $0x800;
	s23 =	simm.s32 $0x5;
	s24 =	simm.s32 $0x400  }
0x16: {  	s25 =	simm.s32 $0x40;
	s26 =	simm.s32 $0x2800;
	s17 =	simm.s32 $0x600  }
0x17: {  	s20 =	simm.s32 $0x680;
	s16 =	simm.s32 $0x700;
	s3 =	sshrl.u32 s3, $0x3  }
0x18: {  	s2 =	sshrl.u32 s2, $0x3;
	[dreg:$0xc] =	wrdreg s19;
	s3 =	sadd.s32 s0, s3  }
0x19: {  	s0 =	sadd.s32 s0, s2;
	s2 =	simm.s32 $0x780;
	[dreg:$0xe] =	wrdreg s3  }
0x1a: {  	v0 =	vimm.f32 $0.0e+00;
	[dreg:$0xf] =	wrdreg s0;
	s0 =	simm.s32 $0x480;
	s3 =	simm.s32 $0x6800  }
.LBB2_1:
0x1b: {  	[dreg:$0x3] =	wrdreg s13;
	s10 =	simm.s32 $0x0;
	s13 =	simm.s32 $0x200  }
.LBB2_2:
0x1c: {  	p0 =	sne.s32 s13, $0x7E00;
	[tilespmem:s10+$0x870] =	vst v0  }
0x1d: {  	[tilespmem:s10+$0x800] =	vst v0  }
0x1e: {  	[tilespmem:s10+$0x810] =	vst v0  }
.Ltmp0:
0x1f: {  	[tilespmem:s10+$0x820] =	vst v0;
	(pc) =	sbr.rel @p0 .LBB2_2-.Ltmp0, $4  }
0x20: {  	[tilespmem:s10+$0x830] =	vst v0  }
0x21: {  	[tilespmem:s10+$0x840] =	vst v0  }
0x22: {  	[tilespmem:s10+$0x850] =	vst v0  }
0x23: {  	[tilespmem:s10+$0x860] =	vst v0;
	s10 =	sshra.s32 s13, $0x2;
	s13 =	sadd.s32 $0x200, s13  }
0x24: {  	[tilespmem:s10+$0x870] =	vst v0  }
0x25: {  	[tilespmem:s10+$0x800] =	vst v0  }
0x26: {  	[tilespmem:s10+$0x810] =	vst v0  }
0x27: {  	[tilespmem:s10+$0x820] =	vst v0  }
0x28: {  	[tilespmem:s10+$0x830] =	vst v0  }
0x29: {  	[tilespmem:s10+$0x840] =	vst v0  }
0x2a: {  	[tilespmem:s10+$0x850] =	vst v0  }
0x2b: {  	[tilespmem:s10+$0x860] =	vst v0  }
0x2c: {  	[spmem:s15] =	stream.linear.scatter [tilespmem:s22], [sflag:$0x5], $0x2000, $0x38;
	[tilespmem:$0x1C400] =	vst v63  }
0x2d: {  	_ =	swait.ge [sflag:s23], $0x2000  }
0x2e: {  	[sflag:s23] =	ssyncset.done $0x0  }
0x2f: {  	s15 =	rddreg [dreg:$0x5];
	[sflag:s23] =	ssyncadd.s32 $0xFFFFE000  }
0x30: {  	[spmem:s15] =	stream.linear.scatter [tilespmem:s22], [sflag:$0x5], $0x2000, $0x38;
	[tilespmem:$0x1C400] =	vst v63  }
0x31: {  	_ =	swait.ge [sflag:s23], $0x2000  }
0x32: {  	[sflag:s23] =	ssyncset.done $0x0  }
0x33: {  	s21 =	rddreg [dreg:$0x6];
	[sflag:s23] =	ssyncadd.s32 $0xFFFFE000  }
0x34: {  	[spmem:s21] =	stream.linear.scatter [tilespmem:s22], [sflag:$0x5], $0x2000, $0x38;
	[tilespmem:$0x1C400] =	vst v63  }
0x35: {  	_ =	swait.ge [sflag:s23], $0x2000  }
0x36: {  	[sflag:s23] =	ssyncset.done $0x0  }
0x37: {  	s13 =	rddreg [dreg:$0x7];
	[sflag:s23] =	ssyncadd.s32 $0xFFFFE000  }
0x38: {  	[spmem:s13] =	stream.linear.scatter [tilespmem:s22], [sflag:$0x5], $0x2000, $0x38;
	[tilespmem:$0x1C400] =	vst v63  }
0x39: {  	_ =	swait.ge [sflag:s23], $0x2000  }
0x3a: {  	[sflag:s23] =	ssyncset.done $0x0  }
0x3b: {  	s15 =	rddreg [dreg:$0x8];
	[sflag:s23] =	ssyncadd.s32 $0xFFFFE000  }
0x3c: {  	[spmem:s15] =	stream.linear.scatter [tilespmem:s22], [sflag:$0x5], $0x2000, $0x38;
	[tilespmem:$0x1C400] =	vst v63  }
0x3d: {  	_ =	swait.ge [sflag:s23], $0x2000  }
0x3e: {  	[sflag:s23] =	ssyncset.done $0x0  }
0x3f: {  	s21 =	rddreg [dreg:$0x9];
	[sflag:s23] =	ssyncadd.s32 $0xFFFFE000  }
0x40: {  	[spmem:s21] =	stream.linear.scatter [tilespmem:s22], [sflag:$0x5], $0x2000, $0x38;
	[tilespmem:$0x1C400] =	vst v63  }
0x41: {  	_ =	swait.ge [sflag:s23], $0x2000  }
0x42: {  	[sflag:s23] =	ssyncset.done $0x0  }
0x43: {  	s13 =	rddreg [dreg:$0xa];
	[sflag:s23] =	ssyncadd.s32 $0xFFFFE000  }
0x44: {  	[spmem:s13] =	stream.linear.scatter [tilespmem:s22], [sflag:$0x5], $0x2000, $0x38;
	[tilespmem:$0x1C400] =	vst v63  }
0x45: {  	_ =	swait.ge [sflag:s23], $0x2000  }
0x46: {  	[sflag:s23] =	ssyncset.done $0x0  }
0x47: {  	s15 =	rddreg [dreg:$0xb];
	[sflag:s23] =	ssyncadd.s32 $0xFFFFE000  }
0x48: {  	[spmem:s15] =	stream.linear.scatter [tilespmem:s22], [sflag:$0x5], $0x2000, $0x38;
	[tilespmem:$0x1C400] =	vst v63  }
0x49: {  	_ =	swait.ge [sflag:s23], $0x2000  }
0x4a: {  	[sflag:s23] =	ssyncset.done $0x0  }
0x4b: {  	[sflag:s23] =	ssyncadd.s32 $0xFFFFE000  }
0x4c: {  	[spmem:s19] =	stream.linear.scatter [tilespmem:s22], [sflag:$0x5], $0x2000, $0x38;
	[tilespmem:$0x1C400] =	vst v63  }
0x4d: {  	_ =	swait.ge [sflag:s23], $0x2000  }
0x4e: {  	[sflag:s23] =	ssyncset.done $0x0  }
0x4f: {  	s21 =	rddreg [dreg:$0xd];
	[sflag:s23] =	ssyncadd.s32 $0xFFFFE000  }
0x50: {  	[spmem:s21] =	stream.linear.scatter [tilespmem:s22], [sflag:$0x5], $0x1C00, $0x38;
	[tilespmem:$0x1C400] =	vst v63  }
0x51: {  	_ =	swait.ge [sflag:s23], $0x1C00  }
0x52: {  	[sflag:s23] =	ssyncset.done $0x0  }
0x53: {  	[sflag:s23] =	ssyncadd.s32 $0xFFFFE400  }
0x54: {  	s10 =	simm.s32 $0x0;
	[bflag:$0x0] =	sbarrier.arrive $0xFFFF  }
.LBB2_4:
0x55: {  	s13 =	sadd.s32 s18, s10  }
0x56: {  	s13 =	sshll.u32 s13, $0x7  }
0x57: {  	s15 =	sadd.s32 s6, s13  }
0x58: {  	[tilespmem:s30], [sflag:$0x5] =	stream.linear.gather [hbm4b:s15+s30], $0x400, $0x38;
	[tilespmem:$0x1C400] =	vst v63  }
0x59: {  	_ =	swait.ge [sflag:s23], $0x400  }
0x5a: {  	[sflag:s23] =	ssyncset.done $0x0  }
0x5b: {  	s13 =	sadd.s32 s7, s13;
	[sflag:s23] =	ssyncadd.s32 $0xFFFFFC00  }
0x5c: {  	[tilespmem:s24], [sflag:$0x5] =	stream.linear.gather [hbm4b:s13+s30], $0x400, $0x38;
	[tilespmem:$0x1C400] =	vst v63  }
0x5d: {  	_ =	swait.ge [sflag:s23], $0x400  }
0x5e: {  	[sflag:s23] =	ssyncset.done $0x0  }
0x5f: {  	[sflag:s23] =	ssyncadd.s32 $0xFFFFFC00  }
0x60: {  	[tilespmem:s22], [sflag:$0x1] =	stream.indirect.gather [hbm4b:s4+s25], $0x80, s30, s25, $0xb8;
	[tilespmem:$0x1C400] =	vst v63  }
0x61: {  	_ = 	snop  }
0x62: {  	[tilespmem:s26], [sflag:$0x2] =	stream.indirect.gather [hbm4b:s5+s25], $0x80, s24, s25, $0xb8;
	[tilespmem:$0x1C400] =	vst v63  }
0x63: {  	_ =	swait.ge [sflag:s28], $0x2000  }
0x64: {  	[sflag:s28] =	ssyncset.done $0x0  }
0x65: {  	[sflag:s28] =	ssyncadd.s32 $0xFFFFE000  }
0x66: {  	_ =	swait.ge [sflag:s29], $0x2000  }
0x67: {  	[sflag:s29] =	ssyncset.done $0x0  }
0x68: {  	s21 =	simm.s32 $0x80;
	[sflag:s29] =	ssyncadd.s32 $0xFFFFE000  }
0x69: {  	[tilespmem:s31], [sflag:$0x1] =	stream.indirect.gather [hbm4b:s4+s25], $0x80, s21, s25, $0xb8;
	[tilespmem:$0x1C400] =	vst v63  }
0x6a: {  	s13 =	simm.s32 $0x0  }
0x6b: {  	[tilespmem:s3], [sflag:$0x2] =	stream.indirect.gather [hbm4b:s5+s25], $0x80, s0, s25, $0xb8;
	[tilespmem:$0x1C400] =	vst v63  }
0x6c: {  	v1 =	vld [tilespmem:s13+$0x2800]  }
0x6d: {  	v2 =	vld [tilespmem:s13+$0x830];
	_ =	sdelay $0x4  }
0x6e: {  	v1 =	vadd.f32 v1, v2;
	_ =	sdelay $0x1  }
0x6f: {  	v2 =	vmul.f32 $2.000000030e-01, v1;
	_ =	sdelay $0x1  }
0x70: {  	v1 =	vmax.f32 v1, v2  }
0x71: {  	v2 =	vmul.f32 $1.442695020e+00, v1;
	_ =	sdelay $0x1  }
0x72: {  	(erf) = vpow2.f32 v2;
	_ =	sdelay $0x3  }
0x73: {  	v3 =	vld [tilespmem:s13+$0x820]  }
0x74: {  	v1 =	vld [tilespmem:s13+$0x810]  }
0x75: {  	v2 =	vld [tilespmem:s13+$0x800];
	_ =	sdelay $0x1  }
0x76: {  	s19 =	simm.s32 $0x400;
	s15 =	simm.s32 $0x200  }
.LBB2_5:
0x77: {  	p0 =	sne.s32 s19, $0x7E00;
	s21 =	sshra.s32 s15, $0x2;
	v4 =	vpop (erf);
	s15 =	smov.u32 s19  }
0x78: {  	v5 =	vld [tilespmem:s21+$0x2800];
	[tilespmem:s13+$0x830] =	vst v4;
	v1 =	vmul.f32 v4, v1;
	v3 =	vmul.f32 v3, v4  }
0x79: {  	v6 =	vld [tilespmem:s21+$0x830];
	v2 =	vmul.f32 v4, v2  }
0x7a: {  	[tilespmem:s13+$0x820] =	vst v3  }
0x7b: {  	[tilespmem:s13+$0x810] =	vst v1  }
0x7c: {  	[tilespmem:s13+$0x800] =	vst v2;
	s13 =	smov.u32 s21;
	_ =	sdelay $0x1  }
0x7d: {  	v1 =	vadd.f32 v5, v6;
	_ =	sdelay $0x1  }
0x7e: {  	v2 =	vmul.f32 $2.000000030e-01, v1;
	_ =	sdelay $0x1  }
0x7f: {  	v1 =	vmax.f32 v1, v2  }
0x80: {  	v1 =	vmul.f32 $1.442695020e+00, v1;
	_ =	sdelay $0x1  }
0x81: {  	(erf) = vpow2.f32 v1;
	_ =	sdelay $0x3  }
.Ltmp1:
0x82: {  	v1 =	vld [tilespmem:s13+$0x810];
	(pc) =	sbr.rel @p0 .LBB2_5-.Ltmp1, $3  }
0x83: {  	v3 =	vld [tilespmem:s13+$0x820]  }
0x84: {  	v2 =	vld [tilespmem:s13+$0x800];
	_ =	sdelay $0x1  }
0x85: {  	s19 =	sadd.s32 $0x200, s19  }
0x86: {  	s15 =	sshra.s32 s15, $0x2;
	v4 =	vpop (erf)  }
0x87: {  	v5 =	vld [tilespmem:s15+$0x2800];
	[tilespmem:s13+$0x830] =	vst v4  }
0x88: {  	v6 =	vld [tilespmem:s15+$0x830];
	_ =	sdelay $0x4  }
0x89: {  	v5 =	vadd.f32 v5, v6;
	_ =	sdelay $0x1  }
0x8a: {  	v6 =	vmul.f32 $2.000000030e-01, v5;
	_ =	sdelay $0x1  }
0x8b: {  	v5 =	vmax.f32 v5, v6  }
0x8c: {  	v5 =	vmul.f32 $1.442695020e+00, v5;
	_ =	sdelay $0x1  }
0x8d: {  	v3 =	vmul.f32 v3, v4;
	(erf) = vpow2.f32 v5  }
0x8e: {  	v1 =	vmul.f32 v4, v1  }
0x8f: {  	v2 =	vmul.f32 v4, v2;
	[tilespmem:s13+$0x820] =	vst v3  }
0x90: {  	[tilespmem:s13+$0x810] =	vst v1  }
0x91: {  	[tilespmem:s13+$0x800] =	vst v2  }
0x92: {  	v1 =	vld [tilespmem:s15+$0x820]  }
0x93: {  	v2 =	vld [tilespmem:s15+$0x810]  }
0x94: {  	v3 =	vld [tilespmem:s15+$0x800];
	_ =	sdelay $0x1  }
0x95: {  	v4 =	vpop (erf)  }
0x96: {  	v1 =	vmul.f32 v1, v4  }
0x97: {  	[tilespmem:s15+$0x830] =	vst v4;
	v2 =	vmul.f32 v4, v2  }
0x98: {  	v3 =	vmul.f32 v4, v3;
	[tilespmem:s15+$0x820] =	vst v1  }
0x99: {  	[tilespmem:s15+$0x810] =	vst v2  }
0x9a: {  	[tilespmem:s15+$0x800] =	vst v3  }
0x9b: {  	[spmem:s1] =	stream.indirect.scatter.add.f32 [tilespmem:s22], [sflag:$0x3], $0x80, s24, s25, $0xb8;
	[tilespmem:$0x1C400] =	vst v63  }
0x9c: {  	_ =	swait.ge [sflag:s28], $0x2000  }
0x9d: {  	[sflag:s28] =	ssyncset.done $0x0  }
0x9e: {  	[sflag:s28] =	ssyncadd.s32 $0xFFFFE000  }
0x9f: {  	_ =	swait.ge [sflag:s29], $0x2000  }
0xa0: {  	[sflag:s29] =	ssyncset.done $0x0  }
0xa1: {  	[sflag:s29] =	ssyncadd.s32 $0xFFFFE000  }
0xa2: {  	_ =	swait.ge [sflag:s9], $0x2000  }
0xa3: {  	[sflag:s9] =	ssyncset.done $0x0  }
0xa4: {  	s21 =	simm.s32 $0x100;
	[sflag:s9] =	ssyncadd.s32 $0xFFFFE000  }
0xa5: {  	[tilespmem:s22], [sflag:$0x1] =	stream.indirect.gather [hbm4b:s4+s25], $0x80, s21, s25, $0xb8;
	[tilespmem:$0x1C400] =	vst v63  }
0xa6: {  	s13 =	simm.s32 $0x0  }
0xa7: {  	[tilespmem:s26], [sflag:$0x2] =	stream.indirect.gather [hbm4b:s5+s25], $0x80, s11, s25, $0xb8;
	[tilespmem:$0x1C400] =	vst v63  }
0xa8: {  	v1 =	vld [tilespmem:s13+$0x6800]  }
0xa9: {  	v2 =	vld [tilespmem:s13+$0x4830];
	_ =	sdelay $0x4  }
0xaa: {  	v1 =	vadd.f32 v1, v2;
	_ =	sdelay $0x1  }
0xab: {  	v2 =	vmul.f32 $2.000000030e-01, v1;
	_ =	sdelay $0x1  }
0xac: {  	v1 =	vmax.f32 v1, v2  }
0xad: {  	v2 =	vmul.f32 $1.442695020e+00, v1;
	_ =	sdelay $0x1  }
0xae: {  	(erf) = vpow2.f32 v2;
	_ =	sdelay $0x3  }
0xaf: {  	v3 =	vld [tilespmem:s13+$0x4820]  }
0xb0: {  	v1 =	vld [tilespmem:s13+$0x4810]  }
0xb1: {  	v2 =	vld [tilespmem:s13+$0x4800];
	_ =	sdelay $0x1  }
0xb2: {  	s19 =	simm.s32 $0x400;
	s15 =	simm.s32 $0x200  }
.LBB2_7:
0xb3: {  	p0 =	sne.s32 s19, $0x7E00;
	s21 =	sshra.s32 s15, $0x2;
	v4 =	vpop (erf);
	s15 =	smov.u32 s19  }
0xb4: {  	v5 =	vld [tilespmem:s21+$0x6800];
	[tilespmem:s13+$0x4830] =	vst v4;
	v1 =	vmul.f32 v4, v1;
	v3 =	vmul.f32 v3, v4  }
0xb5: {  	v6 =	vld [tilespmem:s21+$0x4830];
	v2 =	vmul.f32 v4, v2  }
0xb6: {  	[tilespmem:s13+$0x4820] =	vst v3  }
0xb7: {  	[tilespmem:s13+$0x4810] =	vst v1  }
0xb8: {  	[tilespmem:s13+$0x4800] =	vst v2;
	s13 =	smov.u32 s21;
	_ =	sdelay $0x1  }
0xb9: {  	v1 =	vadd.f32 v5, v6;
	_ =	sdelay $0x1  }
0xba: {  	v2 =	vmul.f32 $2.000000030e-01, v1;
	_ =	sdelay $0x1  }
0xbb: {  	v1 =	vmax.f32 v1, v2  }
0xbc: {  	v1 =	vmul.f32 $1.442695020e+00, v1;
	_ =	sdelay $0x1  }
0xbd: {  	(erf) = vpow2.f32 v1;
	_ =	sdelay $0x3  }
.Ltmp2:
0xbe: {  	v1 =	vld [tilespmem:s13+$0x4810];
	(pc) =	sbr.rel @p0 .LBB2_7-.Ltmp2, $3  }
0xbf: {  	v3 =	vld [tilespmem:s13+$0x4820]  }
0xc0: {  	v2 =	vld [tilespmem:s13+$0x4800];
	_ =	sdelay $0x1  }
0xc1: {  	s19 =	sadd.s32 $0x200, s19  }
0xc2: {  	s15 =	sshra.s32 s15, $0x2;
	v4 =	vpop (erf)  }
0xc3: {  	v5 =	vld [tilespmem:s15+$0x6800];
	[tilespmem:s13+$0x4830] =	vst v4  }
0xc4: {  	v6 =	vld [tilespmem:s15+$0x4830];
	_ =	sdelay $0x4  }
0xc5: {  	v5 =	vadd.f32 v5, v6;
	_ =	sdelay $0x1  }
0xc6: {  	v6 =	vmul.f32 $2.000000030e-01, v5;
	_ =	sdelay $0x1  }
0xc7: {  	v5 =	vmax.f32 v5, v6  }
0xc8: {  	v5 =	vmul.f32 $1.442695020e+00, v5;
	_ =	sdelay $0x1  }
0xc9: {  	v3 =	vmul.f32 v3, v4;
	(erf) = vpow2.f32 v5  }
0xca: {  	v1 =	vmul.f32 v4, v1  }
0xcb: {  	v2 =	vmul.f32 v4, v2;
	[tilespmem:s13+$0x4820] =	vst v3  }
0xcc: {  	[tilespmem:s13+$0x4810] =	vst v1  }
0xcd: {  	[tilespmem:s13+$0x4800] =	vst v2  }
0xce: {  	v1 =	vld [tilespmem:s15+$0x4820]  }
0xcf: {  	v2 =	vld [tilespmem:s15+$0x4810]  }
0xd0: {  	v3 =	vld [tilespmem:s15+$0x4800];
	_ =	sdelay $0x1  }
0xd1: {  	v4 =	vpop (erf)  }
0xd2: {  	v1 =	vmul.f32 v1, v4  }
0xd3: {  	[tilespmem:s15+$0x4830] =	vst v4;
	v2 =	vmul.f32 v4, v2  }
0xd4: {  	v3 =	vmul.f32 v4, v3;
	[tilespmem:s15+$0x4820] =	vst v1  }
0xd5: {  	[tilespmem:s15+$0x4810] =	vst v2  }
0xd6: {  	[tilespmem:s15+$0x4800] =	vst v3  }
0xd7: {  	[spmem:s1] =	stream.indirect.scatter.add.f32 [tilespmem:s31], [sflag:$0x4], $0x80, s0, s25, $0xb8;
	[tilespmem:$0x1C400] =	vst v63  }
0xd8: {  	_ =	swait.ge [sflag:s28], $0x2000  }
0xd9: {  	[sflag:s28] =	ssyncset.done $0x0  }
0xda: {  	[sflag:s28] =	ssyncadd.s32 $0xFFFFE000  }
0xdb: {  	_ =	swait.ge [sflag:s29], $0x2000  }
0xdc: {  	[sflag:s29] =	ssyncset.done $0x0  }
0xdd: {  	[sflag:s29] =	ssyncadd.s32 $0xFFFFE000  }
0xde: {  	_ =	swait.ge [sflag:s12], $0x2000  }
0xdf: {  	[sflag:s12] =	ssyncset.done $0x0  }
0xe0: {  	s21 =	simm.s32 $0x180;
	[sflag:s12] =	ssyncadd.s32 $0xFFFFE000  }
0xe1: {  	[tilespmem:s31], [sflag:$0x1] =	stream.indirect.gather [hbm4b:s4+s25], $0x80, s21, s25, $0xb8;
	[tilespmem:$0x1C400] =	vst v63  }
0xe2: {  	s13 =	simm.s32 $0x0  }
0xe3: {  	[tilespmem:s3], [sflag:$0x2] =	stream.indirect.gather [hbm4b:s5+s25], $0x80, s14, s25, $0xb8;
	[tilespmem:$0x1C400] =	vst v63  }
0xe4: {  	v1 =	vld [tilespmem:s13+$0x2800]  }
0xe5: {  	v2 =	vld [tilespmem:s13+$0x830];
	_ =	sdelay $0x4  }
0xe6: {  	v1 =	vadd.f32 v1, v2;
	_ =	sdelay $0x1  }
0xe7: {  	v2 =	vmul.f32 $2.000000030e-01, v1;
	_ =	sdelay $0x1  }
0xe8: {  	v1 =	vmax.f32 v1, v2  }
0xe9: {  	v2 =	vmul.f32 $1.442695020e+00, v1;
	_ =	sdelay $0x1  }
0xea: {  	(erf) = vpow2.f32 v2;
	_ =	sdelay $0x3  }
0xeb: {  	v3 =	vld [tilespmem:s13+$0x820]  }
0xec: {  	v1 =	vld [tilespmem:s13+$0x810]  }
0xed: {  	v2 =	vld [tilespmem:s13+$0x800];
	_ =	sdelay $0x1  }
0xee: {  	s19 =	simm.s32 $0x400;
	s15 =	simm.s32 $0x200  }
.LBB2_9:
0xef: {  	p0 =	sne.s32 s19, $0x7E00;
	s21 =	sshra.s32 s15, $0x2;
	v4 =	vpop (erf);
	s15 =	smov.u32 s19  }
0xf0: {  	v5 =	vld [tilespmem:s21+$0x2800];
	[tilespmem:s13+$0x830] =	vst v4;
	v1 =	vmul.f32 v4, v1;
	v3 =	vmul.f32 v3, v4  }
0xf1: {  	v6 =	vld [tilespmem:s21+$0x830];
	v2 =	vmul.f32 v4, v2  }
0xf2: {  	[tilespmem:s13+$0x820] =	vst v3  }
0xf3: {  	[tilespmem:s13+$0x810] =	vst v1  }
0xf4: {  	[tilespmem:s13+$0x800] =	vst v2;
	s13 =	smov.u32 s21;
	_ =	sdelay $0x1  }
0xf5: {  	v1 =	vadd.f32 v5, v6;
	_ =	sdelay $0x1  }
0xf6: {  	v2 =	vmul.f32 $2.000000030e-01, v1;
	_ =	sdelay $0x1  }
0xf7: {  	v1 =	vmax.f32 v1, v2  }
0xf8: {  	v1 =	vmul.f32 $1.442695020e+00, v1;
	_ =	sdelay $0x1  }
0xf9: {  	(erf) = vpow2.f32 v1;
	_ =	sdelay $0x3  }
.Ltmp3:
0xfa: {  	v1 =	vld [tilespmem:s13+$0x810];
	(pc) =	sbr.rel @p0 .LBB2_9-.Ltmp3, $3  }
0xfb: {  	v3 =	vld [tilespmem:s13+$0x820]  }
0xfc: {  	v2 =	vld [tilespmem:s13+$0x800];
	_ =	sdelay $0x1  }
0xfd: {  	s19 =	sadd.s32 $0x200, s19  }
0xfe: {  	s15 =	sshra.s32 s15, $0x2;
	v4 =	vpop (erf)  }
0xff: {  	v5 =	vld [tilespmem:s15+$0x2800];
	[tilespmem:s13+$0x830] =	vst v4  }
0x100: {  	v6 =	vld [tilespmem:s15+$0x830];
	_ =	sdelay $0x4  }
0x101: {  	v5 =	vadd.f32 v5, v6;
	_ =	sdelay $0x1  }
0x102: {  	v6 =	vmul.f32 $2.000000030e-01, v5;
	_ =	sdelay $0x1  }
0x103: {  	v5 =	vmax.f32 v5, v6  }
0x104: {  	v5 =	vmul.f32 $1.442695020e+00, v5;
	_ =	sdelay $0x1  }
0x105: {  	v3 =	vmul.f32 v3, v4;
	(erf) = vpow2.f32 v5  }
0x106: {  	v1 =	vmul.f32 v4, v1  }
0x107: {  	v2 =	vmul.f32 v4, v2;
	[tilespmem:s13+$0x820] =	vst v3  }
0x108: {  	[tilespmem:s13+$0x810] =	vst v1  }
0x109: {  	[tilespmem:s13+$0x800] =	vst v2  }
0x10a: {  	v1 =	vld [tilespmem:s15+$0x820]  }
0x10b: {  	v2 =	vld [tilespmem:s15+$0x810]  }
0x10c: {  	v3 =	vld [tilespmem:s15+$0x800];
	_ =	sdelay $0x1  }
0x10d: {  	v4 =	vpop (erf)  }
0x10e: {  	v1 =	vmul.f32 v1, v4  }
0x10f: {  	[tilespmem:s15+$0x830] =	vst v4;
	v2 =	vmul.f32 v4, v2  }
0x110: {  	v3 =	vmul.f32 v4, v3;
	[tilespmem:s15+$0x820] =	vst v1  }
0x111: {  	[tilespmem:s15+$0x810] =	vst v2  }
0x112: {  	[tilespmem:s15+$0x800] =	vst v3  }
0x113: {  	[spmem:s1] =	stream.indirect.scatter.add.f32 [tilespmem:s22], [sflag:$0x3], $0x80, s11, s25, $0xb8;
	[tilespmem:$0x1C400] =	vst v63  }
0x114: {  	_ =	swait.ge [sflag:s28], $0x2000  }
0x115: {  	[sflag:s28] =	ssyncset.done $0x0  }
0x116: {  	[sflag:s28] =	ssyncadd.s32 $0xFFFFE000  }
0x117: {  	_ =	swait.ge [sflag:s29], $0x2000  }
0x118: {  	[sflag:s29] =	ssyncset.done $0x0  }
0x119: {  	[sflag:s29] =	ssyncadd.s32 $0xFFFFE000  }
0x11a: {  	_ =	swait.ge [sflag:s9], $0x2000  }
0x11b: {  	[sflag:s9] =	ssyncset.done $0x0  }
0x11c: {  	s21 =	simm.s32 $0x200;
	[sflag:s9] =	ssyncadd.s32 $0xFFFFE000  }
0x11d: {  	[tilespmem:s22], [sflag:$0x1] =	stream.indirect.gather [hbm4b:s4+s25], $0x80, s21, s25, $0xb8;
	[tilespmem:$0x1C400] =	vst v63  }
0x11e: {  	s13 =	simm.s32 $0x0  }
0x11f: {  	[tilespmem:s26], [sflag:$0x2] =	stream.indirect.gather [hbm4b:s5+s25], $0x80, s17, s25, $0xb8;
	[tilespmem:$0x1C400] =	vst v63  }
0x120: {  	v1 =	vld [tilespmem:s13+$0x6800]  }
0x121: {  	v2 =	vld [tilespmem:s13+$0x4830];
	_ =	sdelay $0x4  }
0x122: {  	v1 =	vadd.f32 v1, v2;
	_ =	sdelay $0x1  }
0x123: {  	v2 =	vmul.f32 $2.000000030e-01, v1;
	_ =	sdelay $0x1  }
0x124: {  	v1 =	vmax.f32 v1, v2  }
0x125: {  	v2 =	vmul.f32 $1.442695020e+00, v1;
	_ =	sdelay $0x1  }
0x126: {  	(erf) = vpow2.f32 v2;
	_ =	sdelay $0x3  }
0x127: {  	v3 =	vld [tilespmem:s13+$0x4820]  }
0x128: {  	v1 =	vld [tilespmem:s13+$0x4810]  }
0x129: {  	v2 =	vld [tilespmem:s13+$0x4800];
	_ =	sdelay $0x1  }
0x12a: {  	s19 =	simm.s32 $0x400;
	s15 =	simm.s32 $0x200  }
.LBB2_11:
0x12b: {  	p0 =	sne.s32 s19, $0x7E00;
	s21 =	sshra.s32 s15, $0x2;
	v4 =	vpop (erf);
	s15 =	smov.u32 s19  }
0x12c: {  	v5 =	vld [tilespmem:s21+$0x6800];
	[tilespmem:s13+$0x4830] =	vst v4;
	v1 =	vmul.f32 v4, v1;
	v3 =	vmul.f32 v3, v4  }
0x12d: {  	v6 =	vld [tilespmem:s21+$0x4830];
	v2 =	vmul.f32 v4, v2  }
0x12e: {  	[tilespmem:s13+$0x4820] =	vst v3  }
0x12f: {  	[tilespmem:s13+$0x4810] =	vst v1  }
0x130: {  	[tilespmem:s13+$0x4800] =	vst v2;
	s13 =	smov.u32 s21;
	_ =	sdelay $0x1  }
0x131: {  	v1 =	vadd.f32 v5, v6;
	_ =	sdelay $0x1  }
0x132: {  	v2 =	vmul.f32 $2.000000030e-01, v1;
	_ =	sdelay $0x1  }
0x133: {  	v1 =	vmax.f32 v1, v2  }
0x134: {  	v1 =	vmul.f32 $1.442695020e+00, v1;
	_ =	sdelay $0x1  }
0x135: {  	(erf) = vpow2.f32 v1;
	_ =	sdelay $0x3  }
.Ltmp4:
0x136: {  	v1 =	vld [tilespmem:s13+$0x4810];
	(pc) =	sbr.rel @p0 .LBB2_11-.Ltmp4, $3  }
0x137: {  	v3 =	vld [tilespmem:s13+$0x4820]  }
0x138: {  	v2 =	vld [tilespmem:s13+$0x4800];
	_ =	sdelay $0x1  }
0x139: {  	s19 =	sadd.s32 $0x200, s19  }
0x13a: {  	s15 =	sshra.s32 s15, $0x2;
	v4 =	vpop (erf)  }
0x13b: {  	v5 =	vld [tilespmem:s15+$0x6800];
	[tilespmem:s13+$0x4830] =	vst v4  }
0x13c: {  	v6 =	vld [tilespmem:s15+$0x4830];
	_ =	sdelay $0x4  }
0x13d: {  	v5 =	vadd.f32 v5, v6;
	_ =	sdelay $0x1  }
0x13e: {  	v6 =	vmul.f32 $2.000000030e-01, v5;
	_ =	sdelay $0x1  }
0x13f: {  	v5 =	vmax.f32 v5, v6  }
0x140: {  	v5 =	vmul.f32 $1.442695020e+00, v5;
	_ =	sdelay $0x1  }
0x141: {  	v3 =	vmul.f32 v3, v4;
	(erf) = vpow2.f32 v5  }
0x142: {  	v1 =	vmul.f32 v4, v1  }
0x143: {  	v2 =	vmul.f32 v4, v2;
	[tilespmem:s13+$0x4820] =	vst v3  }
0x144: {  	[tilespmem:s13+$0x4810] =	vst v1  }
0x145: {  	[tilespmem:s13+$0x4800] =	vst v2  }
0x146: {  	v1 =	vld [tilespmem:s15+$0x4820]  }
0x147: {  	v2 =	vld [tilespmem:s15+$0x4810]  }
0x148: {  	v3 =	vld [tilespmem:s15+$0x4800];
	_ =	sdelay $0x1  }
0x149: {  	v4 =	vpop (erf)  }
0x14a: {  	v1 =	vmul.f32 v1, v4  }
0x14b: {  	[tilespmem:s15+$0x4830] =	vst v4;
	v2 =	vmul.f32 v4, v2  }
0x14c: {  	v3 =	vmul.f32 v4, v3;
	[tilespmem:s15+$0x4820] =	vst v1  }
0x14d: {  	[tilespmem:s15+$0x4810] =	vst v2  }
0x14e: {  	[tilespmem:s15+$0x4800] =	vst v3  }
0x14f: {  	[spmem:s1] =	stream.indirect.scatter.add.f32 [tilespmem:s31], [sflag:$0x4], $0x80, s14, s25, $0xb8;
	[tilespmem:$0x1C400] =	vst v63  }
0x150: {  	_ =	swait.ge [sflag:s28], $0x2000  }
0x151: {  	[sflag:s28] =	ssyncset.done $0x0  }
0x152: {  	[sflag:s28] =	ssyncadd.s32 $0xFFFFE000  }
0x153: {  	_ =	swait.ge [sflag:s29], $0x2000  }
0x154: {  	[sflag:s29] =	ssyncset.done $0x0  }
0x155: {  	[sflag:s29] =	ssyncadd.s32 $0xFFFFE000  }
0x156: {  	_ =	swait.ge [sflag:s12], $0x2000  }
0x157: {  	[sflag:s12] =	ssyncset.done $0x0  }
0x158: {  	s21 =	simm.s32 $0x280;
	[sflag:s12] =	ssyncadd.s32 $0xFFFFE000  }
0x159: {  	[tilespmem:s31], [sflag:$0x1] =	stream.indirect.gather [hbm4b:s4+s25], $0x80, s21, s25, $0xb8;
	[tilespmem:$0x1C400] =	vst v63  }
0x15a: {  	s13 =	simm.s32 $0x0  }
0x15b: {  	[tilespmem:s3], [sflag:$0x2] =	stream.indirect.gather [hbm4b:s5+s25], $0x80, s20, s25, $0xb8;
	[tilespmem:$0x1C400] =	vst v63  }
0x15c: {  	v1 =	vld [tilespmem:s13+$0x2800]  }
0x15d: {  	v2 =	vld [tilespmem:s13+$0x830];
	_ =	sdelay $0x4  }
0x15e: {  	v1 =	vadd.f32 v1, v2;
	_ =	sdelay $0x1  }
0x15f: {  	v2 =	vmul.f32 $2.000000030e-01, v1;
	_ =	sdelay $0x1  }
0x160: {  	v1 =	vmax.f32 v1, v2  }
0x161: {  	v2 =	vmul.f32 $1.442695020e+00, v1;
	_ =	sdelay $0x1  }
0x162: {  	(erf) = vpow2.f32 v2;
	_ =	sdelay $0x3  }
0x163: {  	v3 =	vld [tilespmem:s13+$0x820]  }
0x164: {  	v1 =	vld [tilespmem:s13+$0x810]  }
0x165: {  	v2 =	vld [tilespmem:s13+$0x800];
	_ =	sdelay $0x1  }
0x166: {  	s19 =	simm.s32 $0x400;
	s15 =	simm.s32 $0x200  }
.LBB2_13:
0x167: {  	p0 =	sne.s32 s19, $0x7E00;
	s21 =	sshra.s32 s15, $0x2;
	v4 =	vpop (erf);
	s15 =	smov.u32 s19  }
0x168: {  	v5 =	vld [tilespmem:s21+$0x2800];
	[tilespmem:s13+$0x830] =	vst v4;
	v1 =	vmul.f32 v4, v1;
	v3 =	vmul.f32 v3, v4  }
0x169: {  	v6 =	vld [tilespmem:s21+$0x830];
	v2 =	vmul.f32 v4, v2  }
0x16a: {  	[tilespmem:s13+$0x820] =	vst v3  }
0x16b: {  	[tilespmem:s13+$0x810] =	vst v1  }
0x16c: {  	[tilespmem:s13+$0x800] =	vst v2;
	s13 =	smov.u32 s21;
	_ =	sdelay $0x1  }
0x16d: {  	v1 =	vadd.f32 v5, v6;
	_ =	sdelay $0x1  }
0x16e: {  	v2 =	vmul.f32 $2.000000030e-01, v1;
	_ =	sdelay $0x1  }
0x16f: {  	v1 =	vmax.f32 v1, v2  }
0x170: {  	v1 =	vmul.f32 $1.442695020e+00, v1;
	_ =	sdelay $0x1  }
0x171: {  	(erf) = vpow2.f32 v1;
	_ =	sdelay $0x3  }
.Ltmp5:
0x172: {  	v1 =	vld [tilespmem:s13+$0x810];
	(pc) =	sbr.rel @p0 .LBB2_13-.Ltmp5, $3  }
0x173: {  	v3 =	vld [tilespmem:s13+$0x820]  }
0x174: {  	v2 =	vld [tilespmem:s13+$0x800];
	_ =	sdelay $0x1  }
0x175: {  	s19 =	sadd.s32 $0x200, s19  }
0x176: {  	s15 =	sshra.s32 s15, $0x2;
	v4 =	vpop (erf)  }
0x177: {  	v5 =	vld [tilespmem:s15+$0x2800];
	[tilespmem:s13+$0x830] =	vst v4  }
0x178: {  	v6 =	vld [tilespmem:s15+$0x830];
	_ =	sdelay $0x4  }
0x179: {  	v5 =	vadd.f32 v5, v6;
	_ =	sdelay $0x1  }
0x17a: {  	v6 =	vmul.f32 $2.000000030e-01, v5;
	_ =	sdelay $0x1  }
0x17b: {  	v5 =	vmax.f32 v5, v6  }
0x17c: {  	v5 =	vmul.f32 $1.442695020e+00, v5;
	_ =	sdelay $0x1  }
0x17d: {  	v3 =	vmul.f32 v3, v4;
	(erf) = vpow2.f32 v5  }
0x17e: {  	v1 =	vmul.f32 v4, v1  }
0x17f: {  	v2 =	vmul.f32 v4, v2;
	[tilespmem:s13+$0x820] =	vst v3  }
0x180: {  	[tilespmem:s13+$0x810] =	vst v1  }
0x181: {  	[tilespmem:s13+$0x800] =	vst v2  }
0x182: {  	v1 =	vld [tilespmem:s15+$0x820]  }
0x183: {  	v2 =	vld [tilespmem:s15+$0x810]  }
0x184: {  	v3 =	vld [tilespmem:s15+$0x800];
	_ =	sdelay $0x1  }
0x185: {  	v4 =	vpop (erf)  }
0x186: {  	v1 =	vmul.f32 v1, v4  }
0x187: {  	[tilespmem:s15+$0x830] =	vst v4;
	v2 =	vmul.f32 v4, v2  }
0x188: {  	v3 =	vmul.f32 v4, v3;
	[tilespmem:s15+$0x820] =	vst v1  }
0x189: {  	[tilespmem:s15+$0x810] =	vst v2  }
0x18a: {  	[tilespmem:s15+$0x800] =	vst v3  }
0x18b: {  	[spmem:s1] =	stream.indirect.scatter.add.f32 [tilespmem:s22], [sflag:$0x3], $0x80, s17, s25, $0xb8;
	[tilespmem:$0x1C400] =	vst v63  }
0x18c: {  	_ =	swait.ge [sflag:s28], $0x2000  }
0x18d: {  	[sflag:s28] =	ssyncset.done $0x0  }
0x18e: {  	[sflag:s28] =	ssyncadd.s32 $0xFFFFE000  }
0x18f: {  	_ =	swait.ge [sflag:s29], $0x2000  }
0x190: {  	[sflag:s29] =	ssyncset.done $0x0  }
0x191: {  	[sflag:s29] =	ssyncadd.s32 $0xFFFFE000  }
0x192: {  	_ =	swait.ge [sflag:s9], $0x2000  }
0x193: {  	[sflag:s9] =	ssyncset.done $0x0  }
0x194: {  	s21 =	simm.s32 $0x300;
	[sflag:s9] =	ssyncadd.s32 $0xFFFFE000  }
0x195: {  	[tilespmem:s22], [sflag:$0x1] =	stream.indirect.gather [hbm4b:s4+s25], $0x80, s21, s25, $0xb8;
	[tilespmem:$0x1C400] =	vst v63  }
0x196: {  	s13 =	simm.s32 $0x0  }
0x197: {  	[tilespmem:s26], [sflag:$0x2] =	stream.indirect.gather [hbm4b:s5+s25], $0x80, s16, s25, $0xb8;
	[tilespmem:$0x1C400] =	vst v63  }
0x198: {  	v1 =	vld [tilespmem:s13+$0x6800]  }
0x199: {  	v2 =	vld [tilespmem:s13+$0x4830];
	_ =	sdelay $0x4  }
0x19a: {  	v1 =	vadd.f32 v1, v2;
	_ =	sdelay $0x1  }
0x19b: {  	v2 =	vmul.f32 $2.000000030e-01, v1;
	_ =	sdelay $0x1  }
0x19c: {  	v1 =	vmax.f32 v1, v2  }
0x19d: {  	v2 =	vmul.f32 $1.442695020e+00, v1;
	_ =	sdelay $0x1  }
0x19e: {  	(erf) = vpow2.f32 v2;
	_ =	sdelay $0x3  }
0x19f: {  	v3 =	vld [tilespmem:s13+$0x4820]  }
0x1a0: {  	v1 =	vld [tilespmem:s13+$0x4810]  }
0x1a1: {  	v2 =	vld [tilespmem:s13+$0x4800];
	_ =	sdelay $0x1  }
0x1a2: {  	s19 =	simm.s32 $0x400;
	s15 =	simm.s32 $0x200  }
.LBB2_15:
0x1a3: {  	p0 =	sne.s32 s19, $0x7E00;
	s21 =	sshra.s32 s15, $0x2;
	v4 =	vpop (erf);
	s15 =	smov.u32 s19  }
0x1a4: {  	v5 =	vld [tilespmem:s21+$0x6800];
	[tilespmem:s13+$0x4830] =	vst v4;
	v1 =	vmul.f32 v4, v1;
	v3 =	vmul.f32 v3, v4  }
0x1a5: {  	v6 =	vld [tilespmem:s21+$0x4830];
	v2 =	vmul.f32 v4, v2  }
0x1a6: {  	[tilespmem:s13+$0x4820] =	vst v3  }
0x1a7: {  	[tilespmem:s13+$0x4810] =	vst v1  }
0x1a8: {  	[tilespmem:s13+$0x4800] =	vst v2;
	s13 =	smov.u32 s21;
	_ =	sdelay $0x1  }
0x1a9: {  	v1 =	vadd.f32 v5, v6;
	_ =	sdelay $0x1  }
0x1aa: {  	v2 =	vmul.f32 $2.000000030e-01, v1;
	_ =	sdelay $0x1  }
0x1ab: {  	v1 =	vmax.f32 v1, v2  }
0x1ac: {  	v1 =	vmul.f32 $1.442695020e+00, v1;
	_ =	sdelay $0x1  }
0x1ad: {  	(erf) = vpow2.f32 v1;
	_ =	sdelay $0x3  }
.Ltmp6:
0x1ae: {  	v1 =	vld [tilespmem:s13+$0x4810];
	(pc) =	sbr.rel @p0 .LBB2_15-.Ltmp6, $3  }
0x1af: {  	v3 =	vld [tilespmem:s13+$0x4820]  }
0x1b0: {  	v2 =	vld [tilespmem:s13+$0x4800];
	_ =	sdelay $0x1  }
0x1b1: {  	s19 =	sadd.s32 $0x200, s19  }
0x1b2: {  	s15 =	sshra.s32 s15, $0x2;
	v4 =	vpop (erf)  }
0x1b3: {  	v5 =	vld [tilespmem:s15+$0x6800];
	[tilespmem:s13+$0x4830] =	vst v4  }
0x1b4: {  	v6 =	vld [tilespmem:s15+$0x4830];
	_ =	sdelay $0x4  }
0x1b5: {  	v5 =	vadd.f32 v5, v6;
	_ =	sdelay $0x1  }
0x1b6: {  	v6 =	vmul.f32 $2.000000030e-01, v5;
	_ =	sdelay $0x1  }
0x1b7: {  	v5 =	vmax.f32 v5, v6  }
0x1b8: {  	v5 =	vmul.f32 $1.442695020e+00, v5;
	_ =	sdelay $0x1  }
0x1b9: {  	v3 =	vmul.f32 v3, v4;
	(erf) = vpow2.f32 v5  }
0x1ba: {  	v1 =	vmul.f32 v4, v1  }
0x1bb: {  	v2 =	vmul.f32 v4, v2;
	[tilespmem:s13+$0x4820] =	vst v3  }
0x1bc: {  	[tilespmem:s13+$0x4810] =	vst v1  }
0x1bd: {  	[tilespmem:s13+$0x4800] =	vst v2  }
0x1be: {  	v1 =	vld [tilespmem:s15+$0x4820]  }
0x1bf: {  	v2 =	vld [tilespmem:s15+$0x4810]  }
0x1c0: {  	v3 =	vld [tilespmem:s15+$0x4800];
	_ =	sdelay $0x1  }
0x1c1: {  	v4 =	vpop (erf)  }
0x1c2: {  	v1 =	vmul.f32 v1, v4  }
0x1c3: {  	[tilespmem:s15+$0x4830] =	vst v4;
	v2 =	vmul.f32 v4, v2  }
0x1c4: {  	v3 =	vmul.f32 v4, v3;
	[tilespmem:s15+$0x4820] =	vst v1  }
0x1c5: {  	[tilespmem:s15+$0x4810] =	vst v2  }
0x1c6: {  	[tilespmem:s15+$0x4800] =	vst v3  }
0x1c7: {  	[spmem:s1] =	stream.indirect.scatter.add.f32 [tilespmem:s31], [sflag:$0x4], $0x80, s20, s25, $0xb8;
	[tilespmem:$0x1C400] =	vst v63  }
0x1c8: {  	_ =	swait.ge [sflag:s28], $0x2000  }
0x1c9: {  	[sflag:s28] =	ssyncset.done $0x0  }
0x1ca: {  	[sflag:s28] =	ssyncadd.s32 $0xFFFFE000  }
0x1cb: {  	_ =	swait.ge [sflag:s29], $0x2000  }
0x1cc: {  	[sflag:s29] =	ssyncset.done $0x0  }
0x1cd: {  	[sflag:s29] =	ssyncadd.s32 $0xFFFFE000  }
0x1ce: {  	_ =	swait.ge [sflag:s12], $0x2000  }
0x1cf: {  	[sflag:s12] =	ssyncset.done $0x0  }
0x1d0: {  	[sflag:s12] =	ssyncadd.s32 $0xFFFFE000  }
0x1d1: {  	[tilespmem:s31], [sflag:$0x1] =	stream.indirect.gather [hbm4b:s4+s25], $0x80, s8, s25, $0xb8;
	[tilespmem:$0x1C400] =	vst v63  }
0x1d2: {  	s13 =	simm.s32 $0x0  }
0x1d3: {  	[tilespmem:s3], [sflag:$0x2] =	stream.indirect.gather [hbm4b:s5+s25], $0x80, s2, s25, $0xb8;
	[tilespmem:$0x1C400] =	vst v63  }
0x1d4: {  	v1 =	vld [tilespmem:s13+$0x2800]  }
0x1d5: {  	v2 =	vld [tilespmem:s13+$0x830];
	_ =	sdelay $0x4  }
0x1d6: {  	v1 =	vadd.f32 v1, v2;
	_ =	sdelay $0x1  }
0x1d7: {  	v2 =	vmul.f32 $2.000000030e-01, v1;
	_ =	sdelay $0x1  }
0x1d8: {  	v1 =	vmax.f32 v1, v2  }
0x1d9: {  	v2 =	vmul.f32 $1.442695020e+00, v1;
	_ =	sdelay $0x1  }
0x1da: {  	(erf) = vpow2.f32 v2;
	_ =	sdelay $0x3  }
0x1db: {  	v3 =	vld [tilespmem:s13+$0x820]  }
0x1dc: {  	v1 =	vld [tilespmem:s13+$0x810]  }
0x1dd: {  	v2 =	vld [tilespmem:s13+$0x800];
	_ =	sdelay $0x1  }
0x1de: {  	s19 =	simm.s32 $0x400;
	s15 =	simm.s32 $0x200  }
.LBB2_17:
0x1df: {  	p0 =	sne.s32 s19, $0x7E00;
	s21 =	sshra.s32 s15, $0x2;
	v4 =	vpop (erf);
	s15 =	smov.u32 s19  }
0x1e0: {  	v5 =	vld [tilespmem:s21+$0x2800];
	[tilespmem:s13+$0x830] =	vst v4;
	v1 =	vmul.f32 v4, v1;
	v3 =	vmul.f32 v3, v4  }
0x1e1: {  	v6 =	vld [tilespmem:s21+$0x830];
	v2 =	vmul.f32 v4, v2  }
0x1e2: {  	[tilespmem:s13+$0x820] =	vst v3  }
0x1e3: {  	[tilespmem:s13+$0x810] =	vst v1  }
0x1e4: {  	[tilespmem:s13+$0x800] =	vst v2;
	s13 =	smov.u32 s21;
	_ =	sdelay $0x1  }
0x1e5: {  	v1 =	vadd.f32 v5, v6;
	_ =	sdelay $0x1  }
0x1e6: {  	v2 =	vmul.f32 $2.000000030e-01, v1;
	_ =	sdelay $0x1  }
0x1e7: {  	v1 =	vmax.f32 v1, v2  }
0x1e8: {  	v1 =	vmul.f32 $1.442695020e+00, v1;
	_ =	sdelay $0x1  }
0x1e9: {  	(erf) = vpow2.f32 v1;
	_ =	sdelay $0x3  }
.Ltmp7:
0x1ea: {  	v1 =	vld [tilespmem:s13+$0x810];
	(pc) =	sbr.rel @p0 .LBB2_17-.Ltmp7, $3  }
0x1eb: {  	v3 =	vld [tilespmem:s13+$0x820]  }
0x1ec: {  	v2 =	vld [tilespmem:s13+$0x800];
	_ =	sdelay $0x1  }
0x1ed: {  	s19 =	sadd.s32 $0x200, s19  }
0x1ee: {  	s15 =	sshra.s32 s15, $0x2;
	v4 =	vpop (erf)  }
0x1ef: {  	v5 =	vld [tilespmem:s15+$0x2800];
	[tilespmem:s13+$0x830] =	vst v4  }
0x1f0: {  	v6 =	vld [tilespmem:s15+$0x830];
	_ =	sdelay $0x4  }
0x1f1: {  	v5 =	vadd.f32 v5, v6;
	_ =	sdelay $0x1  }
0x1f2: {  	v6 =	vmul.f32 $2.000000030e-01, v5;
	_ =	sdelay $0x1  }
0x1f3: {  	v5 =	vmax.f32 v5, v6  }
0x1f4: {  	v5 =	vmul.f32 $1.442695020e+00, v5;
	_ =	sdelay $0x1  }
0x1f5: {  	v3 =	vmul.f32 v3, v4;
	(erf) = vpow2.f32 v5  }
0x1f6: {  	v1 =	vmul.f32 v4, v1  }
0x1f7: {  	v2 =	vmul.f32 v4, v2;
	[tilespmem:s13+$0x820] =	vst v3  }
0x1f8: {  	[tilespmem:s13+$0x810] =	vst v1  }
0x1f9: {  	[tilespmem:s13+$0x800] =	vst v2  }
0x1fa: {  	v1 =	vld [tilespmem:s15+$0x820]  }
0x1fb: {  	v2 =	vld [tilespmem:s15+$0x810]  }
0x1fc: {  	v3 =	vld [tilespmem:s15+$0x800];
	_ =	sdelay $0x1  }
0x1fd: {  	v4 =	vpop (erf)  }
0x1fe: {  	v1 =	vmul.f32 v1, v4  }
0x1ff: {  	[tilespmem:s15+$0x830] =	vst v4;
	v2 =	vmul.f32 v4, v2  }
0x200: {  	v3 =	vmul.f32 v4, v3;
	[tilespmem:s15+$0x820] =	vst v1  }
0x201: {  	[tilespmem:s15+$0x810] =	vst v2  }
0x202: {  	[tilespmem:s15+$0x800] =	vst v3  }
0x203: {  	[spmem:s1] =	stream.indirect.scatter.add.f32 [tilespmem:s22], [sflag:$0x3], $0x80, s16, s25, $0xb8;
	[tilespmem:$0x1C400] =	vst v63  }
0x204: {  	_ =	swait.ge [sflag:s28], $0x2000  }
0x205: {  	[sflag:s28] =	ssyncset.done $0x0  }
0x206: {  	[sflag:s28] =	ssyncadd.s32 $0xFFFFE000  }
0x207: {  	_ =	swait.ge [sflag:s29], $0x2000  }
0x208: {  	[sflag:s29] =	ssyncset.done $0x0  }
0x209: {  	s13 =	simm.s32 $0x0;
	[sflag:s29] =	ssyncadd.s32 $0xFFFFE000  }
0x20a: {  	v1 =	vld [tilespmem:s13+$0x6800]  }
0x20b: {  	v2 =	vld [tilespmem:s13+$0x4830];
	_ =	sdelay $0x4  }
0x20c: {  	v1 =	vadd.f32 v1, v2;
	_ =	sdelay $0x1  }
0x20d: {  	v2 =	vmul.f32 $2.000000030e-01, v1;
	_ =	sdelay $0x1  }
0x20e: {  	v1 =	vmax.f32 v1, v2  }
0x20f: {  	v2 =	vmul.f32 $1.442695020e+00, v1;
	_ =	sdelay $0x1  }
0x210: {  	(erf) = vpow2.f32 v2;
	_ =	sdelay $0x3  }
0x211: {  	v3 =	vld [tilespmem:s13+$0x4820]  }
0x212: {  	v1 =	vld [tilespmem:s13+$0x4810]  }
0x213: {  	v2 =	vld [tilespmem:s13+$0x4800];
	_ =	sdelay $0x1  }
0x214: {  	s19 =	simm.s32 $0x400;
	s15 =	simm.s32 $0x200  }
.LBB2_19:
0x215: {  	p0 =	sne.s32 s19, $0x7E00;
	s21 =	sshra.s32 s15, $0x2;
	v4 =	vpop (erf);
	s15 =	smov.u32 s19  }
0x216: {  	v5 =	vld [tilespmem:s21+$0x6800];
	[tilespmem:s13+$0x4830] =	vst v4;
	v1 =	vmul.f32 v4, v1;
	v3 =	vmul.f32 v3, v4  }
0x217: {  	v6 =	vld [tilespmem:s21+$0x4830];
	v2 =	vmul.f32 v4, v2  }
0x218: {  	[tilespmem:s13+$0x4820] =	vst v3  }
0x219: {  	[tilespmem:s13+$0x4810] =	vst v1  }
0x21a: {  	[tilespmem:s13+$0x4800] =	vst v2;
	s13 =	smov.u32 s21;
	_ =	sdelay $0x1  }
0x21b: {  	v1 =	vadd.f32 v5, v6;
	_ =	sdelay $0x1  }
0x21c: {  	v2 =	vmul.f32 $2.000000030e-01, v1;
	_ =	sdelay $0x1  }
0x21d: {  	v1 =	vmax.f32 v1, v2  }
0x21e: {  	v1 =	vmul.f32 $1.442695020e+00, v1;
	_ =	sdelay $0x1  }
0x21f: {  	(erf) = vpow2.f32 v1;
	_ =	sdelay $0x3  }
.Ltmp8:
0x220: {  	v1 =	vld [tilespmem:s13+$0x4810];
	(pc) =	sbr.rel @p0 .LBB2_19-.Ltmp8, $3  }
0x221: {  	v3 =	vld [tilespmem:s13+$0x4820]  }
0x222: {  	v2 =	vld [tilespmem:s13+$0x4800];
	_ =	sdelay $0x1  }
0x223: {  	s19 =	sadd.s32 $0x200, s19  }
0x224: {  	s15 =	sshra.s32 s15, $0x2;
	v4 =	vpop (erf)  }
0x225: {  	v5 =	vld [tilespmem:s15+$0x6800];
	[tilespmem:s13+$0x4830] =	vst v4  }
0x226: {  	v6 =	vld [tilespmem:s15+$0x4830];
	_ =	sdelay $0x4  }
0x227: {  	v5 =	vadd.f32 v5, v6;
	_ =	sdelay $0x1  }
0x228: {  	v6 =	vmul.f32 $2.000000030e-01, v5;
	_ =	sdelay $0x1  }
0x229: {  	v5 =	vmax.f32 v5, v6  }
0x22a: {  	v5 =	vmul.f32 $1.442695020e+00, v5;
	_ =	sdelay $0x1  }
0x22b: {  	v3 =	vmul.f32 v3, v4;
	(erf) = vpow2.f32 v5  }
0x22c: {  	v1 =	vmul.f32 v4, v1  }
0x22d: {  	v2 =	vmul.f32 v4, v2;
	[tilespmem:s13+$0x4820] =	vst v3  }
0x22e: {  	[tilespmem:s13+$0x4810] =	vst v1  }
0x22f: {  	[tilespmem:s13+$0x4800] =	vst v2  }
0x230: {  	v1 =	vld [tilespmem:s15+$0x4820]  }
0x231: {  	v2 =	vld [tilespmem:s15+$0x4810]  }
0x232: {  	v3 =	vld [tilespmem:s15+$0x4800];
	_ =	sdelay $0x1  }
0x233: {  	v63 =	vpop (erf)  }
0x234: {  	v1 =	vmul.f32 v1, v63  }
0x235: {  	[tilespmem:s15+$0x4830] =	vst v63;
	v2 =	vmul.f32 v63, v2  }
0x236: {  	v3 =	vmul.f32 v63, v3;
	[tilespmem:s15+$0x4820] =	vst v1  }
0x237: {  	[tilespmem:s15+$0x4810] =	vst v2  }
0x238: {  	s10 =	sadd.s32 $0x1, s10;
	[tilespmem:s15+$0x4800] =	vst v3  }
0x239: {  	[spmem:s1] =	stream.indirect.scatter.add.f32 [tilespmem:s31], [sflag:$0x4], $0x80, s2, s25, $0xb8;
	[tilespmem:$0x1C400] =	vst v63  }
0x23a: {  	p0 =	sne.s32 s10, $0x15;
	_ =	swait.ge [sflag:s9], $0x2000  }
.Ltmp9:
0x23b: {  	[sflag:s9] =	ssyncset.done $0x0;
	(pc) =	sbr.rel @p0 .LBB2_4-.Ltmp9, $4  }
0x23c: {  	[sflag:s9] =	ssyncadd.s32 $0xFFFFE000  }
0x23d: {  	_ =	swait.ge [sflag:s12], $0x2000  }
0x23e: {  	[sflag:s12] =	ssyncset.done $0x0  }
0x23f: {  	[sflag:s12] =	ssyncadd.s32 $0xFFFFE000  }
0x240: {  	s10 =	stileid.u32;
	[bflag:$0x0] =	sbarrier.arrive $0xFFFF  }
0x241: {  	s10 =	sshll.u32 s10, $0x6;
	s15 =	rddreg [dreg:$0x4]  }
0x242: {  	s19 =	rddreg [dreg:$0xe];
	s10 =	sor.u32 $0x1C05, s10;
	s13 =	sshrl.u32 s15, $0x3  }
0x243: {  	[hbm:s19], [sflag:s10] =	dma.local [spmem:s13], $0x2000  }
0x244: {  	_ =	swait.ge [sflag:s23], $0x2000  }
0x245: {  	[sflag:s23] =	ssyncset.done $0x0;
	s19 =	rddreg [dreg:$0xc]  }
0x246: {  	s21 =	rddreg [dreg:$0xf];
	[sflag:s23] =	ssyncadd.s32 $0xFFFFE000;
	s13 =	sshrl.u32 s19, $0x3  }
0x247: {  	[hbm:s21], [sflag:s10] =	dma.local [spmem:s13], $0x780  }
0x248: {  	_ =	swait.ge [sflag:s23], $0x780  }
0x249: {  	s10 =	rddreg [dreg:$0x3]  }
0x24a: {  	s21 =	rddreg [dreg:$0x10];
	s13 =	sadd.s32 $0x1, s10  }
0x24b: {  	p0 =	sne.s32 s13, s21  }
.Ltmp10:
0x24c: {  	_ = 	snop;
	(pc) =	sbr.rel @p0 .LBB2_1-.Ltmp10, $3  }
0x24d: {  	_ =	sdelay $0x1  }
0x24e: {  	[sflag:s23] =	ssyncset.done $0x0  }
0x24f: {  	[sflag:s23] =	ssyncadd.s32 $0xFFFFF880  }
0x250: {  	_ =	sfence.sel $0x180000  }
0x251: {  	[bflag:$0x0] =	sbarrier.arrive $0xFFFF  }
0x252: {  	_ =	strace $0x9000004A  }
0x253: {  	s0 =	stileid.u32;
	[bflag:$0x2] =	sbarrier.arrive $0xFFFF  }
0x254: {  	p0 =	sne.s32 s0, $0x0;
	s0 =	rddreg [dreg:$0x2]  }
0x255: {  	s0 =	sadd.s32 @!p0 $0x100000, s0  }
0x256: {  	[sflag:s0] =	ssyncadd.tile.s32 @!p0 $0x1;
	_ =	shalt  }
.Lfunc_end2:
_tile_overlayer_lowered:
.L_overlay_start_2:
0x257: {  	(tag) =	ssettag $0x2  }
0x258: {  	s0 =	rddreg [dreg:$0x0];
	s2 =	stileid.u32  }
0x259: {  	s1 =	rddreg [dreg:$0x1];
	p0 =	sne.s32 s2, $0x0  }
0x25a: {  	s3 =	rddreg [dreg:$0x2];
	[bflag:$0x3] =	sbarrier.arrive $0xFFFF;
	s2 =	simm.s32 @!p0 $0x1C05  }
0x25b: {  	[timem:s3], [sflag:s2] =	dma.local @!p0 [hbm:s0], s1  }
0x25c: {  	s0 =	simm.s32 @!p0 $0x5  }
0x25d: {  	_ =	swait.ge @!p0 [sflag:s0], s1  }
0x25e: {  	s1 =	ssub.s32 @!p0 $0x0, s1;
	[sflag:s0] =	ssyncset.done @!p0 $0x0  }
0x25f: {  	[sflag:s0] =	ssyncadd.s32 @!p0 s1  }
0x260: {  	[bflag:$0x3] =	sbarrier.arrive $0xFFFF  }
0x261: {  	_ =	shalt  }

// kernel: kernel.7.cloned.1.call-start
scs
__scs_entry_jumppad:
0x0: {  	(pc) =	sbr.rel $0x88, $3  }
0x1: {  	(tag) =	ssettag $0x0;
	lr =	simm.s32 $0x1  }
0x2: {  	[smem:$0x3F97] =	sst lr;
	_ =	strace $0xD0000000  }
0x3: {  	_ = 	snop  }
0x4: {  	_ = 	snop  }
0x5: {  	_ = 	snop  }
0x6: {  	_ = 	snop  }
0x7: {  	_ = 	snop  }
__scs_overlays_trampoline_lowered:
0x8: {  	[smem:$0x3FA6] =	sst s0  }
0x9: {  	[smem:$0x3FA7] =	sst s1  }
0xa: {  	[smem:$0x3FA8] =	sst s2  }
0xb: {  	[smem:$0x3FA9] =	sst s3  }
0xc: {  	[smem:$0x3FAA] =	sst s4  }
0xd: {  	[smem:$0x3FAB] =	sst s5  }
0xe: {  	[smem:$0x3FAC] =	sst s6  }
0xf: {  	[smem:$0x3FAD] =	sst s7  }
0x10: {  	[smem:$0x3FAE] =	sst s8  }
0x11: {  	[smem:$0x3FAF] =	sst s9;
	s0 =	simm.s32 @!p0 $0x0  }
0x12: {  	s1 =	sld [smem:$0x3F95];
	s0 =	simm.s32 @p0 $0x1  }
0x13: {  	[smem:$0x3FB0] =	sst s0;
	s0 =	simm.s32 @!p1 $0x0  }
0x14: {  	s2 =	sld [smem:$0x3F94];
	s0 =	simm.s32 @p1 $0x1  }
0x15: {  	[smem:$0x3FB1] =	sst s0;
	s0 =	simm.s32 @!p2 $0x0  }
0x16: {  	s3 =	sld [smem:$0x3FDB];
	s0 =	simm.s32 @p2 $0x1  }
0x17: {  	s4 =	simm.s32 $0x1BF5;
	[smem:$0x3FB3] =	sst s0  }
0x18: {  	s0 =	sld [smem:$0x3F96];
	_ =	swait.ge [sflag:s4], $0x0  }
0x19: {  	s7 =	sld [smem:$0x3F97]  }
0x1a: {  	s8 =	sadd.s32 $0xFFFFE003, lr  }
0x1b: {  	s9 =	sadd.s32 $0xFFFFFEF7, lr;
	s5 =	simm.s32 $0xFFFFFFFF;
	p2 =	slt.u32 s8, $0xFFFFF086  }
0x1c: {  	p1 =	slt.u32 s9, $0xF7A;
	s5 =	simm.s32 @!p2 $0x0  }
0x1d: {  	s5 =	simm.s32 @p1 $0x1;
	p0 =	seq.s32 s7, s2  }
0x1e: {  	s7 =	smul.u32 @!p0 $0xF7A, s2;
	p2 =	seq.s32 @!p0 s5, $0x0  }
0x1f: {  	s9 =	smul.u32 $0xF7A, s1;
	s8 =	simm.s32 @!p0 $0x1BF5;
	p2 =	por !p2, p0  }
0x20: {  	[sflag:s8] =	ssyncset.s32 @!p0 $0xFFFFF086;
	s6 =	sadd.s32 @!p0 s3, s7;
	s7 =	simm.s32 @!p0 $0x108  }
0x21: {  	s3 =	sadd.s32 s3, s9;
	s6 =	sadd.s32 @!p0 $0x88, s6;
	s7 =	simm.s32 @p2 $0x1082  }
0x22: {  	[simem:s7], [sflag:s8] =	dma.local @!p0 [hbm:s6], $0xF7A  }
0x23: {  	s9 =	sor.u32 $0xD0000000, s2;
	s6 =	simm.s32 $0x108;
	_ =	swait.ge @!p0 [sflag:s8], $0x0  }
0x24: {  	s3 =	sadd.s32 $0x88, s3;
	s6 =	simm.s32 @!p1 $0x1082;
	[sflag:s4] =	ssyncset.s32 $0xFFFFF086  }
0x25: {  	[simem:s6], [sflag:s4] =	dma.local [hbm:s3], $0xF7A  }
0x26: {  	[smem:$0x3F97] =	sst s1;
	(tag) =	ssettag s2;
	_ =	strace s9  }
0x27: {  	s1 =	sld [smem:$0x3FA7]  }
0x28: {  	s2 =	sld [smem:$0x3FA8]  }
0x29: {  	s4 =	sld [smem:$0x3FAA]  }
0x2a: {  	p0 =	seq.s32 s5, $0x0;
	s5 =	sld [smem:$0x3FAB]  }
0x2b: {  	s6 =	sld [smem:$0x3FAC]  }
0x2c: {  	s7 =	sld [smem:$0x3FAD]  }
0x2d: {  	s3 =	simm.s32 $0x108;
	s8 =	sld [smem:$0x3FAE]  }
0x2e: {  	s3 =	simm.s32 @!p0 $0x1082;
	s9 =	sld [smem:$0x3FAF]  }
0x2f: {  	lr =	sadd.s32 s0, s3;
	s0 =	sld [smem:$0x3FA6]  }
0x30: {  	s3 =	sld [smem:$0x3FA9]  }
0x31: {  	[smem:$0x3FB2] =	sst s10  }
0x32: {  	s10 =	sld [smem:$0x3FB0];
	_ =	sdelay $0x3  }
0x33: {  	p0 =	seq.s32 s10, $0x1;
	s10 =	sld [smem:$0x3FB2];
	_ =	sdelay $0x3  }
0x34: {  	[smem:$0x3FB2] =	sst s10  }
0x35: {  	s10 =	sld [smem:$0x3FB1];
	_ =	sdelay $0x3  }
0x36: {  	p1 =	seq.s32 s10, $0x1;
	s10 =	sld [smem:$0x3FB2];
	_ =	sdelay $0x3  }
0x37: {  	[smem:$0x3FB2] =	sst s10  }
0x38: {  	s10 =	sld [smem:$0x3FB3]  }
0x39: {  	_ = 	snop;
	(pc) =	sbr.ind lr, $3  }
0x3a: {  	_ = 	snop  }
0x3b: {  	_ = 	snop  }
0x3c: {  	p2 =	seq.s32 s10, $0x1;
	s10 =	sld [smem:$0x3FB2]  }
0x3d: {  	_ =	shalt  }
0x3e: {  	_ =	shalt  }
0x3f: {  	_ =	shalt  }
0x40: {  	_ =	shalt  }
0x41: {  	_ =	shalt  }
0x42: {  	_ =	shalt  }
0x43: {  	_ =	shalt  }
0x44: {  	_ =	shalt  }
0x45: {  	_ =	shalt  }
0x46: {  	_ =	shalt  }
0x47: {  	_ =	shalt  }
0x48: {  	_ =	shalt  }
0x49: {  	_ =	shalt  }
0x4a: {  	_ =	shalt  }
0x4b: {  	_ =	shalt  }
0x4c: {  	_ =	shalt  }
0x4d: {  	_ =	shalt  }
0x4e: {  	_ =	shalt  }
0x4f: {  	_ =	shalt  }
0x50: {  	_ =	shalt  }
0x51: {  	_ =	shalt  }
0x52: {  	_ =	shalt  }
0x53: {  	_ =	shalt  }
0x54: {  	_ =	shalt  }
0x55: {  	_ =	shalt  }
0x56: {  	_ =	shalt  }
0x57: {  	_ =	shalt  }
0x58: {  	_ =	shalt  }
0x59: {  	_ =	shalt  }
0x5a: {  	_ =	shalt  }
0x5b: {  	_ =	shalt  }
0x5c: {  	_ =	shalt  }
0x5d: {  	_ =	shalt  }
0x5e: {  	_ =	shalt  }
0x5f: {  	_ =	shalt  }
0x60: {  	_ =	shalt  }
0x61: {  	_ =	shalt  }
0x62: {  	_ =	shalt  }
0x63: {  	_ =	shalt  }
0x64: {  	_ =	shalt  }
0x65: {  	_ =	shalt  }
0x66: {  	_ =	shalt  }
0x67: {  	_ =	shalt  }
0x68: {  	_ =	shalt  }
0x69: {  	_ =	shalt  }
0x6a: {  	_ =	shalt  }
0x6b: {  	_ =	shalt  }
0x6c: {  	_ =	shalt  }
0x6d: {  	_ =	shalt  }
0x6e: {  	_ =	shalt  }
0x6f: {  	_ =	shalt  }
0x70: {  	_ =	shalt  }
0x71: {  	_ =	shalt  }
0x72: {  	_ =	shalt  }
0x73: {  	_ =	shalt  }
0x74: {  	_ =	shalt  }
0x75: {  	_ =	shalt  }
0x76: {  	_ =	shalt  }
0x77: {  	_ =	shalt  }
0x78: {  	_ =	shalt  }
0x79: {  	_ =	shalt  }
0x7a: {  	_ =	shalt  }
0x7b: {  	_ =	shalt  }
0x7c: {  	_ =	shalt  }
0x7d: {  	_ =	shalt  }
0x7e: {  	_ =	shalt  }
0x7f: {  	_ =	shalt  }
0x80: {  	_ =	shalt  }
0x81: {  	_ =	shalt  }
0x82: {  	_ =	shalt  }
0x83: {  	_ =	shalt  }
0x84: {  	_ =	shalt  }
0x85: {  	_ =	shalt  }
0x86: {  	_ =	shalt  }
0x87: {  	_ =	shalt  }
.Lfunc_end0:
.L_simem_size_0:
called_computation_lowered:
.L_overlay_start_0:
0x88: {  	s2 =	sld [smem:$0x3FD9]  }
0x89: {  	s3 =	sld [smem:$0x3FFE];
	_ =	sdelay $0x1  }
0x8a: {  	s1 =	srdreg.scid  }
0x8b: {  	s0 =	sand.u32 $0x1, s1  }
0x8c: {  	s16 =	sshll.u32 s0, $0xA;
	s2 =	sadd.s32 s3, s2  }
0x8d: {  	s2 =	sadd.s32 s2, s16  }
0x8e: {  	[smem:$0x3FBE] =	sst s2  }
0x8f: {  	_ = 	snop  }
0x90: {  	(tm) =	ssettm $0x1  }
0x91: {  	s17 =	sld [smem:$0x3FFB];
	_ =	sdelay $0x3  }
0x92: {  	_ =	strace s17  }
0x93: {  	s2 =	sld [smem:$0x3FFC];
	_ =	sdelay $0x3  }
0x94: {  	_ =	strace s2  }
0x95: {  	s2 =	sld [smem:$0x3FFD];
	_ =	sdelay $0x3  }
0x96: {  	_ =	strace s2  }
0x97: {  	_ =	strace $0x8FFFFFFF  }
0x98: {  	s18 =	sld [smem:$0x3FDB];
	_ =	sdelay $0x1  }
0x99: {  	s19 =	simm.s32 $_scs_section_size  }
0x9a: {  	s4 =	simm.s32 $_size__tile_overlayer_lowered;
	s5 =	simm.s32 $_tile_overlayer_lowered  }
0x9b: {  	s22 =	simm.s32 $0x1BFF;
	s21 =	sshll.u32 s5, $0x1;
	s2 =	sadd.s32 s19, s18  }
0x9c: {  	s6 =	simm.s32 $0x0;
	s20 =	sshll.u32 s4, $0x1;
	s4 =	sadd.s32 s21, s2  }
0x9d: {  	[timem:s6], [sflag:s22] =	dma.local [hbm:s4], s20  }
0x9e: {  	_ =	swait.ge [sflag:s22], s20  }
0x9f: {  	s3 =	ssub.s32 $0x0, s20;
	[sflag:s22] =	ssyncset.done $0x0  }
0xa0: {  	[sflag:s22] =	ssyncadd.s32 s3;
	_ =	sdelay $0x1  }
0xa1: {  	s23 =	simm.s32 $0x1B8B  }
0xa2: {  	_ =	swait.ge [sflag:s23], $0x1  }
0xa3: {  	[sflag:s23] =	ssyncset.done $0x0  }
0xa4: {  	s25 =	simm.s32 $0x1B8E;
	s24 =	sld [smem:$0x3FFE];
	[sflag:s23] =	ssyncadd.s32 $0xFFFFFFFF  }
0xa5: {  	s26 =	simm.s32 $execute0_lowered;
	[smem:$0x3FD2] =	sst s25  }
0xa6: {  	s4 =	sshll.u32 s26, $0x1;
	_ =	strace $0x80000046;
	[dreg:$0x1] =	wrdreg $0xFFFFFFFF  }
0xa7: {  	s28 =	simm.s32 $_size_execute0_lowered;
	s2 =	sadd.s32 s2, s4;
	[dreg:$0x0] =	wrdreg $0x0  }
0xa8: {  	s4 =	sshll.u32 s28, $0x1;
	[dreg:$0x2] =	wrdreg s2  }
0xa9: {  	[dreg:$0x3] =	wrdreg s4  }
0xaa: {  	[dreg:$0x4] =	wrdreg $0xC0  }
0xab: {  	_ =	task [dreg:s6], $0x5FFFF  }
0xac: {  	[dreg:$0x1] =	wrdreg $0xFFFFFFFF  }
0xad: {  	[dreg:$0x0] =	wrdreg $0x60  }
0xae: {  	[dreg:$0x2] =	wrdreg s24  }
0xaf: {  	[dreg:$0x3] =	wrdreg $0x88000  }
0xb0: {  	[dreg:$0x4] =	wrdreg $0x9  }
0xb1: {  	_ =	task.clear_ibuf [dreg:s6], $0x5FFFF;
	_ =	strace $0x90000046  }
0xb2: {  	s29 =	simm.s32 $0x9;
	_ =	strace $0x80000048  }
0xb3: {  	_ =	swait.ge [sflag:s29], $0x1  }
0xb4: {  	[sflag:s29] =	ssyncadd.s32 $0xFFFFFFFF  }
0xb5: {  	_ =	strace $0x90000048  }
0xb6: {  	_ =	sfence  }
0xb7: {  	s30 =	sld [smem:$0x0];
	_ =	sdelay $0x2  }
0xb8: {  	s31 =	sshll.u32 s1, $0xD;
	s1 =	sshrl.u32 s1, $0x2  }
0xb9: {  	s3 =	sand.u32 $0x4000, s31;
	s1 =	sadd.s32 s1, s30  }
0xba: {  	s0 =	sor.u32 s3, s0;
	s1 =	sshll.u32 s1, $0x11  }
0xbb: {  	s0 =	sor.u32 s1, s0  }
0xbc: {  	s0 =	sadd.s32 $0x8F2B, s0  }
0xbd: {  	[sflag:s0] =	ssyncadd.remote.s32 $0x1  }
0xbe: {  	_ =	sfence.sel $0xFFFF  }
0xbf: {  	[dreg:$0x0] =	wrdreg $0xFFFFFFFF;
	(pc) =	sbr.abs _section_cstart, $3  }
0xc0: {  	[dreg:$0x1] =	wrdreg $0xFFFFFFFF  }
0xc1: {  	_ =	task.clear_ibuf [dreg:s6], $0x2FFFF;
	_ =	strace $0x9FFFFFFF  }
0xc2: {  	(tm) =	ssettm $0x7FFFFFFF  }
0xc3: {  	_ =	shalt  }
tec
execute0_lowered:
.L_overlay_start_1:
0x0: {  	(tag) =	ssettag $0x1  }
0x1: {  	s0 =	rddreg [dreg:$0x0]  }
0x2: {  	s1 =	rddreg [dreg:$0x1]  }
0x3: {  	s13 =	simm.s32 $0x0;
	s2 =	srdreg.scid;
	s11 =	stileid.u32  }
0x4: {  	s28 =	simm.s32 $0x1;
	s29 =	simm.s32 $0x2;
	s31 =	simm.s32 $0x4800  }
0x5: {  	s12 =	simm.s32 $0x4;
	s14 =	simm.s32 $0x580;
	[smem:$0x7FF] =	sst s13  }
0x6: {  	s4 =	sadd.s32 $0x2C600, s0;
	s5 =	sadd.s32 $0x53E00, s0;
	s3 =	smul.u32 $0x4F000, s11  }
0x7: {  	s6 =	sadd.s32 $0x2600, s0;
	s2 =	sand.u32 $0x1, s2;
	s18 =	smul.u32 $0x13C00, s11  }
0x8: {  	s7 =	sadd.s32 $0x17600, s0;
	s0 =	sadd.s32 $0x7B600, s0;
	s3 =	sshrl.u32 s3, $0x2  }
0x9: {  	s10 =	sshll.u32 s11, $0x1;
	s24 =	sadd.s32 $0x10000, s18;
	s15 =	sadd.s32 s3, s1  }
0xa: {  	_ =	strace $0x80000047;
	s19 =	sadd.s32 s24, s1;
	[dreg:$0x4] =	wrdreg s15  }
0xb: {  	s11 =	simm.s32 $0x500;
	s3 =	sadd.s32 $0x2000, s15;
	[dreg:$0xc] =	wrdreg s19  }
0xc: {  	s8 =	ssub.s32 $0x2, s2;
	s17 =	sadd.s32 $0x4000, s15;
	[dreg:$0x5] =	wrdreg s3  }
0xd: {  	s16 =	sor.u32 s2, s10;
	s20 =	sadd.s32 $0x6000, s15;
	[dreg:$0x6] =	wrdreg s17  }
0xe: {  	s2 =	smul.u32 $0x13C000, s2;
	s21 =	sadd.s32 $0x8000, s15;
	[dreg:$0x7] =	wrdreg s20  }
0xf: {  	s9 =	sshrl.u32 s8, $0x1;
	s22 =	sadd.s32 $0xA000, s15;
	[dreg:$0x8] =	wrdreg s21  }
0x10: {  	s8 =	ssub.s32 s8, s9;
	s23 =	sadd.s32 $0xC000, s15;
	[dreg:$0x9] =	wrdreg s22  }
0x11: {  	s9 =	simm.s32 $0x3;
	s25 =	sadd.s32 $0xE000, s15;
	[dreg:$0xa] =	wrdreg s23  }
0x12: {  	s26 =	sadd.s32 $0x12000, s15;
	s30 =	smax.u32 s8, $0x1;
	[dreg:$0xb] =	wrdreg s25  }
0x13: {  	s8 =	simm.s32 $0x380;
	s3 =	sadd.s32 s18, s2;
	[dreg:$0xd] =	wrdreg s26  }
0x14: {  	s2 =	sadd.s32 s2, s24;
	s18 =	smul.u32 $0x15, s16;
	[dreg:$0x10] =	wrdreg s30  }
0x15: {  	s22 =	simm.s32 $0x800;
	s23 =	simm.s32 $0x5;
	s24 =	simm.s32 $0x400  }
0x16: {  	s25 =	simm.s32 $0x40;
	s26 =	simm.s32 $0x2800;
	s17 =	simm.s32 $0x600  }
0x17: {  	s20 =	simm.s32 $0x680;
	s21 =	simm.s32 $0x300;
	s3 =	sshrl.u32 s3, $0x3  }
0x18: {  	s16 =	simm.s32 $0x700;
	s2 =	sshrl.u32 s2, $0x3;
	s3 =	sadd.s32 s0, s3  }
0x19: {  	s0 =	sadd.s32 s0, s2;
	s2 =	simm.s32 $0x780;
	[dreg:$0xe] =	wrdreg s3  }
0x1a: {  	v0 =	vimm.f32 $0.0e+00;
	[dreg:$0xf] =	wrdreg s0;
	s0 =	simm.s32 $0x480;
	s3 =	simm.s32 $0x6800  }
.LBB2_1:
0x1b: {  	[dreg:$0x3] =	wrdreg s13;
	s10 =	simm.s32 $0x0;
	s13 =	simm.s32 $0x200  }
.LBB2_2:
0x1c: {  	p0 =	sne.s32 s13, $0x7E00;
	[tilespmem:s10+$0x870] =	vst v0  }
0x1d: {  	[tilespmem:s10+$0x800] =	vst v0  }
0x1e: {  	[tilespmem:s10+$0x810] =	vst v0  }
.Ltmp0:
0x1f: {  	[tilespmem:s10+$0x820] =	vst v0;
	(pc) =	sbr.rel @p0 .LBB2_2-.Ltmp0, $4  }
0x20: {  	[tilespmem:s10+$0x830] =	vst v0  }
0x21: {  	[tilespmem:s10+$0x840] =	vst v0  }
0x22: {  	[tilespmem:s10+$0x850] =	vst v0  }
0x23: {  	[tilespmem:s10+$0x860] =	vst v0;
	s10 =	sshra.s32 s13, $0x2;
	s13 =	sadd.s32 $0x200, s13  }
0x24: {  	[tilespmem:s10+$0x870] =	vst v0  }
0x25: {  	[tilespmem:s10+$0x800] =	vst v0  }
0x26: {  	[tilespmem:s10+$0x810] =	vst v0  }
0x27: {  	[tilespmem:s10+$0x820] =	vst v0  }
0x28: {  	[tilespmem:s10+$0x830] =	vst v0  }
0x29: {  	[tilespmem:s10+$0x840] =	vst v0  }
0x2a: {  	[tilespmem:s10+$0x850] =	vst v0  }
0x2b: {  	[tilespmem:s10+$0x860] =	vst v0  }
0x2c: {  	[spmem:s15] =	stream.linear.scatter [tilespmem:s22], [sflag:$0x5], $0x2000, $0x38;
	[tilespmem:$0x1C400] =	vst v63  }
0x2d: {  	_ =	swait.ge [sflag:s23], $0x2000  }
0x2e: {  	[sflag:s23] =	ssyncset.done $0x0  }
0x2f: {  	s15 =	rddreg [dreg:$0x5];
	[sflag:s23] =	ssyncadd.s32 $0xFFFFE000  }
0x30: {  	[spmem:s15] =	stream.linear.scatter [tilespmem:s22], [sflag:$0x5], $0x2000, $0x38;
	[tilespmem:$0x1C400] =	vst v63  }
0x31: {  	_ =	swait.ge [sflag:s23], $0x2000  }
0x32: {  	[sflag:s23] =	ssyncset.done $0x0  }
0x33: {  	s13 =	rddreg [dreg:$0x6];
	[sflag:s23] =	ssyncadd.s32 $0xFFFFE000  }
0x34: {  	[spmem:s13] =	stream.linear.scatter [tilespmem:s22], [sflag:$0x5], $0x2000, $0x38;
	[tilespmem:$0x1C400] =	vst v63  }
0x35: {  	_ =	swait.ge [sflag:s23], $0x2000  }
0x36: {  	[sflag:s23] =	ssyncset.done $0x0  }
0x37: {  	s15 =	rddreg [dreg:$0x7];
	[sflag:s23] =	ssyncadd.s32 $0xFFFFE000  }
0x38: {  	[spmem:s15] =	stream.linear.scatter [tilespmem:s22], [sflag:$0x5], $0x2000, $0x38;
	[tilespmem:$0x1C400] =	vst v63  }
0x39: {  	_ =	swait.ge [sflag:s23], $0x2000  }
0x3a: {  	[sflag:s23] =	ssyncset.done $0x0  }
0x3b: {  	s13 =	rddreg [dreg:$0x8];
	[sflag:s23] =	ssyncadd.s32 $0xFFFFE000  }
0x3c: {  	[spmem:s13] =	stream.linear.scatter [tilespmem:s22], [sflag:$0x5], $0x2000, $0x38;
	[tilespmem:$0x1C400] =	vst v63  }
0x3d: {  	_ =	swait.ge [sflag:s23], $0x2000  }
0x3e: {  	[sflag:s23] =	ssyncset.done $0x0  }
0x3f: {  	s15 =	rddreg [dreg:$0x9];
	[sflag:s23] =	ssyncadd.s32 $0xFFFFE000  }
0x40: {  	[spmem:s15] =	stream.linear.scatter [tilespmem:s22], [sflag:$0x5], $0x2000, $0x38;
	[tilespmem:$0x1C400] =	vst v63  }
0x41: {  	_ =	swait.ge [sflag:s23], $0x2000  }
0x42: {  	[sflag:s23] =	ssyncset.done $0x0  }
0x43: {  	s13 =	rddreg [dreg:$0xa];
	[sflag:s23] =	ssyncadd.s32 $0xFFFFE000  }
0x44: {  	[spmem:s13] =	stream.linear.scatter [tilespmem:s22], [sflag:$0x5], $0x2000, $0x38;
	[tilespmem:$0x1C400] =	vst v63  }
0x45: {  	_ =	swait.ge [sflag:s23], $0x2000  }
0x46: {  	[sflag:s23] =	ssyncset.done $0x0  }
0x47: {  	s15 =	rddreg [dreg:$0xb];
	[sflag:s23] =	ssyncadd.s32 $0xFFFFE000  }
0x48: {  	[spmem:s15] =	stream.linear.scatter [tilespmem:s22], [sflag:$0x5], $0x2000, $0x38;
	[tilespmem:$0x1C400] =	vst v63  }
0x49: {  	_ =	swait.ge [sflag:s23], $0x2000  }
0x4a: {  	[sflag:s23] =	ssyncset.done $0x0  }
0x4b: {  	[sflag:s23] =	ssyncadd.s32 $0xFFFFE000  }
0x4c: {  	[spmem:s19] =	stream.linear.scatter [tilespmem:s22], [sflag:$0x5], $0x2000, $0x38;
	[tilespmem:$0x1C400] =	vst v63  }
0x4d: {  	_ =	swait.ge [sflag:s23], $0x2000  }
0x4e: {  	[sflag:s23] =	ssyncset.done $0x0  }
0x4f: {  	s19 =	rddreg [dreg:$0xd];
	[sflag:s23] =	ssyncadd.s32 $0xFFFFE000  }
0x50: {  	[spmem:s19] =	stream.linear.scatter [tilespmem:s22], [sflag:$0x5], $0x1C00, $0x38;
	[tilespmem:$0x1C400] =	vst v63  }
0x51: {  	_ =	swait.ge [sflag:s23], $0x1C00  }
0x52: {  	[sflag:s23] =	ssyncset.done $0x0  }
0x53: {  	[sflag:s23] =	ssyncadd.s32 $0xFFFFE400  }
0x54: {  	s30 =	simm.s32 $0x0;
	s10 =	simm.s32 $0x0;
	[bflag:$0x0] =	sbarrier.arrive $0xFFFF  }
.LBB2_4:
0x55: {  	s13 =	sadd.s32 s18, s10  }
0x56: {  	s13 =	sshll.u32 s13, $0x7  }
0x57: {  	s15 =	sadd.s32 s6, s13  }
0x58: {  	[tilespmem:s30], [sflag:$0x5] =	stream.linear.gather [hbm4b:s15+s30], $0x400, $0x38;
	[tilespmem:$0x1C400] =	vst v63  }
0x59: {  	_ =	swait.ge [sflag:s23], $0x400  }
0x5a: {  	[sflag:s23] =	ssyncset.done $0x0  }
0x5b: {  	s13 =	sadd.s32 s7, s13;
	[sflag:s23] =	ssyncadd.s32 $0xFFFFFC00  }
0x5c: {  	[tilespmem:s24], [sflag:$0x5] =	stream.linear.gather [hbm4b:s13+s30], $0x400, $0x38;
	[tilespmem:$0x1C400] =	vst v63  }
0x5d: {  	_ =	swait.ge [sflag:s23], $0x400  }
0x5e: {  	[sflag:s23] =	ssyncset.done $0x0  }
0x5f: {  	[sflag:s23] =	ssyncadd.s32 $0xFFFFFC00  }
0x60: {  	[tilespmem:s22], [sflag:$0x1] =	stream.indirect.gather [hbm4b:s4+s25], $0x80, s30, s25, $0xb8;
	[tilespmem:$0x1C400] =	vst v63  }
0x61: {  	_ = 	snop  }
0x62: {  	[tilespmem:s26], [sflag:$0x2] =	stream.indirect.gather [hbm4b:s5+s25], $0x80, s24, s25, $0xb8;
	[tilespmem:$0x1C400] =	vst v63  }
0x63: {  	_ =	swait.ge [sflag:s28], $0x2000  }
0x64: {  	[sflag:s28] =	ssyncset.done $0x0  }
0x65: {  	[sflag:s28] =	ssyncadd.s32 $0xFFFFE000  }
0x66: {  	_ =	swait.ge [sflag:s29], $0x2000  }
0x67: {  	[sflag:s29] =	ssyncset.done $0x0  }
0x68: {  	s19 =	simm.s32 $0x80;
	[sflag:s29] =	ssyncadd.s32 $0xFFFFE000  }
0x69: {  	[tilespmem:s31], [sflag:$0x1] =	stream.indirect.gather [hbm4b:s4+s25], $0x80, s19, s25, $0xb8;
	[tilespmem:$0x1C400] =	vst v63  }
0x6a: {  	s13 =	simm.s32 $0x0  }
0x6b: {  	[tilespmem:s3], [sflag:$0x2] =	stream.indirect.gather [hbm4b:s5+s25], $0x80, s0, s25, $0xb8;
	[tilespmem:$0x1C400] =	vst v63  }
0x6c: {  	v1 =	vld [tilespmem:s13+$0x2800]  }
0x6d: {  	v3 =	vld [tilespmem:s13+$0x840]  }
0x6e: {  	v2 =	vld [tilespmem:s13+$0x2810]  }
0x6f: {  	v4 =	vld [tilespmem:s13+$0x2820]  }
0x70: {  	v5 =	vld [tilespmem:s13+$0x850]  }
0x71: {  	v6 =	vld [tilespmem:s13+$0x860]  }
0x72: {  	v1 =	vadd.f32 v1, v3;
	_ =	sdelay $0x1  }
0x73: {  	v3 =	vmul.f32 $2.000000030e-01, v1  }
0x74: {  	v7 =	vld [tilespmem:s13+$0x870];
	v2 =	vadd.f32 v2, v5  }
0x75: {  	v4 =	vadd.f32 v4, v6;
	v1 =	vmax.f32 v1, v3;
	v3 =	vld [tilespmem:s13+$0x2830]  }
0x76: {  	v5 =	vmul.f32 $2.000000030e-01, v2;
	v1 =	vmul.f32 $1.442695020e+00, v1  }
0x77: {  	v6 =	vmul.f32 $2.000000030e-01, v4  }
0x78: {  	v2 =	vmax.f32 v2, v5;
	(erf) = vpow2.f32 v1  }
0x79: {  	v4 =	vmax.f32 v4, v6;
	v2 =	vmul.f32 $1.442695020e+00, v2  }
0x7a: {  	v4 =	vmul.f32 $1.442695020e+00, v4;
	v3 =	vadd.f32 v3, v7  }
0x7b: {  	(erf) = vpow2.f32 v2  }
0x7c: {  	(erf) = vpow2.f32 v4;
	v4 =	vmul.f32 $2.000000030e-01, v3;
	_ =	sdelay $0x1  }
0x7d: {  	v3 =	vmax.f32 v3, v4  }
0x7e: {  	v3 =	vmul.f32 $1.442695020e+00, v3;
	_ =	sdelay $0x1  }
0x7f: {  	v10 =	vld [tilespmem:s13+$0x810];
	v11 =	vpop (erf);
	(erf) = vpow2.f32 v3  }
0x80: {  	v8 =	vld [tilespmem:s13+$0x820]  }
0x81: {  	v5 =	vld [tilespmem:s13+$0x830]  }
0x82: {  	s15 =	simm.s32 $0x80;
	v7 =	vld [tilespmem:s13+$0x800]  }
0x83: {  	v6 =	vld [tilespmem:s15+$0x2830]  }
0x84: {  	v1 =	vld [tilespmem:s15+$0x2800]  }
0x85: {  	v2 =	vld [tilespmem:s15+$0x2810]  }
0x86: {  	v4 =	vld [tilespmem:s15+$0x2820];
	[tilespmem:s13+$0x840] =	vst v11;
	v12 =	vpop (erf)  }
0x87: {  	s19 =	simm.s32 $0x400;
	v3 =	vmul.f32 v11, v7;
	v9 =	vld [tilespmem:s15+$0x840];
	[tilespmem:s13+$0x850] =	vst v12;
	v7 =	vmul.f32 v12, v10;
	v10 =	vpop (erf)  }
.LBB2_5:
0x88: {  	p0 =	sne.s32 s19, $0x7E00;
	v11 =	vld [tilespmem:s15+$0x850];
	[tilespmem:s13+$0x860] =	vst v10;
	v8 =	vmul.f32 v10, v8;
	v10 =	vpop (erf)  }
0x89: {  	v12 =	vld [tilespmem:s15+$0x860];
	[tilespmem:s13+$0x870] =	vst v10;
	v5 =	vmul.f32 v10, v5  }
0x8a: {  	v10 =	vld [tilespmem:s15+$0x870];
	[tilespmem:s13+$0x820] =	vst v8  }
0x8b: {  	[tilespmem:s13+$0x830] =	vst v5  }
0x8c: {  	v1 =	vadd.f32 v1, v9;
	[tilespmem:s13+$0x810] =	vst v7  }
0x8d: {  	v2 =	vadd.f32 v2, v11;
	[tilespmem:s13+$0x800] =	vst v3;
	s13 =	smov.u32 s15  }
0x8e: {  	v3 =	vmul.f32 $2.000000030e-01, v1;
	v4 =	vadd.f32 v4, v12  }
0x8f: {  	v5 =	vmul.f32 $2.000000030e-01, v2;
	v6 =	vadd.f32 v6, v10  }
0x90: {  	v1 =	vmax.f32 v1, v3;
	v3 =	vmul.f32 $2.000000030e-01, v4  }
0x91: {  	v1 =	vmul.f32 $1.442695020e+00, v1;
	v2 =	vmax.f32 v2, v5;
	v5 =	vmul.f32 $2.000000030e-01, v6  }
0x92: {  	v2 =	vmul.f32 $1.442695020e+00, v2;
	v3 =	vmax.f32 v4, v3  }
0x93: {  	v3 =	vmul.f32 $1.442695020e+00, v3;
	v4 =	vmax.f32 v6, v5;
	(erf) = vpow2.f32 v1  }
0x94: {  	v4 =	vmul.f32 $1.442695020e+00, v4;
	(erf) = vpow2.f32 v2  }
0x95: {  	s15 =	sshra.s32 s19, $0x2;
	(erf) = vpow2.f32 v3  }
0x96: {  	v1 =	vld [tilespmem:s15+$0x2800];
	(erf) = vpow2.f32 v4  }
0x97: {  	v2 =	vld [tilespmem:s15+$0x2810]  }
0x98: {  	v3 =	vld [tilespmem:s13+$0x800]  }
0x99: {  	v7 =	vld [tilespmem:s13+$0x810]  }
.Ltmp1:
0x9a: {  	v8 =	vld [tilespmem:s13+$0x820];
	(pc) =	sbr.rel @p0 .LBB2_5-.Ltmp1, $4  }
0x9b: {  	v5 =	vld [tilespmem:s13+$0x830]  }
0x9c: {  	v4 =	vld [tilespmem:s15+$0x2820];
	v9 =	vpop (erf)  }
0x9d: {  	v6 =	vld [tilespmem:s15+$0x2830];
	[tilespmem:s13+$0x840] =	vst v9;
	v3 =	vmul.f32 v9, v3;
	v10 =	vpop (erf)  }
0x9e: {  	s19 =	sadd.s32 $0x200, s19;
	v9 =	vld [tilespmem:s15+$0x840];
	[tilespmem:s13+$0x850] =	vst v10;
	v7 =	vmul.f32 v10, v7;
	v10 =	vpop (erf)  }
0x9f: {  	v11 =	vld [tilespmem:s15+$0x850];
	[tilespmem:s13+$0x860] =	vst v10  }
0xa0: {  	v12 =	vpop (erf);
	v13 =	vld [tilespmem:s15+$0x860]  }
0xa1: {  	[tilespmem:s13+$0x870] =	vst v12  }
0xa2: {  	v14 =	vld [tilespmem:s15+$0x870]  }
0xa3: {  	v1 =	vadd.f32 v1, v9  }
0xa4: {  	v2 =	vadd.f32 v2, v11  }
0xa5: {  	v4 =	vadd.f32 v4, v13;
	v9 =	vmul.f32 $2.000000030e-01, v1  }
0xa6: {  	v11 =	vmul.f32 $2.000000030e-01, v2  }
0xa7: {  	v6 =	vadd.f32 v6, v14;
	v1 =	vmax.f32 v1, v9;
	v9 =	vmul.f32 $2.000000030e-01, v4  }
0xa8: {  	v8 =	vmul.f32 v10, v8;
	v1 =	vmul.f32 $1.442695020e+00, v1;
	v2 =	vmax.f32 v2, v11  }
0xa9: {  	v10 =	vmul.f32 $2.000000030e-01, v6;
	v2 =	vmul.f32 $1.442695020e+00, v2;
	v4 =	vmax.f32 v4, v9  }
0xaa: {  	v4 =	vmul.f32 $1.442695020e+00, v4;
	(erf) = vpow2.f32 v1  }
0xab: {  	v6 =	vmax.f32 v6, v10;
	(erf) = vpow2.f32 v2  }
0xac: {  	[tilespmem:s13+$0x820] =	vst v8;
	v1 =	vmul.f32 $1.442695020e+00, v6;
	(erf) = vpow2.f32 v4  }
0xad: {  	v5 =	vmul.f32 v12, v5;
	[tilespmem:s13+$0x810] =	vst v7  }
0xae: {  	[tilespmem:s13+$0x800] =	vst v3;
	(erf) = vpow2.f32 v1  }
0xaf: {  	[tilespmem:s13+$0x830] =	vst v5  }
0xb0: {  	v1 =	vld [tilespmem:s15+$0x800]  }
0xb1: {  	v2 =	vld [tilespmem:s15+$0x820]  }
0xb2: {  	v4 =	vld [tilespmem:s15+$0x810]  }
0xb3: {  	v5 =	vpop (erf)  }
0xb4: {  	v3 =	vld [tilespmem:s15+$0x830];
	[tilespmem:s15+$0x840] =	vst v5;
	v6 =	vpop (erf)  }
0xb5: {  	v1 =	vmul.f32 v5, v1;
	[tilespmem:s15+$0x850] =	vst v6;
	v7 =	vpop (erf)  }
0xb6: {  	[tilespmem:s15+$0x860] =	vst v7  }
0xb7: {  	v4 =	vmul.f32 v6, v4;
	v2 =	vmul.f32 v7, v2;
	v7 =	vpop (erf);
	[tilespmem:s15+$0x800] =	vst v1  }
0xb8: {  	[tilespmem:s15+$0x870] =	vst v7  }
0xb9: {  	v3 =	vmul.f32 v7, v3;
	[tilespmem:s15+$0x810] =	vst v4  }
0xba: {  	[tilespmem:s15+$0x820] =	vst v2  }
0xbb: {  	[tilespmem:s15+$0x830] =	vst v3  }
0xbc: {  	[spmem:s1] =	stream.indirect.scatter.add.f32 [tilespmem:s22], [sflag:$0x3], $0x80, s24, s25, $0xb8;
	[tilespmem:$0x1C400] =	vst v63  }
0xbd: {  	_ =	swait.ge [sflag:s28], $0x2000  }
0xbe: {  	[sflag:s28] =	ssyncset.done $0x0  }
0xbf: {  	[sflag:s28] =	ssyncadd.s32 $0xFFFFE000  }
0xc0: {  	_ =	swait.ge [sflag:s29], $0x2000  }
0xc1: {  	[sflag:s29] =	ssyncset.done $0x0  }
0xc2: {  	[sflag:s29] =	ssyncadd.s32 $0xFFFFE000  }
0xc3: {  	_ =	swait.ge [sflag:s9], $0x2000  }
0xc4: {  	[sflag:s9] =	ssyncset.done $0x0  }
0xc5: {  	s19 =	simm.s32 $0x100;
	[sflag:s9] =	ssyncadd.s32 $0xFFFFE000  }
0xc6: {  	[tilespmem:s22], [sflag:$0x1] =	stream.indirect.gather [hbm4b:s4+s25], $0x80, s19, s25, $0xb8;
	[tilespmem:$0x1C400] =	vst v63  }
0xc7: {  	s13 =	simm.s32 $0x0  }
0xc8: {  	[tilespmem:s26], [sflag:$0x2] =	stream.indirect.gather [hbm4b:s5+s25], $0x80, s11, s25, $0xb8;
	[tilespmem:$0x1C400] =	vst v63  }
0xc9: {  	v1 =	vld [tilespmem:s13+$0x6800]  }
0xca: {  	v3 =	vld [tilespmem:s13+$0x4840]  }
0xcb: {  	v2 =	vld [tilespmem:s13+$0x6810]  }
0xcc: {  	v4 =	vld [tilespmem:s13+$0x6820]  }
0xcd: {  	v5 =	vld [tilespmem:s13+$0x4850]  }
0xce: {  	v6 =	vld [tilespmem:s13+$0x4860]  }
0xcf: {  	v1 =	vadd.f32 v1, v3;
	_ =	sdelay $0x1  }
0xd0: {  	v3 =	vmul.f32 $2.000000030e-01, v1  }
0xd1: {  	v7 =	vld [tilespmem:s13+$0x4870];
	v2 =	vadd.f32 v2, v5  }
0xd2: {  	v4 =	vadd.f32 v4, v6;
	v1 =	vmax.f32 v1, v3;
	v3 =	vld [tilespmem:s13+$0x6830]  }
0xd3: {  	v5 =	vmul.f32 $2.000000030e-01, v2;
	v1 =	vmul.f32 $1.442695020e+00, v1  }
0xd4: {  	v6 =	vmul.f32 $2.000000030e-01, v4  }
0xd5: {  	v2 =	vmax.f32 v2, v5;
	(erf) = vpow2.f32 v1  }
0xd6: {  	v4 =	vmax.f32 v4, v6;
	v2 =	vmul.f32 $1.442695020e+00, v2  }
0xd7: {  	v4 =	vmul.f32 $1.442695020e+00, v4;
	v3 =	vadd.f32 v3, v7  }
0xd8: {  	(erf) = vpow2.f32 v2  }
0xd9: {  	(erf) = vpow2.f32 v4;
	v4 =	vmul.f32 $2.000000030e-01, v3;
	_ =	sdelay $0x1  }
0xda: {  	v3 =	vmax.f32 v3, v4  }
0xdb: {  	v3 =	vmul.f32 $1.442695020e+00, v3;
	_ =	sdelay $0x1  }
0xdc: {  	v10 =	vld [tilespmem:s13+$0x4810];
	v11 =	vpop (erf);
	(erf) = vpow2.f32 v3  }
0xdd: {  	v8 =	vld [tilespmem:s13+$0x4820]  }
0xde: {  	v5 =	vld [tilespmem:s13+$0x4830]  }
0xdf: {  	s15 =	simm.s32 $0x80;
	v7 =	vld [tilespmem:s13+$0x4800]  }
0xe0: {  	v6 =	vld [tilespmem:s15+$0x6830]  }
0xe1: {  	v1 =	vld [tilespmem:s15+$0x6800]  }
0xe2: {  	v2 =	vld [tilespmem:s15+$0x6810]  }
0xe3: {  	v4 =	vld [tilespmem:s15+$0x6820];
	[tilespmem:s13+$0x4840] =	vst v11;
	v63 =	vpop (erf)  }
0xe4: {  	s19 =	simm.s32 $0x400;
	v3 =	vmul.f32 v11, v7;
	v9 =	vld [tilespmem:s15+$0x4840];
	[tilespmem:s13+$0x4850] =	vst v63;
	v7 =	vmul.f32 v63, v10;
	v10 =	vpop (erf)  }
.LBB2_7:
0xe5: {  	p0 =	sne.s32 s19, $0x7E00;
	v11 =	vld [tilespmem:s15+$0x4850];
	[tilespmem:s13+$0x4860] =	vst v10;
	v8 =	vmul.f32 v10, v8;
	v10 =	vpop (erf)  }
0xe6: {  	v12 =	vld [tilespmem:s15+$0x4860];
	[tilespmem:s13+$0x4870] =	vst v10;
	v5 =	vmul.f32 v10, v5  }
0xe7: {  	v10 =	vld [tilespmem:s15+$0x4870];
	[tilespmem:s13+$0x4820] =	vst v8  }
0xe8: {  	[tilespmem:s13+$0x4830] =	vst v5  }
0xe9: {  	v1 =	vadd.f32 v1, v9;
	[tilespmem:s13+$0x4810] =	vst v7  }
0xea: {  	v2 =	vadd.f32 v2, v11;
	[tilespmem:s13+$0x4800] =	vst v3;
	s13 =	smov.u32 s15  }
0xeb: {  	v3 =	vmul.f32 $2.000000030e-01, v1;
	v4 =	vadd.f32 v4, v12  }
0xec: {  	v5 =	vmul.f32 $2.000000030e-01, v2;
	v6 =	vadd.f32 v6, v10  }
0xed: {  	v1 =	vmax.f32 v1, v3;
	v3 =	vmul.f32 $2.000000030e-01, v4  }
0xee: {  	v1 =	vmul.f32 $1.442695020e+00, v1;
	v2 =	vmax.f32 v2, v5;
	v5 =	vmul.f32 $2.000000030e-01, v6  }
0xef: {  	v2 =	vmul.f32 $1.442695020e+00, v2;
	v3 =	vmax.f32 v4, v3  }
0xf0: {  	v3 =	vmul.f32 $1.442695020e+00, v3;
	v4 =	vmax.f32 v6, v5;
	(erf) = vpow2.f32 v1  }
0xf1: {  	v4 =	vmul.f32 $1.442695020e+00, v4;
	(erf) = vpow2.f32 v2  }
0xf2: {  	s15 =	sshra.s32 s19, $0x2;
	(erf) = vpow2.f32 v3  }
0xf3: {  	v1 =	vld [tilespmem:s15+$0x6800];
	(erf) = vpow2.f32 v4  }
0xf4: {  	v2 =	vld [tilespmem:s15+$0x6810]  }
0xf5: {  	v3 =	vld [tilespmem:s13+$0x4800]  }
0xf6: {  	v7 =	vld [tilespmem:s13+$0x4810]  }
.Ltmp2:
0xf7: {  	v8 =	vld [tilespmem:s13+$0x4820];
	(pc) =	sbr.rel @p0 .LBB2_7-.Ltmp2, $4  }
0xf8: {  	v5 =	vld [tilespmem:s13+$0x4830]  }
0xf9: {  	v4 =	vld [tilespmem:s15+$0x6820];
	v9 =	vpop (erf)  }
0xfa: {  	v6 =	vld [tilespmem:s15+$0x6830];
	[tilespmem:s13+$0x4840] =	vst v9;
	v3 =	vmul.f32 v9, v3;
	v10 =	vpop (erf)  }
0xfb: {  	s19 =	sadd.s32 $0x200, s19;
	v9 =	vld [tilespmem:s15+$0x4840];
	[tilespmem:s13+$0x4850] =	vst v10;
	v7 =	vmul.f32 v10, v7;
	v10 =	vpop (erf)  }
0xfc: {  	v11 =	vld [tilespmem:s15+$0x4850];
	[tilespmem:s13+$0x4860] =	vst v10  }
0xfd: {  	v12 =	vpop (erf);
	v13 =	vld [tilespmem:s15+$0x4860]  }
0xfe: {  	[tilespmem:s13+$0x4870] =	vst v12  }
0xff: {  	v14 =	vld [tilespmem:s15+$0x4870]  }
0x100: {  	v1 =	vadd.f32 v1, v9  }
0x101: {  	v2 =	vadd.f32 v2, v11  }
0x102: {  	v4 =	vadd.f32 v4, v13;
	v9 =	vmul.f32 $2.000000030e-01, v1  }
0x103: {  	v11 =	vmul.f32 $2.000000030e-01, v2  }
0x104: {  	v6 =	vadd.f32 v6, v14;
	v1 =	vmax.f32 v1, v9;
	v9 =	vmul.f32 $2.000000030e-01, v4  }
0x105: {  	v8 =	vmul.f32 v10, v8;
	v1 =	vmul.f32 $1.442695020e+00, v1;
	v2 =	vmax.f32 v2, v11  }
0x106: {  	v10 =	vmul.f32 $2.000000030e-01, v6;
	v2 =	vmul.f32 $1.442695020e+00, v2;
	v4 =	vmax.f32 v4, v9  }
0x107: {  	v4 =	vmul.f32 $1.442695020e+00, v4;
	(erf) = vpow2.f32 v1  }
0x108: {  	v6 =	vmax.f32 v6, v10;
	(erf) = vpow2.f32 v2  }
0x109: {  	[tilespmem:s13+$0x4820] =	vst v8;
	v1 =	vmul.f32 $1.442695020e+00, v6;
	(erf) = vpow2.f32 v4  }
0x10a: {  	v5 =	vmul.f32 v12, v5;
	[tilespmem:s13+$0x4810] =	vst v7  }
0x10b: {  	[tilespmem:s13+$0x4800] =	vst v3;
	(erf) = vpow2.f32 v1  }
0x10c: {  	[tilespmem:s13+$0x4830] =	vst v5  }
0x10d: {  	v1 =	vld [tilespmem:s15+$0x4800]  }
0x10e: {  	v2 =	vld [tilespmem:s15+$0x4820]  }
0x10f: {  	v4 =	vld [tilespmem:s15+$0x4810]  }
0x110: {  	v5 =	vpop (erf)  }
0x111: {  	v3 =	vld [tilespmem:s15+$0x4830];
	[tilespmem:s15+$0x4840] =	vst v5;
	v6 =	vpop (erf)  }
0x112: {  	v1 =	vmul.f32 v5, v1;
	[tilespmem:s15+$0x4850] =	vst v6;
	v7 =	vpop (erf)  }
0x113: {  	[tilespmem:s15+$0x4860] =	vst v7  }
0x114: {  	v4 =	vmul.f32 v6, v4;
	v2 =	vmul.f32 v7, v2;
	v7 =	vpop (erf);
	[tilespmem:s15+$0x4800] =	vst v1  }
0x115: {  	[tilespmem:s15+$0x4870] =	vst v7  }
0x116: {  	v3 =	vmul.f32 v7, v3;
	[tilespmem:s15+$0x4810] =	vst v4  }
0x117: {  	[tilespmem:s15+$0x4820] =	vst v2  }
0x118: {  	[tilespmem:s15+$0x4830] =	vst v3  }
0x119: {  	[spmem:s1] =	stream.indirect.scatter.add.f32 [tilespmem:s31], [sflag:$0x4], $0x80, s0, s25, $0xb8;
	[tilespmem:$0x1C400] =	vst v63  }
0x11a: {  	_ =	swait.ge [sflag:s28], $0x2000  }
0x11b: {  	[sflag:s28] =	ssyncset.done $0x0  }
0x11c: {  	[sflag:s28] =	ssyncadd.s32 $0xFFFFE000  }
0x11d: {  	_ =	swait.ge [sflag:s29], $0x2000  }
0x11e: {  	[sflag:s29] =	ssyncset.done $0x0  }
0x11f: {  	[sflag:s29] =	ssyncadd.s32 $0xFFFFE000  }
0x120: {  	_ =	swait.ge [sflag:s12], $0x2000  }
0x121: {  	[sflag:s12] =	ssyncset.done $0x0  }
0x122: {  	s19 =	simm.s32 $0x180;
	[sflag:s12] =	ssyncadd.s32 $0xFFFFE000  }
0x123: {  	[tilespmem:s31], [sflag:$0x1] =	stream.indirect.gather [hbm4b:s4+s25], $0x80, s19, s25, $0xb8;
	[tilespmem:$0x1C400] =	vst v63  }
0x124: {  	s13 =	simm.s32 $0x0  }
0x125: {  	[tilespmem:s3], [sflag:$0x2] =	stream.indirect.gather [hbm4b:s5+s25], $0x80, s14, s25, $0xb8;
	[tilespmem:$0x1C400] =	vst v63  }
0x126: {  	v1 =	vld [tilespmem:s13+$0x2800]  }
0x127: {  	v3 =	vld [tilespmem:s13+$0x840]  }
0x128: {  	v2 =	vld [tilespmem:s13+$0x2810]  }
0x129: {  	v4 =	vld [tilespmem:s13+$0x2820]  }
0x12a: {  	v5 =	vld [tilespmem:s13+$0x850]  }
0x12b: {  	v6 =	vld [tilespmem:s13+$0x860]  }
0x12c: {  	v1 =	vadd.f32 v1, v3;
	_ =	sdelay $0x1  }
0x12d: {  	v3 =	vmul.f32 $2.000000030e-01, v1  }
0x12e: {  	v7 =	vld [tilespmem:s13+$0x870];
	v2 =	vadd.f32 v2, v5  }
0x12f: {  	v4 =	vadd.f32 v4, v6;
	v1 =	vmax.f32 v1, v3;
	v3 =	vld [tilespmem:s13+$0x2830]  }
0x130: {  	v5 =	vmul.f32 $2.000000030e-01, v2;
	v1 =	vmul.f32 $1.442695020e+00, v1  }
0x131: {  	v6 =	vmul.f32 $2.000000030e-01, v4  }
0x132: {  	v2 =	vmax.f32 v2, v5;
	(erf) = vpow2.f32 v1  }
0x133: {  	v4 =	vmax.f32 v4, v6;
	v2 =	vmul.f32 $1.442695020e+00, v2  }
0x134: {  	v4 =	vmul.f32 $1.442695020e+00, v4;
	v3 =	vadd.f32 v3, v7  }
0x135: {  	(erf) = vpow2.f32 v2  }
0x136: {  	(erf) = vpow2.f32 v4;
	v4 =	vmul.f32 $2.000000030e-01, v3;
	_ =	sdelay $0x1  }
0x137: {  	v3 =	vmax.f32 v3, v4  }
0x138: {  	v3 =	vmul.f32 $1.442695020e+00, v3;
	_ =	sdelay $0x1  }
0x139: {  	v10 =	vld [tilespmem:s13+$0x810];
	v11 =	vpop (erf);
	(erf) = vpow2.f32 v3  }
0x13a: {  	v8 =	vld [tilespmem:s13+$0x820]  }
0x13b: {  	v5 =	vld [tilespmem:s13+$0x830]  }
0x13c: {  	s15 =	simm.s32 $0x80;
	v7 =	vld [tilespmem:s13+$0x800]  }
0x13d: {  	v6 =	vld [tilespmem:s15+$0x2830]  }
0x13e: {  	v1 =	vld [tilespmem:s15+$0x2800]  }
0x13f: {  	v2 =	vld [tilespmem:s15+$0x2810]  }
0x140: {  	v4 =	vld [tilespmem:s15+$0x2820];
	[tilespmem:s13+$0x840] =	vst v11;
	v63 =	vpop (erf)  }
0x141: {  	s19 =	simm.s32 $0x400;
	v3 =	vmul.f32 v11, v7;
	v9 =	vld [tilespmem:s15+$0x840];
	[tilespmem:s13+$0x850] =	vst v63;
	v7 =	vmul.f32 v63, v10;
	v10 =	vpop (erf)  }
.LBB2_9:
0x142: {  	p0 =	sne.s32 s19, $0x7E00;
	v11 =	vld [tilespmem:s15+$0x850];
	[tilespmem:s13+$0x860] =	vst v10;
	v8 =	vmul.f32 v10, v8;
	v10 =	vpop (erf)  }
0x143: {  	v12 =	vld [tilespmem:s15+$0x860];
	[tilespmem:s13+$0x870] =	vst v10;
	v5 =	vmul.f32 v10, v5  }
0x144: {  	v10 =	vld [tilespmem:s15+$0x870];
	[tilespmem:s13+$0x820] =	vst v8  }
0x145: {  	[tilespmem:s13+$0x830] =	vst v5  }
0x146: {  	v1 =	vadd.f32 v1, v9;
	[tilespmem:s13+$0x810] =	vst v7  }
0x147: {  	v2 =	vadd.f32 v2, v11;
	[tilespmem:s13+$0x800] =	vst v3;
	s13 =	smov.u32 s15  }
0x148: {  	v3 =	vmul.f32 $2.000000030e-01, v1;
	v4 =	vadd.f32 v4, v12  }
0x149: {  	v5 =	vmul.f32 $2.000000030e-01, v2;
	v6 =	vadd.f32 v6, v10  }
0x14a: {  	v1 =	vmax.f32 v1, v3;
	v3 =	vmul.f32 $2.000000030e-01, v4  }
0x14b: {  	v1 =	vmul.f32 $1.442695020e+00, v1;
	v2 =	vmax.f32 v2, v5;
	v5 =	vmul.f32 $2.000000030e-01, v6  }
0x14c: {  	v2 =	vmul.f32 $1.442695020e+00, v2;
	v3 =	vmax.f32 v4, v3  }
0x14d: {  	v3 =	vmul.f32 $1.442695020e+00, v3;
	v4 =	vmax.f32 v6, v5;
	(erf) = vpow2.f32 v1  }
0x14e: {  	v4 =	vmul.f32 $1.442695020e+00, v4;
	(erf) = vpow2.f32 v2  }
0x14f: {  	s15 =	sshra.s32 s19, $0x2;
	(erf) = vpow2.f32 v3  }
0x150: {  	v1 =	vld [tilespmem:s15+$0x2800];
	(erf) = vpow2.f32 v4  }
0x151: {  	v2 =	vld [tilespmem:s15+$0x2810]  }
0x152: {  	v3 =	vld [tilespmem:s13+$0x800]  }
0x153: {  	v7 =	vld [tilespmem:s13+$0x810]  }
.Ltmp3:
0x154: {  	v8 =	vld [tilespmem:s13+$0x820];
	(pc) =	sbr.rel @p0 .LBB2_9-.Ltmp3, $4  }
0x155: {  	v5 =	vld [tilespmem:s13+$0x830]  }
0x156: {  	v4 =	vld [tilespmem:s15+$0x2820];
	v9 =	vpop (erf)  }
0x157: {  	v6 =	vld [tilespmem:s15+$0x2830];
	[tilespmem:s13+$0x840] =	vst v9;
	v3 =	vmul.f32 v9, v3;
	v10 =	vpop (erf)  }
0x158: {  	s19 =	sadd.s32 $0x200, s19;
	v9 =	vld [tilespmem:s15+$0x840];
	[tilespmem:s13+$0x850] =	vst v10;
	v7 =	vmul.f32 v10, v7;
	v10 =	vpop (erf)  }
0x159: {  	v11 =	vld [tilespmem:s15+$0x850];
	[tilespmem:s13+$0x860] =	vst v10  }
0x15a: {  	v12 =	vpop (erf);
	v13 =	vld [tilespmem:s15+$0x860]  }
0x15b: {  	[tilespmem:s13+$0x870] =	vst v12  }
0x15c: {  	v14 =	vld [tilespmem:s15+$0x870]  }
0x15d: {  	v1 =	vadd.f32 v1, v9  }
0x15e: {  	v2 =	vadd.f32 v2, v11  }
0x15f: {  	v4 =	vadd.f32 v4, v13;
	v9 =	vmul.f32 $2.000000030e-01, v1  }
0x160: {  	v11 =	vmul.f32 $2.000000030e-01, v2  }
0x161: {  	v6 =	vadd.f32 v6, v14;
	v1 =	vmax.f32 v1, v9;
	v9 =	vmul.f32 $2.000000030e-01, v4  }
0x162: {  	v8 =	vmul.f32 v10, v8;
	v1 =	vmul.f32 $1.442695020e+00, v1;
	v2 =	vmax.f32 v2, v11  }
0x163: {  	v10 =	vmul.f32 $2.000000030e-01, v6;
	v2 =	vmul.f32 $1.442695020e+00, v2;
	v4 =	vmax.f32 v4, v9  }
0x164: {  	v4 =	vmul.f32 $1.442695020e+00, v4;
	(erf) = vpow2.f32 v1  }
0x165: {  	v6 =	vmax.f32 v6, v10;
	(erf) = vpow2.f32 v2  }
0x166: {  	[tilespmem:s13+$0x820] =	vst v8;
	v1 =	vmul.f32 $1.442695020e+00, v6;
	(erf) = vpow2.f32 v4  }
0x167: {  	v5 =	vmul.f32 v12, v5;
	[tilespmem:s13+$0x810] =	vst v7  }
0x168: {  	[tilespmem:s13+$0x800] =	vst v3;
	(erf) = vpow2.f32 v1  }
0x169: {  	[tilespmem:s13+$0x830] =	vst v5  }
0x16a: {  	v1 =	vld [tilespmem:s15+$0x800]  }
0x16b: {  	v2 =	vld [tilespmem:s15+$0x820]  }
0x16c: {  	v4 =	vld [tilespmem:s15+$0x810]  }
0x16d: {  	v5 =	vpop (erf)  }
0x16e: {  	v3 =	vld [tilespmem:s15+$0x830];
	[tilespmem:s15+$0x840] =	vst v5;
	v6 =	vpop (erf)  }
0x16f: {  	v1 =	vmul.f32 v5, v1;
	[tilespmem:s15+$0x850] =	vst v6;
	v7 =	vpop (erf)  }
0x170: {  	[tilespmem:s15+$0x860] =	vst v7  }
0x171: {  	v4 =	vmul.f32 v6, v4;
	v2 =	vmul.f32 v7, v2;
	v7 =	vpop (erf);
	[tilespmem:s15+$0x800] =	vst v1  }
0x172: {  	[tilespmem:s15+$0x870] =	vst v7  }
0x173: {  	v3 =	vmul.f32 v7, v3;
	[tilespmem:s15+$0x810] =	vst v4  }
0x174: {  	[tilespmem:s15+$0x820] =	vst v2  }
0x175: {  	[tilespmem:s15+$0x830] =	vst v3  }
0x176: {  	[spmem:s1] =	stream.indirect.scatter.add.f32 [tilespmem:s22], [sflag:$0x3], $0x80, s11, s25, $0xb8;
	[tilespmem:$0x1C400] =	vst v63  }
0x177: {  	_ =	swait.ge [sflag:s28], $0x2000  }
0x178: {  	[sflag:s28] =	ssyncset.done $0x0  }
0x179: {  	[sflag:s28] =	ssyncadd.s32 $0xFFFFE000  }
0x17a: {  	_ =	swait.ge [sflag:s29], $0x2000  }
0x17b: {  	[sflag:s29] =	ssyncset.done $0x0  }
0x17c: {  	[sflag:s29] =	ssyncadd.s32 $0xFFFFE000  }
0x17d: {  	_ =	swait.ge [sflag:s9], $0x2000  }
0x17e: {  	[sflag:s9] =	ssyncset.done $0x0  }
0x17f: {  	s19 =	simm.s32 $0x200;
	[sflag:s9] =	ssyncadd.s32 $0xFFFFE000  }
0x180: {  	[tilespmem:s22], [sflag:$0x1] =	stream.indirect.gather [hbm4b:s4+s25], $0x80, s19, s25, $0xb8;
	[tilespmem:$0x1C400] =	vst v63  }
0x181: {  	s13 =	simm.s32 $0x0  }
0x182: {  	[tilespmem:s26], [sflag:$0x2] =	stream.indirect.gather [hbm4b:s5+s25], $0x80, s17, s25, $0xb8;
	[tilespmem:$0x1C400] =	vst v63  }
0x183: {  	v1 =	vld [tilespmem:s13+$0x6800]  }
0x184: {  	v3 =	vld [tilespmem:s13+$0x4840]  }
0x185: {  	v2 =	vld [tilespmem:s13+$0x6810]  }
0x186: {  	v4 =	vld [tilespmem:s13+$0x6820]  }
0x187: {  	v5 =	vld [tilespmem:s13+$0x4850]  }
0x188: {  	v6 =	vld [tilespmem:s13+$0x4860]  }
0x189: {  	v1 =	vadd.f32 v1, v3;
	_ =	sdelay $0x1  }
0x18a: {  	v3 =	vmul.f32 $2.000000030e-01, v1  }
0x18b: {  	v7 =	vld [tilespmem:s13+$0x4870];
	v2 =	vadd.f32 v2, v5  }
0x18c: {  	v4 =	vadd.f32 v4, v6;
	v1 =	vmax.f32 v1, v3;
	v3 =	vld [tilespmem:s13+$0x6830]  }
0x18d: {  	v5 =	vmul.f32 $2.000000030e-01, v2;
	v1 =	vmul.f32 $1.442695020e+00, v1  }
0x18e: {  	v6 =	vmul.f32 $2.000000030e-01, v4  }
0x18f: {  	v2 =	vmax.f32 v2, v5;
	(erf) = vpow2.f32 v1  }
0x190: {  	v4 =	vmax.f32 v4, v6;
	v2 =	vmul.f32 $1.442695020e+00, v2  }
0x191: {  	v4 =	vmul.f32 $1.442695020e+00, v4;
	v3 =	vadd.f32 v3, v7  }
0x192: {  	(erf) = vpow2.f32 v2  }
0x193: {  	(erf) = vpow2.f32 v4;
	v4 =	vmul.f32 $2.000000030e-01, v3;
	_ =	sdelay $0x1  }
0x194: {  	v3 =	vmax.f32 v3, v4  }
0x195: {  	v3 =	vmul.f32 $1.442695020e+00, v3;
	_ =	sdelay $0x1  }
0x196: {  	v10 =	vld [tilespmem:s13+$0x4810];
	v11 =	vpop (erf);
	(erf) = vpow2.f32 v3  }
0x197: {  	v8 =	vld [tilespmem:s13+$0x4820]  }
0x198: {  	v5 =	vld [tilespmem:s13+$0x4830]  }
0x199: {  	s15 =	simm.s32 $0x80;
	v7 =	vld [tilespmem:s13+$0x4800]  }
0x19a: {  	v6 =	vld [tilespmem:s15+$0x6830]  }
0x19b: {  	v1 =	vld [tilespmem:s15+$0x6800]  }
0x19c: {  	v2 =	vld [tilespmem:s15+$0x6810]  }
0x19d: {  	v4 =	vld [tilespmem:s15+$0x6820];
	[tilespmem:s13+$0x4840] =	vst v11;
	v63 =	vpop (erf)  }
0x19e: {  	s19 =	simm.s32 $0x400;
	v3 =	vmul.f32 v11, v7;
	v9 =	vld [tilespmem:s15+$0x4840];
	[tilespmem:s13+$0x4850] =	vst v63;
	v7 =	vmul.f32 v63, v10;
	v10 =	vpop (erf)  }
.LBB2_11:
0x19f: {  	p0 =	sne.s32 s19, $0x7E00;
	v11 =	vld [tilespmem:s15+$0x4850];
	[tilespmem:s13+$0x4860] =	vst v10;
	v8 =	vmul.f32 v10, v8;
	v10 =	vpop (erf)  }
0x1a0: {  	v12 =	vld [tilespmem:s15+$0x4860];
	[tilespmem:s13+$0x4870] =	vst v10;
	v5 =	vmul.f32 v10, v5  }
0x1a1: {  	v10 =	vld [tilespmem:s15+$0x4870];
	[tilespmem:s13+$0x4820] =	vst v8  }
0x1a2: {  	[tilespmem:s13+$0x4830] =	vst v5  }
0x1a3: {  	v1 =	vadd.f32 v1, v9;
	[tilespmem:s13+$0x4810] =	vst v7  }
0x1a4: {  	v2 =	vadd.f32 v2, v11;
	[tilespmem:s13+$0x4800] =	vst v3;
	s13 =	smov.u32 s15  }
0x1a5: {  	v3 =	vmul.f32 $2.000000030e-01, v1;
	v4 =	vadd.f32 v4, v12  }
0x1a6: {  	v5 =	vmul.f32 $2.000000030e-01, v2;
	v6 =	vadd.f32 v6, v10  }
0x1a7: {  	v1 =	vmax.f32 v1, v3;
	v3 =	vmul.f32 $2.000000030e-01, v4  }
0x1a8: {  	v1 =	vmul.f32 $1.442695020e+00, v1;
	v2 =	vmax.f32 v2, v5;
	v5 =	vmul.f32 $2.000000030e-01, v6  }
0x1a9: {  	v2 =	vmul.f32 $1.442695020e+00, v2;
	v3 =	vmax.f32 v4, v3  }
0x1aa: {  	v3 =	vmul.f32 $1.442695020e+00, v3;
	v4 =	vmax.f32 v6, v5;
	(erf) = vpow2.f32 v1  }
0x1ab: {  	v4 =	vmul.f32 $1.442695020e+00, v4;
	(erf) = vpow2.f32 v2  }
0x1ac: {  	s15 =	sshra.s32 s19, $0x2;
	(erf) = vpow2.f32 v3  }
0x1ad: {  	v1 =	vld [tilespmem:s15+$0x6800];
	(erf) = vpow2.f32 v4  }
0x1ae: {  	v2 =	vld [tilespmem:s15+$0x6810]  }
0x1af: {  	v3 =	vld [tilespmem:s13+$0x4800]  }
0x1b0: {  	v7 =	vld [tilespmem:s13+$0x4810]  }
.Ltmp4:
0x1b1: {  	v8 =	vld [tilespmem:s13+$0x4820];
	(pc) =	sbr.rel @p0 .LBB2_11-.Ltmp4, $4  }
0x1b2: {  	v5 =	vld [tilespmem:s13+$0x4830]  }
0x1b3: {  	v4 =	vld [tilespmem:s15+$0x6820];
	v9 =	vpop (erf)  }
0x1b4: {  	v6 =	vld [tilespmem:s15+$0x6830];
	[tilespmem:s13+$0x4840] =	vst v9;
	v3 =	vmul.f32 v9, v3;
	v10 =	vpop (erf)  }
0x1b5: {  	s19 =	sadd.s32 $0x200, s19;
	v9 =	vld [tilespmem:s15+$0x4840];
	[tilespmem:s13+$0x4850] =	vst v10;
	v7 =	vmul.f32 v10, v7;
	v10 =	vpop (erf)  }
0x1b6: {  	v11 =	vld [tilespmem:s15+$0x4850];
	[tilespmem:s13+$0x4860] =	vst v10  }
0x1b7: {  	v12 =	vpop (erf);
	v13 =	vld [tilespmem:s15+$0x4860]  }
0x1b8: {  	[tilespmem:s13+$0x4870] =	vst v12  }
0x1b9: {  	v14 =	vld [tilespmem:s15+$0x4870]  }
0x1ba: {  	v1 =	vadd.f32 v1, v9  }
0x1bb: {  	v2 =	vadd.f32 v2, v11  }
0x1bc: {  	v4 =	vadd.f32 v4, v13;
	v9 =	vmul.f32 $2.000000030e-01, v1  }
0x1bd: {  	v11 =	vmul.f32 $2.000000030e-01, v2  }
0x1be: {  	v6 =	vadd.f32 v6, v14;
	v1 =	vmax.f32 v1, v9;
	v9 =	vmul.f32 $2.000000030e-01, v4  }
0x1bf: {  	v8 =	vmul.f32 v10, v8;
	v1 =	vmul.f32 $1.442695020e+00, v1;
	v2 =	vmax.f32 v2, v11  }
0x1c0: {  	v10 =	vmul.f32 $2.000000030e-01, v6;
	v2 =	vmul.f32 $1.442695020e+00, v2;
	v4 =	vmax.f32 v4, v9  }
0x1c1: {  	v4 =	vmul.f32 $1.442695020e+00, v4;
	(erf) = vpow2.f32 v1  }
0x1c2: {  	v6 =	vmax.f32 v6, v10;
	(erf) = vpow2.f32 v2  }
0x1c3: {  	[tilespmem:s13+$0x4820] =	vst v8;
	v1 =	vmul.f32 $1.442695020e+00, v6;
	(erf) = vpow2.f32 v4  }
0x1c4: {  	v5 =	vmul.f32 v12, v5;
	[tilespmem:s13+$0x4810] =	vst v7  }
0x1c5: {  	[tilespmem:s13+$0x4800] =	vst v3;
	(erf) = vpow2.f32 v1  }
0x1c6: {  	[tilespmem:s13+$0x4830] =	vst v5  }
0x1c7: {  	v1 =	vld [tilespmem:s15+$0x4800]  }
0x1c8: {  	v2 =	vld [tilespmem:s15+$0x4820]  }
0x1c9: {  	v4 =	vld [tilespmem:s15+$0x4810]  }
0x1ca: {  	v5 =	vpop (erf)  }
0x1cb: {  	v3 =	vld [tilespmem:s15+$0x4830];
	[tilespmem:s15+$0x4840] =	vst v5;
	v6 =	vpop (erf)  }
0x1cc: {  	v1 =	vmul.f32 v5, v1;
	[tilespmem:s15+$0x4850] =	vst v6;
	v7 =	vpop (erf)  }
0x1cd: {  	[tilespmem:s15+$0x4860] =	vst v7  }
0x1ce: {  	v4 =	vmul.f32 v6, v4;
	v2 =	vmul.f32 v7, v2;
	v7 =	vpop (erf);
	[tilespmem:s15+$0x4800] =	vst v1  }
0x1cf: {  	[tilespmem:s15+$0x4870] =	vst v7  }
0x1d0: {  	v3 =	vmul.f32 v7, v3;
	[tilespmem:s15+$0x4810] =	vst v4  }
0x1d1: {  	[tilespmem:s15+$0x4820] =	vst v2  }
0x1d2: {  	[tilespmem:s15+$0x4830] =	vst v3  }
0x1d3: {  	[spmem:s1] =	stream.indirect.scatter.add.f32 [tilespmem:s31], [sflag:$0x4], $0x80, s14, s25, $0xb8;
	[tilespmem:$0x1C400] =	vst v63  }
0x1d4: {  	_ =	swait.ge [sflag:s28], $0x2000  }
0x1d5: {  	[sflag:s28] =	ssyncset.done $0x0  }
0x1d6: {  	[sflag:s28] =	ssyncadd.s32 $0xFFFFE000  }
0x1d7: {  	_ =	swait.ge [sflag:s29], $0x2000  }
0x1d8: {  	[sflag:s29] =	ssyncset.done $0x0  }
0x1d9: {  	[sflag:s29] =	ssyncadd.s32 $0xFFFFE000  }
0x1da: {  	_ =	swait.ge [sflag:s12], $0x2000  }
0x1db: {  	[sflag:s12] =	ssyncset.done $0x0  }
0x1dc: {  	s19 =	simm.s32 $0x280;
	[sflag:s12] =	ssyncadd.s32 $0xFFFFE000  }
0x1dd: {  	[tilespmem:s31], [sflag:$0x1] =	stream.indirect.gather [hbm4b:s4+s25], $0x80, s19, s25, $0xb8;
	[tilespmem:$0x1C400] =	vst v63  }
0x1de: {  	s13 =	simm.s32 $0x0  }
0x1df: {  	[tilespmem:s3], [sflag:$0x2] =	stream.indirect.gather [hbm4b:s5+s25], $0x80, s20, s25, $0xb8;
	[tilespmem:$0x1C400] =	vst v63  }
0x1e0: {  	v1 =	vld [tilespmem:s13+$0x2800]  }
0x1e1: {  	v3 =	vld [tilespmem:s13+$0x840]  }
0x1e2: {  	v2 =	vld [tilespmem:s13+$0x2810]  }
0x1e3: {  	v4 =	vld [tilespmem:s13+$0x2820]  }
0x1e4: {  	v5 =	vld [tilespmem:s13+$0x850]  }
0x1e5: {  	v6 =	vld [tilespmem:s13+$0x860]  }
0x1e6: {  	v1 =	vadd.f32 v1, v3;
	_ =	sdelay $0x1  }
0x1e7: {  	v3 =	vmul.f32 $2.000000030e-01, v1  }
0x1e8: {  	v7 =	vld [tilespmem:s13+$0x870];
	v2 =	vadd.f32 v2, v5  }
0x1e9: {  	v4 =	vadd.f32 v4, v6;
	v1 =	vmax.f32 v1, v3;
	v3 =	vld [tilespmem:s13+$0x2830]  }
0x1ea: {  	v5 =	vmul.f32 $2.000000030e-01, v2;
	v1 =	vmul.f32 $1.442695020e+00, v1  }
0x1eb: {  	v6 =	vmul.f32 $2.000000030e-01, v4  }
0x1ec: {  	v2 =	vmax.f32 v2, v5;
	(erf) = vpow2.f32 v1  }
0x1ed: {  	v4 =	vmax.f32 v4, v6;
	v2 =	vmul.f32 $1.442695020e+00, v2  }
0x1ee: {  	v4 =	vmul.f32 $1.442695020e+00, v4;
	v3 =	vadd.f32 v3, v7  }
0x1ef: {  	(erf) = vpow2.f32 v2  }
0x1f0: {  	(erf) = vpow2.f32 v4;
	v4 =	vmul.f32 $2.000000030e-01, v3;
	_ =	sdelay $0x1  }
0x1f1: {  	v3 =	vmax.f32 v3, v4  }
0x1f2: {  	v3 =	vmul.f32 $1.442695020e+00, v3;
	_ =	sdelay $0x1  }
0x1f3: {  	v10 =	vld [tilespmem:s13+$0x810];
	v11 =	vpop (erf);
	(erf) = vpow2.f32 v3  }
0x1f4: {  	v8 =	vld [tilespmem:s13+$0x820]  }
0x1f5: {  	v5 =	vld [tilespmem:s13+$0x830]  }
0x1f6: {  	s15 =	simm.s32 $0x80;
	v7 =	vld [tilespmem:s13+$0x800]  }
0x1f7: {  	v6 =	vld [tilespmem:s15+$0x2830]  }
0x1f8: {  	v1 =	vld [tilespmem:s15+$0x2800]  }
0x1f9: {  	v2 =	vld [tilespmem:s15+$0x2810]  }
0x1fa: {  	v4 =	vld [tilespmem:s15+$0x2820];
	[tilespmem:s13+$0x840] =	vst v11;
	v63 =	vpop (erf)  }
0x1fb: {  	s19 =	simm.s32 $0x400;
	v3 =	vmul.f32 v11, v7;
	v9 =	vld [tilespmem:s15+$0x840];
	[tilespmem:s13+$0x850] =	vst v63;
	v7 =	vmul.f32 v63, v10;
	v10 =	vpop (erf)  }
.LBB2_13:
0x1fc: {  	p0 =	sne.s32 s19, $0x7E00;
	v11 =	vld [tilespmem:s15+$0x850];
	[tilespmem:s13+$0x860] =	vst v10;
	v8 =	vmul.f32 v10, v8;
	v10 =	vpop (erf)  }
0x1fd: {  	v12 =	vld [tilespmem:s15+$0x860];
	[tilespmem:s13+$0x870] =	vst v10;
	v5 =	vmul.f32 v10, v5  }
0x1fe: {  	v10 =	vld [tilespmem:s15+$0x870];
	[tilespmem:s13+$0x820] =	vst v8  }
0x1ff: {  	[tilespmem:s13+$0x830] =	vst v5  }
0x200: {  	v1 =	vadd.f32 v1, v9;
	[tilespmem:s13+$0x810] =	vst v7  }
0x201: {  	v2 =	vadd.f32 v2, v11;
	[tilespmem:s13+$0x800] =	vst v3;
	s13 =	smov.u32 s15  }
0x202: {  	v3 =	vmul.f32 $2.000000030e-01, v1;
	v4 =	vadd.f32 v4, v12  }
0x203: {  	v5 =	vmul.f32 $2.000000030e-01, v2;
	v6 =	vadd.f32 v6, v10  }
0x204: {  	v1 =	vmax.f32 v1, v3;
	v3 =	vmul.f32 $2.000000030e-01, v4  }
0x205: {  	v1 =	vmul.f32 $1.442695020e+00, v1;
	v2 =	vmax.f32 v2, v5;
	v5 =	vmul.f32 $2.000000030e-01, v6  }
0x206: {  	v2 =	vmul.f32 $1.442695020e+00, v2;
	v3 =	vmax.f32 v4, v3  }
0x207: {  	v3 =	vmul.f32 $1.442695020e+00, v3;
	v4 =	vmax.f32 v6, v5;
	(erf) = vpow2.f32 v1  }
0x208: {  	v4 =	vmul.f32 $1.442695020e+00, v4;
	(erf) = vpow2.f32 v2  }
0x209: {  	s15 =	sshra.s32 s19, $0x2;
	(erf) = vpow2.f32 v3  }
0x20a: {  	v1 =	vld [tilespmem:s15+$0x2800];
	(erf) = vpow2.f32 v4  }
0x20b: {  	v2 =	vld [tilespmem:s15+$0x2810]  }
0x20c: {  	v3 =	vld [tilespmem:s13+$0x800]  }
0x20d: {  	v7 =	vld [tilespmem:s13+$0x810]  }
.Ltmp5:
0x20e: {  	v8 =	vld [tilespmem:s13+$0x820];
	(pc) =	sbr.rel @p0 .LBB2_13-.Ltmp5, $4  }
0x20f: {  	v5 =	vld [tilespmem:s13+$0x830]  }
0x210: {  	v4 =	vld [tilespmem:s15+$0x2820];
	v9 =	vpop (erf)  }
0x211: {  	v6 =	vld [tilespmem:s15+$0x2830];
	[tilespmem:s13+$0x840] =	vst v9;
	v3 =	vmul.f32 v9, v3;
	v10 =	vpop (erf)  }
0x212: {  	s19 =	sadd.s32 $0x200, s19;
	v9 =	vld [tilespmem:s15+$0x840];
	[tilespmem:s13+$0x850] =	vst v10;
	v7 =	vmul.f32 v10, v7;
	v10 =	vpop (erf)  }
0x213: {  	v11 =	vld [tilespmem:s15+$0x850];
	[tilespmem:s13+$0x860] =	vst v10  }
0x214: {  	v12 =	vpop (erf);
	v13 =	vld [tilespmem:s15+$0x860]  }
0x215: {  	[tilespmem:s13+$0x870] =	vst v12  }
0x216: {  	v14 =	vld [tilespmem:s15+$0x870]  }
0x217: {  	v1 =	vadd.f32 v1, v9  }
0x218: {  	v2 =	vadd.f32 v2, v11  }
0x219: {  	v4 =	vadd.f32 v4, v13;
	v9 =	vmul.f32 $2.000000030e-01, v1  }
0x21a: {  	v11 =	vmul.f32 $2.000000030e-01, v2  }
0x21b: {  	v6 =	vadd.f32 v6, v14;
	v1 =	vmax.f32 v1, v9;
	v9 =	vmul.f32 $2.000000030e-01, v4  }
0x21c: {  	v8 =	vmul.f32 v10, v8;
	v1 =	vmul.f32 $1.442695020e+00, v1;
	v2 =	vmax.f32 v2, v11  }
0x21d: {  	v10 =	vmul.f32 $2.000000030e-01, v6;
	v2 =	vmul.f32 $1.442695020e+00, v2;
	v4 =	vmax.f32 v4, v9  }
0x21e: {  	v4 =	vmul.f32 $1.442695020e+00, v4;
	(erf) = vpow2.f32 v1  }
0x21f: {  	v6 =	vmax.f32 v6, v10;
	(erf) = vpow2.f32 v2  }
0x220: {  	[tilespmem:s13+$0x820] =	vst v8;
	v1 =	vmul.f32 $1.442695020e+00, v6;
	(erf) = vpow2.f32 v4  }
0x221: {  	v5 =	vmul.f32 v12, v5;
	[tilespmem:s13+$0x810] =	vst v7  }
0x222: {  	[tilespmem:s13+$0x800] =	vst v3;
	(erf) = vpow2.f32 v1  }
0x223: {  	[tilespmem:s13+$0x830] =	vst v5  }
0x224: {  	v1 =	vld [tilespmem:s15+$0x800]  }
0x225: {  	v2 =	vld [tilespmem:s15+$0x820]  }
0x226: {  	v4 =	vld [tilespmem:s15+$0x810]  }
0x227: {  	v5 =	vpop (erf)  }
0x228: {  	v3 =	vld [tilespmem:s15+$0x830];
	[tilespmem:s15+$0x840] =	vst v5;
	v6 =	vpop (erf)  }
0x229: {  	v1 =	vmul.f32 v5, v1;
	[tilespmem:s15+$0x850] =	vst v6;
	v7 =	vpop (erf)  }
0x22a: {  	[tilespmem:s15+$0x860] =	vst v7  }
0x22b: {  	v4 =	vmul.f32 v6, v4;
	v2 =	vmul.f32 v7, v2;
	v7 =	vpop (erf);
	[tilespmem:s15+$0x800] =	vst v1  }
0x22c: {  	[tilespmem:s15+$0x870] =	vst v7  }
0x22d: {  	v3 =	vmul.f32 v7, v3;
	[tilespmem:s15+$0x810] =	vst v4  }
0x22e: {  	[tilespmem:s15+$0x820] =	vst v2  }
0x22f: {  	[tilespmem:s15+$0x830] =	vst v3  }
0x230: {  	[spmem:s1] =	stream.indirect.scatter.add.f32 [tilespmem:s22], [sflag:$0x3], $0x80, s17, s25, $0xb8;
	[tilespmem:$0x1C400] =	vst v63  }
0x231: {  	_ =	swait.ge [sflag:s28], $0x2000  }
0x232: {  	[sflag:s28] =	ssyncset.done $0x0  }
0x233: {  	[sflag:s28] =	ssyncadd.s32 $0xFFFFE000  }
0x234: {  	_ =	swait.ge [sflag:s29], $0x2000  }
0x235: {  	[sflag:s29] =	ssyncset.done $0x0  }
0x236: {  	[sflag:s29] =	ssyncadd.s32 $0xFFFFE000  }
0x237: {  	_ =	swait.ge [sflag:s9], $0x2000  }
0x238: {  	[sflag:s9] =	ssyncset.done $0x0  }
0x239: {  	[sflag:s9] =	ssyncadd.s32 $0xFFFFE000  }
0x23a: {  	[tilespmem:s22], [sflag:$0x1] =	stream.indirect.gather [hbm4b:s4+s25], $0x80, s21, s25, $0xb8;
	[tilespmem:$0x1C400] =	vst v63  }
0x23b: {  	s13 =	simm.s32 $0x0  }
0x23c: {  	[tilespmem:s26], [sflag:$0x2] =	stream.indirect.gather [hbm4b:s5+s25], $0x80, s16, s25, $0xb8;
	[tilespmem:$0x1C400] =	vst v63  }
0x23d: {  	v1 =	vld [tilespmem:s13+$0x6800]  }
0x23e: {  	v3 =	vld [tilespmem:s13+$0x4840]  }
0x23f: {  	v2 =	vld [tilespmem:s13+$0x6810]  }
0x240: {  	v4 =	vld [tilespmem:s13+$0x6820]  }
0x241: {  	v5 =	vld [tilespmem:s13+$0x4850]  }
0x242: {  	v6 =	vld [tilespmem:s13+$0x4860]  }
0x243: {  	v1 =	vadd.f32 v1, v3;
	_ =	sdelay $0x1  }
0x244: {  	v3 =	vmul.f32 $2.000000030e-01, v1  }
0x245: {  	v7 =	vld [tilespmem:s13+$0x4870];
	v2 =	vadd.f32 v2, v5  }
0x246: {  	v4 =	vadd.f32 v4, v6;
	v1 =	vmax.f32 v1, v3;
	v3 =	vld [tilespmem:s13+$0x6830]  }
0x247: {  	v5 =	vmul.f32 $2.000000030e-01, v2;
	v1 =	vmul.f32 $1.442695020e+00, v1  }
0x248: {  	v6 =	vmul.f32 $2.000000030e-01, v4  }
0x249: {  	v2 =	vmax.f32 v2, v5;
	(erf) = vpow2.f32 v1  }
0x24a: {  	v4 =	vmax.f32 v4, v6;
	v2 =	vmul.f32 $1.442695020e+00, v2  }
0x24b: {  	v4 =	vmul.f32 $1.442695020e+00, v4;
	v3 =	vadd.f32 v3, v7  }
0x24c: {  	(erf) = vpow2.f32 v2  }
0x24d: {  	(erf) = vpow2.f32 v4;
	v4 =	vmul.f32 $2.000000030e-01, v3;
	_ =	sdelay $0x1  }
0x24e: {  	v3 =	vmax.f32 v3, v4  }
0x24f: {  	v3 =	vmul.f32 $1.442695020e+00, v3;
	_ =	sdelay $0x1  }
0x250: {  	v10 =	vld [tilespmem:s13+$0x4810];
	v11 =	vpop (erf);
	(erf) = vpow2.f32 v3  }
0x251: {  	v8 =	vld [tilespmem:s13+$0x4820]  }
0x252: {  	v5 =	vld [tilespmem:s13+$0x4830]  }
0x253: {  	s15 =	simm.s32 $0x80;
	v7 =	vld [tilespmem:s13+$0x4800]  }
0x254: {  	v6 =	vld [tilespmem:s15+$0x6830]  }
0x255: {  	v1 =	vld [tilespmem:s15+$0x6800]  }
0x256: {  	v2 =	vld [tilespmem:s15+$0x6810]  }
0x257: {  	v4 =	vld [tilespmem:s15+$0x6820];
	[tilespmem:s13+$0x4840] =	vst v11;
	v63 =	vpop (erf)  }
0x258: {  	s19 =	simm.s32 $0x400;
	v3 =	vmul.f32 v11, v7;
	v9 =	vld [tilespmem:s15+$0x4840];
	[tilespmem:s13+$0x4850] =	vst v63;
	v7 =	vmul.f32 v63, v10;
	v10 =	vpop (erf)  }
.LBB2_15:
0x259: {  	p0 =	sne.s32 s19, $0x7E00;
	v11 =	vld [tilespmem:s15+$0x4850];
	[tilespmem:s13+$0x4860] =	vst v10;
	v8 =	vmul.f32 v10, v8;
	v10 =	vpop (erf)  }
0x25a: {  	v12 =	vld [tilespmem:s15+$0x4860];
	[tilespmem:s13+$0x4870] =	vst v10;
	v5 =	vmul.f32 v10, v5  }
0x25b: {  	v10 =	vld [tilespmem:s15+$0x4870];
	[tilespmem:s13+$0x4820] =	vst v8  }
0x25c: {  	[tilespmem:s13+$0x4830] =	vst v5  }
0x25d: {  	v1 =	vadd.f32 v1, v9;
	[tilespmem:s13+$0x4810] =	vst v7  }
0x25e: {  	v2 =	vadd.f32 v2, v11;
	[tilespmem:s13+$0x4800] =	vst v3;
	s13 =	smov.u32 s15  }
0x25f: {  	v3 =	vmul.f32 $2.000000030e-01, v1;
	v4 =	vadd.f32 v4, v12  }
0x260: {  	v5 =	vmul.f32 $2.000000030e-01, v2;
	v6 =	vadd.f32 v6, v10  }
0x261: {  	v1 =	vmax.f32 v1, v3;
	v3 =	vmul.f32 $2.000000030e-01, v4  }
0x262: {  	v1 =	vmul.f32 $1.442695020e+00, v1;
	v2 =	vmax.f32 v2, v5;
	v5 =	vmul.f32 $2.000000030e-01, v6  }
0x263: {  	v2 =	vmul.f32 $1.442695020e+00, v2;
	v3 =	vmax.f32 v4, v3  }
0x264: {  	v3 =	vmul.f32 $1.442695020e+00, v3;
	v4 =	vmax.f32 v6, v5;
	(erf) = vpow2.f32 v1  }
0x265: {  	v4 =	vmul.f32 $1.442695020e+00, v4;
	(erf) = vpow2.f32 v2  }
0x266: {  	s15 =	sshra.s32 s19, $0x2;
	(erf) = vpow2.f32 v3  }
0x267: {  	v1 =	vld [tilespmem:s15+$0x6800];
	(erf) = vpow2.f32 v4  }
0x268: {  	v2 =	vld [tilespmem:s15+$0x6810]  }
0x269: {  	v3 =	vld [tilespmem:s13+$0x4800]  }
0x26a: {  	v7 =	vld [tilespmem:s13+$0x4810]  }
.Ltmp6:
0x26b: {  	v8 =	vld [tilespmem:s13+$0x4820];
	(pc) =	sbr.rel @p0 .LBB2_15-.Ltmp6, $4  }
0x26c: {  	v5 =	vld [tilespmem:s13+$0x4830]  }
0x26d: {  	v4 =	vld [tilespmem:s15+$0x6820];
	v9 =	vpop (erf)  }
0x26e: {  	v6 =	vld [tilespmem:s15+$0x6830];
	[tilespmem:s13+$0x4840] =	vst v9;
	v3 =	vmul.f32 v9, v3;
	v10 =	vpop (erf)  }
0x26f: {  	s19 =	sadd.s32 $0x200, s19;
	v9 =	vld [tilespmem:s15+$0x4840];
	[tilespmem:s13+$0x4850] =	vst v10;
	v7 =	vmul.f32 v10, v7;
	v10 =	vpop (erf)  }
0x270: {  	v11 =	vld [tilespmem:s15+$0x4850];
	[tilespmem:s13+$0x4860] =	vst v10  }
0x271: {  	v12 =	vpop (erf);
	v13 =	vld [tilespmem:s15+$0x4860]  }
0x272: {  	[tilespmem:s13+$0x4870] =	vst v12  }
0x273: {  	v14 =	vld [tilespmem:s15+$0x4870]  }
0x274: {  	v1 =	vadd.f32 v1, v9  }
0x275: {  	v2 =	vadd.f32 v2, v11  }
0x276: {  	v4 =	vadd.f32 v4, v13;
	v9 =	vmul.f32 $2.000000030e-01, v1  }
0x277: {  	v11 =	vmul.f32 $2.000000030e-01, v2  }
0x278: {  	v6 =	vadd.f32 v6, v14;
	v1 =	vmax.f32 v1, v9;
	v9 =	vmul.f32 $2.000000030e-01, v4  }
0x279: {  	v8 =	vmul.f32 v10, v8;
	v1 =	vmul.f32 $1.442695020e+00, v1;
	v2 =	vmax.f32 v2, v11  }
0x27a: {  	v10 =	vmul.f32 $2.000000030e-01, v6;
	v2 =	vmul.f32 $1.442695020e+00, v2;
	v4 =	vmax.f32 v4, v9  }
0x27b: {  	v4 =	vmul.f32 $1.442695020e+00, v4;
	(erf) = vpow2.f32 v1  }
0x27c: {  	v6 =	vmax.f32 v6, v10;
	(erf) = vpow2.f32 v2  }
0x27d: {  	[tilespmem:s13+$0x4820] =	vst v8;
	v1 =	vmul.f32 $1.442695020e+00, v6;
	(erf) = vpow2.f32 v4  }
0x27e: {  	v5 =	vmul.f32 v12, v5;
	[tilespmem:s13+$0x4810] =	vst v7  }
0x27f: {  	[tilespmem:s13+$0x4800] =	vst v3;
	(erf) = vpow2.f32 v1  }
0x280: {  	[tilespmem:s13+$0x4830] =	vst v5  }
0x281: {  	v1 =	vld [tilespmem:s15+$0x4800]  }
0x282: {  	v2 =	vld [tilespmem:s15+$0x4820]  }
0x283: {  	v4 =	vld [tilespmem:s15+$0x4810]  }
0x284: {  	v5 =	vpop (erf)  }
0x285: {  	v3 =	vld [tilespmem:s15+$0x4830];
	[tilespmem:s15+$0x4840] =	vst v5;
	v6 =	vpop (erf)  }
0x286: {  	v1 =	vmul.f32 v5, v1;
	[tilespmem:s15+$0x4850] =	vst v6;
	v7 =	vpop (erf)  }
0x287: {  	[tilespmem:s15+$0x4860] =	vst v7  }
0x288: {  	v4 =	vmul.f32 v6, v4;
	v2 =	vmul.f32 v7, v2;
	v7 =	vpop (erf);
	[tilespmem:s15+$0x4800] =	vst v1  }
0x289: {  	[tilespmem:s15+$0x4870] =	vst v7  }
0x28a: {  	v3 =	vmul.f32 v7, v3;
	[tilespmem:s15+$0x4810] =	vst v4  }
0x28b: {  	[tilespmem:s15+$0x4820] =	vst v2  }
0x28c: {  	[tilespmem:s15+$0x4830] =	vst v3  }
0x28d: {  	[spmem:s1] =	stream.indirect.scatter.add.f32 [tilespmem:s31], [sflag:$0x4], $0x80, s20, s25, $0xb8;
	[tilespmem:$0x1C400] =	vst v63  }
0x28e: {  	_ =	swait.ge [sflag:s28], $0x2000  }
0x28f: {  	[sflag:s28] =	ssyncset.done $0x0  }
0x290: {  	[sflag:s28] =	ssyncadd.s32 $0xFFFFE000  }
0x291: {  	_ =	swait.ge [sflag:s29], $0x2000  }
0x292: {  	[sflag:s29] =	ssyncset.done $0x0  }
0x293: {  	[sflag:s29] =	ssyncadd.s32 $0xFFFFE000  }
0x294: {  	_ =	swait.ge [sflag:s12], $0x2000  }
0x295: {  	[sflag:s12] =	ssyncset.done $0x0  }
0x296: {  	[sflag:s12] =	ssyncadd.s32 $0xFFFFE000  }
0x297: {  	[tilespmem:s31], [sflag:$0x1] =	stream.indirect.gather [hbm4b:s4+s25], $0x80, s8, s25, $0xb8;
	[tilespmem:$0x1C400] =	vst v63  }
0x298: {  	s13 =	simm.s32 $0x0  }
0x299: {  	[tilespmem:s3], [sflag:$0x2] =	stream.indirect.gather [hbm4b:s5+s25], $0x80, s2, s25, $0xb8;
	[tilespmem:$0x1C400] =	vst v63  }
0x29a: {  	v1 =	vld [tilespmem:s13+$0x2800]  }
0x29b: {  	v3 =	vld [tilespmem:s13+$0x840]  }
0x29c: {  	v2 =	vld [tilespmem:s13+$0x2810]  }
0x29d: {  	v4 =	vld [tilespmem:s13+$0x2820]  }
0x29e: {  	v5 =	vld [tilespmem:s13+$0x850]  }
0x29f: {  	v6 =	vld [tilespmem:s13+$0x860]  }
0x2a0: {  	v1 =	vadd.f32 v1, v3;
	_ =	sdelay $0x1  }
0x2a1: {  	v3 =	vmul.f32 $2.000000030e-01, v1  }
0x2a2: {  	v7 =	vld [tilespmem:s13+$0x870];
	v2 =	vadd.f32 v2, v5  }
0x2a3: {  	v4 =	vadd.f32 v4, v6;
	v1 =	vmax.f32 v1, v3;
	v3 =	vld [tilespmem:s13+$0x2830]  }
0x2a4: {  	v5 =	vmul.f32 $2.000000030e-01, v2;
	v1 =	vmul.f32 $1.442695020e+00, v1  }
0x2a5: {  	v6 =	vmul.f32 $2.000000030e-01, v4  }
0x2a6: {  	v2 =	vmax.f32 v2, v5;
	(erf) = vpow2.f32 v1  }
0x2a7: {  	v4 =	vmax.f32 v4, v6;
	v2 =	vmul.f32 $1.442695020e+00, v2  }
0x2a8: {  	v4 =	vmul.f32 $1.442695020e+00, v4;
	v3 =	vadd.f32 v3, v7  }
0x2a9: {  	(erf) = vpow2.f32 v2  }
0x2aa: {  	(erf) = vpow2.f32 v4;
	v4 =	vmul.f32 $2.000000030e-01, v3;
	_ =	sdelay $0x1  }
0x2ab: {  	v3 =	vmax.f32 v3, v4  }
0x2ac: {  	v3 =	vmul.f32 $1.442695020e+00, v3;
	_ =	sdelay $0x1  }
0x2ad: {  	v10 =	vld [tilespmem:s13+$0x810];
	v11 =	vpop (erf);
	(erf) = vpow2.f32 v3  }
0x2ae: {  	v8 =	vld [tilespmem:s13+$0x820]  }
0x2af: {  	v5 =	vld [tilespmem:s13+$0x830]  }
0x2b0: {  	s15 =	simm.s32 $0x80;
	v7 =	vld [tilespmem:s13+$0x800]  }
0x2b1: {  	v6 =	vld [tilespmem:s15+$0x2830]  }
0x2b2: {  	v1 =	vld [tilespmem:s15+$0x2800]  }
0x2b3: {  	v2 =	vld [tilespmem:s15+$0x2810]  }
0x2b4: {  	v4 =	vld [tilespmem:s15+$0x2820];
	[tilespmem:s13+$0x840] =	vst v11;
	v63 =	vpop (erf)  }
0x2b5: {  	s19 =	simm.s32 $0x400;
	v3 =	vmul.f32 v11, v7;
	v9 =	vld [tilespmem:s15+$0x840];
	[tilespmem:s13+$0x850] =	vst v63;
	v7 =	vmul.f32 v63, v10;
	v10 =	vpop (erf)  }
.LBB2_17:
0x2b6: {  	p0 =	sne.s32 s19, $0x7E00;
	v11 =	vld [tilespmem:s15+$0x850];
	[tilespmem:s13+$0x860] =	vst v10;
	v8 =	vmul.f32 v10, v8;
	v10 =	vpop (erf)  }
0x2b7: {  	v12 =	vld [tilespmem:s15+$0x860];
	[tilespmem:s13+$0x870] =	vst v10;
	v5 =	vmul.f32 v10, v5  }
0x2b8: {  	v10 =	vld [tilespmem:s15+$0x870];
	[tilespmem:s13+$0x820] =	vst v8  }
0x2b9: {  	[tilespmem:s13+$0x830] =	vst v5  }
0x2ba: {  	v1 =	vadd.f32 v1, v9;
	[tilespmem:s13+$0x810] =	vst v7  }
0x2bb: {  	v2 =	vadd.f32 v2, v11;
	[tilespmem:s13+$0x800] =	vst v3;
	s13 =	smov.u32 s15  }
0x2bc: {  	v3 =	vmul.f32 $2.000000030e-01, v1;
	v4 =	vadd.f32 v4, v12  }
0x2bd: {  	v5 =	vmul.f32 $2.000000030e-01, v2;
	v6 =	vadd.f32 v6, v10  }
0x2be: {  	v1 =	vmax.f32 v1, v3;
	v3 =	vmul.f32 $2.000000030e-01, v4  }
0x2bf: {  	v1 =	vmul.f32 $1.442695020e+00, v1;
	v2 =	vmax.f32 v2, v5;
	v5 =	vmul.f32 $2.000000030e-01, v6  }
0x2c0: {  	v2 =	vmul.f32 $1.442695020e+00, v2;
	v3 =	vmax.f32 v4, v3  }
0x2c1: {  	v3 =	vmul.f32 $1.442695020e+00, v3;
	v4 =	vmax.f32 v6, v5;
	(erf) = vpow2.f32 v1  }
0x2c2: {  	v4 =	vmul.f32 $1.442695020e+00, v4;
	(erf) = vpow2.f32 v2  }
0x2c3: {  	s15 =	sshra.s32 s19, $0x2;
	(erf) = vpow2.f32 v3  }
0x2c4: {  	v1 =	vld [tilespmem:s15+$0x2800];
	(erf) = vpow2.f32 v4  }
0x2c5: {  	v2 =	vld [tilespmem:s15+$0x2810]  }
0x2c6: {  	v3 =	vld [tilespmem:s13+$0x800]  }
0x2c7: {  	v7 =	vld [tilespmem:s13+$0x810]  }
.Ltmp7:
0x2c8: {  	v8 =	vld [tilespmem:s13+$0x820];
	(pc) =	sbr.rel @p0 .LBB2_17-.Ltmp7, $4  }
0x2c9: {  	v5 =	vld [tilespmem:s13+$0x830]  }
0x2ca: {  	v4 =	vld [tilespmem:s15+$0x2820];
	v9 =	vpop (erf)  }
0x2cb: {  	v6 =	vld [tilespmem:s15+$0x2830];
	[tilespmem:s13+$0x840] =	vst v9;
	v3 =	vmul.f32 v9, v3;
	v10 =	vpop (erf)  }
0x2cc: {  	s19 =	sadd.s32 $0x200, s19;
	v9 =	vld [tilespmem:s15+$0x840];
	[tilespmem:s13+$0x850] =	vst v10;
	v7 =	vmul.f32 v10, v7;
	v10 =	vpop (erf)  }
0x2cd: {  	v11 =	vld [tilespmem:s15+$0x850];
	[tilespmem:s13+$0x860] =	vst v10  }
0x2ce: {  	v12 =	vpop (erf);
	v13 =	vld [tilespmem:s15+$0x860]  }
0x2cf: {  	[tilespmem:s13+$0x870] =	vst v12  }
0x2d0: {  	v14 =	vld [tilespmem:s15+$0x870]  }
0x2d1: {  	v1 =	vadd.f32 v1, v9  }
0x2d2: {  	v2 =	vadd.f32 v2, v11  }
0x2d3: {  	v4 =	vadd.f32 v4, v13;
	v9 =	vmul.f32 $2.000000030e-01, v1  }
0x2d4: {  	v11 =	vmul.f32 $2.000000030e-01, v2  }
0x2d5: {  	v6 =	vadd.f32 v6, v14;
	v1 =	vmax.f32 v1, v9;
	v9 =	vmul.f32 $2.000000030e-01, v4  }
0x2d6: {  	v8 =	vmul.f32 v10, v8;
	v1 =	vmul.f32 $1.442695020e+00, v1;
	v2 =	vmax.f32 v2, v11  }
0x2d7: {  	v10 =	vmul.f32 $2.000000030e-01, v6;
	v2 =	vmul.f32 $1.442695020e+00, v2;
	v4 =	vmax.f32 v4, v9  }
0x2d8: {  	v4 =	vmul.f32 $1.442695020e+00, v4;
	(erf) = vpow2.f32 v1  }
0x2d9: {  	v6 =	vmax.f32 v6, v10;
	(erf) = vpow2.f32 v2  }
0x2da: {  	[tilespmem:s13+$0x820] =	vst v8;
	v1 =	vmul.f32 $1.442695020e+00, v6;
	(erf) = vpow2.f32 v4  }
0x2db: {  	v5 =	vmul.f32 v12, v5;
	[tilespmem:s13+$0x810] =	vst v7  }
0x2dc: {  	[tilespmem:s13+$0x800] =	vst v3;
	(erf) = vpow2.f32 v1  }
0x2dd: {  	[tilespmem:s13+$0x830] =	vst v5  }
0x2de: {  	v1 =	vld [tilespmem:s15+$0x800]  }
0x2df: {  	v2 =	vld [tilespmem:s15+$0x820]  }
0x2e0: {  	v4 =	vld [tilespmem:s15+$0x810]  }
0x2e1: {  	v5 =	vpop (erf)  }
0x2e2: {  	v3 =	vld [tilespmem:s15+$0x830];
	[tilespmem:s15+$0x840] =	vst v5;
	v6 =	vpop (erf)  }
0x2e3: {  	v1 =	vmul.f32 v5, v1;
	[tilespmem:s15+$0x850] =	vst v6;
	v7 =	vpop (erf)  }
0x2e4: {  	[tilespmem:s15+$0x860] =	vst v7  }
0x2e5: {  	v4 =	vmul.f32 v6, v4;
	v2 =	vmul.f32 v7, v2;
	v7 =	vpop (erf);
	[tilespmem:s15+$0x800] =	vst v1  }
0x2e6: {  	[tilespmem:s15+$0x870] =	vst v7  }
0x2e7: {  	v3 =	vmul.f32 v7, v3;
	[tilespmem:s15+$0x810] =	vst v4  }
0x2e8: {  	[tilespmem:s15+$0x820] =	vst v2  }
0x2e9: {  	[tilespmem:s15+$0x830] =	vst v3  }
0x2ea: {  	[spmem:s1] =	stream.indirect.scatter.add.f32 [tilespmem:s22], [sflag:$0x3], $0x80, s16, s25, $0xb8;
	[tilespmem:$0x1C400] =	vst v63  }
0x2eb: {  	_ =	swait.ge [sflag:s28], $0x2000  }
0x2ec: {  	[sflag:s28] =	ssyncset.done $0x0  }
0x2ed: {  	[sflag:s28] =	ssyncadd.s32 $0xFFFFE000  }
0x2ee: {  	_ =	swait.ge [sflag:s29], $0x2000  }
0x2ef: {  	[sflag:s29] =	ssyncset.done $0x0  }
0x2f0: {  	s13 =	simm.s32 $0x0;
	[sflag:s29] =	ssyncadd.s32 $0xFFFFE000  }
0x2f1: {  	v1 =	vld [tilespmem:s13+$0x6800]  }
0x2f2: {  	v3 =	vld [tilespmem:s13+$0x4840]  }
0x2f3: {  	v2 =	vld [tilespmem:s13+$0x6810]  }
0x2f4: {  	v4 =	vld [tilespmem:s13+$0x6820]  }
0x2f5: {  	v5 =	vld [tilespmem:s13+$0x4850]  }
0x2f6: {  	v6 =	vld [tilespmem:s13+$0x4860]  }
0x2f7: {  	v1 =	vadd.f32 v1, v3;
	_ =	sdelay $0x1  }
0x2f8: {  	v3 =	vmul.f32 $2.000000030e-01, v1  }
0x2f9: {  	v7 =	vld [tilespmem:s13+$0x4870];
	v2 =	vadd.f32 v2, v5  }
0x2fa: {  	v4 =	vadd.f32 v4, v6;
	v1 =	vmax.f32 v1, v3;
	v3 =	vld [tilespmem:s13+$0x6830]  }
0x2fb: {  	v5 =	vmul.f32 $2.000000030e-01, v2;
	v1 =	vmul.f32 $1.442695020e+00, v1  }
0x2fc: {  	v6 =	vmul.f32 $2.000000030e-01, v4  }
0x2fd: {  	v2 =	vmax.f32 v2, v5;
	(erf) = vpow2.f32 v1  }
0x2fe: {  	v4 =	vmax.f32 v4, v6;
	v2 =	vmul.f32 $1.442695020e+00, v2  }
0x2ff: {  	v4 =	vmul.f32 $1.442695020e+00, v4;
	v3 =	vadd.f32 v3, v7  }
0x300: {  	(erf) = vpow2.f32 v2  }
0x301: {  	(erf) = vpow2.f32 v4;
	v4 =	vmul.f32 $2.000000030e-01, v3;
	_ =	sdelay $0x1  }
0x302: {  	v3 =	vmax.f32 v3, v4  }
0x303: {  	v3 =	vmul.f32 $1.442695020e+00, v3;
	_ =	sdelay $0x1  }
0x304: {  	v10 =	vld [tilespmem:s13+$0x4810];
	v11 =	vpop (erf);
	(erf) = vpow2.f32 v3  }
0x305: {  	v8 =	vld [tilespmem:s13+$0x4820]  }
0x306: {  	v5 =	vld [tilespmem:s13+$0x4830]  }
0x307: {  	s15 =	simm.s32 $0x80;
	v7 =	vld [tilespmem:s13+$0x4800]  }
0x308: {  	v6 =	vld [tilespmem:s15+$0x6830]  }
0x309: {  	v1 =	vld [tilespmem:s15+$0x6800]  }
0x30a: {  	v2 =	vld [tilespmem:s15+$0x6810]  }
0x30b: {  	v4 =	vld [tilespmem:s15+$0x6820];
	[tilespmem:s13+$0x4840] =	vst v11;
	v63 =	vpop (erf)  }
0x30c: {  	s19 =	simm.s32 $0x400;
	v3 =	vmul.f32 v11, v7;
	v9 =	vld [tilespmem:s15+$0x4840];
	[tilespmem:s13+$0x4850] =	vst v63;
	v7 =	vmul.f32 v63, v10;
	v10 =	vpop (erf)  }
.LBB2_19:
0x30d: {  	p0 =	sne.s32 s19, $0x7E00;
	v11 =	vld [tilespmem:s15+$0x4850];
	[tilespmem:s13+$0x4860] =	vst v10;
	v8 =	vmul.f32 v10, v8;
	v10 =	vpop (erf)  }
0x30e: {  	v12 =	vld [tilespmem:s15+$0x4860];
	[tilespmem:s13+$0x4870] =	vst v10;
	v5 =	vmul.f32 v10, v5  }
0x30f: {  	v10 =	vld [tilespmem:s15+$0x4870];
	[tilespmem:s13+$0x4820] =	vst v8  }
0x310: {  	[tilespmem:s13+$0x4830] =	vst v5  }
0x311: {  	v1 =	vadd.f32 v1, v9;
	[tilespmem:s13+$0x4810] =	vst v7  }
0x312: {  	v2 =	vadd.f32 v2, v11;
	[tilespmem:s13+$0x4800] =	vst v3;
	s13 =	smov.u32 s15  }
0x313: {  	v3 =	vmul.f32 $2.000000030e-01, v1;
	v4 =	vadd.f32 v4, v12  }
0x314: {  	v5 =	vmul.f32 $2.000000030e-01, v2;
	v6 =	vadd.f32 v6, v10  }
0x315: {  	v1 =	vmax.f32 v1, v3;
	v3 =	vmul.f32 $2.000000030e-01, v4  }
0x316: {  	v1 =	vmul.f32 $1.442695020e+00, v1;
	v2 =	vmax.f32 v2, v5;
	v5 =	vmul.f32 $2.000000030e-01, v6  }
0x317: {  	v2 =	vmul.f32 $1.442695020e+00, v2;
	v3 =	vmax.f32 v4, v3  }
0x318: {  	v3 =	vmul.f32 $1.442695020e+00, v3;
	v4 =	vmax.f32 v6, v5;
	(erf) = vpow2.f32 v1  }
0x319: {  	v4 =	vmul.f32 $1.442695020e+00, v4;
	(erf) = vpow2.f32 v2  }
0x31a: {  	s15 =	sshra.s32 s19, $0x2;
	(erf) = vpow2.f32 v3  }
0x31b: {  	v1 =	vld [tilespmem:s15+$0x6800];
	(erf) = vpow2.f32 v4  }
0x31c: {  	v2 =	vld [tilespmem:s15+$0x6810]  }
0x31d: {  	v3 =	vld [tilespmem:s13+$0x4800]  }
0x31e: {  	v7 =	vld [tilespmem:s13+$0x4810]  }
.Ltmp8:
0x31f: {  	v8 =	vld [tilespmem:s13+$0x4820];
	(pc) =	sbr.rel @p0 .LBB2_19-.Ltmp8, $4  }
0x320: {  	v5 =	vld [tilespmem:s13+$0x4830]  }
0x321: {  	v4 =	vld [tilespmem:s15+$0x6820];
	v9 =	vpop (erf)  }
0x322: {  	v6 =	vld [tilespmem:s15+$0x6830];
	[tilespmem:s13+$0x4840] =	vst v9;
	v3 =	vmul.f32 v9, v3;
	v10 =	vpop (erf)  }
0x323: {  	s19 =	sadd.s32 $0x200, s19;
	v9 =	vld [tilespmem:s15+$0x4840];
	[tilespmem:s13+$0x4850] =	vst v10;
	v7 =	vmul.f32 v10, v7;
	v10 =	vpop (erf)  }
0x324: {  	v11 =	vld [tilespmem:s15+$0x4850];
	[tilespmem:s13+$0x4860] =	vst v10  }
0x325: {  	v12 =	vpop (erf);
	v13 =	vld [tilespmem:s15+$0x4860]  }
0x326: {  	[tilespmem:s13+$0x4870] =	vst v12  }
0x327: {  	v14 =	vld [tilespmem:s15+$0x4870]  }
0x328: {  	v1 =	vadd.f32 v1, v9  }
0x329: {  	v2 =	vadd.f32 v2, v11  }
0x32a: {  	v4 =	vadd.f32 v4, v13;
	v9 =	vmul.f32 $2.000000030e-01, v1  }
0x32b: {  	v11 =	vmul.f32 $2.000000030e-01, v2  }
0x32c: {  	v6 =	vadd.f32 v6, v14;
	v1 =	vmax.f32 v1, v9;
	v57 =	vmul.f32 $2.000000030e-01, v4  }
0x32d: {  	v8 =	vmul.f32 v10, v8;
	v1 =	vmul.f32 $1.442695020e+00, v1;
	v2 =	vmax.f32 v2, v11  }
0x32e: {  	v58 =	vmul.f32 $2.000000030e-01, v6;
	v2 =	vmul.f32 $1.442695020e+00, v2;
	v4 =	vmax.f32 v4, v57  }
0x32f: {  	v4 =	vmul.f32 $1.442695020e+00, v4;
	(erf) = vpow2.f32 v1  }
0x330: {  	v6 =	vmax.f32 v6, v58;
	(erf) = vpow2.f32 v2  }
0x331: {  	[tilespmem:s13+$0x4820] =	vst v8;
	v1 =	vmul.f32 $1.442695020e+00, v6;
	(erf) = vpow2.f32 v4  }
0x332: {  	v5 =	vmul.f32 v12, v5;
	[tilespmem:s13+$0x4810] =	vst v7  }
0x333: {  	[tilespmem:s13+$0x4800] =	vst v3;
	(erf) = vpow2.f32 v1  }
0x334: {  	[tilespmem:s13+$0x4830] =	vst v5  }
0x335: {  	v1 =	vld [tilespmem:s15+$0x4800];
	_ =	sdelay $0x1  }
0x336: {  	v59 =	vld [tilespmem:s15+$0x4810]  }
0x337: {  	v2 =	vld [tilespmem:s15+$0x4820];
	v60 =	vpop (erf)  }
0x338: {  	v3 =	vld [tilespmem:s15+$0x4830];
	[tilespmem:s15+$0x4840] =	vst v60;
	v61 =	vpop (erf)  }
0x339: {  	v1 =	vmul.f32 v60, v1;
	[tilespmem:s15+$0x4850] =	vst v61;
	v62 =	vpop (erf)  }
0x33a: {  	[tilespmem:s15+$0x4860] =	vst v62  }
0x33b: {  	v4 =	vmul.f32 v61, v59;
	v63 =	vpop (erf);
	[tilespmem:s15+$0x4800] =	vst v1  }
0x33c: {  	v2 =	vmul.f32 v62, v2;
	[tilespmem:s15+$0x4870] =	vst v63  }
0x33d: {  	v3 =	vmul.f32 v63, v3;
	[tilespmem:s15+$0x4810] =	vst v4  }
0x33e: {  	[tilespmem:s15+$0x4820] =	vst v2  }
0x33f: {  	s10 =	sadd.s32 $0x1, s10;
	[tilespmem:s15+$0x4830] =	vst v3  }
0x340: {  	[spmem:s1] =	stream.indirect.scatter.add.f32 [tilespmem:s31], [sflag:$0x4], $0x80, s2, s25, $0xb8;
	[tilespmem:$0x1C400] =	vst v63  }
0x341: {  	p0 =	sne.s32 s10, $0x15;
	_ =	swait.ge [sflag:s9], $0x2000  }
.Ltmp9:
0x342: {  	[sflag:s9] =	ssyncset.done $0x0;
	(pc) =	sbr.rel @p0 .LBB2_4-.Ltmp9, $4  }
0x343: {  	[sflag:s9] =	ssyncadd.s32 $0xFFFFE000  }
0x344: {  	_ =	swait.ge [sflag:s12], $0x2000  }
0x345: {  	[sflag:s12] =	ssyncset.done $0x0  }
0x346: {  	[sflag:s12] =	ssyncadd.s32 $0xFFFFE000  }
0x347: {  	s10 =	stileid.u32;
	[bflag:$0x0] =	sbarrier.arrive $0xFFFF  }
0x348: {  	s10 =	sshll.u32 s10, $0x6;
	s15 =	rddreg [dreg:$0x4]  }
0x349: {  	s19 =	rddreg [dreg:$0xe];
	s10 =	sor.u32 $0x1C05, s10;
	s13 =	sshrl.u32 s15, $0x3  }
0x34a: {  	[hbm:s19], [sflag:s10] =	dma.local [spmem:s13], $0x2000  }
0x34b: {  	_ =	swait.ge [sflag:s23], $0x2000  }
0x34c: {  	[sflag:s23] =	ssyncset.done $0x0;
	s19 =	rddreg [dreg:$0xc]  }
0x34d: {  	s30 =	rddreg [dreg:$0xf];
	[sflag:s23] =	ssyncadd.s32 $0xFFFFE000;
	s13 =	sshrl.u32 s19, $0x3  }
0x34e: {  	[hbm:s30], [sflag:s10] =	dma.local [spmem:s13], $0x780  }
0x34f: {  	_ =	swait.ge [sflag:s23], $0x780  }
0x350: {  	s10 =	rddreg [dreg:$0x3]  }
0x351: {  	s30 =	rddreg [dreg:$0x10];
	s13 =	sadd.s32 $0x1, s10  }
0x352: {  	p0 =	sne.s32 s13, s30  }
.Ltmp10:
0x353: {  	_ = 	snop;
	(pc) =	sbr.rel @p0 .LBB2_1-.Ltmp10, $3  }
0x354: {  	_ =	sdelay $0x1  }
0x355: {  	[sflag:s23] =	ssyncset.done $0x0  }
0x356: {  	[sflag:s23] =	ssyncadd.s32 $0xFFFFF880  }
0x357: {  	_ =	sfence.sel $0x180000  }
0x358: {  	[bflag:$0x0] =	sbarrier.arrive $0xFFFF  }
0x359: {  	_ =	strace $0x90000047  }
0x35a: {  	s0 =	stileid.u32;
	[bflag:$0x2] =	sbarrier.arrive $0xFFFF  }
0x35b: {  	p0 =	sne.s32 s0, $0x0;
	s0 =	rddreg [dreg:$0x2]  }
0x35c: {  	s0 =	sadd.s32 @!p0 $0x100000, s0  }
0x35d: {  	[sflag:s0] =	ssyncadd.tile.s32 @!p0 $0x1;
	_ =	shalt  }
.Lfunc_end2:
_tile_overlayer_lowered:
.L_overlay_start_2:
0x35e: {  	(tag) =	ssettag $0x2  }
0x35f: {  	s0 =	rddreg [dreg:$0x0];
	s2 =	stileid.u32  }
0x360: {  	s1 =	rddreg [dreg:$0x1];
	p0 =	sne.s32 s2, $0x0  }
0x361: {  	s3 =	rddreg [dreg:$0x2];
	[bflag:$0x3] =	sbarrier.arrive $0xFFFF;
	s2 =	simm.s32 @!p0 $0x1C05  }
0x362: {  	[timem:s3], [sflag:s2] =	dma.local @!p0 [hbm:s0], s1  }
0x363: {  	s0 =	simm.s32 @!p0 $0x5  }
0x364: {  	_ =	swait.ge @!p0 [sflag:s0], s1  }
0x365: {  	s1 =	ssub.s32 @!p0 $0x0, s1;
	[sflag:s0] =	ssyncset.done @!p0 $0x0  }
0x366: {  	[sflag:s0] =	ssyncadd.s32 @!p0 s1  }
0x367: {  	[bflag:$0x3] =	sbarrier.arrive $0xFFFF  }
0x368: {  	_ =	shalt  }

</sc_bundles>
